<compile_context>
chip_gen: v7x
topology: tpu7x:2x2x1
jax: 0.10.2.dev20260603
libtpu: 0.0.44.dev20260713+nightly
codegen_flags: <defaults>
</compile_context>

<pallas_src>
import functools

import jax
import jax.numpy as jnp
from jax import lax
from jax.experimental import pallas as pl
from jax.experimental.pallas import tpu as pltpu
from jax.experimental.pallas import tpu_sc as plsc

N_TOKENS = 4096
HIDDEN_DIM = 2048
NUM_EXPERTS = 8
CAPACITY_FACTOR = 1.25

NC = 2
NS = 16
L = 16
NW = NC * NS
TPW = N_TOKENS // NW
CPW = TPW // L
NCHUNKS = N_TOKENS // L

BT = 1024
NBLK = N_TOKENS // BT


def _capacity(num_tokens: int, num_experts: int) -> int:
    min_capacity_per_expert = 4
    base_capacity = int(CAPACITY_FACTOR * num_tokens / num_experts)
    if base_capacity < min_capacity_per_expert:
        adjusted_cf = min_capacity_per_expert * num_experts / max(num_tokens, 1)
        return max(min_capacity_per_expert,
                   int(adjusted_cf * num_tokens / num_experts))
    return base_capacity


CAP = _capacity(N_TOKENS, NUM_EXPERTS)
ECAP = NUM_EXPERTS * CAP
SENTINEL = ECAP

COLB = 2560
NCOL = ECAP // COLB


def _router_body(x_ref, wt_ref, probs_ref, gate_ref, idx_ref, part_ref):
    x = x_ref[...]
    wt = wt_ref[...]
    logits = jnp.dot(x, wt, preferred_element_type=jnp.float32)
    m = jnp.max(logits, axis=-1, keepdims=True)
    e = jnp.exp(logits - m)
    probs = e / jnp.sum(e, axis=-1, keepdims=True)
    probs_ref[...] = probs
    gate = jnp.max(probs, axis=-1, keepdims=True)
    gate_ref[...] = gate
    eiota = lax.broadcasted_iota(jnp.int32, probs.shape, 1)
    idx = jnp.min(jnp.where(probs == gate, eiota, NUM_EXPERTS),
                  axis=-1, keepdims=True)
    idx_ref[...] = idx
    colsum = jnp.sum(probs, axis=0)
    zsum = jnp.sum(logits * logits)
    row = jnp.concatenate([colsum, jnp.full((8,), zsum, jnp.float32)], axis=0)
    part_ref[...] = row.reshape(1, 1, 16)


def _run_router(hidden_flat, wt):
    return pl.pallas_call(
        _router_body,
        grid=(NBLK,),
        in_specs=[
            pl.BlockSpec((BT, HIDDEN_DIM), lambda b: (b, 0)),
            pl.BlockSpec((HIDDEN_DIM, NUM_EXPERTS), lambda b: (0, 0)),
        ],
        out_specs=[
            pl.BlockSpec((BT, NUM_EXPERTS), lambda b: (b, 0)),
            pl.BlockSpec((BT, 1), lambda b: (b, 0)),
            pl.BlockSpec((BT, 1), lambda b: (b, 0)),
            pl.BlockSpec((1, 1, 16), lambda b: (b, 0, 0)),
        ],
        out_shape=[
            jax.ShapeDtypeStruct((N_TOKENS, NUM_EXPERTS), jnp.float32),
            jax.ShapeDtypeStruct((N_TOKENS, 1), jnp.float32),
            jax.ShapeDtypeStruct((N_TOKENS, 1), jnp.int32),
            jax.ShapeDtypeStruct((NBLK, 1, 16), jnp.float32),
        ],
    )(hidden_flat, wt)


def _route_sc_body(idx_hbm, gate_hbm, slot_hbm, counts_hbm, e_v, g_v, out_v,
                   cnt_v):
    wid = lax.axis_index("s") * NC + lax.axis_index("c")
    base = wid * TPW
    my_first = wid * CPW

    pltpu.sync_copy(idx_hbm, e_v)
    pltpu.sync_copy(gate_hbm, g_v)

    zero = jnp.int32(0)
    zv = jnp.zeros((L,), jnp.int32)

    def count_body(c, carry):
        tot, pre = carry
        ev = e_v[pl.ds(c * L, L)]
        in_pre = jnp.where(c < my_first, jnp.int32(1), zero)
        new_tot = []
        new_pre = []
        for k in range(NUM_EXPERTS):
            pc = plsc.all_reduce_population_count(ev == k)
            new_tot.append(tot[k] + pc)
            new_pre.append(pre[k] + pc * in_pre)
        return tuple(new_tot), tuple(new_pre)

    init = (tuple(zv for _ in range(NUM_EXPERTS)),
            tuple(zv for _ in range(NUM_EXPERTS)))
    tot_v, pre_v = lax.fori_loop(0, NCHUNKS, count_body, init)
    tot = [tot_v[k][0] for k in range(NUM_EXPERTS)]
    pre = [pre_v[k][0] for k in range(NUM_EXPERTS)]

    ov = [tot[k] > CAP for k in range(NUM_EXPERTS)]
    any_ov = functools.reduce(jnp.logical_or, ov)

    lane = lax.broadcasted_iota(jnp.int32, (L,), 0)

    evs = [e_v[pl.ds((my_first + v) * L, L)] for v in range(CPW)]
    gvs = [g_v[pl.ds((my_first + v) * L, L)] for v in range(CPW)]

    run = list(pre)
    pos_vecs = []
    for v in range(CPW):
        ev = evs[v]
        pos = jnp.zeros((L,), jnp.int32)
        for k in range(NUM_EXPERTS):
            m = ev == k
            mi = m.astype(jnp.int32)
            cs = plsc.cumsum(mi)
            pos = jnp.where(m, run[k] + cs - 1, pos)
            run[k] = run[k] + plsc.all_reduce_population_count(m)[0]
        pos_vecs.append(pos)

    def grank_true(_):
        def pair_body(c, accs):
            eu_vec = e_v[pl.ds(c * L, L)]
            gu_vec = g_v[pl.ds(c * L, L)]
            accs = list(accs)
            for j in range(L):
                eu = eu_vec[j]
                gu = gu_vec[j]
                u = c * L + j
                for v in range(CPW):
                    tvec = base + v * L + lane
                    same = evs[v] == eu
                    beat = (gu > gvs[v]) | ((gu == gvs[v]) & (u < tvec))
                    accs[v] = accs[v] + (same & beat).astype(jnp.int32)
            return tuple(accs)

        return lax.fori_loop(
            0, NCHUNKS, pair_body,
            tuple(jnp.zeros((L,), jnp.int32) for _ in range(CPW)))

    def grank_false(_):
        return tuple(jnp.zeros((L,), jnp.int32) for _ in range(CPW))

    granks = lax.cond(any_ov, grank_true, grank_false, None)

    for v in range(CPW):
        ev = evs[v]
        ovv = jnp.zeros((L,), jnp.int32)
        for k in range(NUM_EXPERTS):
            ovv = jnp.where(ev == k, jnp.where(ov[k], jnp.int32(1), zero), ovv)
        ovb = ovv == 1
        slot = jnp.where(ovb, granks[v], pos_vecs[v])
        keep = jnp.where(ovb, granks[v] < CAP, True)
        flat = jnp.where(keep, ev * CAP + slot, jnp.int32(SENTINEL))
        out_v[pl.ds(v * L, L)] = flat

    pltpu.sync_copy(out_v, slot_hbm.at[pl.ds(base, TPW)])

    @pl.when(wid == 0)
    def _():
        cvec = jnp.zeros((L,), jnp.int32)
        for k in range(NUM_EXPERTS):
            cvec = jnp.where(lane == k, tot[k], cvec)
        cnt_v[...] = cvec
        pltpu.sync_copy(cnt_v, counts_hbm)


def _run_route_sc(expert_idx, gate):
    mesh = plsc.VectorSubcoreMesh(core_axis_name="c", subcore_axis_name="s")
    return pl.kernel(
        _route_sc_body,
        out_type=[
            jax.ShapeDtypeStruct((N_TOKENS,), jnp.int32),
            jax.ShapeDtypeStruct((L,), jnp.int32),
        ],
        mesh=mesh,
        compiler_params=pltpu.CompilerParams(needs_layout_passes=False),
        scratch_types=[
            pltpu.VMEM((N_TOKENS,), jnp.int32),
            pltpu.VMEM((N_TOKENS,), jnp.float32),
            pltpu.VMEM((TPW,), jnp.int32),
            pltpu.VMEM((L,), jnp.int32),
        ],
    )(expert_idx, gate)


BT3 = 256
NBLK3 = N_TOKENS // BT3


def _expand_body(slot_ref, gate_ref, disp_ref, comb_ref):
    slot = slot_ref[...].reshape(BT3, 1, 1)
    gate = gate_ref[...].reshape(BT3, 1, 1)
    shp = (BT3, NUM_EXPERTS, CAP)
    ci = (lax.broadcasted_iota(jnp.int32, shp, 1) * CAP
          + lax.broadcasted_iota(jnp.int32, shp, 2))
    m = ci == slot
    disp_ref[...] = m.astype(jnp.float32)
    comb_ref[...] = jnp.where(m, gate, 0.0)


def _run_expand(slot2, gate2):
    return pl.pallas_call(
        _expand_body,
        grid=(NBLK3,),
        in_specs=[
            pl.BlockSpec((BT3, 1), lambda b: (b, 0)),
            pl.BlockSpec((BT3, 1), lambda b: (b, 0)),
        ],
        out_specs=[
            pl.BlockSpec((BT3, NUM_EXPERTS, CAP), lambda b: (b, 0, 0)),
            pl.BlockSpec((BT3, NUM_EXPERTS, CAP), lambda b: (b, 0, 0)),
        ],
        out_shape=[
            jax.ShapeDtypeStruct((N_TOKENS, NUM_EXPERTS, CAP), jnp.float32),
            jax.ShapeDtypeStruct((N_TOKENS, NUM_EXPERTS, CAP), jnp.float32),
        ],
    )(slot2, gate2)


def kernel(hidden_states, W):
    B, S, D = hidden_states.shape
    n = B * S
    E = W.shape[0]
    assert n == N_TOKENS and D == HIDDEN_DIM and E == NUM_EXPERTS

    hidden_flat = hidden_states.reshape(n, D)
    wt = W.T

    probs, gate2, idx2, partials = _run_router(hidden_flat, wt)

    slots, counts16 = _run_route_sc(idx2.reshape(n), gate2.reshape(n))
    counts = counts16[:E]

    dispatch, combine = _run_expand(slots.reshape(n, 1), gate2)

    usage = jnp.minimum(counts, CAP).astype(jnp.float32)
    psum = partials[:, 0, :E].sum(axis=0)
    zsum = partials[:, 0, E].sum()
    prob_per_expert = psum / n
    usage_per_expert = counts.astype(jnp.float32) / n
    load_loss = E * jnp.sum(prob_per_expert * usage_per_expert)
    z_loss = zsum / (n * E)
    dropped = jnp.maximum(0.0, n - usage.sum())

    return (dispatch, combine, jnp.array(CAP, dtype=jnp.int32), probs, usage,
            load_loss, z_loss, dropped)

# --- scband reference (transcript-rebuilt; emitter-appended) ---
"""Pipeline reference for scband-switch-transformer-routing-24713241821313 (READ-ONLY COPY).

The authoritative reference and input builder live on the scoring server;
editing this copy changes nothing except your own understanding.
"""

import jax, jax.numpy as jnp
import numpy as np

HIDDEN_DIM = 2048
NUM_EXPERTS = 8
CAPACITY_FACTOR = 1.25


def setup_inputs(seed: int = 0) -> dict:
    key = jax.random.key(seed)
    k1, k2 = jax.random.split(key)
    hidden_states = jax.random.normal(k1, (2, 2048, HIDDEN_DIM), dtype=jnp.float32)
    # router linear weight, shape [num_experts, hidden_dim], no bias
    W = jax.random.normal(k2, (NUM_EXPERTS, HIDDEN_DIM), dtype=jnp.float32) * (1.0 / np.sqrt(HIDDEN_DIM))
    return {"hidden_states": hidden_states, "W": W}


def _expert_capacity(num_tokens: int, num_experts: int) -> int:
    min_capacity_per_expert = 4
    base_capacity = int(CAPACITY_FACTOR * num_tokens / num_experts)
    if base_capacity < min_capacity_per_expert:
        adjusted_cf = min_capacity_per_expert * num_experts / max(num_tokens, 1)
        return max(min_capacity_per_expert, int(adjusted_cf * num_tokens / num_experts))
    return base_capacity


def reference(hidden_states, W):
    B, S, D = hidden_states.shape
    num_tokens = B * S
    E = W.shape[0]
    hidden_flat = hidden_states.reshape(-1, D)
    # jitter_eps = 0.0 -> no noise added
    router_logits = hidden_flat @ W.T
    router_probs = jax.nn.softmax(router_logits, axis=-1)
    expert_gate = jnp.max(router_probs, axis=-1)
    expert_index = jnp.argmax(router_probs, axis=-1)

    expert_capacity = _expert_capacity(num_tokens, E)

    pos_range = jnp.arange(expert_capacity)
    token_range = jnp.arange(num_tokens)

    dispatch_slices = []
    combine_slices = []
    usage_list = []
    for expert_id in range(E):
        expert_mask = expert_index == expert_id
        count = expert_mask.sum()
        pos_in_order = jnp.cumsum(expert_mask) - 1
        onehot_keep = (pos_in_order[:, None] == pos_range[None, :]) & expert_mask[:, None]
        masked_gates = jnp.where(expert_mask, expert_gate, -jnp.inf)
        _, top_idx = jax.lax.top_k(masked_gates, expert_capacity)
        onehot_topk = token_range[:, None] == top_idx[None, :]
        over_capacity = count > expert_capacity
        onehot = jnp.where(over_capacity, onehot_topk, onehot_keep).astype(hidden_flat.dtype)
        dispatch_slices.append(onehot)
        combine_slices.append(onehot * expert_gate[:, None])
        usage_list.append(jnp.minimum(count, expert_capacity).astype(jnp.float32))

    dispatch_tensor = jnp.stack(dispatch_slices, axis=1)
    combine_tensor = jnp.stack(combine_slices, axis=1)
    expert_usage = jnp.stack(usage_list)

    tokens_dropped = jnp.maximum(0.0, num_tokens - dispatch_tensor.sum())

    # load balancing loss
    prob_per_expert = router_probs.mean(axis=0)
    usage_per_expert = jnp.bincount(expert_index, minlength=E, length=E).astype(jnp.float32) / router_probs.shape[0]
    load_loss = E * jnp.sum(prob_per_expert * usage_per_expert)
    router_z_loss = jnp.mean(router_logits ** 2)

    return (dispatch_tensor, combine_tensor, jnp.array(expert_capacity, dtype=jnp.int32), router_probs, expert_usage, load_loss, router_z_loss, tokens_dropped)

if __name__ == "__main__":
    import jax
    _d = setup_inputs()
    print(jax.jit(kernel)(*tuple(_d.values())))

</pallas_src>

<mosaic_0001>
#map = affine_map<(d0, d1) -> (0)>
module attributes {stable_mosaic.version = 14 : i64} {
  func.func @_route_sc_body(%arg0: i32, %arg1: i32, %arg2: memref<4096xi32, #tpu.memory_space<hbm>>, %arg3: memref<4096xf32, #tpu.memory_space<hbm>>, %arg4: memref<4096xi32, #tpu.memory_space<hbm>>, %arg5: memref<16xi32, #tpu.memory_space<hbm>>, %arg6: memref<4096xi32, #tpu.memory_space<vmem>>, %arg7: memref<4096xf32, #tpu.memory_space<vmem>>, %arg8: memref<128xi32, #tpu.memory_space<vmem>>, %arg9: memref<16xi32, #tpu.memory_space<vmem>>) attributes {dimension_semantics = [#tpu.dimension_semantics<core_parallel>, #tpu.dimension_semantics<subcore_parallel>], iteration_bounds = array<i64: 2, 16>, scalar_prefetch = 0 : i64, scratch_operands = 4 : i64, tpu.core_type = #tpu.core_type<sc_vector_subcore>, window_params = [{transform_indices = #map}, {transform_indices = #map}, {transform_indices = #map}, {transform_indices = #map}]} {
    %mul3A = arith.constant 2 : i32
    %mul3A_0 = arith.muli %arg1, %mul3A : i32
    %add3A = arith.addi %mul3A_0, %arg0 : i32
    %mul3A_1 = arith.constant 128 : i32
    %mul3A_2 = arith.muli %add3A, %mul3A_1 : i32
    %mul3A_3 = arith.constant 8 : i32
    %mul3A_4 = arith.muli %add3A, %mul3A_3 : i32
    "tpu.region"() ({
      %run_scoped3A = tpu.sem_alloc : memref<!tpu.dma_semaphore, #tpu.memory_space<semaphore_mem>>
      tpu.enqueue_dma source(%arg2 : memref<4096xi32, #tpu.memory_space<hbm>>) target(%arg6 : memref<4096xi32, #tpu.memory_space<vmem>>) target_semaphore(%run_scoped3A : memref<!tpu.dma_semaphore, #tpu.memory_space<semaphore_mem>>)
      tpu.wait_dma2 semaphore(%run_scoped3A : memref<!tpu.dma_semaphore, #tpu.memory_space<semaphore_mem>>) src(%arg2 : memref<4096xi32, #tpu.memory_space<hbm>>) dst(%arg6 : memref<4096xi32, #tpu.memory_space<vmem>>)
      tpu.yield
    }) : () -> ()
    "tpu.region"() ({
      %run_scoped3A = tpu.sem_alloc : memref<!tpu.dma_semaphore, #tpu.memory_space<semaphore_mem>>
      tpu.enqueue_dma source(%arg3 : memref<4096xf32, #tpu.memory_space<hbm>>) target(%arg7 : memref<4096xf32, #tpu.memory_space<vmem>>) target_semaphore(%run_scoped3A : memref<!tpu.dma_semaphore, #tpu.memory_space<semaphore_mem>>)
      tpu.wait_dma2 semaphore(%run_scoped3A : memref<!tpu.dma_semaphore, #tpu.memory_space<semaphore_mem>>) src(%arg3 : memref<4096xf32, #tpu.memory_space<hbm>>) dst(%arg7 : memref<4096xf32, #tpu.memory_space<vmem>>)
      tpu.yield
    }) : () -> ()
    %broadcast_in_dim3A = arith.constant 0 : i32
    %broadcast_in_dim3A_5 = vector.broadcast %broadcast_in_dim3A : i32 to vector<16xi32>
    %scan3A = arith.constant 0 : i32
    %scan3A_6 = arith.constant 0 : i32
    %scan3A_7 = arith.constant 256 : i32
    %scan3A_8 = arith.addi %scan3A_6, %scan3A_7 : i32
    %scan3A_9 = arith.constant 1 : i32
    %scan3A_10:16 = scf.for %scan3A_1941 = %scan3A_6 to %scan3A_8 step %scan3A_9 iter_args(%scan3A_1942 = %broadcast_in_dim3A_5, %scan3A_1943 = %broadcast_in_dim3A_5, %scan3A_1944 = %broadcast_in_dim3A_5, %scan3A_1945 = %broadcast_in_dim3A_5, %scan3A_1946 = %broadcast_in_dim3A_5, %scan3A_1947 = %broadcast_in_dim3A_5, %scan3A_1948 = %broadcast_in_dim3A_5, %scan3A_1949 = %broadcast_in_dim3A_5, %scan3A_1950 = %broadcast_in_dim3A_5, %scan3A_1951 = %broadcast_in_dim3A_5, %scan3A_1952 = %broadcast_in_dim3A_5, %scan3A_1953 = %broadcast_in_dim3A_5, %scan3A_1954 = %broadcast_in_dim3A_5, %scan3A_1955 = %broadcast_in_dim3A_5, %scan3A_1956 = %broadcast_in_dim3A_5, %scan3A_1957 = %broadcast_in_dim3A_5) -> (vector<16xi32>, vector<16xi32>, vector<16xi32>, vector<16xi32>, vector<16xi32>, vector<16xi32>, vector<16xi32>, vector<16xi32>, vector<16xi32>, vector<16xi32>, vector<16xi32>, vector<16xi32>, vector<16xi32>, vector<16xi32>, vector<16xi32>, vector<16xi32>)  : i32 {
      %mul3A_1958 = arith.constant 16 : i32
      %mul3A_1959 = arith.muli %scan3A_1941, %mul3A_1958 : i32
      %get3A_1960 = arith.index_cast %mul3A_1959 : i32 to index
      %get3A_1961 = tpu.vector_load %arg6[%get3A_1960] {strides = array<i32>} : memref<4096xi32, #tpu.memory_space<vmem>>, vector<16xi32>,
      %lt3A_1962 = arith.cmpi slt, %scan3A_1941, %mul3A_4 : i32
      %jit3A_1963 = arith.constant 1 : i32
      %select_n3A_1964 = arith.select %lt3A_1962, %jit3A_1963, %scan3A : i32
      %eq3A_1965 = arith.constant 0 : i32
      %eq3A_1966 = vector.broadcast %eq3A_1965 : i32 to vector<16xi32>
      %eq3A_1967 = arith.cmpi eq, %get3A_1961, %eq3A_1966 : vector<16xi32>
      %all_reduce_population_count3A_1968 = tpu.all_reduce %eq3A_1967 {dim = 0 : i64, kind = #tpu.reduction_kind<sum>} : vector<16xi1> -> vector<16xi32>
      %add3A_1969 = arith.addi %scan3A_1942, %all_reduce_population_count3A_1968 : vector<16xi32>
      %mul3A_1970 = vector.broadcast %select_n3A_1964 : i32 to vector<16xi32>
      %mul3A_1971 = arith.muli %all_reduce_population_count3A_1968, %mul3A_1970 : vector<16xi32>
      %add3A_1972 = arith.addi %scan3A_1950, %mul3A_1971 : vector<16xi32>
      %eq3A_1973 = arith.constant 1 : i32
      %eq3A_1974 = vector.broadcast %eq3A_1973 : i32 to vector<16xi32>
      %eq3A_1975 = arith.cmpi eq, %get3A_1961, %eq3A_1974 : vector<16xi32>
      %all_reduce_population_count3A_1976 = tpu.all_reduce %eq3A_1975 {dim = 0 : i64, kind = #tpu.reduction_kind<sum>} : vector<16xi1> -> vector<16xi32>
      %add3A_1977 = arith.addi %scan3A_1943, %all_reduce_population_count3A_1976 : vector<16xi32>
      %mul3A_1978 = vector.broadcast %select_n3A_1964 : i32 to vector<16xi32>
      %mul3A_1979 = arith.muli %all_reduce_population_count3A_1976, %mul3A_1978 : vector<16xi32>
      %add3A_1980 = arith.addi %scan3A_1951, %mul3A_1979 : vector<16xi32>
      %eq3A_1981 = arith.constant 2 : i32
      %eq3A_1982 = vector.broadcast %eq3A_1981 : i32 to vector<16xi32>
      %eq3A_1983 = arith.cmpi eq, %get3A_1961, %eq3A_1982 : vector<16xi32>
      %all_reduce_population_count3A_1984 = tpu.all_reduce %eq3A_1983 {dim = 0 : i64, kind = #tpu.reduction_kind<sum>} : vector<16xi1> -> vector<16xi32>
      %add3A_1985 = arith.addi %scan3A_1944, %all_reduce_population_count3A_1984 : vector<16xi32>
      %mul3A_1986 = vector.broadcast %select_n3A_1964 : i32 to vector<16xi32>
      %mul3A_1987 = arith.muli %all_reduce_population_count3A_1984, %mul3A_1986 : vector<16xi32>
      %add3A_1988 = arith.addi %scan3A_1952, %mul3A_1987 : vector<16xi32>
      %eq3A_1989 = arith.constant 3 : i32
      %eq3A_1990 = vector.broadcast %eq3A_1989 : i32 to vector<16xi32>
      %eq3A_1991 = arith.cmpi eq, %get3A_1961, %eq3A_1990 : vector<16xi32>
      %all_reduce_population_count3A_1992 = tpu.all_reduce %eq3A_1991 {dim = 0 : i64, kind = #tpu.reduction_kind<sum>} : vector<16xi1> -> vector<16xi32>
      %add3A_1993 = arith.addi %scan3A_1945, %all_reduce_population_count3A_1992 : vector<16xi32>
      %mul3A_1994 = vector.broadcast %select_n3A_1964 : i32 to vector<16xi32>
      %mul3A_1995 = arith.muli %all_reduce_population_count3A_1992, %mul3A_1994 : vector<16xi32>
      %add3A_1996 = arith.addi %scan3A_1953, %mul3A_1995 : vector<16xi32>
      %eq3A_1997 = arith.constant 4 : i32
      %eq3A_1998 = vector.broadcast %eq3A_1997 : i32 to vector<16xi32>
      %eq3A_1999 = arith.cmpi eq, %get3A_1961, %eq3A_1998 : vector<16xi32>
      %all_reduce_population_count3A_2000 = tpu.all_reduce %eq3A_1999 {dim = 0 : i64, kind = #tpu.reduction_kind<sum>} : vector<16xi1> -> vector<16xi32>
      %add3A_2001 = arith.addi %scan3A_1946, %all_reduce_population_count3A_2000 : vector<16xi32>
      %mul3A_2002 = vector.broadcast %select_n3A_1964 : i32 to vector<16xi32>
      %mul3A_2003 = arith.muli %all_reduce_population_count3A_2000, %mul3A_2002 : vector<16xi32>
      %add3A_2004 = arith.addi %scan3A_1954, %mul3A_2003 : vector<16xi32>
      %eq3A_2005 = arith.constant 5 : i32
      %eq3A_2006 = vector.broadcast %eq3A_2005 : i32 to vector<16xi32>
      %eq3A_2007 = arith.cmpi eq, %get3A_1961, %eq3A_2006 : vector<16xi32>
      %all_reduce_population_count3A_2008 = tpu.all_reduce %eq3A_2007 {dim = 0 : i64, kind = #tpu.reduction_kind<sum>} : vector<16xi1> -> vector<16xi32>
      %add3A_2009 = arith.addi %scan3A_1947, %all_reduce_population_count3A_2008 : vector<16xi32>
      %mul3A_2010 = vector.broadcast %select_n3A_1964 : i32 to vector<16xi32>
      %mul3A_2011 = arith.muli %all_reduce_population_count3A_2008, %mul3A_2010 : vector<16xi32>
      %add3A_2012 = arith.addi %scan3A_1955, %mul3A_2011 : vector<16xi32>
      %eq3A_2013 = arith.constant 6 : i32
      %eq3A_2014 = vector.broadcast %eq3A_2013 : i32 to vector<16xi32>
      %eq3A_2015 = arith.cmpi eq, %get3A_1961, %eq3A_2014 : vector<16xi32>
      %all_reduce_population_count3A_2016 = tpu.all_reduce %eq3A_2015 {dim = 0 : i64, kind = #tpu.reduction_kind<sum>} : vector<16xi1> -> vector<16xi32>
      %add3A_2017 = arith.addi %scan3A_1948, %all_reduce_population_count3A_2016 : vector<16xi32>
      %mul3A_2018 = vector.broadcast %select_n3A_1964 : i32 to vector<16xi32>
      %mul3A_2019 = arith.muli %all_reduce_population_count3A_2016, %mul3A_2018 : vector<16xi32>
      %add3A_2020 = arith.addi %scan3A_1956, %mul3A_2019 : vector<16xi32>
      %eq3A_2021 = arith.constant 7 : i32
      %eq3A_2022 = vector.broadcast %eq3A_2021 : i32 to vector<16xi32>
      %eq3A_2023 = arith.cmpi eq, %get3A_1961, %eq3A_2022 : vector<16xi32>
      %all_reduce_population_count3A_2024 = tpu.all_reduce %eq3A_2023 {dim = 0 : i64, kind = #tpu.reduction_kind<sum>} : vector<16xi1> -> vector<16xi32>
      %add3A_2025 = arith.addi %scan3A_1949, %all_reduce_population_count3A_2024 : vector<16xi32>
      %mul3A_2026 = vector.broadcast %select_n3A_1964 : i32 to vector<16xi32>
      %mul3A_2027 = arith.muli %all_reduce_population_count3A_2024, %mul3A_2026 : vector<16xi32>
      %add3A_2028 = arith.addi %scan3A_1957, %mul3A_2027 : vector<16xi32>
      scf.yield %add3A_1969, %add3A_1977, %add3A_1985, %add3A_1993, %add3A_2001, %add3A_2009, %add3A_2017, %add3A_2025, %add3A_1972, %add3A_1980, %add3A_1988, %add3A_1996, %add3A_2004, %add3A_2012, %add3A_2020, %add3A_2028 : vector<16xi32>, vector<16xi32>, vector<16xi32>, vector<16xi32>, vector<16xi32>, vector<16xi32>, vector<16xi32>, vector<16xi32>, vector<16xi32>, vector<16xi32>, vector<16xi32>, vector<16xi32>, vector<16xi32>, vector<16xi32>, vector<16xi32>, vector<16xi32>
    }
    %scan3A_11 = arith.constant 256 : i32
    %slice3A = vector.extract_strided_slice %scan3A_10#0 {offsets = [0], sizes = [1], strides = [1]} : vector<16xi32> to vector<1xi32>
    %squeeze3A = vector.extract %slice3A[0] : i32 from vector<1xi32>
    %slice3A_12 = vector.extract_strided_slice %scan3A_10#1 {offsets = [0], sizes = [1], strides = [1]} : vector<16xi32> to vector<1xi32>
    %squeeze3A_13 = vector.extract %slice3A_12[0] : i32 from vector<1xi32>
    %slice3A_14 = vector.extract_strided_slice %scan3A_10#2 {offsets = [0], sizes = [1], strides = [1]} : vector<16xi32> to vector<1xi32>
    %squeeze3A_15 = vector.extract %slice3A_14[0] : i32 from vector<1xi32>
    %slice3A_16 = vector.extract_strided_slice %scan3A_10#3 {offsets = [0], sizes = [1], strides = [1]} : vector<16xi32> to vector<1xi32>
    %squeeze3A_17 = vector.extract %slice3A_16[0] : i32 from vector<1xi32>
    %slice3A_18 = vector.extract_strided_slice %scan3A_10#4 {offsets = [0], sizes = [1], strides = [1]} : vector<16xi32> to vector<1xi32>
    %squeeze3A_19 = vector.extract %slice3A_18[0] : i32 from vector<1xi32>
    %slice3A_20 = vector.extract_strided_slice %scan3A_10#5 {offsets = [0], sizes = [1], strides = [1]} : vector<16xi32> to vector<1xi32>
    %squeeze3A_21 = vector.extract %slice3A_20[0] : i32 from vector<1xi32>
    %slice3A_22 = vector.extract_strided_slice %scan3A_10#6 {offsets = [0], sizes = [1], strides = [1]} : vector<16xi32> to vector<1xi32>
    %squeeze3A_23 = vector.extract %slice3A_22[0] : i32 from vector<1xi32>
    %slice3A_24 = vector.extract_strided_slice %scan3A_10#7 {offsets = [0], sizes = [1], strides = [1]} : vector<16xi32> to vector<1xi32>
    %squeeze3A_25 = vector.extract %slice3A_24[0] : i32 from vector<1xi32>
    %slice3A_26 = vector.extract_strided_slice %scan3A_10#8 {offsets = [0], sizes = [1], strides = [1]} : vector<16xi32> to vector<1xi32>
    %squeeze3A_27 = vector.extract %slice3A_26[0] : i32 from vector<1xi32>
    %slice3A_28 = vector.extract_strided_slice %scan3A_10#9 {offsets = [0], sizes = [1], strides = [1]} : vector<16xi32> to vector<1xi32>
    %squeeze3A_29 = vector.extract %slice3A_28[0] : i32 from vector<1xi32>
    %slice3A_30 = vector.extract_strided_slice %scan3A_10#10 {offsets = [0], sizes = [1], strides = [1]} : vector<16xi32> to vector<1xi32>
    %squeeze3A_31 = vector.extract %slice3A_30[0] : i32 from vector<1xi32>
    %slice3A_32 = vector.extract_strided_slice %scan3A_10#11 {offsets = [0], sizes = [1], strides = [1]} : vector<16xi32> to vector<1xi32>
    %squeeze3A_33 = vector.extract %slice3A_32[0] : i32 from vector<1xi32>
    %slice3A_34 = vector.extract_strided_slice %scan3A_10#12 {offsets = [0], sizes = [1], strides = [1]} : vector<16xi32> to vector<1xi32>
    %squeeze3A_35 = vector.extract %slice3A_34[0] : i32 from vector<1xi32>
    %slice3A_36 = vector.extract_strided_slice %scan3A_10#13 {offsets = [0], sizes = [1], strides = [1]} : vector<16xi32> to vector<1xi32>
    %squeeze3A_37 = vector.extract %slice3A_36[0] : i32 from vector<1xi32>
    %slice3A_38 = vector.extract_strided_slice %scan3A_10#14 {offsets = [0], sizes = [1], strides = [1]} : vector<16xi32> to vector<1xi32>
    %squeeze3A_39 = vector.extract %slice3A_38[0] : i32 from vector<1xi32>
    %slice3A_40 = vector.extract_strided_slice %scan3A_10#15 {offsets = [0], sizes = [1], strides = [1]} : vector<16xi32> to vector<1xi32>
    %squeeze3A_41 = vector.extract %slice3A_40[0] : i32 from vector<1xi32>
    %gt3A = arith.constant 640 : i32
    %gt3A_42 = arith.cmpi sgt, %squeeze3A, %gt3A : i32
    %gt3A_43 = arith.constant 640 : i32
    %gt3A_44 = arith.cmpi sgt, %squeeze3A_13, %gt3A_43 : i32
    %gt3A_45 = arith.constant 640 : i32
    %gt3A_46 = arith.cmpi sgt, %squeeze3A_15, %gt3A_45 : i32
    %gt3A_47 = arith.constant 640 : i32
    %gt3A_48 = arith.cmpi sgt, %squeeze3A_17, %gt3A_47 : i32
    %gt3A_49 = arith.constant 640 : i32
    %gt3A_50 = arith.cmpi sgt, %squeeze3A_19, %gt3A_49 : i32
    %gt3A_51 = arith.constant 640 : i32
    %gt3A_52 = arith.cmpi sgt, %squeeze3A_21, %gt3A_51 : i32
    %gt3A_53 = arith.constant 640 : i32
    %gt3A_54 = arith.cmpi sgt, %squeeze3A_23, %gt3A_53 : i32
    %gt3A_55 = arith.constant 640 : i32
    %gt3A_56 = arith.cmpi sgt, %squeeze3A_25, %gt3A_55 : i32
    %or3A = arith.ori %gt3A_42, %gt3A_44 : i1
    %or3A_57 = arith.ori %or3A, %gt3A_46 : i1
    %or3A_58 = arith.ori %or3A_57, %gt3A_48 : i1
    %or3A_59 = arith.ori %or3A_58, %gt3A_50 : i1
    %or3A_60 = arith.ori %or3A_59, %gt3A_52 : i1
    %or3A_61 = arith.ori %or3A_60, %gt3A_54 : i1
    %or3A_62 = arith.ori %or3A_61, %gt3A_56 : i1
    %iota3A = tpu.iota {dimensions = array<i32: 0>} : vector<16xi32>
    %add3A_63 = arith.constant 0 : i32
    %add3A_64 = arith.addi %mul3A_4, %add3A_63 : i32
    %mul3A_65 = arith.constant 16 : i32
    %mul3A_66 = arith.muli %add3A_64, %mul3A_65 : i32
    %get3A = arith.index_cast %mul3A_66 : i32 to index
    %get3A_67 = tpu.vector_load %arg6[%get3A] {strides = array<i32>} : memref<4096xi32, #tpu.memory_space<vmem>>, vector<16xi32>,
    %add3A_68 = arith.constant 1 : i32
    %add3A_69 = arith.addi %mul3A_4, %add3A_68 : i32
    %mul3A_70 = arith.constant 16 : i32
    %mul3A_71 = arith.muli %add3A_69, %mul3A_70 : i32
    %get3A_72 = arith.index_cast %mul3A_71 : i32 to index
    %get3A_73 = tpu.vector_load %arg6[%get3A_72] {strides = array<i32>} : memref<4096xi32, #tpu.memory_space<vmem>>, vector<16xi32>,
    %add3A_74 = arith.constant 2 : i32
    %add3A_75 = arith.addi %mul3A_4, %add3A_74 : i32
    %mul3A_76 = arith.constant 16 : i32
    %mul3A_77 = arith.muli %add3A_75, %mul3A_76 : i32
    %get3A_78 = arith.index_cast %mul3A_77 : i32 to index
    %get3A_79 = tpu.vector_load %arg6[%get3A_78] {strides = array<i32>} : memref<4096xi32, #tpu.memory_space<vmem>>, vector<16xi32>,
    %add3A_80 = arith.constant 3 : i32
    %add3A_81 = arith.addi %mul3A_4, %add3A_80 : i32
    %mul3A_82 = arith.constant 16 : i32
    %mul3A_83 = arith.muli %add3A_81, %mul3A_82 : i32
    %get3A_84 = arith.index_cast %mul3A_83 : i32 to index
    %get3A_85 = tpu.vector_load %arg6[%get3A_84] {strides = array<i32>} : memref<4096xi32, #tpu.memory_space<vmem>>, vector<16xi32>,
    %add3A_86 = arith.constant 4 : i32
    %add3A_87 = arith.addi %mul3A_4, %add3A_86 : i32
    %mul3A_88 = arith.constant 16 : i32
    %mul3A_89 = arith.muli %add3A_87, %mul3A_88 : i32
    %get3A_90 = arith.index_cast %mul3A_89 : i32 to index
    %get3A_91 = tpu.vector_load %arg6[%get3A_90] {strides = array<i32>} : memref<4096xi32, #tpu.memory_space<vmem>>, vector<16xi32>,
    %add3A_92 = arith.constant 5 : i32
    %add3A_93 = arith.addi %mul3A_4, %add3A_92 : i32
    %mul3A_94 = arith.constant 16 : i32
    %mul3A_95 = arith.muli %add3A_93, %mul3A_94 : i32
    %get3A_96 = arith.index_cast %mul3A_95 : i32 to index
    %get3A_97 = tpu.vector_load %arg6[%get3A_96] {strides = array<i32>} : memref<4096xi32, #tpu.memory_space<vmem>>, vector<16xi32>,
    %add3A_98 = arith.constant 6 : i32
    %add3A_99 = arith.addi %mul3A_4, %add3A_98 : i32
    %mul3A_100 = arith.constant 16 : i32
    %mul3A_101 = arith.muli %add3A_99, %mul3A_100 : i32
    %get3A_102 = arith.index_cast %mul3A_101 : i32 to index
    %get3A_103 = tpu.vector_load %arg6[%get3A_102] {strides = array<i32>} : memref<4096xi32, #tpu.memory_space<vmem>>, vector<16xi32>,
    %add3A_104 = arith.constant 7 : i32
    %add3A_105 = arith.addi %mul3A_4, %add3A_104 : i32
    %mul3A_106 = arith.constant 16 : i32
    %mul3A_107 = arith.muli %add3A_105, %mul3A_106 : i32
    %get3A_108 = arith.index_cast %mul3A_107 : i32 to index
    %get3A_109 = tpu.vector_load %arg6[%get3A_108] {strides = array<i32>} : memref<4096xi32, #tpu.memory_space<vmem>>, vector<16xi32>,
    %add3A_110 = arith.constant 0 : i32
    %add3A_111 = arith.addi %mul3A_4, %add3A_110 : i32
    %mul3A_112 = arith.constant 16 : i32
    %mul3A_113 = arith.muli %add3A_111, %mul3A_112 : i32
    %get3A_114 = arith.index_cast %mul3A_113 : i32 to index
    %get3A_115 = tpu.vector_load %arg7[%get3A_114] {strides = array<i32>} : memref<4096xf32, #tpu.memory_space<vmem>>, vector<16xf32>,
    %add3A_116 = arith.constant 1 : i32
    %add3A_117 = arith.addi %mul3A_4, %add3A_116 : i32
    %mul3A_118 = arith.constant 16 : i32
    %mul3A_119 = arith.muli %add3A_117, %mul3A_118 : i32
    %get3A_120 = arith.index_cast %mul3A_119 : i32 to index
    %get3A_121 = tpu.vector_load %arg7[%get3A_120] {strides = array<i32>} : memref<4096xf32, #tpu.memory_space<vmem>>, vector<16xf32>,
    %add3A_122 = arith.constant 2 : i32
    %add3A_123 = arith.addi %mul3A_4, %add3A_122 : i32
    %mul3A_124 = arith.constant 16 : i32
    %mul3A_125 = arith.muli %add3A_123, %mul3A_124 : i32
    %get3A_126 = arith.index_cast %mul3A_125 : i32 to index
    %get3A_127 = tpu.vector_load %arg7[%get3A_126] {strides = array<i32>} : memref<4096xf32, #tpu.memory_space<vmem>>, vector<16xf32>,
    %add3A_128 = arith.constant 3 : i32
    %add3A_129 = arith.addi %mul3A_4, %add3A_128 : i32
    %mul3A_130 = arith.constant 16 : i32
    %mul3A_131 = arith.muli %add3A_129, %mul3A_130 : i32
    %get3A_132 = arith.index_cast %mul3A_131 : i32 to index
    %get3A_133 = tpu.vector_load %arg7[%get3A_132] {strides = array<i32>} : memref<4096xf32, #tpu.memory_space<vmem>>, vector<16xf32>,
    %add3A_134 = arith.constant 4 : i32
    %add3A_135 = arith.addi %mul3A_4, %add3A_134 : i32
    %mul3A_136 = arith.constant 16 : i32
    %mul3A_137 = arith.muli %add3A_135, %mul3A_136 : i32
    %get3A_138 = arith.index_cast %mul3A_137 : i32 to index
    %get3A_139 = tpu.vector_load %arg7[%get3A_138] {strides = array<i32>} : memref<4096xf32, #tpu.memory_space<vmem>>, vector<16xf32>,
    %add3A_140 = arith.constant 5 : i32
    %add3A_141 = arith.addi %mul3A_4, %add3A_140 : i32
    %mul3A_142 = arith.constant 16 : i32
    %mul3A_143 = arith.muli %add3A_141, %mul3A_142 : i32
    %get3A_144 = arith.index_cast %mul3A_143 : i32 to index
    %get3A_145 = tpu.vector_load %arg7[%get3A_144] {strides = array<i32>} : memref<4096xf32, #tpu.memory_space<vmem>>, vector<16xf32>,
    %add3A_146 = arith.constant 6 : i32
    %add3A_147 = arith.addi %mul3A_4, %add3A_146 : i32
    %mul3A_148 = arith.constant 16 : i32
    %mul3A_149 = arith.muli %add3A_147, %mul3A_148 : i32
    %get3A_150 = arith.index_cast %mul3A_149 : i32 to index
    %get3A_151 = tpu.vector_load %arg7[%get3A_150] {strides = array<i32>} : memref<4096xf32, #tpu.memory_space<vmem>>, vector<16xf32>,
    %add3A_152 = arith.constant 7 : i32
    %add3A_153 = arith.addi %mul3A_4, %add3A_152 : i32
    %mul3A_154 = arith.constant 16 : i32
    %mul3A_155 = arith.muli %add3A_153, %mul3A_154 : i32
    %get3A_156 = arith.index_cast %mul3A_155 : i32 to index
    %get3A_157 = tpu.vector_load %arg7[%get3A_156] {strides = array<i32>} : memref<4096xf32, #tpu.memory_space<vmem>>, vector<16xf32>,
    %broadcast_in_dim3A_158 = arith.constant 0 : i32
    %broadcast_in_dim3A_159 = vector.broadcast %broadcast_in_dim3A_158 : i32 to vector<16xi32>
    %eq3A = arith.constant 0 : i32
    %eq3A_160 = vector.broadcast %eq3A : i32 to vector<16xi32>
    %eq3A_161 = arith.cmpi eq, %get3A_67, %eq3A_160 : vector<16xi32>
    %convert_element_type3A = arith.extui %eq3A_161 : vector<16xi1> to vector<16xi32>
    %broadcast_in_dim3A_162 = arith.constant true
    %broadcast_in_dim3A_163 = vector.broadcast %broadcast_in_dim3A_162 : i1 to vector<16xi1>
    %masked_cumsum3A = tpu.scan <sum>, %convert_element_type3A masked %broadcast_in_dim3A_163 : vector<16xi32>, vector<16xi1> -> vector<16xi32>
    %add3A_164 = vector.broadcast %squeeze3A_27 : i32 to vector<16xi32>
    %add3A_165 = arith.addi %add3A_164, %masked_cumsum3A : vector<16xi32>
    %sub3A = arith.constant 1 : i32
    %sub3A_166 = vector.broadcast %sub3A : i32 to vector<16xi32>
    %sub3A_167 = arith.subi %add3A_165, %sub3A_166 : vector<16xi32>
    %select_n3A = arith.select %eq3A_161, %sub3A_167, %broadcast_in_dim3A_159 : vector<16xi1>, vector<16xi32>
    %all_reduce_population_count3A = tpu.all_reduce %eq3A_161 {dim = 0 : i64, kind = #tpu.reduction_kind<sum>} : vector<16xi1> -> vector<16xi32>
    %slice3A_168 = vector.extract_strided_slice %all_reduce_population_count3A {offsets = [0], sizes = [1], strides = [1]} : vector<16xi32> to vector<1xi32>
    %squeeze3A_169 = vector.extract %slice3A_168[0] : i32 from vector<1xi32>
    %add3A_170 = arith.addi %squeeze3A_27, %squeeze3A_169 : i32
    %eq3A_171 = arith.constant 1 : i32
    %eq3A_172 = vector.broadcast %eq3A_171 : i32 to vector<16xi32>
    %eq3A_173 = arith.cmpi eq, %get3A_67, %eq3A_172 : vector<16xi32>
    %convert_element_type3A_174 = arith.extui %eq3A_173 : vector<16xi1> to vector<16xi32>
    %broadcast_in_dim3A_175 = arith.constant true
    %broadcast_in_dim3A_176 = vector.broadcast %broadcast_in_dim3A_175 : i1 to vector<16xi1>
    %masked_cumsum3A_177 = tpu.scan <sum>, %convert_element_type3A_174 masked %broadcast_in_dim3A_176 : vector<16xi32>, vector<16xi1> -> vector<16xi32>
    %add3A_178 = vector.broadcast %squeeze3A_29 : i32 to vector<16xi32>
    %add3A_179 = arith.addi %add3A_178, %masked_cumsum3A_177 : vector<16xi32>
    %sub3A_180 = arith.constant 1 : i32
    %sub3A_181 = vector.broadcast %sub3A_180 : i32 to vector<16xi32>
    %sub3A_182 = arith.subi %add3A_179, %sub3A_181 : vector<16xi32>
    %select_n3A_183 = arith.select %eq3A_173, %sub3A_182, %select_n3A : vector<16xi1>, vector<16xi32>
    %all_reduce_population_count3A_184 = tpu.all_reduce %eq3A_173 {dim = 0 : i64, kind = #tpu.reduction_kind<sum>} : vector<16xi1> -> vector<16xi32>
    %slice3A_185 = vector.extract_strided_slice %all_reduce_population_count3A_184 {offsets = [0], sizes = [1], strides = [1]} : vector<16xi32> to vector<1xi32>
    %squeeze3A_186 = vector.extract %slice3A_185[0] : i32 from vector<1xi32>
    %add3A_187 = arith.addi %squeeze3A_29, %squeeze3A_186 : i32
    %eq3A_188 = arith.constant 2 : i32
    %eq3A_189 = vector.broadcast %eq3A_188 : i32 to vector<16xi32>
    %eq3A_190 = arith.cmpi eq, %get3A_67, %eq3A_189 : vector<16xi32>
    %convert_element_type3A_191 = arith.extui %eq3A_190 : vector<16xi1> to vector<16xi32>
    %broadcast_in_dim3A_192 = arith.constant true
    %broadcast_in_dim3A_193 = vector.broadcast %broadcast_in_dim3A_192 : i1 to vector<16xi1>
    %masked_cumsum3A_194 = tpu.scan <sum>, %convert_element_type3A_191 masked %broadcast_in_dim3A_193 : vector<16xi32>, vector<16xi1> -> vector<16xi32>
    %add3A_195 = vector.broadcast %squeeze3A_31 : i32 to vector<16xi32>
    %add3A_196 = arith.addi %add3A_195, %masked_cumsum3A_194 : vector<16xi32>
    %sub3A_197 = arith.constant 1 : i32
    %sub3A_198 = vector.broadcast %sub3A_197 : i32 to vector<16xi32>
    %sub3A_199 = arith.subi %add3A_196, %sub3A_198 : vector<16xi32>
    %select_n3A_200 = arith.select %eq3A_190, %sub3A_199, %select_n3A_183 : vector<16xi1>, vector<16xi32>
    %all_reduce_population_count3A_201 = tpu.all_reduce %eq3A_190 {dim = 0 : i64, kind = #tpu.reduction_kind<sum>} : vector<16xi1> -> vector<16xi32>
    %slice3A_202 = vector.extract_strided_slice %all_reduce_population_count3A_201 {offsets = [0], sizes = [1], strides = [1]} : vector<16xi32> to vector<1xi32>
    %squeeze3A_203 = vector.extract %slice3A_202[0] : i32 from vector<1xi32>
    %add3A_204 = arith.addi %squeeze3A_31, %squeeze3A_203 : i32
    %eq3A_205 = arith.constant 3 : i32
    %eq3A_206 = vector.broadcast %eq3A_205 : i32 to vector<16xi32>
    %eq3A_207 = arith.cmpi eq, %get3A_67, %eq3A_206 : vector<16xi32>
    %convert_element_type3A_208 = arith.extui %eq3A_207 : vector<16xi1> to vector<16xi32>
    %broadcast_in_dim3A_209 = arith.constant true
    %broadcast_in_dim3A_210 = vector.broadcast %broadcast_in_dim3A_209 : i1 to vector<16xi1>
    %masked_cumsum3A_211 = tpu.scan <sum>, %convert_element_type3A_208 masked %broadcast_in_dim3A_210 : vector<16xi32>, vector<16xi1> -> vector<16xi32>
    %add3A_212 = vector.broadcast %squeeze3A_33 : i32 to vector<16xi32>
    %add3A_213 = arith.addi %add3A_212, %masked_cumsum3A_211 : vector<16xi32>
    %sub3A_214 = arith.constant 1 : i32
    %sub3A_215 = vector.broadcast %sub3A_214 : i32 to vector<16xi32>
    %sub3A_216 = arith.subi %add3A_213, %sub3A_215 : vector<16xi32>
    %select_n3A_217 = arith.select %eq3A_207, %sub3A_216, %select_n3A_200 : vector<16xi1>, vector<16xi32>
    %all_reduce_population_count3A_218 = tpu.all_reduce %eq3A_207 {dim = 0 : i64, kind = #tpu.reduction_kind<sum>} : vector<16xi1> -> vector<16xi32>
    %slice3A_219 = vector.extract_strided_slice %all_reduce_population_count3A_218 {offsets = [0], sizes = [1], strides = [1]} : vector<16xi32> to vector<1xi32>
    %squeeze3A_220 = vector.extract %slice3A_219[0] : i32 from vector<1xi32>
    %add3A_221 = arith.addi %squeeze3A_33, %squeeze3A_220 : i32
    %eq3A_222 = arith.constant 4 : i32
    %eq3A_223 = vector.broadcast %eq3A_222 : i32 to vector<16xi32>
    %eq3A_224 = arith.cmpi eq, %get3A_67, %eq3A_223 : vector<16xi32>
    %convert_element_type3A_225 = arith.extui %eq3A_224 : vector<16xi1> to vector<16xi32>
    %broadcast_in_dim3A_226 = arith.constant true
    %broadcast_in_dim3A_227 = vector.broadcast %broadcast_in_dim3A_226 : i1 to vector<16xi1>
    %masked_cumsum3A_228 = tpu.scan <sum>, %convert_element_type3A_225 masked %broadcast_in_dim3A_227 : vector<16xi32>, vector<16xi1> -> vector<16xi32>
    %add3A_229 = vector.broadcast %squeeze3A_35 : i32 to vector<16xi32>
    %add3A_230 = arith.addi %add3A_229, %masked_cumsum3A_228 : vector<16xi32>
    %sub3A_231 = arith.constant 1 : i32
    %sub3A_232 = vector.broadcast %sub3A_231 : i32 to vector<16xi32>
    %sub3A_233 = arith.subi %add3A_230, %sub3A_232 : vector<16xi32>
    %select_n3A_234 = arith.select %eq3A_224, %sub3A_233, %select_n3A_217 : vector<16xi1>, vector<16xi32>
    %all_reduce_population_count3A_235 = tpu.all_reduce %eq3A_224 {dim = 0 : i64, kind = #tpu.reduction_kind<sum>} : vector<16xi1> -> vector<16xi32>
    %slice3A_236 = vector.extract_strided_slice %all_reduce_population_count3A_235 {offsets = [0], sizes = [1], strides = [1]} : vector<16xi32> to vector<1xi32>
    %squeeze3A_237 = vector.extract %slice3A_236[0] : i32 from vector<1xi32>
    %add3A_238 = arith.addi %squeeze3A_35, %squeeze3A_237 : i32
    %eq3A_239 = arith.constant 5 : i32
    %eq3A_240 = vector.broadcast %eq3A_239 : i32 to vector<16xi32>
    %eq3A_241 = arith.cmpi eq, %get3A_67, %eq3A_240 : vector<16xi32>
    %convert_element_type3A_242 = arith.extui %eq3A_241 : vector<16xi1> to vector<16xi32>
    %broadcast_in_dim3A_243 = arith.constant true
    %broadcast_in_dim3A_244 = vector.broadcast %broadcast_in_dim3A_243 : i1 to vector<16xi1>
    %masked_cumsum3A_245 = tpu.scan <sum>, %convert_element_type3A_242 masked %broadcast_in_dim3A_244 : vector<16xi32>, vector<16xi1> -> vector<16xi32>
    %add3A_246 = vector.broadcast %squeeze3A_37 : i32 to vector<16xi32>
    %add3A_247 = arith.addi %add3A_246, %masked_cumsum3A_245 : vector<16xi32>
    %sub3A_248 = arith.constant 1 : i32
    %sub3A_249 = vector.broadcast %sub3A_248 : i32 to vector<16xi32>
    %sub3A_250 = arith.subi %add3A_247, %sub3A_249 : vector<16xi32>
    %select_n3A_251 = arith.select %eq3A_241, %sub3A_250, %select_n3A_234 : vector<16xi1>, vector<16xi32>
    %all_reduce_population_count3A_252 = tpu.all_reduce %eq3A_241 {dim = 0 : i64, kind = #tpu.reduction_kind<sum>} : vector<16xi1> -> vector<16xi32>
    %slice3A_253 = vector.extract_strided_slice %all_reduce_population_count3A_252 {offsets = [0], sizes = [1], strides = [1]} : vector<16xi32> to vector<1xi32>
    %squeeze3A_254 = vector.extract %slice3A_253[0] : i32 from vector<1xi32>
    %add3A_255 = arith.addi %squeeze3A_37, %squeeze3A_254 : i32
    %eq3A_256 = arith.constant 6 : i32
    %eq3A_257 = vector.broadcast %eq3A_256 : i32 to vector<16xi32>
    %eq3A_258 = arith.cmpi eq, %get3A_67, %eq3A_257 : vector<16xi32>
    %convert_element_type3A_259 = arith.extui %eq3A_258 : vector<16xi1> to vector<16xi32>
    %broadcast_in_dim3A_260 = arith.constant true
    %broadcast_in_dim3A_261 = vector.broadcast %broadcast_in_dim3A_260 : i1 to vector<16xi1>
    %masked_cumsum3A_262 = tpu.scan <sum>, %convert_element_type3A_259 masked %broadcast_in_dim3A_261 : vector<16xi32>, vector<16xi1> -> vector<16xi32>
    %add3A_263 = vector.broadcast %squeeze3A_39 : i32 to vector<16xi32>
    %add3A_264 = arith.addi %add3A_263, %masked_cumsum3A_262 : vector<16xi32>
    %sub3A_265 = arith.constant 1 : i32
    %sub3A_266 = vector.broadcast %sub3A_265 : i32 to vector<16xi32>
    %sub3A_267 = arith.subi %add3A_264, %sub3A_266 : vector<16xi32>
    %select_n3A_268 = arith.select %eq3A_258, %sub3A_267, %select_n3A_251 : vector<16xi1>, vector<16xi32>
    %all_reduce_population_count3A_269 = tpu.all_reduce %eq3A_258 {dim = 0 : i64, kind = #tpu.reduction_kind<sum>} : vector<16xi1> -> vector<16xi32>
    %slice3A_270 = vector.extract_strided_slice %all_reduce_population_count3A_269 {offsets = [0], sizes = [1], strides = [1]} : vector<16xi32> to vector<1xi32>
    %squeeze3A_271 = vector.extract %slice3A_270[0] : i32 from vector<1xi32>
    %add3A_272 = arith.addi %squeeze3A_39, %squeeze3A_271 : i32
    %eq3A_273 = arith.constant 7 : i32
    %eq3A_274 = vector.broadcast %eq3A_273 : i32 to vector<16xi32>
    %eq3A_275 = arith.cmpi eq, %get3A_67, %eq3A_274 : vector<16xi32>
    %convert_element_type3A_276 = arith.extui %eq3A_275 : vector<16xi1> to vector<16xi32>
    %broadcast_in_dim3A_277 = arith.constant true
    %broadcast_in_dim3A_278 = vector.broadcast %broadcast_in_dim3A_277 : i1 to vector<16xi1>
    %masked_cumsum3A_279 = tpu.scan <sum>, %convert_element_type3A_276 masked %broadcast_in_dim3A_278 : vector<16xi32>, vector<16xi1> -> vector<16xi32>
    %add3A_280 = vector.broadcast %squeeze3A_41 : i32 to vector<16xi32>
    %add3A_281 = arith.addi %add3A_280, %masked_cumsum3A_279 : vector<16xi32>
    %sub3A_282 = arith.constant 1 : i32
    %sub3A_283 = vector.broadcast %sub3A_282 : i32 to vector<16xi32>
    %sub3A_284 = arith.subi %add3A_281, %sub3A_283 : vector<16xi32>
    %select_n3A_285 = arith.select %eq3A_275, %sub3A_284, %select_n3A_268 : vector<16xi1>, vector<16xi32>
    %all_reduce_population_count3A_286 = tpu.all_reduce %eq3A_275 {dim = 0 : i64, kind = #tpu.reduction_kind<sum>} : vector<16xi1> -> vector<16xi32>
    %slice3A_287 = vector.extract_strided_slice %all_reduce_population_count3A_286 {offsets = [0], sizes = [1], strides = [1]} : vector<16xi32> to vector<1xi32>
    %squeeze3A_288 = vector.extract %slice3A_287[0] : i32 from vector<1xi32>
    %add3A_289 = arith.addi %squeeze3A_41, %squeeze3A_288 : i32
    %broadcast_in_dim3A_290 = arith.constant 0 : i32
    %broadcast_in_dim3A_291 = vector.broadcast %broadcast_in_dim3A_290 : i32 to vector<16xi32>
    %eq3A_292 = arith.constant 0 : i32
    %eq3A_293 = vector.broadcast %eq3A_292 : i32 to vector<16xi32>
    %eq3A_294 = arith.cmpi eq, %get3A_73, %eq3A_293 : vector<16xi32>
    %convert_element_type3A_295 = arith.extui %eq3A_294 : vector<16xi1> to vector<16xi32>
    %broadcast_in_dim3A_296 = arith.constant true
    %broadcast_in_dim3A_297 = vector.broadcast %broadcast_in_dim3A_296 : i1 to vector<16xi1>
    %masked_cumsum3A_298 = tpu.scan <sum>, %convert_element_type3A_295 masked %broadcast_in_dim3A_297 : vector<16xi32>, vector<16xi1> -> vector<16xi32>
    %add3A_299 = vector.broadcast %add3A_170 : i32 to vector<16xi32>
    %add3A_300 = arith.addi %add3A_299, %masked_cumsum3A_298 : vector<16xi32>
    %sub3A_301 = arith.constant 1 : i32
    %sub3A_302 = vector.broadcast %sub3A_301 : i32 to vector<16xi32>
    %sub3A_303 = arith.subi %add3A_300, %sub3A_302 : vector<16xi32>
    %select_n3A_304 = arith.select %eq3A_294, %sub3A_303, %broadcast_in_dim3A_291 : vector<16xi1>, vector<16xi32>
    %all_reduce_population_count3A_305 = tpu.all_reduce %eq3A_294 {dim = 0 : i64, kind = #tpu.reduction_kind<sum>} : vector<16xi1> -> vector<16xi32>
    %slice3A_306 = vector.extract_strided_slice %all_reduce_population_count3A_305 {offsets = [0], sizes = [1], strides = [1]} : vector<16xi32> to vector<1xi32>
    %squeeze3A_307 = vector.extract %slice3A_306[0] : i32 from vector<1xi32>
    %add3A_308 = arith.addi %add3A_170, %squeeze3A_307 : i32
    %eq3A_309 = arith.constant 1 : i32
    %eq3A_310 = vector.broadcast %eq3A_309 : i32 to vector<16xi32>
    %eq3A_311 = arith.cmpi eq, %get3A_73, %eq3A_310 : vector<16xi32>
    %convert_element_type3A_312 = arith.extui %eq3A_311 : vector<16xi1> to vector<16xi32>
    %broadcast_in_dim3A_313 = arith.constant true
    %broadcast_in_dim3A_314 = vector.broadcast %broadcast_in_dim3A_313 : i1 to vector<16xi1>
    %masked_cumsum3A_315 = tpu.scan <sum>, %convert_element_type3A_312 masked %broadcast_in_dim3A_314 : vector<16xi32>, vector<16xi1> -> vector<16xi32>
    %add3A_316 = vector.broadcast %add3A_187 : i32 to vector<16xi32>
    %add3A_317 = arith.addi %add3A_316, %masked_cumsum3A_315 : vector<16xi32>
    %sub3A_318 = arith.constant 1 : i32
    %sub3A_319 = vector.broadcast %sub3A_318 : i32 to vector<16xi32>
    %sub3A_320 = arith.subi %add3A_317, %sub3A_319 : vector<16xi32>
    %select_n3A_321 = arith.select %eq3A_311, %sub3A_320, %select_n3A_304 : vector<16xi1>, vector<16xi32>
    %all_reduce_population_count3A_322 = tpu.all_reduce %eq3A_311 {dim = 0 : i64, kind = #tpu.reduction_kind<sum>} : vector<16xi1> -> vector<16xi32>
    %slice3A_323 = vector.extract_strided_slice %all_reduce_population_count3A_322 {offsets = [0], sizes = [1], strides = [1]} : vector<16xi32> to vector<1xi32>
    %squeeze3A_324 = vector.extract %slice3A_323[0] : i32 from vector<1xi32>
    %add3A_325 = arith.addi %add3A_187, %squeeze3A_324 : i32
    %eq3A_326 = arith.constant 2 : i32
    %eq3A_327 = vector.broadcast %eq3A_326 : i32 to vector<16xi32>
    %eq3A_328 = arith.cmpi eq, %get3A_73, %eq3A_327 : vector<16xi32>
    %convert_element_type3A_329 = arith.extui %eq3A_328 : vector<16xi1> to vector<16xi32>
    %broadcast_in_dim3A_330 = arith.constant true
    %broadcast_in_dim3A_331 = vector.broadcast %broadcast_in_dim3A_330 : i1 to vector<16xi1>
    %masked_cumsum3A_332 = tpu.scan <sum>, %convert_element_type3A_329 masked %broadcast_in_dim3A_331 : vector<16xi32>, vector<16xi1> -> vector<16xi32>
    %add3A_333 = vector.broadcast %add3A_204 : i32 to vector<16xi32>
    %add3A_334 = arith.addi %add3A_333, %masked_cumsum3A_332 : vector<16xi32>
    %sub3A_335 = arith.constant 1 : i32
    %sub3A_336 = vector.broadcast %sub3A_335 : i32 to vector<16xi32>
    %sub3A_337 = arith.subi %add3A_334, %sub3A_336 : vector<16xi32>
    %select_n3A_338 = arith.select %eq3A_328, %sub3A_337, %select_n3A_321 : vector<16xi1>, vector<16xi32>
    %all_reduce_population_count3A_339 = tpu.all_reduce %eq3A_328 {dim = 0 : i64, kind = #tpu.reduction_kind<sum>} : vector<16xi1> -> vector<16xi32>
    %slice3A_340 = vector.extract_strided_slice %all_reduce_population_count3A_339 {offsets = [0], sizes = [1], strides = [1]} : vector<16xi32> to vector<1xi32>
    %squeeze3A_341 = vector.extract %slice3A_340[0] : i32 from vector<1xi32>
    %add3A_342 = arith.addi %add3A_204, %squeeze3A_341 : i32
    %eq3A_343 = arith.constant 3 : i32
    %eq3A_344 = vector.broadcast %eq3A_343 : i32 to vector<16xi32>
    %eq3A_345 = arith.cmpi eq, %get3A_73, %eq3A_344 : vector<16xi32>
    %convert_element_type3A_346 = arith.extui %eq3A_345 : vector<16xi1> to vector<16xi32>
    %broadcast_in_dim3A_347 = arith.constant true
    %broadcast_in_dim3A_348 = vector.broadcast %broadcast_in_dim3A_347 : i1 to vector<16xi1>
    %masked_cumsum3A_349 = tpu.scan <sum>, %convert_element_type3A_346 masked %broadcast_in_dim3A_348 : vector<16xi32>, vector<16xi1> -> vector<16xi32>
    %add3A_350 = vector.broadcast %add3A_221 : i32 to vector<16xi32>
    %add3A_351 = arith.addi %add3A_350, %masked_cumsum3A_349 : vector<16xi32>
    %sub3A_352 = arith.constant 1 : i32
    %sub3A_353 = vector.broadcast %sub3A_352 : i32 to vector<16xi32>
    %sub3A_354 = arith.subi %add3A_351, %sub3A_353 : vector<16xi32>
    %select_n3A_355 = arith.select %eq3A_345, %sub3A_354, %select_n3A_338 : vector<16xi1>, vector<16xi32>
    %all_reduce_population_count3A_356 = tpu.all_reduce %eq3A_345 {dim = 0 : i64, kind = #tpu.reduction_kind<sum>} : vector<16xi1> -> vector<16xi32>
    %slice3A_357 = vector.extract_strided_slice %all_reduce_population_count3A_356 {offsets = [0], sizes = [1], strides = [1]} : vector<16xi32> to vector<1xi32>
    %squeeze3A_358 = vector.extract %slice3A_357[0] : i32 from vector<1xi32>
    %add3A_359 = arith.addi %add3A_221, %squeeze3A_358 : i32
    %eq3A_360 = arith.constant 4 : i32
    %eq3A_361 = vector.broadcast %eq3A_360 : i32 to vector<16xi32>
    %eq3A_362 = arith.cmpi eq, %get3A_73, %eq3A_361 : vector<16xi32>
    %convert_element_type3A_363 = arith.extui %eq3A_362 : vector<16xi1> to vector<16xi32>
    %broadcast_in_dim3A_364 = arith.constant true
    %broadcast_in_dim3A_365 = vector.broadcast %broadcast_in_dim3A_364 : i1 to vector<16xi1>
    %masked_cumsum3A_366 = tpu.scan <sum>, %convert_element_type3A_363 masked %broadcast_in_dim3A_365 : vector<16xi32>, vector<16xi1> -> vector<16xi32>
    %add3A_367 = vector.broadcast %add3A_238 : i32 to vector<16xi32>
    %add3A_368 = arith.addi %add3A_367, %masked_cumsum3A_366 : vector<16xi32>
    %sub3A_369 = arith.constant 1 : i32
    %sub3A_370 = vector.broadcast %sub3A_369 : i32 to vector<16xi32>
    %sub3A_371 = arith.subi %add3A_368, %sub3A_370 : vector<16xi32>
    %select_n3A_372 = arith.select %eq3A_362, %sub3A_371, %select_n3A_355 : vector<16xi1>, vector<16xi32>
    %all_reduce_population_count3A_373 = tpu.all_reduce %eq3A_362 {dim = 0 : i64, kind = #tpu.reduction_kind<sum>} : vector<16xi1> -> vector<16xi32>
    %slice3A_374 = vector.extract_strided_slice %all_reduce_population_count3A_373 {offsets = [0], sizes = [1], strides = [1]} : vector<16xi32> to vector<1xi32>
    %squeeze3A_375 = vector.extract %slice3A_374[0] : i32 from vector<1xi32>
    %add3A_376 = arith.addi %add3A_238, %squeeze3A_375 : i32
    %eq3A_377 = arith.constant 5 : i32
    %eq3A_378 = vector.broadcast %eq3A_377 : i32 to vector<16xi32>
    %eq3A_379 = arith.cmpi eq, %get3A_73, %eq3A_378 : vector<16xi32>
    %convert_element_type3A_380 = arith.extui %eq3A_379 : vector<16xi1> to vector<16xi32>
    %broadcast_in_dim3A_381 = arith.constant true
    %broadcast_in_dim3A_382 = vector.broadcast %broadcast_in_dim3A_381 : i1 to vector<16xi1>
    %masked_cumsum3A_383 = tpu.scan <sum>, %convert_element_type3A_380 masked %broadcast_in_dim3A_382 : vector<16xi32>, vector<16xi1> -> vector<16xi32>
    %add3A_384 = vector.broadcast %add3A_255 : i32 to vector<16xi32>
    %add3A_385 = arith.addi %add3A_384, %masked_cumsum3A_383 : vector<16xi32>
    %sub3A_386 = arith.constant 1 : i32
    %sub3A_387 = vector.broadcast %sub3A_386 : i32 to vector<16xi32>
    %sub3A_388 = arith.subi %add3A_385, %sub3A_387 : vector<16xi32>
    %select_n3A_389 = arith.select %eq3A_379, %sub3A_388, %select_n3A_372 : vector<16xi1>, vector<16xi32>
    %all_reduce_population_count3A_390 = tpu.all_reduce %eq3A_379 {dim = 0 : i64, kind = #tpu.reduction_kind<sum>} : vector<16xi1> -> vector<16xi32>
    %slice3A_391 = vector.extract_strided_slice %all_reduce_population_count3A_390 {offsets = [0], sizes = [1], strides = [1]} : vector<16xi32> to vector<1xi32>
    %squeeze3A_392 = vector.extract %slice3A_391[0] : i32 from vector<1xi32>
    %add3A_393 = arith.addi %add3A_255, %squeeze3A_392 : i32
    %eq3A_394 = arith.constant 6 : i32
    %eq3A_395 = vector.broadcast %eq3A_394 : i32 to vector<16xi32>
    %eq3A_396 = arith.cmpi eq, %get3A_73, %eq3A_395 : vector<16xi32>
    %convert_element_type3A_397 = arith.extui %eq3A_396 : vector<16xi1> to vector<16xi32>
    %broadcast_in_dim3A_398 = arith.constant true
    %broadcast_in_dim3A_399 = vector.broadcast %broadcast_in_dim3A_398 : i1 to vector<16xi1>
    %masked_cumsum3A_400 = tpu.scan <sum>, %convert_element_type3A_397 masked %broadcast_in_dim3A_399 : vector<16xi32>, vector<16xi1> -> vector<16xi32>
    %add3A_401 = vector.broadcast %add3A_272 : i32 to vector<16xi32>
    %add3A_402 = arith.addi %add3A_401, %masked_cumsum3A_400 : vector<16xi32>
    %sub3A_403 = arith.constant 1 : i32
    %sub3A_404 = vector.broadcast %sub3A_403 : i32 to vector<16xi32>
    %sub3A_405 = arith.subi %add3A_402, %sub3A_404 : vector<16xi32>
    %select_n3A_406 = arith.select %eq3A_396, %sub3A_405, %select_n3A_389 : vector<16xi1>, vector<16xi32>
    %all_reduce_population_count3A_407 = tpu.all_reduce %eq3A_396 {dim = 0 : i64, kind = #tpu.reduction_kind<sum>} : vector<16xi1> -> vector<16xi32>
    %slice3A_408 = vector.extract_strided_slice %all_reduce_population_count3A_407 {offsets = [0], sizes = [1], strides = [1]} : vector<16xi32> to vector<1xi32>
    %squeeze3A_409 = vector.extract %slice3A_408[0] : i32 from vector<1xi32>
    %add3A_410 = arith.addi %add3A_272, %squeeze3A_409 : i32
    %eq3A_411 = arith.constant 7 : i32
    %eq3A_412 = vector.broadcast %eq3A_411 : i32 to vector<16xi32>
    %eq3A_413 = arith.cmpi eq, %get3A_73, %eq3A_412 : vector<16xi32>
    %convert_element_type3A_414 = arith.extui %eq3A_413 : vector<16xi1> to vector<16xi32>
    %broadcast_in_dim3A_415 = arith.constant true
    %broadcast_in_dim3A_416 = vector.broadcast %broadcast_in_dim3A_415 : i1 to vector<16xi1>
    %masked_cumsum3A_417 = tpu.scan <sum>, %convert_element_type3A_414 masked %broadcast_in_dim3A_416 : vector<16xi32>, vector<16xi1> -> vector<16xi32>
    %add3A_418 = vector.broadcast %add3A_289 : i32 to vector<16xi32>
    %add3A_419 = arith.addi %add3A_418, %masked_cumsum3A_417 : vector<16xi32>
    %sub3A_420 = arith.constant 1 : i32
    %sub3A_421 = vector.broadcast %sub3A_420 : i32 to vector<16xi32>
    %sub3A_422 = arith.subi %add3A_419, %sub3A_421 : vector<16xi32>
    %select_n3A_423 = arith.select %eq3A_413, %sub3A_422, %select_n3A_406 : vector<16xi1>, vector<16xi32>
    %all_reduce_population_count3A_424 = tpu.all_reduce %eq3A_413 {dim = 0 : i64, kind = #tpu.reduction_kind<sum>} : vector<16xi1> -> vector<16xi32>
    %slice3A_425 = vector.extract_strided_slice %all_reduce_population_count3A_424 {offsets = [0], sizes = [1], strides = [1]} : vector<16xi32> to vector<1xi32>
    %squeeze3A_426 = vector.extract %slice3A_425[0] : i32 from vector<1xi32>
    %add3A_427 = arith.addi %add3A_289, %squeeze3A_426 : i32
    %broadcast_in_dim3A_428 = arith.constant 0 : i32
    %broadcast_in_dim3A_429 = vector.broadcast %broadcast_in_dim3A_428 : i32 to vector<16xi32>
    %eq3A_430 = arith.constant 0 : i32
    %eq3A_431 = vector.broadcast %eq3A_430 : i32 to vector<16xi32>
    %eq3A_432 = arith.cmpi eq, %get3A_79, %eq3A_431 : vector<16xi32>
    %convert_element_type3A_433 = arith.extui %eq3A_432 : vector<16xi1> to vector<16xi32>
    %broadcast_in_dim3A_434 = arith.constant true
    %broadcast_in_dim3A_435 = vector.broadcast %broadcast_in_dim3A_434 : i1 to vector<16xi1>
    %masked_cumsum3A_436 = tpu.scan <sum>, %convert_element_type3A_433 masked %broadcast_in_dim3A_435 : vector<16xi32>, vector<16xi1> -> vector<16xi32>
    %add3A_437 = vector.broadcast %add3A_308 : i32 to vector<16xi32>
    %add3A_438 = arith.addi %add3A_437, %masked_cumsum3A_436 : vector<16xi32>
    %sub3A_439 = arith.constant 1 : i32
    %sub3A_440 = vector.broadcast %sub3A_439 : i32 to vector<16xi32>
    %sub3A_441 = arith.subi %add3A_438, %sub3A_440 : vector<16xi32>
    %select_n3A_442 = arith.select %eq3A_432, %sub3A_441, %broadcast_in_dim3A_429 : vector<16xi1>, vector<16xi32>
    %all_reduce_population_count3A_443 = tpu.all_reduce %eq3A_432 {dim = 0 : i64, kind = #tpu.reduction_kind<sum>} : vector<16xi1> -> vector<16xi32>
    %slice3A_444 = vector.extract_strided_slice %all_reduce_population_count3A_443 {offsets = [0], sizes = [1], strides = [1]} : vector<16xi32> to vector<1xi32>
    %squeeze3A_445 = vector.extract %slice3A_444[0] : i32 from vector<1xi32>
    %add3A_446 = arith.addi %add3A_308, %squeeze3A_445 : i32
    %eq3A_447 = arith.constant 1 : i32
    %eq3A_448 = vector.broadcast %eq3A_447 : i32 to vector<16xi32>
    %eq3A_449 = arith.cmpi eq, %get3A_79, %eq3A_448 : vector<16xi32>
    %convert_element_type3A_450 = arith.extui %eq3A_449 : vector<16xi1> to vector<16xi32>
    %broadcast_in_dim3A_451 = arith.constant true
    %broadcast_in_dim3A_452 = vector.broadcast %broadcast_in_dim3A_451 : i1 to vector<16xi1>
    %masked_cumsum3A_453 = tpu.scan <sum>, %convert_element_type3A_450 masked %broadcast_in_dim3A_452 : vector<16xi32>, vector<16xi1> -> vector<16xi32>
    %add3A_454 = vector.broadcast %add3A_325 : i32 to vector<16xi32>
    %add3A_455 = arith.addi %add3A_454, %masked_cumsum3A_453 : vector<16xi32>
    %sub3A_456 = arith.constant 1 : i32
    %sub3A_457 = vector.broadcast %sub3A_456 : i32 to vector<16xi32>
    %sub3A_458 = arith.subi %add3A_455, %sub3A_457 : vector<16xi32>
    %select_n3A_459 = arith.select %eq3A_449, %sub3A_458, %select_n3A_442 : vector<16xi1>, vector<16xi32>
    %all_reduce_population_count3A_460 = tpu.all_reduce %eq3A_449 {dim = 0 : i64, kind = #tpu.reduction_kind<sum>} : vector<16xi1> -> vector<16xi32>
    %slice3A_461 = vector.extract_strided_slice %all_reduce_population_count3A_460 {offsets = [0], sizes = [1], strides = [1]} : vector<16xi32> to vector<1xi32>
    %squeeze3A_462 = vector.extract %slice3A_461[0] : i32 from vector<1xi32>
    %add3A_463 = arith.addi %add3A_325, %squeeze3A_462 : i32
    %eq3A_464 = arith.constant 2 : i32
    %eq3A_465 = vector.broadcast %eq3A_464 : i32 to vector<16xi32>
    %eq3A_466 = arith.cmpi eq, %get3A_79, %eq3A_465 : vector<16xi32>
    %convert_element_type3A_467 = arith.extui %eq3A_466 : vector<16xi1> to vector<16xi32>
    %broadcast_in_dim3A_468 = arith.constant true
    %broadcast_in_dim3A_469 = vector.broadcast %broadcast_in_dim3A_468 : i1 to vector<16xi1>
    %masked_cumsum3A_470 = tpu.scan <sum>, %convert_element_type3A_467 masked %broadcast_in_dim3A_469 : vector<16xi32>, vector<16xi1> -> vector<16xi32>
    %add3A_471 = vector.broadcast %add3A_342 : i32 to vector<16xi32>
    %add3A_472 = arith.addi %add3A_471, %masked_cumsum3A_470 : vector<16xi32>
    %sub3A_473 = arith.constant 1 : i32
    %sub3A_474 = vector.broadcast %sub3A_473 : i32 to vector<16xi32>
    %sub3A_475 = arith.subi %add3A_472, %sub3A_474 : vector<16xi32>
    %select_n3A_476 = arith.select %eq3A_466, %sub3A_475, %select_n3A_459 : vector<16xi1>, vector<16xi32>
    %all_reduce_population_count3A_477 = tpu.all_reduce %eq3A_466 {dim = 0 : i64, kind = #tpu.reduction_kind<sum>} : vector<16xi1> -> vector<16xi32>
    %slice3A_478 = vector.extract_strided_slice %all_reduce_population_count3A_477 {offsets = [0], sizes = [1], strides = [1]} : vector<16xi32> to vector<1xi32>
    %squeeze3A_479 = vector.extract %slice3A_478[0] : i32 from vector<1xi32>
    %add3A_480 = arith.addi %add3A_342, %squeeze3A_479 : i32
    %eq3A_481 = arith.constant 3 : i32
    %eq3A_482 = vector.broadcast %eq3A_481 : i32 to vector<16xi32>
    %eq3A_483 = arith.cmpi eq, %get3A_79, %eq3A_482 : vector<16xi32>
    %convert_element_type3A_484 = arith.extui %eq3A_483 : vector<16xi1> to vector<16xi32>
    %broadcast_in_dim3A_485 = arith.constant true
    %broadcast_in_dim3A_486 = vector.broadcast %broadcast_in_dim3A_485 : i1 to vector<16xi1>
    %masked_cumsum3A_487 = tpu.scan <sum>, %convert_element_type3A_484 masked %broadcast_in_dim3A_486 : vector<16xi32>, vector<16xi1> -> vector<16xi32>
    %add3A_488 = vector.broadcast %add3A_359 : i32 to vector<16xi32>
    %add3A_489 = arith.addi %add3A_488, %masked_cumsum3A_487 : vector<16xi32>
    %sub3A_490 = arith.constant 1 : i32
    %sub3A_491 = vector.broadcast %sub3A_490 : i32 to vector<16xi32>
    %sub3A_492 = arith.subi %add3A_489, %sub3A_491 : vector<16xi32>
    %select_n3A_493 = arith.select %eq3A_483, %sub3A_492, %select_n3A_476 : vector<16xi1>, vector<16xi32>
    %all_reduce_population_count3A_494 = tpu.all_reduce %eq3A_483 {dim = 0 : i64, kind = #tpu.reduction_kind<sum>} : vector<16xi1> -> vector<16xi32>
    %slice3A_495 = vector.extract_strided_slice %all_reduce_population_count3A_494 {offsets = [0], sizes = [1], strides = [1]} : vector<16xi32> to vector<1xi32>
    %squeeze3A_496 = vector.extract %slice3A_495[0] : i32 from vector<1xi32>
    %add3A_497 = arith.addi %add3A_359, %squeeze3A_496 : i32
    %eq3A_498 = arith.constant 4 : i32
    %eq3A_499 = vector.broadcast %eq3A_498 : i32 to vector<16xi32>
    %eq3A_500 = arith.cmpi eq, %get3A_79, %eq3A_499 : vector<16xi32>
    %convert_element_type3A_501 = arith.extui %eq3A_500 : vector<16xi1> to vector<16xi32>
    %broadcast_in_dim3A_502 = arith.constant true
    %broadcast_in_dim3A_503 = vector.broadcast %broadcast_in_dim3A_502 : i1 to vector<16xi1>
    %masked_cumsum3A_504 = tpu.scan <sum>, %convert_element_type3A_501 masked %broadcast_in_dim3A_503 : vector<16xi32>, vector<16xi1> -> vector<16xi32>
    %add3A_505 = vector.broadcast %add3A_376 : i32 to vector<16xi32>
    %add3A_506 = arith.addi %add3A_505, %masked_cumsum3A_504 : vector<16xi32>
    %sub3A_507 = arith.constant 1 : i32
    %sub3A_508 = vector.broadcast %sub3A_507 : i32 to vector<16xi32>
    %sub3A_509 = arith.subi %add3A_506, %sub3A_508 : vector<16xi32>
    %select_n3A_510 = arith.select %eq3A_500, %sub3A_509, %select_n3A_493 : vector<16xi1>, vector<16xi32>
    %all_reduce_population_count3A_511 = tpu.all_reduce %eq3A_500 {dim = 0 : i64, kind = #tpu.reduction_kind<sum>} : vector<16xi1> -> vector<16xi32>
    %slice3A_512 = vector.extract_strided_slice %all_reduce_population_count3A_511 {offsets = [0], sizes = [1], strides = [1]} : vector<16xi32> to vector<1xi32>
    %squeeze3A_513 = vector.extract %slice3A_512[0] : i32 from vector<1xi32>
    %add3A_514 = arith.addi %add3A_376, %squeeze3A_513 : i32
    %eq3A_515 = arith.constant 5 : i32
    %eq3A_516 = vector.broadcast %eq3A_515 : i32 to vector<16xi32>
    %eq3A_517 = arith.cmpi eq, %get3A_79, %eq3A_516 : vector<16xi32>
    %convert_element_type3A_518 = arith.extui %eq3A_517 : vector<16xi1> to vector<16xi32>
    %broadcast_in_dim3A_519 = arith.constant true
    %broadcast_in_dim3A_520 = vector.broadcast %broadcast_in_dim3A_519 : i1 to vector<16xi1>
    %masked_cumsum3A_521 = tpu.scan <sum>, %convert_element_type3A_518 masked %broadcast_in_dim3A_520 : vector<16xi32>, vector<16xi1> -> vector<16xi32>
    %add3A_522 = vector.broadcast %add3A_393 : i32 to vector<16xi32>
    %add3A_523 = arith.addi %add3A_522, %masked_cumsum3A_521 : vector<16xi32>
    %sub3A_524 = arith.constant 1 : i32
    %sub3A_525 = vector.broadcast %sub3A_524 : i32 to vector<16xi32>
    %sub3A_526 = arith.subi %add3A_523, %sub3A_525 : vector<16xi32>
    %select_n3A_527 = arith.select %eq3A_517, %sub3A_526, %select_n3A_510 : vector<16xi1>, vector<16xi32>
    %all_reduce_population_count3A_528 = tpu.all_reduce %eq3A_517 {dim = 0 : i64, kind = #tpu.reduction_kind<sum>} : vector<16xi1> -> vector<16xi32>
    %slice3A_529 = vector.extract_strided_slice %all_reduce_population_count3A_528 {offsets = [0], sizes = [1], strides = [1]} : vector<16xi32> to vector<1xi32>
    %squeeze3A_530 = vector.extract %slice3A_529[0] : i32 from vector<1xi32>
    %add3A_531 = arith.addi %add3A_393, %squeeze3A_530 : i32
    %eq3A_532 = arith.constant 6 : i32
    %eq3A_533 = vector.broadcast %eq3A_532 : i32 to vector<16xi32>
    %eq3A_534 = arith.cmpi eq, %get3A_79, %eq3A_533 : vector<16xi32>
    %convert_element_type3A_535 = arith.extui %eq3A_534 : vector<16xi1> to vector<16xi32>
    %broadcast_in_dim3A_536 = arith.constant true
    %broadcast_in_dim3A_537 = vector.broadcast %broadcast_in_dim3A_536 : i1 to vector<16xi1>
    %masked_cumsum3A_538 = tpu.scan <sum>, %convert_element_type3A_535 masked %broadcast_in_dim3A_537 : vector<16xi32>, vector<16xi1> -> vector<16xi32>
    %add3A_539 = vector.broadcast %add3A_410 : i32 to vector<16xi32>
    %add3A_540 = arith.addi %add3A_539, %masked_cumsum3A_538 : vector<16xi32>
    %sub3A_541 = arith.constant 1 : i32
    %sub3A_542 = vector.broadcast %sub3A_541 : i32 to vector<16xi32>
    %sub3A_543 = arith.subi %add3A_540, %sub3A_542 : vector<16xi32>
    %select_n3A_544 = arith.select %eq3A_534, %sub3A_543, %select_n3A_527 : vector<16xi1>, vector<16xi32>
    %all_reduce_population_count3A_545 = tpu.all_reduce %eq3A_534 {dim = 0 : i64, kind = #tpu.reduction_kind<sum>} : vector<16xi1> -> vector<16xi32>
    %slice3A_546 = vector.extract_strided_slice %all_reduce_population_count3A_545 {offsets = [0], sizes = [1], strides = [1]} : vector<16xi32> to vector<1xi32>
    %squeeze3A_547 = vector.extract %slice3A_546[0] : i32 from vector<1xi32>
    %add3A_548 = arith.addi %add3A_410, %squeeze3A_547 : i32
    %eq3A_549 = arith.constant 7 : i32
    %eq3A_550 = vector.broadcast %eq3A_549 : i32 to vector<16xi32>
    %eq3A_551 = arith.cmpi eq, %get3A_79, %eq3A_550 : vector<16xi32>
    %convert_element_type3A_552 = arith.extui %eq3A_551 : vector<16xi1> to vector<16xi32>
    %broadcast_in_dim3A_553 = arith.constant true
    %broadcast_in_dim3A_554 = vector.broadcast %broadcast_in_dim3A_553 : i1 to vector<16xi1>
    %masked_cumsum3A_555 = tpu.scan <sum>, %convert_element_type3A_552 masked %broadcast_in_dim3A_554 : vector<16xi32>, vector<16xi1> -> vector<16xi32>
    %add3A_556 = vector.broadcast %add3A_427 : i32 to vector<16xi32>
    %add3A_557 = arith.addi %add3A_556, %masked_cumsum3A_555 : vector<16xi32>
    %sub3A_558 = arith.constant 1 : i32
    %sub3A_559 = vector.broadcast %sub3A_558 : i32 to vector<16xi32>
    %sub3A_560 = arith.subi %add3A_557, %sub3A_559 : vector<16xi32>
    %select_n3A_561 = arith.select %eq3A_551, %sub3A_560, %select_n3A_544 : vector<16xi1>, vector<16xi32>
    %all_reduce_population_count3A_562 = tpu.all_reduce %eq3A_551 {dim = 0 : i64, kind = #tpu.reduction_kind<sum>} : vector<16xi1> -> vector<16xi32>
    %slice3A_563 = vector.extract_strided_slice %all_reduce_population_count3A_562 {offsets = [0], sizes = [1], strides = [1]} : vector<16xi32> to vector<1xi32>
    %squeeze3A_564 = vector.extract %slice3A_563[0] : i32 from vector<1xi32>
    %add3A_565 = arith.addi %add3A_427, %squeeze3A_564 : i32
    %broadcast_in_dim3A_566 = arith.constant 0 : i32
    %broadcast_in_dim3A_567 = vector.broadcast %broadcast_in_dim3A_566 : i32 to vector<16xi32>
    %eq3A_568 = arith.constant 0 : i32
    %eq3A_569 = vector.broadcast %eq3A_568 : i32 to vector<16xi32>
    %eq3A_570 = arith.cmpi eq, %get3A_85, %eq3A_569 : vector<16xi32>
    %convert_element_type3A_571 = arith.extui %eq3A_570 : vector<16xi1> to vector<16xi32>
    %broadcast_in_dim3A_572 = arith.constant true
    %broadcast_in_dim3A_573 = vector.broadcast %broadcast_in_dim3A_572 : i1 to vector<16xi1>
    %masked_cumsum3A_574 = tpu.scan <sum>, %convert_element_type3A_571 masked %broadcast_in_dim3A_573 : vector<16xi32>, vector<16xi1> -> vector<16xi32>
    %add3A_575 = vector.broadcast %add3A_446 : i32 to vector<16xi32>
    %add3A_576 = arith.addi %add3A_575, %masked_cumsum3A_574 : vector<16xi32>
    %sub3A_577 = arith.constant 1 : i32
    %sub3A_578 = vector.broadcast %sub3A_577 : i32 to vector<16xi32>
    %sub3A_579 = arith.subi %add3A_576, %sub3A_578 : vector<16xi32>
    %select_n3A_580 = arith.select %eq3A_570, %sub3A_579, %broadcast_in_dim3A_567 : vector<16xi1>, vector<16xi32>
    %all_reduce_population_count3A_581 = tpu.all_reduce %eq3A_570 {dim = 0 : i64, kind = #tpu.reduction_kind<sum>} : vector<16xi1> -> vector<16xi32>
    %slice3A_582 = vector.extract_strided_slice %all_reduce_population_count3A_581 {offsets = [0], sizes = [1], strides = [1]} : vector<16xi32> to vector<1xi32>
    %squeeze3A_583 = vector.extract %slice3A_582[0] : i32 from vector<1xi32>
    %add3A_584 = arith.addi %add3A_446, %squeeze3A_583 : i32
    %eq3A_585 = arith.constant 1 : i32
    %eq3A_586 = vector.broadcast %eq3A_585 : i32 to vector<16xi32>
    %eq3A_587 = arith.cmpi eq, %get3A_85, %eq3A_586 : vector<16xi32>
    %convert_element_type3A_588 = arith.extui %eq3A_587 : vector<16xi1> to vector<16xi32>
    %broadcast_in_dim3A_589 = arith.constant true
    %broadcast_in_dim3A_590 = vector.broadcast %broadcast_in_dim3A_589 : i1 to vector<16xi1>
    %masked_cumsum3A_591 = tpu.scan <sum>, %convert_element_type3A_588 masked %broadcast_in_dim3A_590 : vector<16xi32>, vector<16xi1> -> vector<16xi32>
    %add3A_592 = vector.broadcast %add3A_463 : i32 to vector<16xi32>
    %add3A_593 = arith.addi %add3A_592, %masked_cumsum3A_591 : vector<16xi32>
    %sub3A_594 = arith.constant 1 : i32
    %sub3A_595 = vector.broadcast %sub3A_594 : i32 to vector<16xi32>
    %sub3A_596 = arith.subi %add3A_593, %sub3A_595 : vector<16xi32>
    %select_n3A_597 = arith.select %eq3A_587, %sub3A_596, %select_n3A_580 : vector<16xi1>, vector<16xi32>
    %all_reduce_population_count3A_598 = tpu.all_reduce %eq3A_587 {dim = 0 : i64, kind = #tpu.reduction_kind<sum>} : vector<16xi1> -> vector<16xi32>
    %slice3A_599 = vector.extract_strided_slice %all_reduce_population_count3A_598 {offsets = [0], sizes = [1], strides = [1]} : vector<16xi32> to vector<1xi32>
    %squeeze3A_600 = vector.extract %slice3A_599[0] : i32 from vector<1xi32>
    %add3A_601 = arith.addi %add3A_463, %squeeze3A_600 : i32
    %eq3A_602 = arith.constant 2 : i32
    %eq3A_603 = vector.broadcast %eq3A_602 : i32 to vector<16xi32>
    %eq3A_604 = arith.cmpi eq, %get3A_85, %eq3A_603 : vector<16xi32>
    %convert_element_type3A_605 = arith.extui %eq3A_604 : vector<16xi1> to vector<16xi32>
    %broadcast_in_dim3A_606 = arith.constant true
    %broadcast_in_dim3A_607 = vector.broadcast %broadcast_in_dim3A_606 : i1 to vector<16xi1>
    %masked_cumsum3A_608 = tpu.scan <sum>, %convert_element_type3A_605 masked %broadcast_in_dim3A_607 : vector<16xi32>, vector<16xi1> -> vector<16xi32>
    %add3A_609 = vector.broadcast %add3A_480 : i32 to vector<16xi32>
    %add3A_610 = arith.addi %add3A_609, %masked_cumsum3A_608 : vector<16xi32>
    %sub3A_611 = arith.constant 1 : i32
    %sub3A_612 = vector.broadcast %sub3A_611 : i32 to vector<16xi32>
    %sub3A_613 = arith.subi %add3A_610, %sub3A_612 : vector<16xi32>
    %select_n3A_614 = arith.select %eq3A_604, %sub3A_613, %select_n3A_597 : vector<16xi1>, vector<16xi32>
    %all_reduce_population_count3A_615 = tpu.all_reduce %eq3A_604 {dim = 0 : i64, kind = #tpu.reduction_kind<sum>} : vector<16xi1> -> vector<16xi32>
    %slice3A_616 = vector.extract_strided_slice %all_reduce_population_count3A_615 {offsets = [0], sizes = [1], strides = [1]} : vector<16xi32> to vector<1xi32>
    %squeeze3A_617 = vector.extract %slice3A_616[0] : i32 from vector<1xi32>
    %add3A_618 = arith.addi %add3A_480, %squeeze3A_617 : i32
    %eq3A_619 = arith.constant 3 : i32
    %eq3A_620 = vector.broadcast %eq3A_619 : i32 to vector<16xi32>
    %eq3A_621 = arith.cmpi eq, %get3A_85, %eq3A_620 : vector<16xi32>
    %convert_element_type3A_622 = arith.extui %eq3A_621 : vector<16xi1> to vector<16xi32>
    %broadcast_in_dim3A_623 = arith.constant true
    %broadcast_in_dim3A_624 = vector.broadcast %broadcast_in_dim3A_623 : i1 to vector<16xi1>
    %masked_cumsum3A_625 = tpu.scan <sum>, %convert_element_type3A_622 masked %broadcast_in_dim3A_624 : vector<16xi32>, vector<16xi1> -> vector<16xi32>
    %add3A_626 = vector.broadcast %add3A_497 : i32 to vector<16xi32>
    %add3A_627 = arith.addi %add3A_626, %masked_cumsum3A_625 : vector<16xi32>
    %sub3A_628 = arith.constant 1 : i32
    %sub3A_629 = vector.broadcast %sub3A_628 : i32 to vector<16xi32>
    %sub3A_630 = arith.subi %add3A_627, %sub3A_629 : vector<16xi32>
    %select_n3A_631 = arith.select %eq3A_621, %sub3A_630, %select_n3A_614 : vector<16xi1>, vector<16xi32>
    %all_reduce_population_count3A_632 = tpu.all_reduce %eq3A_621 {dim = 0 : i64, kind = #tpu.reduction_kind<sum>} : vector<16xi1> -> vector<16xi32>
    %slice3A_633 = vector.extract_strided_slice %all_reduce_population_count3A_632 {offsets = [0], sizes = [1], strides = [1]} : vector<16xi32> to vector<1xi32>
    %squeeze3A_634 = vector.extract %slice3A_633[0] : i32 from vector<1xi32>
    %add3A_635 = arith.addi %add3A_497, %squeeze3A_634 : i32
    %eq3A_636 = arith.constant 4 : i32
    %eq3A_637 = vector.broadcast %eq3A_636 : i32 to vector<16xi32>
    %eq3A_638 = arith.cmpi eq, %get3A_85, %eq3A_637 : vector<16xi32>
    %convert_element_type3A_639 = arith.extui %eq3A_638 : vector<16xi1> to vector<16xi32>
    %broadcast_in_dim3A_640 = arith.constant true
    %broadcast_in_dim3A_641 = vector.broadcast %broadcast_in_dim3A_640 : i1 to vector<16xi1>
    %masked_cumsum3A_642 = tpu.scan <sum>, %convert_element_type3A_639 masked %broadcast_in_dim3A_641 : vector<16xi32>, vector<16xi1> -> vector<16xi32>
    %add3A_643 = vector.broadcast %add3A_514 : i32 to vector<16xi32>
    %add3A_644 = arith.addi %add3A_643, %masked_cumsum3A_642 : vector<16xi32>
    %sub3A_645 = arith.constant 1 : i32
    %sub3A_646 = vector.broadcast %sub3A_645 : i32 to vector<16xi32>
    %sub3A_647 = arith.subi %add3A_644, %sub3A_646 : vector<16xi32>
    %select_n3A_648 = arith.select %eq3A_638, %sub3A_647, %select_n3A_631 : vector<16xi1>, vector<16xi32>
    %all_reduce_population_count3A_649 = tpu.all_reduce %eq3A_638 {dim = 0 : i64, kind = #tpu.reduction_kind<sum>} : vector<16xi1> -> vector<16xi32>
    %slice3A_650 = vector.extract_strided_slice %all_reduce_population_count3A_649 {offsets = [0], sizes = [1], strides = [1]} : vector<16xi32> to vector<1xi32>
    %squeeze3A_651 = vector.extract %slice3A_650[0] : i32 from vector<1xi32>
    %add3A_652 = arith.addi %add3A_514, %squeeze3A_651 : i32
    %eq3A_653 = arith.constant 5 : i32
    %eq3A_654 = vector.broadcast %eq3A_653 : i32 to vector<16xi32>
    %eq3A_655 = arith.cmpi eq, %get3A_85, %eq3A_654 : vector<16xi32>
    %convert_element_type3A_656 = arith.extui %eq3A_655 : vector<16xi1> to vector<16xi32>
    %broadcast_in_dim3A_657 = arith.constant true
    %broadcast_in_dim3A_658 = vector.broadcast %broadcast_in_dim3A_657 : i1 to vector<16xi1>
    %masked_cumsum3A_659 = tpu.scan <sum>, %convert_element_type3A_656 masked %broadcast_in_dim3A_658 : vector<16xi32>, vector<16xi1> -> vector<16xi32>
    %add3A_660 = vector.broadcast %add3A_531 : i32 to vector<16xi32>
    %add3A_661 = arith.addi %add3A_660, %masked_cumsum3A_659 : vector<16xi32>
    %sub3A_662 = arith.constant 1 : i32
    %sub3A_663 = vector.broadcast %sub3A_662 : i32 to vector<16xi32>
    %sub3A_664 = arith.subi %add3A_661, %sub3A_663 : vector<16xi32>
    %select_n3A_665 = arith.select %eq3A_655, %sub3A_664, %select_n3A_648 : vector<16xi1>, vector<16xi32>
    %all_reduce_population_count3A_666 = tpu.all_reduce %eq3A_655 {dim = 0 : i64, kind = #tpu.reduction_kind<sum>} : vector<16xi1> -> vector<16xi32>
    %slice3A_667 = vector.extract_strided_slice %all_reduce_population_count3A_666 {offsets = [0], sizes = [1], strides = [1]} : vector<16xi32> to vector<1xi32>
    %squeeze3A_668 = vector.extract %slice3A_667[0] : i32 from vector<1xi32>
    %add3A_669 = arith.addi %add3A_531, %squeeze3A_668 : i32
    %eq3A_670 = arith.constant 6 : i32
    %eq3A_671 = vector.broadcast %eq3A_670 : i32 to vector<16xi32>
    %eq3A_672 = arith.cmpi eq, %get3A_85, %eq3A_671 : vector<16xi32>
    %convert_element_type3A_673 = arith.extui %eq3A_672 : vector<16xi1> to vector<16xi32>
    %broadcast_in_dim3A_674 = arith.constant true
    %broadcast_in_dim3A_675 = vector.broadcast %broadcast_in_dim3A_674 : i1 to vector<16xi1>
    %masked_cumsum3A_676 = tpu.scan <sum>, %convert_element_type3A_673 masked %broadcast_in_dim3A_675 : vector<16xi32>, vector<16xi1> -> vector<16xi32>
    %add3A_677 = vector.broadcast %add3A_548 : i32 to vector<16xi32>
    %add3A_678 = arith.addi %add3A_677, %masked_cumsum3A_676 : vector<16xi32>
    %sub3A_679 = arith.constant 1 : i32
    %sub3A_680 = vector.broadcast %sub3A_679 : i32 to vector<16xi32>
    %sub3A_681 = arith.subi %add3A_678, %sub3A_680 : vector<16xi32>
    %select_n3A_682 = arith.select %eq3A_672, %sub3A_681, %select_n3A_665 : vector<16xi1>, vector<16xi32>
    %all_reduce_population_count3A_683 = tpu.all_reduce %eq3A_672 {dim = 0 : i64, kind = #tpu.reduction_kind<sum>} : vector<16xi1> -> vector<16xi32>
    %slice3A_684 = vector.extract_strided_slice %all_reduce_population_count3A_683 {offsets = [0], sizes = [1], strides = [1]} : vector<16xi32> to vector<1xi32>
    %squeeze3A_685 = vector.extract %slice3A_684[0] : i32 from vector<1xi32>
    %add3A_686 = arith.addi %add3A_548, %squeeze3A_685 : i32
    %eq3A_687 = arith.constant 7 : i32
    %eq3A_688 = vector.broadcast %eq3A_687 : i32 to vector<16xi32>
    %eq3A_689 = arith.cmpi eq, %get3A_85, %eq3A_688 : vector<16xi32>
    %convert_element_type3A_690 = arith.extui %eq3A_689 : vector<16xi1> to vector<16xi32>
    %broadcast_in_dim3A_691 = arith.constant true
    %broadcast_in_dim3A_692 = vector.broadcast %broadcast_in_dim3A_691 : i1 to vector<16xi1>
    %masked_cumsum3A_693 = tpu.scan <sum>, %convert_element_type3A_690 masked %broadcast_in_dim3A_692 : vector<16xi32>, vector<16xi1> -> vector<16xi32>
    %add3A_694 = vector.broadcast %add3A_565 : i32 to vector<16xi32>
    %add3A_695 = arith.addi %add3A_694, %masked_cumsum3A_693 : vector<16xi32>
    %sub3A_696 = arith.constant 1 : i32
    %sub3A_697 = vector.broadcast %sub3A_696 : i32 to vector<16xi32>
    %sub3A_698 = arith.subi %add3A_695, %sub3A_697 : vector<16xi32>
    %select_n3A_699 = arith.select %eq3A_689, %sub3A_698, %select_n3A_682 : vector<16xi1>, vector<16xi32>
    %all_reduce_population_count3A_700 = tpu.all_reduce %eq3A_689 {dim = 0 : i64, kind = #tpu.reduction_kind<sum>} : vector<16xi1> -> vector<16xi32>
    %slice3A_701 = vector.extract_strided_slice %all_reduce_population_count3A_700 {offsets = [0], sizes = [1], strides = [1]} : vector<16xi32> to vector<1xi32>
    %squeeze3A_702 = vector.extract %slice3A_701[0] : i32 from vector<1xi32>
    %add3A_703 = arith.addi %add3A_565, %squeeze3A_702 : i32
    %broadcast_in_dim3A_704 = arith.constant 0 : i32
    %broadcast_in_dim3A_705 = vector.broadcast %broadcast_in_dim3A_704 : i32 to vector<16xi32>
    %eq3A_706 = arith.constant 0 : i32
    %eq3A_707 = vector.broadcast %eq3A_706 : i32 to vector<16xi32>
    %eq3A_708 = arith.cmpi eq, %get3A_91, %eq3A_707 : vector<16xi32>
    %convert_element_type3A_709 = arith.extui %eq3A_708 : vector<16xi1> to vector<16xi32>
    %broadcast_in_dim3A_710 = arith.constant true
    %broadcast_in_dim3A_711 = vector.broadcast %broadcast_in_dim3A_710 : i1 to vector<16xi1>
    %masked_cumsum3A_712 = tpu.scan <sum>, %convert_element_type3A_709 masked %broadcast_in_dim3A_711 : vector<16xi32>, vector<16xi1> -> vector<16xi32>
    %add3A_713 = vector.broadcast %add3A_584 : i32 to vector<16xi32>
    %add3A_714 = arith.addi %add3A_713, %masked_cumsum3A_712 : vector<16xi32>
    %sub3A_715 = arith.constant 1 : i32
    %sub3A_716 = vector.broadcast %sub3A_715 : i32 to vector<16xi32>
    %sub3A_717 = arith.subi %add3A_714, %sub3A_716 : vector<16xi32>
    %select_n3A_718 = arith.select %eq3A_708, %sub3A_717, %broadcast_in_dim3A_705 : vector<16xi1>, vector<16xi32>
    %all_reduce_population_count3A_719 = tpu.all_reduce %eq3A_708 {dim = 0 : i64, kind = #tpu.reduction_kind<sum>} : vector<16xi1> -> vector<16xi32>
    %slice3A_720 = vector.extract_strided_slice %all_reduce_population_count3A_719 {offsets = [0], sizes = [1], strides = [1]} : vector<16xi32> to vector<1xi32>
    %squeeze3A_721 = vector.extract %slice3A_720[0] : i32 from vector<1xi32>
    %add3A_722 = arith.addi %add3A_584, %squeeze3A_721 : i32
    %eq3A_723 = arith.constant 1 : i32
    %eq3A_724 = vector.broadcast %eq3A_723 : i32 to vector<16xi32>
    %eq3A_725 = arith.cmpi eq, %get3A_91, %eq3A_724 : vector<16xi32>
    %convert_element_type3A_726 = arith.extui %eq3A_725 : vector<16xi1> to vector<16xi32>
    %broadcast_in_dim3A_727 = arith.constant true
    %broadcast_in_dim3A_728 = vector.broadcast %broadcast_in_dim3A_727 : i1 to vector<16xi1>
    %masked_cumsum3A_729 = tpu.scan <sum>, %convert_element_type3A_726 masked %broadcast_in_dim3A_728 : vector<16xi32>, vector<16xi1> -> vector<16xi32>
    %add3A_730 = vector.broadcast %add3A_601 : i32 to vector<16xi32>
    %add3A_731 = arith.addi %add3A_730, %masked_cumsum3A_729 : vector<16xi32>
    %sub3A_732 = arith.constant 1 : i32
    %sub3A_733 = vector.broadcast %sub3A_732 : i32 to vector<16xi32>
    %sub3A_734 = arith.subi %add3A_731, %sub3A_733 : vector<16xi32>
    %select_n3A_735 = arith.select %eq3A_725, %sub3A_734, %select_n3A_718 : vector<16xi1>, vector<16xi32>
    %all_reduce_population_count3A_736 = tpu.all_reduce %eq3A_725 {dim = 0 : i64, kind = #tpu.reduction_kind<sum>} : vector<16xi1> -> vector<16xi32>
    %slice3A_737 = vector.extract_strided_slice %all_reduce_population_count3A_736 {offsets = [0], sizes = [1], strides = [1]} : vector<16xi32> to vector<1xi32>
    %squeeze3A_738 = vector.extract %slice3A_737[0] : i32 from vector<1xi32>
    %add3A_739 = arith.addi %add3A_601, %squeeze3A_738 : i32
    %eq3A_740 = arith.constant 2 : i32
    %eq3A_741 = vector.broadcast %eq3A_740 : i32 to vector<16xi32>
    %eq3A_742 = arith.cmpi eq, %get3A_91, %eq3A_741 : vector<16xi32>
    %convert_element_type3A_743 = arith.extui %eq3A_742 : vector<16xi1> to vector<16xi32>
    %broadcast_in_dim3A_744 = arith.constant true
    %broadcast_in_dim3A_745 = vector.broadcast %broadcast_in_dim3A_744 : i1 to vector<16xi1>
    %masked_cumsum3A_746 = tpu.scan <sum>, %convert_element_type3A_743 masked %broadcast_in_dim3A_745 : vector<16xi32>, vector<16xi1> -> vector<16xi32>
    %add3A_747 = vector.broadcast %add3A_618 : i32 to vector<16xi32>
    %add3A_748 = arith.addi %add3A_747, %masked_cumsum3A_746 : vector<16xi32>
    %sub3A_749 = arith.constant 1 : i32
    %sub3A_750 = vector.broadcast %sub3A_749 : i32 to vector<16xi32>
    %sub3A_751 = arith.subi %add3A_748, %sub3A_750 : vector<16xi32>
    %select_n3A_752 = arith.select %eq3A_742, %sub3A_751, %select_n3A_735 : vector<16xi1>, vector<16xi32>
    %all_reduce_population_count3A_753 = tpu.all_reduce %eq3A_742 {dim = 0 : i64, kind = #tpu.reduction_kind<sum>} : vector<16xi1> -> vector<16xi32>
    %slice3A_754 = vector.extract_strided_slice %all_reduce_population_count3A_753 {offsets = [0], sizes = [1], strides = [1]} : vector<16xi32> to vector<1xi32>
    %squeeze3A_755 = vector.extract %slice3A_754[0] : i32 from vector<1xi32>
    %add3A_756 = arith.addi %add3A_618, %squeeze3A_755 : i32
    %eq3A_757 = arith.constant 3 : i32
    %eq3A_758 = vector.broadcast %eq3A_757 : i32 to vector<16xi32>
    %eq3A_759 = arith.cmpi eq, %get3A_91, %eq3A_758 : vector<16xi32>
    %convert_element_type3A_760 = arith.extui %eq3A_759 : vector<16xi1> to vector<16xi32>
    %broadcast_in_dim3A_761 = arith.constant true
    %broadcast_in_dim3A_762 = vector.broadcast %broadcast_in_dim3A_761 : i1 to vector<16xi1>
    %masked_cumsum3A_763 = tpu.scan <sum>, %convert_element_type3A_760 masked %broadcast_in_dim3A_762 : vector<16xi32>, vector<16xi1> -> vector<16xi32>
    %add3A_764 = vector.broadcast %add3A_635 : i32 to vector<16xi32>
    %add3A_765 = arith.addi %add3A_764, %masked_cumsum3A_763 : vector<16xi32>
    %sub3A_766 = arith.constant 1 : i32
    %sub3A_767 = vector.broadcast %sub3A_766 : i32 to vector<16xi32>
    %sub3A_768 = arith.subi %add3A_765, %sub3A_767 : vector<16xi32>
    %select_n3A_769 = arith.select %eq3A_759, %sub3A_768, %select_n3A_752 : vector<16xi1>, vector<16xi32>
    %all_reduce_population_count3A_770 = tpu.all_reduce %eq3A_759 {dim = 0 : i64, kind = #tpu.reduction_kind<sum>} : vector<16xi1> -> vector<16xi32>
    %slice3A_771 = vector.extract_strided_slice %all_reduce_population_count3A_770 {offsets = [0], sizes = [1], strides = [1]} : vector<16xi32> to vector<1xi32>
    %squeeze3A_772 = vector.extract %slice3A_771[0] : i32 from vector<1xi32>
    %add3A_773 = arith.addi %add3A_635, %squeeze3A_772 : i32
    %eq3A_774 = arith.constant 4 : i32
    %eq3A_775 = vector.broadcast %eq3A_774 : i32 to vector<16xi32>
    %eq3A_776 = arith.cmpi eq, %get3A_91, %eq3A_775 : vector<16xi32>
    %convert_element_type3A_777 = arith.extui %eq3A_776 : vector<16xi1> to vector<16xi32>
    %broadcast_in_dim3A_778 = arith.constant true
    %broadcast_in_dim3A_779 = vector.broadcast %broadcast_in_dim3A_778 : i1 to vector<16xi1>
    %masked_cumsum3A_780 = tpu.scan <sum>, %convert_element_type3A_777 masked %broadcast_in_dim3A_779 : vector<16xi32>, vector<16xi1> -> vector<16xi32>
    %add3A_781 = vector.broadcast %add3A_652 : i32 to vector<16xi32>
    %add3A_782 = arith.addi %add3A_781, %masked_cumsum3A_780 : vector<16xi32>
    %sub3A_783 = arith.constant 1 : i32
    %sub3A_784 = vector.broadcast %sub3A_783 : i32 to vector<16xi32>
    %sub3A_785 = arith.subi %add3A_782, %sub3A_784 : vector<16xi32>
    %select_n3A_786 = arith.select %eq3A_776, %sub3A_785, %select_n3A_769 : vector<16xi1>, vector<16xi32>
    %all_reduce_population_count3A_787 = tpu.all_reduce %eq3A_776 {dim = 0 : i64, kind = #tpu.reduction_kind<sum>} : vector<16xi1> -> vector<16xi32>
    %slice3A_788 = vector.extract_strided_slice %all_reduce_population_count3A_787 {offsets = [0], sizes = [1], strides = [1]} : vector<16xi32> to vector<1xi32>
    %squeeze3A_789 = vector.extract %slice3A_788[0] : i32 from vector<1xi32>
    %add3A_790 = arith.addi %add3A_652, %squeeze3A_789 : i32
    %eq3A_791 = arith.constant 5 : i32
    %eq3A_792 = vector.broadcast %eq3A_791 : i32 to vector<16xi32>
    %eq3A_793 = arith.cmpi eq, %get3A_91, %eq3A_792 : vector<16xi32>
    %convert_element_type3A_794 = arith.extui %eq3A_793 : vector<16xi1> to vector<16xi32>
    %broadcast_in_dim3A_795 = arith.constant true
    %broadcast_in_dim3A_796 = vector.broadcast %broadcast_in_dim3A_795 : i1 to vector<16xi1>
    %masked_cumsum3A_797 = tpu.scan <sum>, %convert_element_type3A_794 masked %broadcast_in_dim3A_796 : vector<16xi32>, vector<16xi1> -> vector<16xi32>
    %add3A_798 = vector.broadcast %add3A_669 : i32 to vector<16xi32>
    %add3A_799 = arith.addi %add3A_798, %masked_cumsum3A_797 : vector<16xi32>
    %sub3A_800 = arith.constant 1 : i32
    %sub3A_801 = vector.broadcast %sub3A_800 : i32 to vector<16xi32>
    %sub3A_802 = arith.subi %add3A_799, %sub3A_801 : vector<16xi32>
    %select_n3A_803 = arith.select %eq3A_793, %sub3A_802, %select_n3A_786 : vector<16xi1>, vector<16xi32>
    %all_reduce_population_count3A_804 = tpu.all_reduce %eq3A_793 {dim = 0 : i64, kind = #tpu.reduction_kind<sum>} : vector<16xi1> -> vector<16xi32>
    %slice3A_805 = vector.extract_strided_slice %all_reduce_population_count3A_804 {offsets = [0], sizes = [1], strides = [1]} : vector<16xi32> to vector<1xi32>
    %squeeze3A_806 = vector.extract %slice3A_805[0] : i32 from vector<1xi32>
    %add3A_807 = arith.addi %add3A_669, %squeeze3A_806 : i32
    %eq3A_808 = arith.constant 6 : i32
    %eq3A_809 = vector.broadcast %eq3A_808 : i32 to vector<16xi32>
    %eq3A_810 = arith.cmpi eq, %get3A_91, %eq3A_809 : vector<16xi32>
    %convert_element_type3A_811 = arith.extui %eq3A_810 : vector<16xi1> to vector<16xi32>
    %broadcast_in_dim3A_812 = arith.constant true
    %broadcast_in_dim3A_813 = vector.broadcast %broadcast_in_dim3A_812 : i1 to vector<16xi1>
    %masked_cumsum3A_814 = tpu.scan <sum>, %convert_element_type3A_811 masked %broadcast_in_dim3A_813 : vector<16xi32>, vector<16xi1> -> vector<16xi32>
    %add3A_815 = vector.broadcast %add3A_686 : i32 to vector<16xi32>
    %add3A_816 = arith.addi %add3A_815, %masked_cumsum3A_814 : vector<16xi32>
    %sub3A_817 = arith.constant 1 : i32
    %sub3A_818 = vector.broadcast %sub3A_817 : i32 to vector<16xi32>
    %sub3A_819 = arith.subi %add3A_816, %sub3A_818 : vector<16xi32>
    %select_n3A_820 = arith.select %eq3A_810, %sub3A_819, %select_n3A_803 : vector<16xi1>, vector<16xi32>
    %all_reduce_population_count3A_821 = tpu.all_reduce %eq3A_810 {dim = 0 : i64, kind = #tpu.reduction_kind<sum>} : vector<16xi1> -> vector<16xi32>
    %slice3A_822 = vector.extract_strided_slice %all_reduce_population_count3A_821 {offsets = [0], sizes = [1], strides = [1]} : vector<16xi32> to vector<1xi32>
    %squeeze3A_823 = vector.extract %slice3A_822[0] : i32 from vector<1xi32>
    %add3A_824 = arith.addi %add3A_686, %squeeze3A_823 : i32
    %eq3A_825 = arith.constant 7 : i32
    %eq3A_826 = vector.broadcast %eq3A_825 : i32 to vector<16xi32>
    %eq3A_827 = arith.cmpi eq, %get3A_91, %eq3A_826 : vector<16xi32>
    %convert_element_type3A_828 = arith.extui %eq3A_827 : vector<16xi1> to vector<16xi32>
    %broadcast_in_dim3A_829 = arith.constant true
    %broadcast_in_dim3A_830 = vector.broadcast %broadcast_in_dim3A_829 : i1 to vector<16xi1>
    %masked_cumsum3A_831 = tpu.scan <sum>, %convert_element_type3A_828 masked %broadcast_in_dim3A_830 : vector<16xi32>, vector<16xi1> -> vector<16xi32>
    %add3A_832 = vector.broadcast %add3A_703 : i32 to vector<16xi32>
    %add3A_833 = arith.addi %add3A_832, %masked_cumsum3A_831 : vector<16xi32>
    %sub3A_834 = arith.constant 1 : i32
    %sub3A_835 = vector.broadcast %sub3A_834 : i32 to vector<16xi32>
    %sub3A_836 = arith.subi %add3A_833, %sub3A_835 : vector<16xi32>
    %select_n3A_837 = arith.select %eq3A_827, %sub3A_836, %select_n3A_820 : vector<16xi1>, vector<16xi32>
    %all_reduce_population_count3A_838 = tpu.all_reduce %eq3A_827 {dim = 0 : i64, kind = #tpu.reduction_kind<sum>} : vector<16xi1> -> vector<16xi32>
    %slice3A_839 = vector.extract_strided_slice %all_reduce_population_count3A_838 {offsets = [0], sizes = [1], strides = [1]} : vector<16xi32> to vector<1xi32>
    %squeeze3A_840 = vector.extract %slice3A_839[0] : i32 from vector<1xi32>
    %add3A_841 = arith.addi %add3A_703, %squeeze3A_840 : i32
    %broadcast_in_dim3A_842 = arith.constant 0 : i32
    %broadcast_in_dim3A_843 = vector.broadcast %broadcast_in_dim3A_842 : i32 to vector<16xi32>
    %eq3A_844 = arith.constant 0 : i32
    %eq3A_845 = vector.broadcast %eq3A_844 : i32 to vector<16xi32>
    %eq3A_846 = arith.cmpi eq, %get3A_97, %eq3A_845 : vector<16xi32>
    %convert_element_type3A_847 = arith.extui %eq3A_846 : vector<16xi1> to vector<16xi32>
    %broadcast_in_dim3A_848 = arith.constant true
    %broadcast_in_dim3A_849 = vector.broadcast %broadcast_in_dim3A_848 : i1 to vector<16xi1>
    %masked_cumsum3A_850 = tpu.scan <sum>, %convert_element_type3A_847 masked %broadcast_in_dim3A_849 : vector<16xi32>, vector<16xi1> -> vector<16xi32>
    %add3A_851 = vector.broadcast %add3A_722 : i32 to vector<16xi32>
    %add3A_852 = arith.addi %add3A_851, %masked_cumsum3A_850 : vector<16xi32>
    %sub3A_853 = arith.constant 1 : i32
    %sub3A_854 = vector.broadcast %sub3A_853 : i32 to vector<16xi32>
    %sub3A_855 = arith.subi %add3A_852, %sub3A_854 : vector<16xi32>
    %select_n3A_856 = arith.select %eq3A_846, %sub3A_855, %broadcast_in_dim3A_843 : vector<16xi1>, vector<16xi32>
    %all_reduce_population_count3A_857 = tpu.all_reduce %eq3A_846 {dim = 0 : i64, kind = #tpu.reduction_kind<sum>} : vector<16xi1> -> vector<16xi32>
    %slice3A_858 = vector.extract_strided_slice %all_reduce_population_count3A_857 {offsets = [0], sizes = [1], strides = [1]} : vector<16xi32> to vector<1xi32>
    %squeeze3A_859 = vector.extract %slice3A_858[0] : i32 from vector<1xi32>
    %add3A_860 = arith.addi %add3A_722, %squeeze3A_859 : i32
    %eq3A_861 = arith.constant 1 : i32
    %eq3A_862 = vector.broadcast %eq3A_861 : i32 to vector<16xi32>
    %eq3A_863 = arith.cmpi eq, %get3A_97, %eq3A_862 : vector<16xi32>
    %convert_element_type3A_864 = arith.extui %eq3A_863 : vector<16xi1> to vector<16xi32>
    %broadcast_in_dim3A_865 = arith.constant true
    %broadcast_in_dim3A_866 = vector.broadcast %broadcast_in_dim3A_865 : i1 to vector<16xi1>
    %masked_cumsum3A_867 = tpu.scan <sum>, %convert_element_type3A_864 masked %broadcast_in_dim3A_866 : vector<16xi32>, vector<16xi1> -> vector<16xi32>
    %add3A_868 = vector.broadcast %add3A_739 : i32 to vector<16xi32>
    %add3A_869 = arith.addi %add3A_868, %masked_cumsum3A_867 : vector<16xi32>
    %sub3A_870 = arith.constant 1 : i32
    %sub3A_871 = vector.broadcast %sub3A_870 : i32 to vector<16xi32>
    %sub3A_872 = arith.subi %add3A_869, %sub3A_871 : vector<16xi32>
    %select_n3A_873 = arith.select %eq3A_863, %sub3A_872, %select_n3A_856 : vector<16xi1>, vector<16xi32>
    %all_reduce_population_count3A_874 = tpu.all_reduce %eq3A_863 {dim = 0 : i64, kind = #tpu.reduction_kind<sum>} : vector<16xi1> -> vector<16xi32>
    %slice3A_875 = vector.extract_strided_slice %all_reduce_population_count3A_874 {offsets = [0], sizes = [1], strides = [1]} : vector<16xi32> to vector<1xi32>
    %squeeze3A_876 = vector.extract %slice3A_875[0] : i32 from vector<1xi32>
    %add3A_877 = arith.addi %add3A_739, %squeeze3A_876 : i32
    %eq3A_878 = arith.constant 2 : i32
    %eq3A_879 = vector.broadcast %eq3A_878 : i32 to vector<16xi32>
    %eq3A_880 = arith.cmpi eq, %get3A_97, %eq3A_879 : vector<16xi32>
    %convert_element_type3A_881 = arith.extui %eq3A_880 : vector<16xi1> to vector<16xi32>
    %broadcast_in_dim3A_882 = arith.constant true
    %broadcast_in_dim3A_883 = vector.broadcast %broadcast_in_dim3A_882 : i1 to vector<16xi1>
    %masked_cumsum3A_884 = tpu.scan <sum>, %convert_element_type3A_881 masked %broadcast_in_dim3A_883 : vector<16xi32>, vector<16xi1> -> vector<16xi32>
    %add3A_885 = vector.broadcast %add3A_756 : i32 to vector<16xi32>
    %add3A_886 = arith.addi %add3A_885, %masked_cumsum3A_884 : vector<16xi32>
    %sub3A_887 = arith.constant 1 : i32
    %sub3A_888 = vector.broadcast %sub3A_887 : i32 to vector<16xi32>
    %sub3A_889 = arith.subi %add3A_886, %sub3A_888 : vector<16xi32>
    %select_n3A_890 = arith.select %eq3A_880, %sub3A_889, %select_n3A_873 : vector<16xi1>, vector<16xi32>
    %all_reduce_population_count3A_891 = tpu.all_reduce %eq3A_880 {dim = 0 : i64, kind = #tpu.reduction_kind<sum>} : vector<16xi1> -> vector<16xi32>
    %slice3A_892 = vector.extract_strided_slice %all_reduce_population_count3A_891 {offsets = [0], sizes = [1], strides = [1]} : vector<16xi32> to vector<1xi32>
    %squeeze3A_893 = vector.extract %slice3A_892[0] : i32 from vector<1xi32>
    %add3A_894 = arith.addi %add3A_756, %squeeze3A_893 : i32
    %eq3A_895 = arith.constant 3 : i32
    %eq3A_896 = vector.broadcast %eq3A_895 : i32 to vector<16xi32>
    %eq3A_897 = arith.cmpi eq, %get3A_97, %eq3A_896 : vector<16xi32>
    %convert_element_type3A_898 = arith.extui %eq3A_897 : vector<16xi1> to vector<16xi32>
    %broadcast_in_dim3A_899 = arith.constant true
    %broadcast_in_dim3A_900 = vector.broadcast %broadcast_in_dim3A_899 : i1 to vector<16xi1>
    %masked_cumsum3A_901 = tpu.scan <sum>, %convert_element_type3A_898 masked %broadcast_in_dim3A_900 : vector<16xi32>, vector<16xi1> -> vector<16xi32>
    %add3A_902 = vector.broadcast %add3A_773 : i32 to vector<16xi32>
    %add3A_903 = arith.addi %add3A_902, %masked_cumsum3A_901 : vector<16xi32>
    %sub3A_904 = arith.constant 1 : i32
    %sub3A_905 = vector.broadcast %sub3A_904 : i32 to vector<16xi32>
    %sub3A_906 = arith.subi %add3A_903, %sub3A_905 : vector<16xi32>
    %select_n3A_907 = arith.select %eq3A_897, %sub3A_906, %select_n3A_890 : vector<16xi1>, vector<16xi32>
    %all_reduce_population_count3A_908 = tpu.all_reduce %eq3A_897 {dim = 0 : i64, kind = #tpu.reduction_kind<sum>} : vector<16xi1> -> vector<16xi32>
    %slice3A_909 = vector.extract_strided_slice %all_reduce_population_count3A_908 {offsets = [0], sizes = [1], strides = [1]} : vector<16xi32> to vector<1xi32>
    %squeeze3A_910 = vector.extract %slice3A_909[0] : i32 from vector<1xi32>
    %add3A_911 = arith.addi %add3A_773, %squeeze3A_910 : i32
    %eq3A_912 = arith.constant 4 : i32
    %eq3A_913 = vector.broadcast %eq3A_912 : i32 to vector<16xi32>
    %eq3A_914 = arith.cmpi eq, %get3A_97, %eq3A_913 : vector<16xi32>
    %convert_element_type3A_915 = arith.extui %eq3A_914 : vector<16xi1> to vector<16xi32>
    %broadcast_in_dim3A_916 = arith.constant true
    %broadcast_in_dim3A_917 = vector.broadcast %broadcast_in_dim3A_916 : i1 to vector<16xi1>
    %masked_cumsum3A_918 = tpu.scan <sum>, %convert_element_type3A_915 masked %broadcast_in_dim3A_917 : vector<16xi32>, vector<16xi1> -> vector<16xi32>
    %add3A_919 = vector.broadcast %add3A_790 : i32 to vector<16xi32>
    %add3A_920 = arith.addi %add3A_919, %masked_cumsum3A_918 : vector<16xi32>
    %sub3A_921 = arith.constant 1 : i32
    %sub3A_922 = vector.broadcast %sub3A_921 : i32 to vector<16xi32>
    %sub3A_923 = arith.subi %add3A_920, %sub3A_922 : vector<16xi32>
    %select_n3A_924 = arith.select %eq3A_914, %sub3A_923, %select_n3A_907 : vector<16xi1>, vector<16xi32>
    %all_reduce_population_count3A_925 = tpu.all_reduce %eq3A_914 {dim = 0 : i64, kind = #tpu.reduction_kind<sum>} : vector<16xi1> -> vector<16xi32>
    %slice3A_926 = vector.extract_strided_slice %all_reduce_population_count3A_925 {offsets = [0], sizes = [1], strides = [1]} : vector<16xi32> to vector<1xi32>
    %squeeze3A_927 = vector.extract %slice3A_926[0] : i32 from vector<1xi32>
    %add3A_928 = arith.addi %add3A_790, %squeeze3A_927 : i32
    %eq3A_929 = arith.constant 5 : i32
    %eq3A_930 = vector.broadcast %eq3A_929 : i32 to vector<16xi32>
    %eq3A_931 = arith.cmpi eq, %get3A_97, %eq3A_930 : vector<16xi32>
    %convert_element_type3A_932 = arith.extui %eq3A_931 : vector<16xi1> to vector<16xi32>
    %broadcast_in_dim3A_933 = arith.constant true
    %broadcast_in_dim3A_934 = vector.broadcast %broadcast_in_dim3A_933 : i1 to vector<16xi1>
    %masked_cumsum3A_935 = tpu.scan <sum>, %convert_element_type3A_932 masked %broadcast_in_dim3A_934 : vector<16xi32>, vector<16xi1> -> vector<16xi32>
    %add3A_936 = vector.broadcast %add3A_807 : i32 to vector<16xi32>
    %add3A_937 = arith.addi %add3A_936, %masked_cumsum3A_935 : vector<16xi32>
    %sub3A_938 = arith.constant 1 : i32
    %sub3A_939 = vector.broadcast %sub3A_938 : i32 to vector<16xi32>
    %sub3A_940 = arith.subi %add3A_937, %sub3A_939 : vector<16xi32>
    %select_n3A_941 = arith.select %eq3A_931, %sub3A_940, %select_n3A_924 : vector<16xi1>, vector<16xi32>
    %all_reduce_population_count3A_942 = tpu.all_reduce %eq3A_931 {dim = 0 : i64, kind = #tpu.reduction_kind<sum>} : vector<16xi1> -> vector<16xi32>
    %slice3A_943 = vector.extract_strided_slice %all_reduce_population_count3A_942 {offsets = [0], sizes = [1], strides = [1]} : vector<16xi32> to vector<1xi32>
    %squeeze3A_944 = vector.extract %slice3A_943[0] : i32 from vector<1xi32>
    %add3A_945 = arith.addi %add3A_807, %squeeze3A_944 : i32
    %eq3A_946 = arith.constant 6 : i32
    %eq3A_947 = vector.broadcast %eq3A_946 : i32 to vector<16xi32>
    %eq3A_948 = arith.cmpi eq, %get3A_97, %eq3A_947 : vector<16xi32>
    %convert_element_type3A_949 = arith.extui %eq3A_948 : vector<16xi1> to vector<16xi32>
    %broadcast_in_dim3A_950 = arith.constant true
    %broadcast_in_dim3A_951 = vector.broadcast %broadcast_in_dim3A_950 : i1 to vector<16xi1>
    %masked_cumsum3A_952 = tpu.scan <sum>, %convert_element_type3A_949 masked %broadcast_in_dim3A_951 : vector<16xi32>, vector<16xi1> -> vector<16xi32>
    %add3A_953 = vector.broadcast %add3A_824 : i32 to vector<16xi32>
    %add3A_954 = arith.addi %add3A_953, %masked_cumsum3A_952 : vector<16xi32>
    %sub3A_955 = arith.constant 1 : i32
    %sub3A_956 = vector.broadcast %sub3A_955 : i32 to vector<16xi32>
    %sub3A_957 = arith.subi %add3A_954, %sub3A_956 : vector<16xi32>
    %select_n3A_958 = arith.select %eq3A_948, %sub3A_957, %select_n3A_941 : vector<16xi1>, vector<16xi32>
    %all_reduce_population_count3A_959 = tpu.all_reduce %eq3A_948 {dim = 0 : i64, kind = #tpu.reduction_kind<sum>} : vector<16xi1> -> vector<16xi32>
    %slice3A_960 = vector.extract_strided_slice %all_reduce_population_count3A_959 {offsets = [0], sizes = [1], strides = [1]} : vector<16xi32> to vector<1xi32>
    %squeeze3A_961 = vector.extract %slice3A_960[0] : i32 from vector<1xi32>
    %add3A_962 = arith.addi %add3A_824, %squeeze3A_961 : i32
    %eq3A_963 = arith.constant 7 : i32
    %eq3A_964 = vector.broadcast %eq3A_963 : i32 to vector<16xi32>
    %eq3A_965 = arith.cmpi eq, %get3A_97, %eq3A_964 : vector<16xi32>
    %convert_element_type3A_966 = arith.extui %eq3A_965 : vector<16xi1> to vector<16xi32>
    %broadcast_in_dim3A_967 = arith.constant true
    %broadcast_in_dim3A_968 = vector.broadcast %broadcast_in_dim3A_967 : i1 to vector<16xi1>
    %masked_cumsum3A_969 = tpu.scan <sum>, %convert_element_type3A_966 masked %broadcast_in_dim3A_968 : vector<16xi32>, vector<16xi1> -> vector<16xi32>
    %add3A_970 = vector.broadcast %add3A_841 : i32 to vector<16xi32>
    %add3A_971 = arith.addi %add3A_970, %masked_cumsum3A_969 : vector<16xi32>
    %sub3A_972 = arith.constant 1 : i32
    %sub3A_973 = vector.broadcast %sub3A_972 : i32 to vector<16xi32>
    %sub3A_974 = arith.subi %add3A_971, %sub3A_973 : vector<16xi32>
    %select_n3A_975 = arith.select %eq3A_965, %sub3A_974, %select_n3A_958 : vector<16xi1>, vector<16xi32>
    %all_reduce_population_count3A_976 = tpu.all_reduce %eq3A_965 {dim = 0 : i64, kind = #tpu.reduction_kind<sum>} : vector<16xi1> -> vector<16xi32>
    %slice3A_977 = vector.extract_strided_slice %all_reduce_population_count3A_976 {offsets = [0], sizes = [1], strides = [1]} : vector<16xi32> to vector<1xi32>
    %squeeze3A_978 = vector.extract %slice3A_977[0] : i32 from vector<1xi32>
    %add3A_979 = arith.addi %add3A_841, %squeeze3A_978 : i32
    %broadcast_in_dim3A_980 = arith.constant 0 : i32
    %broadcast_in_dim3A_981 = vector.broadcast %broadcast_in_dim3A_980 : i32 to vector<16xi32>
    %eq3A_982 = arith.constant 0 : i32
    %eq3A_983 = vector.broadcast %eq3A_982 : i32 to vector<16xi32>
    %eq3A_984 = arith.cmpi eq, %get3A_103, %eq3A_983 : vector<16xi32>
    %convert_element_type3A_985 = arith.extui %eq3A_984 : vector<16xi1> to vector<16xi32>
    %broadcast_in_dim3A_986 = arith.constant true
    %broadcast_in_dim3A_987 = vector.broadcast %broadcast_in_dim3A_986 : i1 to vector<16xi1>
    %masked_cumsum3A_988 = tpu.scan <sum>, %convert_element_type3A_985 masked %broadcast_in_dim3A_987 : vector<16xi32>, vector<16xi1> -> vector<16xi32>
    %add3A_989 = vector.broadcast %add3A_860 : i32 to vector<16xi32>
    %add3A_990 = arith.addi %add3A_989, %masked_cumsum3A_988 : vector<16xi32>
    %sub3A_991 = arith.constant 1 : i32
    %sub3A_992 = vector.broadcast %sub3A_991 : i32 to vector<16xi32>
    %sub3A_993 = arith.subi %add3A_990, %sub3A_992 : vector<16xi32>
    %select_n3A_994 = arith.select %eq3A_984, %sub3A_993, %broadcast_in_dim3A_981 : vector<16xi1>, vector<16xi32>
    %all_reduce_population_count3A_995 = tpu.all_reduce %eq3A_984 {dim = 0 : i64, kind = #tpu.reduction_kind<sum>} : vector<16xi1> -> vector<16xi32>
    %slice3A_996 = vector.extract_strided_slice %all_reduce_population_count3A_995 {offsets = [0], sizes = [1], strides = [1]} : vector<16xi32> to vector<1xi32>
    %squeeze3A_997 = vector.extract %slice3A_996[0] : i32 from vector<1xi32>
    %add3A_998 = arith.addi %add3A_860, %squeeze3A_997 : i32
    %eq3A_999 = arith.constant 1 : i32
    %eq3A_1000 = vector.broadcast %eq3A_999 : i32 to vector<16xi32>
    %eq3A_1001 = arith.cmpi eq, %get3A_103, %eq3A_1000 : vector<16xi32>
    %convert_element_type3A_1002 = arith.extui %eq3A_1001 : vector<16xi1> to vector<16xi32>
    %broadcast_in_dim3A_1003 = arith.constant true
    %broadcast_in_dim3A_1004 = vector.broadcast %broadcast_in_dim3A_1003 : i1 to vector<16xi1>
    %masked_cumsum3A_1005 = tpu.scan <sum>, %convert_element_type3A_1002 masked %broadcast_in_dim3A_1004 : vector<16xi32>, vector<16xi1> -> vector<16xi32>
    %add3A_1006 = vector.broadcast %add3A_877 : i32 to vector<16xi32>
    %add3A_1007 = arith.addi %add3A_1006, %masked_cumsum3A_1005 : vector<16xi32>
    %sub3A_1008 = arith.constant 1 : i32
    %sub3A_1009 = vector.broadcast %sub3A_1008 : i32 to vector<16xi32>
    %sub3A_1010 = arith.subi %add3A_1007, %sub3A_1009 : vector<16xi32>
    %select_n3A_1011 = arith.select %eq3A_1001, %sub3A_1010, %select_n3A_994 : vector<16xi1>, vector<16xi32>
    %all_reduce_population_count3A_1012 = tpu.all_reduce %eq3A_1001 {dim = 0 : i64, kind = #tpu.reduction_kind<sum>} : vector<16xi1> -> vector<16xi32>
    %slice3A_1013 = vector.extract_strided_slice %all_reduce_population_count3A_1012 {offsets = [0], sizes = [1], strides = [1]} : vector<16xi32> to vector<1xi32>
    %squeeze3A_1014 = vector.extract %slice3A_1013[0] : i32 from vector<1xi32>
    %add3A_1015 = arith.addi %add3A_877, %squeeze3A_1014 : i32
    %eq3A_1016 = arith.constant 2 : i32
    %eq3A_1017 = vector.broadcast %eq3A_1016 : i32 to vector<16xi32>
    %eq3A_1018 = arith.cmpi eq, %get3A_103, %eq3A_1017 : vector<16xi32>
    %convert_element_type3A_1019 = arith.extui %eq3A_1018 : vector<16xi1> to vector<16xi32>
    %broadcast_in_dim3A_1020 = arith.constant true
    %broadcast_in_dim3A_1021 = vector.broadcast %broadcast_in_dim3A_1020 : i1 to vector<16xi1>
    %masked_cumsum3A_1022 = tpu.scan <sum>, %convert_element_type3A_1019 masked %broadcast_in_dim3A_1021 : vector<16xi32>, vector<16xi1> -> vector<16xi32>
    %add3A_1023 = vector.broadcast %add3A_894 : i32 to vector<16xi32>
    %add3A_1024 = arith.addi %add3A_1023, %masked_cumsum3A_1022 : vector<16xi32>
    %sub3A_1025 = arith.constant 1 : i32
    %sub3A_1026 = vector.broadcast %sub3A_1025 : i32 to vector<16xi32>
    %sub3A_1027 = arith.subi %add3A_1024, %sub3A_1026 : vector<16xi32>
    %select_n3A_1028 = arith.select %eq3A_1018, %sub3A_1027, %select_n3A_1011 : vector<16xi1>, vector<16xi32>
    %all_reduce_population_count3A_1029 = tpu.all_reduce %eq3A_1018 {dim = 0 : i64, kind = #tpu.reduction_kind<sum>} : vector<16xi1> -> vector<16xi32>
    %slice3A_1030 = vector.extract_strided_slice %all_reduce_population_count3A_1029 {offsets = [0], sizes = [1], strides = [1]} : vector<16xi32> to vector<1xi32>
    %squeeze3A_1031 = vector.extract %slice3A_1030[0] : i32 from vector<1xi32>
    %add3A_1032 = arith.addi %add3A_894, %squeeze3A_1031 : i32
    %eq3A_1033 = arith.constant 3 : i32
    %eq3A_1034 = vector.broadcast %eq3A_1033 : i32 to vector<16xi32>
    %eq3A_1035 = arith.cmpi eq, %get3A_103, %eq3A_1034 : vector<16xi32>
    %convert_element_type3A_1036 = arith.extui %eq3A_1035 : vector<16xi1> to vector<16xi32>
    %broadcast_in_dim3A_1037 = arith.constant true
    %broadcast_in_dim3A_1038 = vector.broadcast %broadcast_in_dim3A_1037 : i1 to vector<16xi1>
    %masked_cumsum3A_1039 = tpu.scan <sum>, %convert_element_type3A_1036 masked %broadcast_in_dim3A_1038 : vector<16xi32>, vector<16xi1> -> vector<16xi32>
    %add3A_1040 = vector.broadcast %add3A_911 : i32 to vector<16xi32>
    %add3A_1041 = arith.addi %add3A_1040, %masked_cumsum3A_1039 : vector<16xi32>
    %sub3A_1042 = arith.constant 1 : i32
    %sub3A_1043 = vector.broadcast %sub3A_1042 : i32 to vector<16xi32>
    %sub3A_1044 = arith.subi %add3A_1041, %sub3A_1043 : vector<16xi32>
    %select_n3A_1045 = arith.select %eq3A_1035, %sub3A_1044, %select_n3A_1028 : vector<16xi1>, vector<16xi32>
    %all_reduce_population_count3A_1046 = tpu.all_reduce %eq3A_1035 {dim = 0 : i64, kind = #tpu.reduction_kind<sum>} : vector<16xi1> -> vector<16xi32>
    %slice3A_1047 = vector.extract_strided_slice %all_reduce_population_count3A_1046 {offsets = [0], sizes = [1], strides = [1]} : vector<16xi32> to vector<1xi32>
    %squeeze3A_1048 = vector.extract %slice3A_1047[0] : i32 from vector<1xi32>
    %add3A_1049 = arith.addi %add3A_911, %squeeze3A_1048 : i32
    %eq3A_1050 = arith.constant 4 : i32
    %eq3A_1051 = vector.broadcast %eq3A_1050 : i32 to vector<16xi32>
    %eq3A_1052 = arith.cmpi eq, %get3A_103, %eq3A_1051 : vector<16xi32>
    %convert_element_type3A_1053 = arith.extui %eq3A_1052 : vector<16xi1> to vector<16xi32>
    %broadcast_in_dim3A_1054 = arith.constant true
    %broadcast_in_dim3A_1055 = vector.broadcast %broadcast_in_dim3A_1054 : i1 to vector<16xi1>
    %masked_cumsum3A_1056 = tpu.scan <sum>, %convert_element_type3A_1053 masked %broadcast_in_dim3A_1055 : vector<16xi32>, vector<16xi1> -> vector<16xi32>
    %add3A_1057 = vector.broadcast %add3A_928 : i32 to vector<16xi32>
    %add3A_1058 = arith.addi %add3A_1057, %masked_cumsum3A_1056 : vector<16xi32>
    %sub3A_1059 = arith.constant 1 : i32
    %sub3A_1060 = vector.broadcast %sub3A_1059 : i32 to vector<16xi32>
    %sub3A_1061 = arith.subi %add3A_1058, %sub3A_1060 : vector<16xi32>
    %select_n3A_1062 = arith.select %eq3A_1052, %sub3A_1061, %select_n3A_1045 : vector<16xi1>, vector<16xi32>
    %all_reduce_population_count3A_1063 = tpu.all_reduce %eq3A_1052 {dim = 0 : i64, kind = #tpu.reduction_kind<sum>} : vector<16xi1> -> vector<16xi32>
    %slice3A_1064 = vector.extract_strided_slice %all_reduce_population_count3A_1063 {offsets = [0], sizes = [1], strides = [1]} : vector<16xi32> to vector<1xi32>
    %squeeze3A_1065 = vector.extract %slice3A_1064[0] : i32 from vector<1xi32>
    %add3A_1066 = arith.addi %add3A_928, %squeeze3A_1065 : i32
    %eq3A_1067 = arith.constant 5 : i32
    %eq3A_1068 = vector.broadcast %eq3A_1067 : i32 to vector<16xi32>
    %eq3A_1069 = arith.cmpi eq, %get3A_103, %eq3A_1068 : vector<16xi32>
    %convert_element_type3A_1070 = arith.extui %eq3A_1069 : vector<16xi1> to vector<16xi32>
    %broadcast_in_dim3A_1071 = arith.constant true
    %broadcast_in_dim3A_1072 = vector.broadcast %broadcast_in_dim3A_1071 : i1 to vector<16xi1>
    %masked_cumsum3A_1073 = tpu.scan <sum>, %convert_element_type3A_1070 masked %broadcast_in_dim3A_1072 : vector<16xi32>, vector<16xi1> -> vector<16xi32>
    %add3A_1074 = vector.broadcast %add3A_945 : i32 to vector<16xi32>
    %add3A_1075 = arith.addi %add3A_1074, %masked_cumsum3A_1073 : vector<16xi32>
    %sub3A_1076 = arith.constant 1 : i32
    %sub3A_1077 = vector.broadcast %sub3A_1076 : i32 to vector<16xi32>
    %sub3A_1078 = arith.subi %add3A_1075, %sub3A_1077 : vector<16xi32>
    %select_n3A_1079 = arith.select %eq3A_1069, %sub3A_1078, %select_n3A_1062 : vector<16xi1>, vector<16xi32>
    %all_reduce_population_count3A_1080 = tpu.all_reduce %eq3A_1069 {dim = 0 : i64, kind = #tpu.reduction_kind<sum>} : vector<16xi1> -> vector<16xi32>
    %slice3A_1081 = vector.extract_strided_slice %all_reduce_population_count3A_1080 {offsets = [0], sizes = [1], strides = [1]} : vector<16xi32> to vector<1xi32>
    %squeeze3A_1082 = vector.extract %slice3A_1081[0] : i32 from vector<1xi32>
    %add3A_1083 = arith.addi %add3A_945, %squeeze3A_1082 : i32
    %eq3A_1084 = arith.constant 6 : i32
    %eq3A_1085 = vector.broadcast %eq3A_1084 : i32 to vector<16xi32>
    %eq3A_1086 = arith.cmpi eq, %get3A_103, %eq3A_1085 : vector<16xi32>
    %convert_element_type3A_1087 = arith.extui %eq3A_1086 : vector<16xi1> to vector<16xi32>
    %broadcast_in_dim3A_1088 = arith.constant true
    %broadcast_in_dim3A_1089 = vector.broadcast %broadcast_in_dim3A_1088 : i1 to vector<16xi1>
    %masked_cumsum3A_1090 = tpu.scan <sum>, %convert_element_type3A_1087 masked %broadcast_in_dim3A_1089 : vector<16xi32>, vector<16xi1> -> vector<16xi32>
    %add3A_1091 = vector.broadcast %add3A_962 : i32 to vector<16xi32>
    %add3A_1092 = arith.addi %add3A_1091, %masked_cumsum3A_1090 : vector<16xi32>
    %sub3A_1093 = arith.constant 1 : i32
    %sub3A_1094 = vector.broadcast %sub3A_1093 : i32 to vector<16xi32>
    %sub3A_1095 = arith.subi %add3A_1092, %sub3A_1094 : vector<16xi32>
    %select_n3A_1096 = arith.select %eq3A_1086, %sub3A_1095, %select_n3A_1079 : vector<16xi1>, vector<16xi32>
    %all_reduce_population_count3A_1097 = tpu.all_reduce %eq3A_1086 {dim = 0 : i64, kind = #tpu.reduction_kind<sum>} : vector<16xi1> -> vector<16xi32>
    %slice3A_1098 = vector.extract_strided_slice %all_reduce_population_count3A_1097 {offsets = [0], sizes = [1], strides = [1]} : vector<16xi32> to vector<1xi32>
    %squeeze3A_1099 = vector.extract %slice3A_1098[0] : i32 from vector<1xi32>
    %add3A_1100 = arith.addi %add3A_962, %squeeze3A_1099 : i32
    %eq3A_1101 = arith.constant 7 : i32
    %eq3A_1102 = vector.broadcast %eq3A_1101 : i32 to vector<16xi32>
    %eq3A_1103 = arith.cmpi eq, %get3A_103, %eq3A_1102 : vector<16xi32>
    %convert_element_type3A_1104 = arith.extui %eq3A_1103 : vector<16xi1> to vector<16xi32>
    %broadcast_in_dim3A_1105 = arith.constant true
    %broadcast_in_dim3A_1106 = vector.broadcast %broadcast_in_dim3A_1105 : i1 to vector<16xi1>
    %masked_cumsum3A_1107 = tpu.scan <sum>, %convert_element_type3A_1104 masked %broadcast_in_dim3A_1106 : vector<16xi32>, vector<16xi1> -> vector<16xi32>
    %add3A_1108 = vector.broadcast %add3A_979 : i32 to vector<16xi32>
    %add3A_1109 = arith.addi %add3A_1108, %masked_cumsum3A_1107 : vector<16xi32>
    %sub3A_1110 = arith.constant 1 : i32
    %sub3A_1111 = vector.broadcast %sub3A_1110 : i32 to vector<16xi32>
    %sub3A_1112 = arith.subi %add3A_1109, %sub3A_1111 : vector<16xi32>
    %select_n3A_1113 = arith.select %eq3A_1103, %sub3A_1112, %select_n3A_1096 : vector<16xi1>, vector<16xi32>
    %all_reduce_population_count3A_1114 = tpu.all_reduce %eq3A_1103 {dim = 0 : i64, kind = #tpu.reduction_kind<sum>} : vector<16xi1> -> vector<16xi32>
    %slice3A_1115 = vector.extract_strided_slice %all_reduce_population_count3A_1114 {offsets = [0], sizes = [1], strides = [1]} : vector<16xi32> to vector<1xi32>
    %squeeze3A_1116 = vector.extract %slice3A_1115[0] : i32 from vector<1xi32>
    %add3A_1117 = arith.addi %add3A_979, %squeeze3A_1116 : i32
    %broadcast_in_dim3A_1118 = arith.constant 0 : i32
    %broadcast_in_dim3A_1119 = vector.broadcast %broadcast_in_dim3A_1118 : i32 to vector<16xi32>
    %eq3A_1120 = arith.constant 0 : i32
    %eq3A_1121 = vector.broadcast %eq3A_1120 : i32 to vector<16xi32>
    %eq3A_1122 = arith.cmpi eq, %get3A_109, %eq3A_1121 : vector<16xi32>
    %convert_element_type3A_1123 = arith.extui %eq3A_1122 : vector<16xi1> to vector<16xi32>
    %broadcast_in_dim3A_1124 = arith.constant true
    %broadcast_in_dim3A_1125 = vector.broadcast %broadcast_in_dim3A_1124 : i1 to vector<16xi1>
    %masked_cumsum3A_1126 = tpu.scan <sum>, %convert_element_type3A_1123 masked %broadcast_in_dim3A_1125 : vector<16xi32>, vector<16xi1> -> vector<16xi32>
    %add3A_1127 = vector.broadcast %add3A_998 : i32 to vector<16xi32>
    %add3A_1128 = arith.addi %add3A_1127, %masked_cumsum3A_1126 : vector<16xi32>
    %sub3A_1129 = arith.constant 1 : i32
    %sub3A_1130 = vector.broadcast %sub3A_1129 : i32 to vector<16xi32>
    %sub3A_1131 = arith.subi %add3A_1128, %sub3A_1130 : vector<16xi32>
    %select_n3A_1132 = arith.select %eq3A_1122, %sub3A_1131, %broadcast_in_dim3A_1119 : vector<16xi1>, vector<16xi32>
    %all_reduce_population_count3A_1133 = tpu.all_reduce %eq3A_1122 {dim = 0 : i64, kind = #tpu.reduction_kind<sum>} : vector<16xi1> -> vector<16xi32>
    %slice3A_1134 = vector.extract_strided_slice %all_reduce_population_count3A_1133 {offsets = [0], sizes = [1], strides = [1]} : vector<16xi32> to vector<1xi32>
    %squeeze3A_1135 = vector.extract %slice3A_1134[0] : i32 from vector<1xi32>
    %add3A_1136 = arith.addi %add3A_998, %squeeze3A_1135 : i32
    %eq3A_1137 = arith.constant 1 : i32
    %eq3A_1138 = vector.broadcast %eq3A_1137 : i32 to vector<16xi32>
    %eq3A_1139 = arith.cmpi eq, %get3A_109, %eq3A_1138 : vector<16xi32>
    %convert_element_type3A_1140 = arith.extui %eq3A_1139 : vector<16xi1> to vector<16xi32>
    %broadcast_in_dim3A_1141 = arith.constant true
    %broadcast_in_dim3A_1142 = vector.broadcast %broadcast_in_dim3A_1141 : i1 to vector<16xi1>
    %masked_cumsum3A_1143 = tpu.scan <sum>, %convert_element_type3A_1140 masked %broadcast_in_dim3A_1142 : vector<16xi32>, vector<16xi1> -> vector<16xi32>
    %add3A_1144 = vector.broadcast %add3A_1015 : i32 to vector<16xi32>
    %add3A_1145 = arith.addi %add3A_1144, %masked_cumsum3A_1143 : vector<16xi32>
    %sub3A_1146 = arith.constant 1 : i32
    %sub3A_1147 = vector.broadcast %sub3A_1146 : i32 to vector<16xi32>
    %sub3A_1148 = arith.subi %add3A_1145, %sub3A_1147 : vector<16xi32>
    %select_n3A_1149 = arith.select %eq3A_1139, %sub3A_1148, %select_n3A_1132 : vector<16xi1>, vector<16xi32>
    %all_reduce_population_count3A_1150 = tpu.all_reduce %eq3A_1139 {dim = 0 : i64, kind = #tpu.reduction_kind<sum>} : vector<16xi1> -> vector<16xi32>
    %slice3A_1151 = vector.extract_strided_slice %all_reduce_population_count3A_1150 {offsets = [0], sizes = [1], strides = [1]} : vector<16xi32> to vector<1xi32>
    %squeeze3A_1152 = vector.extract %slice3A_1151[0] : i32 from vector<1xi32>
    %add3A_1153 = arith.addi %add3A_1015, %squeeze3A_1152 : i32
    %eq3A_1154 = arith.constant 2 : i32
    %eq3A_1155 = vector.broadcast %eq3A_1154 : i32 to vector<16xi32>
    %eq3A_1156 = arith.cmpi eq, %get3A_109, %eq3A_1155 : vector<16xi32>
    %convert_element_type3A_1157 = arith.extui %eq3A_1156 : vector<16xi1> to vector<16xi32>
    %broadcast_in_dim3A_1158 = arith.constant true
    %broadcast_in_dim3A_1159 = vector.broadcast %broadcast_in_dim3A_1158 : i1 to vector<16xi1>
    %masked_cumsum3A_1160 = tpu.scan <sum>, %convert_element_type3A_1157 masked %broadcast_in_dim3A_1159 : vector<16xi32>, vector<16xi1> -> vector<16xi32>
    %add3A_1161 = vector.broadcast %add3A_1032 : i32 to vector<16xi32>
    %add3A_1162 = arith.addi %add3A_1161, %masked_cumsum3A_1160 : vector<16xi32>
    %sub3A_1163 = arith.constant 1 : i32
    %sub3A_1164 = vector.broadcast %sub3A_1163 : i32 to vector<16xi32>
    %sub3A_1165 = arith.subi %add3A_1162, %sub3A_1164 : vector<16xi32>
    %select_n3A_1166 = arith.select %eq3A_1156, %sub3A_1165, %select_n3A_1149 : vector<16xi1>, vector<16xi32>
    %all_reduce_population_count3A_1167 = tpu.all_reduce %eq3A_1156 {dim = 0 : i64, kind = #tpu.reduction_kind<sum>} : vector<16xi1> -> vector<16xi32>
    %slice3A_1168 = vector.extract_strided_slice %all_reduce_population_count3A_1167 {offsets = [0], sizes = [1], strides = [1]} : vector<16xi32> to vector<1xi32>
    %squeeze3A_1169 = vector.extract %slice3A_1168[0] : i32 from vector<1xi32>
    %add3A_1170 = arith.addi %add3A_1032, %squeeze3A_1169 : i32
    %eq3A_1171 = arith.constant 3 : i32
    %eq3A_1172 = vector.broadcast %eq3A_1171 : i32 to vector<16xi32>
    %eq3A_1173 = arith.cmpi eq, %get3A_109, %eq3A_1172 : vector<16xi32>
    %convert_element_type3A_1174 = arith.extui %eq3A_1173 : vector<16xi1> to vector<16xi32>
    %broadcast_in_dim3A_1175 = arith.constant true
    %broadcast_in_dim3A_1176 = vector.broadcast %broadcast_in_dim3A_1175 : i1 to vector<16xi1>
    %masked_cumsum3A_1177 = tpu.scan <sum>, %convert_element_type3A_1174 masked %broadcast_in_dim3A_1176 : vector<16xi32>, vector<16xi1> -> vector<16xi32>
    %add3A_1178 = vector.broadcast %add3A_1049 : i32 to vector<16xi32>
    %add3A_1179 = arith.addi %add3A_1178, %masked_cumsum3A_1177 : vector<16xi32>
    %sub3A_1180 = arith.constant 1 : i32
    %sub3A_1181 = vector.broadcast %sub3A_1180 : i32 to vector<16xi32>
    %sub3A_1182 = arith.subi %add3A_1179, %sub3A_1181 : vector<16xi32>
    %select_n3A_1183 = arith.select %eq3A_1173, %sub3A_1182, %select_n3A_1166 : vector<16xi1>, vector<16xi32>
    %all_reduce_population_count3A_1184 = tpu.all_reduce %eq3A_1173 {dim = 0 : i64, kind = #tpu.reduction_kind<sum>} : vector<16xi1> -> vector<16xi32>
    %slice3A_1185 = vector.extract_strided_slice %all_reduce_population_count3A_1184 {offsets = [0], sizes = [1], strides = [1]} : vector<16xi32> to vector<1xi32>
    %squeeze3A_1186 = vector.extract %slice3A_1185[0] : i32 from vector<1xi32>
    %add3A_1187 = arith.addi %add3A_1049, %squeeze3A_1186 : i32
    %eq3A_1188 = arith.constant 4 : i32
    %eq3A_1189 = vector.broadcast %eq3A_1188 : i32 to vector<16xi32>
    %eq3A_1190 = arith.cmpi eq, %get3A_109, %eq3A_1189 : vector<16xi32>
    %convert_element_type3A_1191 = arith.extui %eq3A_1190 : vector<16xi1> to vector<16xi32>
    %broadcast_in_dim3A_1192 = arith.constant true
    %broadcast_in_dim3A_1193 = vector.broadcast %broadcast_in_dim3A_1192 : i1 to vector<16xi1>
    %masked_cumsum3A_1194 = tpu.scan <sum>, %convert_element_type3A_1191 masked %broadcast_in_dim3A_1193 : vector<16xi32>, vector<16xi1> -> vector<16xi32>
    %add3A_1195 = vector.broadcast %add3A_1066 : i32 to vector<16xi32>
    %add3A_1196 = arith.addi %add3A_1195, %masked_cumsum3A_1194 : vector<16xi32>
    %sub3A_1197 = arith.constant 1 : i32
    %sub3A_1198 = vector.broadcast %sub3A_1197 : i32 to vector<16xi32>
    %sub3A_1199 = arith.subi %add3A_1196, %sub3A_1198 : vector<16xi32>
    %select_n3A_1200 = arith.select %eq3A_1190, %sub3A_1199, %select_n3A_1183 : vector<16xi1>, vector<16xi32>
    %all_reduce_population_count3A_1201 = tpu.all_reduce %eq3A_1190 {dim = 0 : i64, kind = #tpu.reduction_kind<sum>} : vector<16xi1> -> vector<16xi32>
    %slice3A_1202 = vector.extract_strided_slice %all_reduce_population_count3A_1201 {offsets = [0], sizes = [1], strides = [1]} : vector<16xi32> to vector<1xi32>
    %squeeze3A_1203 = vector.extract %slice3A_1202[0] : i32 from vector<1xi32>
    %add3A_1204 = arith.addi %add3A_1066, %squeeze3A_1203 : i32
    %eq3A_1205 = arith.constant 5 : i32
    %eq3A_1206 = vector.broadcast %eq3A_1205 : i32 to vector<16xi32>
    %eq3A_1207 = arith.cmpi eq, %get3A_109, %eq3A_1206 : vector<16xi32>
    %convert_element_type3A_1208 = arith.extui %eq3A_1207 : vector<16xi1> to vector<16xi32>
    %broadcast_in_dim3A_1209 = arith.constant true
    %broadcast_in_dim3A_1210 = vector.broadcast %broadcast_in_dim3A_1209 : i1 to vector<16xi1>
    %masked_cumsum3A_1211 = tpu.scan <sum>, %convert_element_type3A_1208 masked %broadcast_in_dim3A_1210 : vector<16xi32>, vector<16xi1> -> vector<16xi32>
    %add3A_1212 = vector.broadcast %add3A_1083 : i32 to vector<16xi32>
    %add3A_1213 = arith.addi %add3A_1212, %masked_cumsum3A_1211 : vector<16xi32>
    %sub3A_1214 = arith.constant 1 : i32
    %sub3A_1215 = vector.broadcast %sub3A_1214 : i32 to vector<16xi32>
    %sub3A_1216 = arith.subi %add3A_1213, %sub3A_1215 : vector<16xi32>
    %select_n3A_1217 = arith.select %eq3A_1207, %sub3A_1216, %select_n3A_1200 : vector<16xi1>, vector<16xi32>
    %all_reduce_population_count3A_1218 = tpu.all_reduce %eq3A_1207 {dim = 0 : i64, kind = #tpu.reduction_kind<sum>} : vector<16xi1> -> vector<16xi32>
    %slice3A_1219 = vector.extract_strided_slice %all_reduce_population_count3A_1218 {offsets = [0], sizes = [1], strides = [1]} : vector<16xi32> to vector<1xi32>
    %squeeze3A_1220 = vector.extract %slice3A_1219[0] : i32 from vector<1xi32>
    %add3A_1221 = arith.addi %add3A_1083, %squeeze3A_1220 : i32
    %eq3A_1222 = arith.constant 6 : i32
    %eq3A_1223 = vector.broadcast %eq3A_1222 : i32 to vector<16xi32>
    %eq3A_1224 = arith.cmpi eq, %get3A_109, %eq3A_1223 : vector<16xi32>
    %convert_element_type3A_1225 = arith.extui %eq3A_1224 : vector<16xi1> to vector<16xi32>
    %broadcast_in_dim3A_1226 = arith.constant true
    %broadcast_in_dim3A_1227 = vector.broadcast %broadcast_in_dim3A_1226 : i1 to vector<16xi1>
    %masked_cumsum3A_1228 = tpu.scan <sum>, %convert_element_type3A_1225 masked %broadcast_in_dim3A_1227 : vector<16xi32>, vector<16xi1> -> vector<16xi32>
    %add3A_1229 = vector.broadcast %add3A_1100 : i32 to vector<16xi32>
    %add3A_1230 = arith.addi %add3A_1229, %masked_cumsum3A_1228 : vector<16xi32>
    %sub3A_1231 = arith.constant 1 : i32
    %sub3A_1232 = vector.broadcast %sub3A_1231 : i32 to vector<16xi32>
    %sub3A_1233 = arith.subi %add3A_1230, %sub3A_1232 : vector<16xi32>
    %select_n3A_1234 = arith.select %eq3A_1224, %sub3A_1233, %select_n3A_1217 : vector<16xi1>, vector<16xi32>
    %all_reduce_population_count3A_1235 = tpu.all_reduce %eq3A_1224 {dim = 0 : i64, kind = #tpu.reduction_kind<sum>} : vector<16xi1> -> vector<16xi32>
    %slice3A_1236 = vector.extract_strided_slice %all_reduce_population_count3A_1235 {offsets = [0], sizes = [1], strides = [1]} : vector<16xi32> to vector<1xi32>
    %squeeze3A_1237 = vector.extract %slice3A_1236[0] : i32 from vector<1xi32>
    %add3A_1238 = arith.addi %add3A_1100, %squeeze3A_1237 : i32
    %eq3A_1239 = arith.constant 7 : i32
    %eq3A_1240 = vector.broadcast %eq3A_1239 : i32 to vector<16xi32>
    %eq3A_1241 = arith.cmpi eq, %get3A_109, %eq3A_1240 : vector<16xi32>
    %convert_element_type3A_1242 = arith.extui %eq3A_1241 : vector<16xi1> to vector<16xi32>
    %broadcast_in_dim3A_1243 = arith.constant true
    %broadcast_in_dim3A_1244 = vector.broadcast %broadcast_in_dim3A_1243 : i1 to vector<16xi1>
    %masked_cumsum3A_1245 = tpu.scan <sum>, %convert_element_type3A_1242 masked %broadcast_in_dim3A_1244 : vector<16xi32>, vector<16xi1> -> vector<16xi32>
    %add3A_1246 = vector.broadcast %add3A_1117 : i32 to vector<16xi32>
    %add3A_1247 = arith.addi %add3A_1246, %masked_cumsum3A_1245 : vector<16xi32>
    %sub3A_1248 = arith.constant 1 : i32
    %sub3A_1249 = vector.broadcast %sub3A_1248 : i32 to vector<16xi32>
    %sub3A_1250 = arith.subi %add3A_1247, %sub3A_1249 : vector<16xi32>
    %select_n3A_1251 = arith.select %eq3A_1241, %sub3A_1250, %select_n3A_1234 : vector<16xi1>, vector<16xi32>
    %all_reduce_population_count3A_1252 = tpu.all_reduce %eq3A_1241 {dim = 0 : i64, kind = #tpu.reduction_kind<sum>} : vector<16xi1> -> vector<16xi32>
    %slice3A_1253 = vector.extract_strided_slice %all_reduce_population_count3A_1252 {offsets = [0], sizes = [1], strides = [1]} : vector<16xi32> to vector<1xi32>
    %squeeze3A_1254 = vector.extract %slice3A_1253[0] : i32 from vector<1xi32>
    %add3A_1255 = arith.addi %add3A_1117, %squeeze3A_1254 : i32
    %convert_element_type3A_1256 = arith.extui %or3A_62 : i1 to i32
    %cond3A = arith.constant 0 : i32
    %cond3A_1257 = arith.cmpi ne, %convert_element_type3A_1256, %cond3A : i32
    %cond3A_1258:8 = scf.if %cond3A_1257 -> (vector<16xi32>, vector<16xi32>, vector<16xi32>, vector<16xi32>, vector<16xi32>, vector<16xi32>, vector<16xi32>, vector<16xi32>) {
      %broadcast_in_dim3A_1941 = arith.constant 0 : i32
      %broadcast_in_dim3A_1942 = vector.broadcast %broadcast_in_dim3A_1941 : i32 to vector<16xi32>
      %broadcast_in_dim3A_1943 = arith.constant 0 : i32
      %broadcast_in_dim3A_1944 = vector.broadcast %broadcast_in_dim3A_1943 : i32 to vector<16xi32>
      %broadcast_in_dim3A_1945 = arith.constant 0 : i32
      %broadcast_in_dim3A_1946 = vector.broadcast %broadcast_in_dim3A_1945 : i32 to vector<16xi32>
      %broadcast_in_dim3A_1947 = arith.constant 0 : i32
      %broadcast_in_dim3A_1948 = vector.broadcast %broadcast_in_dim3A_1947 : i32 to vector<16xi32>
      %broadcast_in_dim3A_1949 = arith.constant 0 : i32
      %broadcast_in_dim3A_1950 = vector.broadcast %broadcast_in_dim3A_1949 : i32 to vector<16xi32>
      %broadcast_in_dim3A_1951 = arith.constant 0 : i32
      %broadcast_in_dim3A_1952 = vector.broadcast %broadcast_in_dim3A_1951 : i32 to vector<16xi32>
      %broadcast_in_dim3A_1953 = arith.constant 0 : i32
      %broadcast_in_dim3A_1954 = vector.broadcast %broadcast_in_dim3A_1953 : i32 to vector<16xi32>
      %broadcast_in_dim3A_1955 = arith.constant 0 : i32
      %broadcast_in_dim3A_1956 = vector.broadcast %broadcast_in_dim3A_1955 : i32 to vector<16xi32>
      %scan3A_1957 = arith.constant 0 : i32
      %scan3A_1958 = arith.constant 256 : i32
      %scan3A_1959 = arith.addi %scan3A_1957, %scan3A_1958 : i32
      %scan3A_1960 = arith.constant 1 : i32
      %scan3A_1961:8 = scf.for %scan3A_1963 = %scan3A_1957 to %scan3A_1959 step %scan3A_1960 iter_args(%scan3A_1964 = %broadcast_in_dim3A_1942, %scan3A_1965 = %broadcast_in_dim3A_1944, %scan3A_1966 = %broadcast_in_dim3A_1946, %scan3A_1967 = %broadcast_in_dim3A_1948, %scan3A_1968 = %broadcast_in_dim3A_1950, %scan3A_1969 = %broadcast_in_dim3A_1952, %scan3A_1970 = %broadcast_in_dim3A_1954, %scan3A_1971 = %broadcast_in_dim3A_1956) -> (vector<16xi32>, vector<16xi32>, vector<16xi32>, vector<16xi32>, vector<16xi32>, vector<16xi32>, vector<16xi32>, vector<16xi32>)  : i32 {
        %mul3A_1972 = arith.constant 16 : i32
        %mul3A_1973 = arith.muli %scan3A_1963, %mul3A_1972 : i32
        %get3A_1974 = arith.index_cast %mul3A_1973 : i32 to index
        %get3A_1975 = tpu.vector_load %arg6[%get3A_1974] {strides = array<i32>} : memref<4096xi32, #tpu.memory_space<vmem>>, vector<16xi32>,
        %mul3A_1976 = arith.constant 16 : i32
        %mul3A_1977 = arith.muli %scan3A_1963, %mul3A_1976 : i32
        %get3A_1978 = arith.index_cast %mul3A_1977 : i32 to index
        %get3A_1979 = tpu.vector_load %arg7[%get3A_1978] {strides = array<i32>} : memref<4096xf32, #tpu.memory_space<vmem>>, vector<16xf32>,
        %slice3A_1980 = vector.extract_strided_slice %get3A_1975 {offsets = [0], sizes = [1], strides = [1]} : vector<16xi32> to vector<1xi32>
        %squeeze3A_1981 = vector.extract %slice3A_1980[0] : i32 from vector<1xi32>
        %slice3A_1982 = vector.extract_strided_slice %get3A_1979 {offsets = [0], sizes = [1], strides = [1]} : vector<16xf32> to vector<1xf32>
        %squeeze3A_1983 = vector.extract %slice3A_1982[0] : f32 from vector<1xf32>
        %mul3A_1984 = arith.constant 16 : i32
        %mul3A_1985 = arith.muli %scan3A_1963, %mul3A_1984 : i32
        %add3A_1986 = arith.constant 0 : i32
        %add3A_1987 = arith.addi %mul3A_1985, %add3A_1986 : i32
        %add3A_1988 = arith.constant 0 : i32
        %add3A_1989 = arith.addi %mul3A_2, %add3A_1988 : i32
        %add3A_1990 = vector.broadcast %add3A_1989 : i32 to vector<16xi32>
        %add3A_1991 = arith.addi %add3A_1990, %iota3A : vector<16xi32>
        %eq3A_1992 = vector.broadcast %squeeze3A_1981 : i32 to vector<16xi32>
        %eq3A_1993 = arith.cmpi eq, %get3A_67, %eq3A_1992 : vector<16xi32>
        %gt3A_1994 = vector.broadcast %squeeze3A_1983 : f32 to vector<16xf32>
        %gt3A_1995 = arith.cmpf ogt, %gt3A_1994, %get3A_115 : vector<16xf32>
        %eq3A_1996 = vector.broadcast %squeeze3A_1983 : f32 to vector<16xf32>
        %eq3A_1997 = arith.cmpf oeq, %eq3A_1996, %get3A_115 : vector<16xf32>
        %lt3A_1998 = vector.broadcast %add3A_1987 : i32 to vector<16xi32>
        %lt3A_1999 = arith.cmpi slt, %lt3A_1998, %add3A_1991 : vector<16xi32>
        %and3A = arith.andi %eq3A_1997, %lt3A_1999 : vector<16xi1>
        %or3A_2000 = arith.ori %gt3A_1995, %and3A : vector<16xi1>
        %and3A_2001 = arith.andi %eq3A_1993, %or3A_2000 : vector<16xi1>
        %convert_element_type3A_2002 = arith.extui %and3A_2001 : vector<16xi1> to vector<16xi32>
        %add3A_2003 = arith.addi %scan3A_1964, %convert_element_type3A_2002 : vector<16xi32>
        %add3A_2004 = arith.constant 16 : i32
        %add3A_2005 = arith.addi %mul3A_2, %add3A_2004 : i32
        %add3A_2006 = vector.broadcast %add3A_2005 : i32 to vector<16xi32>
        %add3A_2007 = arith.addi %add3A_2006, %iota3A : vector<16xi32>
        %eq3A_2008 = vector.broadcast %squeeze3A_1981 : i32 to vector<16xi32>
        %eq3A_2009 = arith.cmpi eq, %get3A_73, %eq3A_2008 : vector<16xi32>
        %gt3A_2010 = vector.broadcast %squeeze3A_1983 : f32 to vector<16xf32>
        %gt3A_2011 = arith.cmpf ogt, %gt3A_2010, %get3A_121 : vector<16xf32>
        %eq3A_2012 = vector.broadcast %squeeze3A_1983 : f32 to vector<16xf32>
        %eq3A_2013 = arith.cmpf oeq, %eq3A_2012, %get3A_121 : vector<16xf32>
        %lt3A_2014 = vector.broadcast %add3A_1987 : i32 to vector<16xi32>
        %lt3A_2015 = arith.cmpi slt, %lt3A_2014, %add3A_2007 : vector<16xi32>
        %and3A_2016 = arith.andi %eq3A_2013, %lt3A_2015 : vector<16xi1>
        %or3A_2017 = arith.ori %gt3A_2011, %and3A_2016 : vector<16xi1>
        %and3A_2018 = arith.andi %eq3A_2009, %or3A_2017 : vector<16xi1>
        %convert_element_type3A_2019 = arith.extui %and3A_2018 : vector<16xi1> to vector<16xi32>
        %add3A_2020 = arith.addi %scan3A_1965, %convert_element_type3A_2019 : vector<16xi32>
        %add3A_2021 = arith.constant 32 : i32
        %add3A_2022 = arith.addi %mul3A_2, %add3A_2021 : i32
        %add3A_2023 = vector.broadcast %add3A_2022 : i32 to vector<16xi32>
        %add3A_2024 = arith.addi %add3A_2023, %iota3A : vector<16xi32>
        %eq3A_2025 = vector.broadcast %squeeze3A_1981 : i32 to vector<16xi32>
        %eq3A_2026 = arith.cmpi eq, %get3A_79, %eq3A_2025 : vector<16xi32>
        %gt3A_2027 = vector.broadcast %squeeze3A_1983 : f32 to vector<16xf32>
        %gt3A_2028 = arith.cmpf ogt, %gt3A_2027, %get3A_127 : vector<16xf32>
        %eq3A_2029 = vector.broadcast %squeeze3A_1983 : f32 to vector<16xf32>
        %eq3A_2030 = arith.cmpf oeq, %eq3A_2029, %get3A_127 : vector<16xf32>
        %lt3A_2031 = vector.broadcast %add3A_1987 : i32 to vector<16xi32>
        %lt3A_2032 = arith.cmpi slt, %lt3A_2031, %add3A_2024 : vector<16xi32>
        %and3A_2033 = arith.andi %eq3A_2030, %lt3A_2032 : vector<16xi1>
        %or3A_2034 = arith.ori %gt3A_2028, %and3A_2033 : vector<16xi1>
        %and3A_2035 = arith.andi %eq3A_2026, %or3A_2034 : vector<16xi1>
        %convert_element_type3A_2036 = arith.extui %and3A_2035 : vector<16xi1> to vector<16xi32>
        %add3A_2037 = arith.addi %scan3A_1966, %convert_element_type3A_2036 : vector<16xi32>
        %add3A_2038 = arith.constant 48 : i32
        %add3A_2039 = arith.addi %mul3A_2, %add3A_2038 : i32
        %add3A_2040 = vector.broadcast %add3A_2039 : i32 to vector<16xi32>
        %add3A_2041 = arith.addi %add3A_2040, %iota3A : vector<16xi32>
        %eq3A_2042 = vector.broadcast %squeeze3A_1981 : i32 to vector<16xi32>
        %eq3A_2043 = arith.cmpi eq, %get3A_85, %eq3A_2042 : vector<16xi32>
        %gt3A_2044 = vector.broadcast %squeeze3A_1983 : f32 to vector<16xf32>
        %gt3A_2045 = arith.cmpf ogt, %gt3A_2044, %get3A_133 : vector<16xf32>
        %eq3A_2046 = vector.broadcast %squeeze3A_1983 : f32 to vector<16xf32>
        %eq3A_2047 = arith.cmpf oeq, %eq3A_2046, %get3A_133 : vector<16xf32>
        %lt3A_2048 = vector.broadcast %add3A_1987 : i32 to vector<16xi32>
        %lt3A_2049 = arith.cmpi slt, %lt3A_2048, %add3A_2041 : vector<16xi32>
        %and3A_2050 = arith.andi %eq3A_2047, %lt3A_2049 : vector<16xi1>
        %or3A_2051 = arith.ori %gt3A_2045, %and3A_2050 : vector<16xi1>
        %and3A_2052 = arith.andi %eq3A_2043, %or3A_2051 : vector<16xi1>
        %convert_element_type3A_2053 = arith.extui %and3A_2052 : vector<16xi1> to vector<16xi32>
        %add3A_2054 = arith.addi %scan3A_1967, %convert_element_type3A_2053 : vector<16xi32>
        %add3A_2055 = arith.constant 64 : i32
        %add3A_2056 = arith.addi %mul3A_2, %add3A_2055 : i32
        %add3A_2057 = vector.broadcast %add3A_2056 : i32 to vector<16xi32>
        %add3A_2058 = arith.addi %add3A_2057, %iota3A : vector<16xi32>
        %eq3A_2059 = vector.broadcast %squeeze3A_1981 : i32 to vector<16xi32>
        %eq3A_2060 = arith.cmpi eq, %get3A_91, %eq3A_2059 : vector<16xi32>
        %gt3A_2061 = vector.broadcast %squeeze3A_1983 : f32 to vector<16xf32>
        %gt3A_2062 = arith.cmpf ogt, %gt3A_2061, %get3A_139 : vector<16xf32>
        %eq3A_2063 = vector.broadcast %squeeze3A_1983 : f32 to vector<16xf32>
        %eq3A_2064 = arith.cmpf oeq, %eq3A_2063, %get3A_139 : vector<16xf32>
        %lt3A_2065 = vector.broadcast %add3A_1987 : i32 to vector<16xi32>
        %lt3A_2066 = arith.cmpi slt, %lt3A_2065, %add3A_2058 : vector<16xi32>
        %and3A_2067 = arith.andi %eq3A_2064, %lt3A_2066 : vector<16xi1>
        %or3A_2068 = arith.ori %gt3A_2062, %and3A_2067 : vector<16xi1>
        %and3A_2069 = arith.andi %eq3A_2060, %or3A_2068 : vector<16xi1>
        %convert_element_type3A_2070 = arith.extui %and3A_2069 : vector<16xi1> to vector<16xi32>
        %add3A_2071 = arith.addi %scan3A_1968, %convert_element_type3A_2070 : vector<16xi32>
        %add3A_2072 = arith.constant 80 : i32
        %add3A_2073 = arith.addi %mul3A_2, %add3A_2072 : i32
        %add3A_2074 = vector.broadcast %add3A_2073 : i32 to vector<16xi32>
        %add3A_2075 = arith.addi %add3A_2074, %iota3A : vector<16xi32>
        %eq3A_2076 = vector.broadcast %squeeze3A_1981 : i32 to vector<16xi32>
        %eq3A_2077 = arith.cmpi eq, %get3A_97, %eq3A_2076 : vector<16xi32>
        %gt3A_2078 = vector.broadcast %squeeze3A_1983 : f32 to vector<16xf32>
        %gt3A_2079 = arith.cmpf ogt, %gt3A_2078, %get3A_145 : vector<16xf32>
        %eq3A_2080 = vector.broadcast %squeeze3A_1983 : f32 to vector<16xf32>
        %eq3A_2081 = arith.cmpf oeq, %eq3A_2080, %get3A_145 : vector<16xf32>
        %lt3A_2082 = vector.broadcast %add3A_1987 : i32 to vector<16xi32>
        %lt3A_2083 = arith.cmpi slt, %lt3A_2082, %add3A_2075 : vector<16xi32>
        %and3A_2084 = arith.andi %eq3A_2081, %lt3A_2083 : vector<16xi1>
        %or3A_2085 = arith.ori %gt3A_2079, %and3A_2084 : vector<16xi1>
        %and3A_2086 = arith.andi %eq3A_2077, %or3A_2085 : vector<16xi1>
        %convert_element_type3A_2087 = arith.extui %and3A_2086 : vector<16xi1> to vector<16xi32>
        %add3A_2088 = arith.addi %scan3A_1969, %convert_element_type3A_2087 : vector<16xi32>
        %add3A_2089 = arith.constant 96 : i32
        %add3A_2090 = arith.addi %mul3A_2, %add3A_2089 : i32
        %add3A_2091 = vector.broadcast %add3A_2090 : i32 to vector<16xi32>
        %add3A_2092 = arith.addi %add3A_2091, %iota3A : vector<16xi32>
        %eq3A_2093 = vector.broadcast %squeeze3A_1981 : i32 to vector<16xi32>
        %eq3A_2094 = arith.cmpi eq, %get3A_103, %eq3A_2093 : vector<16xi32>
        %gt3A_2095 = vector.broadcast %squeeze3A_1983 : f32 to vector<16xf32>
        %gt3A_2096 = arith.cmpf ogt, %gt3A_2095, %get3A_151 : vector<16xf32>
        %eq3A_2097 = vector.broadcast %squeeze3A_1983 : f32 to vector<16xf32>
        %eq3A_2098 = arith.cmpf oeq, %eq3A_2097, %get3A_151 : vector<16xf32>
        %lt3A_2099 = vector.broadcast %add3A_1987 : i32 to vector<16xi32>
        %lt3A_2100 = arith.cmpi slt, %lt3A_2099, %add3A_2092 : vector<16xi32>
        %and3A_2101 = arith.andi %eq3A_2098, %lt3A_2100 : vector<16xi1>
        %or3A_2102 = arith.ori %gt3A_2096, %and3A_2101 : vector<16xi1>
        %and3A_2103 = arith.andi %eq3A_2094, %or3A_2102 : vector<16xi1>
        %convert_element_type3A_2104 = arith.extui %and3A_2103 : vector<16xi1> to vector<16xi32>
        %add3A_2105 = arith.addi %scan3A_1970, %convert_element_type3A_2104 : vector<16xi32>
        %add3A_2106 = arith.constant 112 : i32
        %add3A_2107 = arith.addi %mul3A_2, %add3A_2106 : i32
        %add3A_2108 = vector.broadcast %add3A_2107 : i32 to vector<16xi32>
        %add3A_2109 = arith.addi %add3A_2108, %iota3A : vector<16xi32>
        %eq3A_2110 = vector.broadcast %squeeze3A_1981 : i32 to vector<16xi32>
        %eq3A_2111 = arith.cmpi eq, %get3A_109, %eq3A_2110 : vector<16xi32>
        %gt3A_2112 = vector.broadcast %squeeze3A_1983 : f32 to vector<16xf32>
        %gt3A_2113 = arith.cmpf ogt, %gt3A_2112, %get3A_157 : vector<16xf32>
        %eq3A_2114 = vector.broadcast %squeeze3A_1983 : f32 to vector<16xf32>
        %eq3A_2115 = arith.cmpf oeq, %eq3A_2114, %get3A_157 : vector<16xf32>
        %lt3A_2116 = vector.broadcast %add3A_1987 : i32 to vector<16xi32>
        %lt3A_2117 = arith.cmpi slt, %lt3A_2116, %add3A_2109 : vector<16xi32>
        %and3A_2118 = arith.andi %eq3A_2115, %lt3A_2117 : vector<16xi1>
        %or3A_2119 = arith.ori %gt3A_2113, %and3A_2118 : vector<16xi1>
        %and3A_2120 = arith.andi %eq3A_2111, %or3A_2119 : vector<16xi1>
        %convert_element_type3A_2121 = arith.extui %and3A_2120 : vector<16xi1> to vector<16xi32>
        %add3A_2122 = arith.addi %scan3A_1971, %convert_element_type3A_2121 : vector<16xi32>
        %slice3A_2123 = vector.extract_strided_slice %get3A_1975 {offsets = [1], sizes = [1], strides = [1]} : vector<16xi32> to vector<1xi32>
        %squeeze3A_2124 = vector.extract %slice3A_2123[0] : i32 from vector<1xi32>
        %slice3A_2125 = vector.extract_strided_slice %get3A_1979 {offsets = [1], sizes = [1], strides = [1]} : vector<16xf32> to vector<1xf32>
        %squeeze3A_2126 = vector.extract %slice3A_2125[0] : f32 from vector<1xf32>
        %mul3A_2127 = arith.constant 16 : i32
        %mul3A_2128 = arith.muli %scan3A_1963, %mul3A_2127 : i32
        %add3A_2129 = arith.constant 1 : i32
        %add3A_2130 = arith.addi %mul3A_2128, %add3A_2129 : i32
        %add3A_2131 = arith.constant 0 : i32
        %add3A_2132 = arith.addi %mul3A_2, %add3A_2131 : i32
        %add3A_2133 = vector.broadcast %add3A_2132 : i32 to vector<16xi32>
        %add3A_2134 = arith.addi %add3A_2133, %iota3A : vector<16xi32>
        %eq3A_2135 = vector.broadcast %squeeze3A_2124 : i32 to vector<16xi32>
        %eq3A_2136 = arith.cmpi eq, %get3A_67, %eq3A_2135 : vector<16xi32>
        %gt3A_2137 = vector.broadcast %squeeze3A_2126 : f32 to vector<16xf32>
        %gt3A_2138 = arith.cmpf ogt, %gt3A_2137, %get3A_115 : vector<16xf32>
        %eq3A_2139 = vector.broadcast %squeeze3A_2126 : f32 to vector<16xf32>
        %eq3A_2140 = arith.cmpf oeq, %eq3A_2139, %get3A_115 : vector<16xf32>
        %lt3A_2141 = vector.broadcast %add3A_2130 : i32 to vector<16xi32>
        %lt3A_2142 = arith.cmpi slt, %lt3A_2141, %add3A_2134 : vector<16xi32>
        %and3A_2143 = arith.andi %eq3A_2140, %lt3A_2142 : vector<16xi1>
        %or3A_2144 = arith.ori %gt3A_2138, %and3A_2143 : vector<16xi1>
        %and3A_2145 = arith.andi %eq3A_2136, %or3A_2144 : vector<16xi1>
        %convert_element_type3A_2146 = arith.extui %and3A_2145 : vector<16xi1> to vector<16xi32>
        %add3A_2147 = arith.addi %add3A_2003, %convert_element_type3A_2146 : vector<16xi32>
        %add3A_2148 = arith.constant 16 : i32
        %add3A_2149 = arith.addi %mul3A_2, %add3A_2148 : i32
        %add3A_2150 = vector.broadcast %add3A_2149 : i32 to vector<16xi32>
        %add3A_2151 = arith.addi %add3A_2150, %iota3A : vector<16xi32>
        %eq3A_2152 = vector.broadcast %squeeze3A_2124 : i32 to vector<16xi32>
        %eq3A_2153 = arith.cmpi eq, %get3A_73, %eq3A_2152 : vector<16xi32>
        %gt3A_2154 = vector.broadcast %squeeze3A_2126 : f32 to vector<16xf32>
        %gt3A_2155 = arith.cmpf ogt, %gt3A_2154, %get3A_121 : vector<16xf32>
        %eq3A_2156 = vector.broadcast %squeeze3A_2126 : f32 to vector<16xf32>
        %eq3A_2157 = arith.cmpf oeq, %eq3A_2156, %get3A_121 : vector<16xf32>
        %lt3A_2158 = vector.broadcast %add3A_2130 : i32 to vector<16xi32>
        %lt3A_2159 = arith.cmpi slt, %lt3A_2158, %add3A_2151 : vector<16xi32>
        %and3A_2160 = arith.andi %eq3A_2157, %lt3A_2159 : vector<16xi1>
        %or3A_2161 = arith.ori %gt3A_2155, %and3A_2160 : vector<16xi1>
        %and3A_2162 = arith.andi %eq3A_2153, %or3A_2161 : vector<16xi1>
        %convert_element_type3A_2163 = arith.extui %and3A_2162 : vector<16xi1> to vector<16xi32>
        %add3A_2164 = arith.addi %add3A_2020, %convert_element_type3A_2163 : vector<16xi32>
        %add3A_2165 = arith.constant 32 : i32
        %add3A_2166 = arith.addi %mul3A_2, %add3A_2165 : i32
        %add3A_2167 = vector.broadcast %add3A_2166 : i32 to vector<16xi32>
        %add3A_2168 = arith.addi %add3A_2167, %iota3A : vector<16xi32>
        %eq3A_2169 = vector.broadcast %squeeze3A_2124 : i32 to vector<16xi32>
        %eq3A_2170 = arith.cmpi eq, %get3A_79, %eq3A_2169 : vector<16xi32>
        %gt3A_2171 = vector.broadcast %squeeze3A_2126 : f32 to vector<16xf32>
        %gt3A_2172 = arith.cmpf ogt, %gt3A_2171, %get3A_127 : vector<16xf32>
        %eq3A_2173 = vector.broadcast %squeeze3A_2126 : f32 to vector<16xf32>
        %eq3A_2174 = arith.cmpf oeq, %eq3A_2173, %get3A_127 : vector<16xf32>
        %lt3A_2175 = vector.broadcast %add3A_2130 : i32 to vector<16xi32>
        %lt3A_2176 = arith.cmpi slt, %lt3A_2175, %add3A_2168 : vector<16xi32>
        %and3A_2177 = arith.andi %eq3A_2174, %lt3A_2176 : vector<16xi1>
        %or3A_2178 = arith.ori %gt3A_2172, %and3A_2177 : vector<16xi1>
        %and3A_2179 = arith.andi %eq3A_2170, %or3A_2178 : vector<16xi1>
        %convert_element_type3A_2180 = arith.extui %and3A_2179 : vector<16xi1> to vector<16xi32>
        %add3A_2181 = arith.addi %add3A_2037, %convert_element_type3A_2180 : vector<16xi32>
        %add3A_2182 = arith.constant 48 : i32
        %add3A_2183 = arith.addi %mul3A_2, %add3A_2182 : i32
        %add3A_2184 = vector.broadcast %add3A_2183 : i32 to vector<16xi32>
        %add3A_2185 = arith.addi %add3A_2184, %iota3A : vector<16xi32>
        %eq3A_2186 = vector.broadcast %squeeze3A_2124 : i32 to vector<16xi32>
        %eq3A_2187 = arith.cmpi eq, %get3A_85, %eq3A_2186 : vector<16xi32>
        %gt3A_2188 = vector.broadcast %squeeze3A_2126 : f32 to vector<16xf32>
        %gt3A_2189 = arith.cmpf ogt, %gt3A_2188, %get3A_133 : vector<16xf32>
        %eq3A_2190 = vector.broadcast %squeeze3A_2126 : f32 to vector<16xf32>
        %eq3A_2191 = arith.cmpf oeq, %eq3A_2190, %get3A_133 : vector<16xf32>
        %lt3A_2192 = vector.broadcast %add3A_2130 : i32 to vector<16xi32>
        %lt3A_2193 = arith.cmpi slt, %lt3A_2192, %add3A_2185 : vector<16xi32>
        %and3A_2194 = arith.andi %eq3A_2191, %lt3A_2193 : vector<16xi1>
        %or3A_2195 = arith.ori %gt3A_2189, %and3A_2194 : vector<16xi1>
        %and3A_2196 = arith.andi %eq3A_2187, %or3A_2195 : vector<16xi1>
        %convert_element_type3A_2197 = arith.extui %and3A_2196 : vector<16xi1> to vector<16xi32>
        %add3A_2198 = arith.addi %add3A_2054, %convert_element_type3A_2197 : vector<16xi32>
        %add3A_2199 = arith.constant 64 : i32
        %add3A_2200 = arith.addi %mul3A_2, %add3A_2199 : i32
        %add3A_2201 = vector.broadcast %add3A_2200 : i32 to vector<16xi32>
        %add3A_2202 = arith.addi %add3A_2201, %iota3A : vector<16xi32>
        %eq3A_2203 = vector.broadcast %squeeze3A_2124 : i32 to vector<16xi32>
        %eq3A_2204 = arith.cmpi eq, %get3A_91, %eq3A_2203 : vector<16xi32>
        %gt3A_2205 = vector.broadcast %squeeze3A_2126 : f32 to vector<16xf32>
        %gt3A_2206 = arith.cmpf ogt, %gt3A_2205, %get3A_139 : vector<16xf32>
        %eq3A_2207 = vector.broadcast %squeeze3A_2126 : f32 to vector<16xf32>
        %eq3A_2208 = arith.cmpf oeq, %eq3A_2207, %get3A_139 : vector<16xf32>
        %lt3A_2209 = vector.broadcast %add3A_2130 : i32 to vector<16xi32>
        %lt3A_2210 = arith.cmpi slt, %lt3A_2209, %add3A_2202 : vector<16xi32>
        %and3A_2211 = arith.andi %eq3A_2208, %lt3A_2210 : vector<16xi1>
        %or3A_2212 = arith.ori %gt3A_2206, %and3A_2211 : vector<16xi1>
        %and3A_2213 = arith.andi %eq3A_2204, %or3A_2212 : vector<16xi1>
        %convert_element_type3A_2214 = arith.extui %and3A_2213 : vector<16xi1> to vector<16xi32>
        %add3A_2215 = arith.addi %add3A_2071, %convert_element_type3A_2214 : vector<16xi32>
        %add3A_2216 = arith.constant 80 : i32
        %add3A_2217 = arith.addi %mul3A_2, %add3A_2216 : i32
        %add3A_2218 = vector.broadcast %add3A_2217 : i32 to vector<16xi32>
        %add3A_2219 = arith.addi %add3A_2218, %iota3A : vector<16xi32>
        %eq3A_2220 = vector.broadcast %squeeze3A_2124 : i32 to vector<16xi32>
        %eq3A_2221 = arith.cmpi eq, %get3A_97, %eq3A_2220 : vector<16xi32>
        %gt3A_2222 = vector.broadcast %squeeze3A_2126 : f32 to vector<16xf32>
        %gt3A_2223 = arith.cmpf ogt, %gt3A_2222, %get3A_145 : vector<16xf32>
        %eq3A_2224 = vector.broadcast %squeeze3A_2126 : f32 to vector<16xf32>
        %eq3A_2225 = arith.cmpf oeq, %eq3A_2224, %get3A_145 : vector<16xf32>
        %lt3A_2226 = vector.broadcast %add3A_2130 : i32 to vector<16xi32>
        %lt3A_2227 = arith.cmpi slt, %lt3A_2226, %add3A_2219 : vector<16xi32>
        %and3A_2228 = arith.andi %eq3A_2225, %lt3A_2227 : vector<16xi1>
        %or3A_2229 = arith.ori %gt3A_2223, %and3A_2228 : vector<16xi1>
        %and3A_2230 = arith.andi %eq3A_2221, %or3A_2229 : vector<16xi1>
        %convert_element_type3A_2231 = arith.extui %and3A_2230 : vector<16xi1> to vector<16xi32>
        %add3A_2232 = arith.addi %add3A_2088, %convert_element_type3A_2231 : vector<16xi32>
        %add3A_2233 = arith.constant 96 : i32
        %add3A_2234 = arith.addi %mul3A_2, %add3A_2233 : i32
        %add3A_2235 = vector.broadcast %add3A_2234 : i32 to vector<16xi32>
        %add3A_2236 = arith.addi %add3A_2235, %iota3A : vector<16xi32>
        %eq3A_2237 = vector.broadcast %squeeze3A_2124 : i32 to vector<16xi32>
        %eq3A_2238 = arith.cmpi eq, %get3A_103, %eq3A_2237 : vector<16xi32>
        %gt3A_2239 = vector.broadcast %squeeze3A_2126 : f32 to vector<16xf32>
        %gt3A_2240 = arith.cmpf ogt, %gt3A_2239, %get3A_151 : vector<16xf32>
        %eq3A_2241 = vector.broadcast %squeeze3A_2126 : f32 to vector<16xf32>
        %eq3A_2242 = arith.cmpf oeq, %eq3A_2241, %get3A_151 : vector<16xf32>
        %lt3A_2243 = vector.broadcast %add3A_2130 : i32 to vector<16xi32>
        %lt3A_2244 = arith.cmpi slt, %lt3A_2243, %add3A_2236 : vector<16xi32>
        %and3A_2245 = arith.andi %eq3A_2242, %lt3A_2244 : vector<16xi1>
        %or3A_2246 = arith.ori %gt3A_2240, %and3A_2245 : vector<16xi1>
        %and3A_2247 = arith.andi %eq3A_2238, %or3A_2246 : vector<16xi1>
        %convert_element_type3A_2248 = arith.extui %and3A_2247 : vector<16xi1> to vector<16xi32>
        %add3A_2249 = arith.addi %add3A_2105, %convert_element_type3A_2248 : vector<16xi32>
        %add3A_2250 = arith.constant 112 : i32
        %add3A_2251 = arith.addi %mul3A_2, %add3A_2250 : i32
        %add3A_2252 = vector.broadcast %add3A_2251 : i32 to vector<16xi32>
        %add3A_2253 = arith.addi %add3A_2252, %iota3A : vector<16xi32>
        %eq3A_2254 = vector.broadcast %squeeze3A_2124 : i32 to vector<16xi32>
        %eq3A_2255 = arith.cmpi eq, %get3A_109, %eq3A_2254 : vector<16xi32>
        %gt3A_2256 = vector.broadcast %squeeze3A_2126 : f32 to vector<16xf32>
        %gt3A_2257 = arith.cmpf ogt, %gt3A_2256, %get3A_157 : vector<16xf32>
        %eq3A_2258 = vector.broadcast %squeeze3A_2126 : f32 to vector<16xf32>
        %eq3A_2259 = arith.cmpf oeq, %eq3A_2258, %get3A_157 : vector<16xf32>
        %lt3A_2260 = vector.broadcast %add3A_2130 : i32 to vector<16xi32>
        %lt3A_2261 = arith.cmpi slt, %lt3A_2260, %add3A_2253 : vector<16xi32>
        %and3A_2262 = arith.andi %eq3A_2259, %lt3A_2261 : vector<16xi1>
        %or3A_2263 = arith.ori %gt3A_2257, %and3A_2262 : vector<16xi1>
        %and3A_2264 = arith.andi %eq3A_2255, %or3A_2263 : vector<16xi1>
        %convert_element_type3A_2265 = arith.extui %and3A_2264 : vector<16xi1> to vector<16xi32>
        %add3A_2266 = arith.addi %add3A_2122, %convert_element_type3A_2265 : vector<16xi32>
        %slice3A_2267 = vector.extract_strided_slice %get3A_1975 {offsets = [2], sizes = [1], strides = [1]} : vector<16xi32> to vector<1xi32>
        %squeeze3A_2268 = vector.extract %slice3A_2267[0] : i32 from vector<1xi32>
        %slice3A_2269 = vector.extract_strided_slice %get3A_1979 {offsets = [2], sizes = [1], strides = [1]} : vector<16xf32> to vector<1xf32>
        %squeeze3A_2270 = vector.extract %slice3A_2269[0] : f32 from vector<1xf32>
        %mul3A_2271 = arith.constant 16 : i32
        %mul3A_2272 = arith.muli %scan3A_1963, %mul3A_2271 : i32
        %add3A_2273 = arith.constant 2 : i32
        %add3A_2274 = arith.addi %mul3A_2272, %add3A_2273 : i32
        %add3A_2275 = arith.constant 0 : i32
        %add3A_2276 = arith.addi %mul3A_2, %add3A_2275 : i32
        %add3A_2277 = vector.broadcast %add3A_2276 : i32 to vector<16xi32>
        %add3A_2278 = arith.addi %add3A_2277, %iota3A : vector<16xi32>
        %eq3A_2279 = vector.broadcast %squeeze3A_2268 : i32 to vector<16xi32>
        %eq3A_2280 = arith.cmpi eq, %get3A_67, %eq3A_2279 : vector<16xi32>
        %gt3A_2281 = vector.broadcast %squeeze3A_2270 : f32 to vector<16xf32>
        %gt3A_2282 = arith.cmpf ogt, %gt3A_2281, %get3A_115 : vector<16xf32>
        %eq3A_2283 = vector.broadcast %squeeze3A_2270 : f32 to vector<16xf32>
        %eq3A_2284 = arith.cmpf oeq, %eq3A_2283, %get3A_115 : vector<16xf32>
        %lt3A_2285 = vector.broadcast %add3A_2274 : i32 to vector<16xi32>
        %lt3A_2286 = arith.cmpi slt, %lt3A_2285, %add3A_2278 : vector<16xi32>
        %and3A_2287 = arith.andi %eq3A_2284, %lt3A_2286 : vector<16xi1>
        %or3A_2288 = arith.ori %gt3A_2282, %and3A_2287 : vector<16xi1>
        %and3A_2289 = arith.andi %eq3A_2280, %or3A_2288 : vector<16xi1>
        %convert_element_type3A_2290 = arith.extui %and3A_2289 : vector<16xi1> to vector<16xi32>
        %add3A_2291 = arith.addi %add3A_2147, %convert_element_type3A_2290 : vector<16xi32>
        %add3A_2292 = arith.constant 16 : i32
        %add3A_2293 = arith.addi %mul3A_2, %add3A_2292 : i32
        %add3A_2294 = vector.broadcast %add3A_2293 : i32 to vector<16xi32>
        %add3A_2295 = arith.addi %add3A_2294, %iota3A : vector<16xi32>
        %eq3A_2296 = vector.broadcast %squeeze3A_2268 : i32 to vector<16xi32>
        %eq3A_2297 = arith.cmpi eq, %get3A_73, %eq3A_2296 : vector<16xi32>
        %gt3A_2298 = vector.broadcast %squeeze3A_2270 : f32 to vector<16xf32>
        %gt3A_2299 = arith.cmpf ogt, %gt3A_2298, %get3A_121 : vector<16xf32>
        %eq3A_2300 = vector.broadcast %squeeze3A_2270 : f32 to vector<16xf32>
        %eq3A_2301 = arith.cmpf oeq, %eq3A_2300, %get3A_121 : vector<16xf32>
        %lt3A_2302 = vector.broadcast %add3A_2274 : i32 to vector<16xi32>
        %lt3A_2303 = arith.cmpi slt, %lt3A_2302, %add3A_2295 : vector<16xi32>
        %and3A_2304 = arith.andi %eq3A_2301, %lt3A_2303 : vector<16xi1>
        %or3A_2305 = arith.ori %gt3A_2299, %and3A_2304 : vector<16xi1>
        %and3A_2306 = arith.andi %eq3A_2297, %or3A_2305 : vector<16xi1>
        %convert_element_type3A_2307 = arith.extui %and3A_2306 : vector<16xi1> to vector<16xi32>
        %add3A_2308 = arith.addi %add3A_2164, %convert_element_type3A_2307 : vector<16xi32>
        %add3A_2309 = arith.constant 32 : i32
        %add3A_2310 = arith.addi %mul3A_2, %add3A_2309 : i32
        %add3A_2311 = vector.broadcast %add3A_2310 : i32 to vector<16xi32>
        %add3A_2312 = arith.addi %add3A_2311, %iota3A : vector<16xi32>
        %eq3A_2313 = vector.broadcast %squeeze3A_2268 : i32 to vector<16xi32>
        %eq3A_2314 = arith.cmpi eq, %get3A_79, %eq3A_2313 : vector<16xi32>
        %gt3A_2315 = vector.broadcast %squeeze3A_2270 : f32 to vector<16xf32>
        %gt3A_2316 = arith.cmpf ogt, %gt3A_2315, %get3A_127 : vector<16xf32>
        %eq3A_2317 = vector.broadcast %squeeze3A_2270 : f32 to vector<16xf32>
        %eq3A_2318 = arith.cmpf oeq, %eq3A_2317, %get3A_127 : vector<16xf32>
        %lt3A_2319 = vector.broadcast %add3A_2274 : i32 to vector<16xi32>
        %lt3A_2320 = arith.cmpi slt, %lt3A_2319, %add3A_2312 : vector<16xi32>
        %and3A_2321 = arith.andi %eq3A_2318, %lt3A_2320 : vector<16xi1>
        %or3A_2322 = arith.ori %gt3A_2316, %and3A_2321 : vector<16xi1>
        %and3A_2323 = arith.andi %eq3A_2314, %or3A_2322 : vector<16xi1>
        %convert_element_type3A_2324 = arith.extui %and3A_2323 : vector<16xi1> to vector<16xi32>
        %add3A_2325 = arith.addi %add3A_2181, %convert_element_type3A_2324 : vector<16xi32>
        %add3A_2326 = arith.constant 48 : i32
        %add3A_2327 = arith.addi %mul3A_2, %add3A_2326 : i32
        %add3A_2328 = vector.broadcast %add3A_2327 : i32 to vector<16xi32>
        %add3A_2329 = arith.addi %add3A_2328, %iota3A : vector<16xi32>
        %eq3A_2330 = vector.broadcast %squeeze3A_2268 : i32 to vector<16xi32>
        %eq3A_2331 = arith.cmpi eq, %get3A_85, %eq3A_2330 : vector<16xi32>
        %gt3A_2332 = vector.broadcast %squeeze3A_2270 : f32 to vector<16xf32>
        %gt3A_2333 = arith.cmpf ogt, %gt3A_2332, %get3A_133 : vector<16xf32>
        %eq3A_2334 = vector.broadcast %squeeze3A_2270 : f32 to vector<16xf32>
        %eq3A_2335 = arith.cmpf oeq, %eq3A_2334, %get3A_133 : vector<16xf32>
        %lt3A_2336 = vector.broadcast %add3A_2274 : i32 to vector<16xi32>
        %lt3A_2337 = arith.cmpi slt, %lt3A_2336, %add3A_2329 : vector<16xi32>
        %and3A_2338 = arith.andi %eq3A_2335, %lt3A_2337 : vector<16xi1>
        %or3A_2339 = arith.ori %gt3A_2333, %and3A_2338 : vector<16xi1>
        %and3A_2340 = arith.andi %eq3A_2331, %or3A_2339 : vector<16xi1>
        %convert_element_type3A_2341 = arith.extui %and3A_2340 : vector<16xi1> to vector<16xi32>
        %add3A_2342 = arith.addi %add3A_2198, %convert_element_type3A_2341 : vector<16xi32>
        %add3A_2343 = arith.constant 64 : i32
        %add3A_2344 = arith.addi %mul3A_2, %add3A_2343 : i32
        %add3A_2345 = vector.broadcast %add3A_2344 : i32 to vector<16xi32>
        %add3A_2346 = arith.addi %add3A_2345, %iota3A : vector<16xi32>
        %eq3A_2347 = vector.broadcast %squeeze3A_2268 : i32 to vector<16xi32>
        %eq3A_2348 = arith.cmpi eq, %get3A_91, %eq3A_2347 : vector<16xi32>
        %gt3A_2349 = vector.broadcast %squeeze3A_2270 : f32 to vector<16xf32>
        %gt3A_2350 = arith.cmpf ogt, %gt3A_2349, %get3A_139 : vector<16xf32>
        %eq3A_2351 = vector.broadcast %squeeze3A_2270 : f32 to vector<16xf32>
        %eq3A_2352 = arith.cmpf oeq, %eq3A_2351, %get3A_139 : vector<16xf32>
        %lt3A_2353 = vector.broadcast %add3A_2274 : i32 to vector<16xi32>
        %lt3A_2354 = arith.cmpi slt, %lt3A_2353, %add3A_2346 : vector<16xi32>
        %and3A_2355 = arith.andi %eq3A_2352, %lt3A_2354 : vector<16xi1>
        %or3A_2356 = arith.ori %gt3A_2350, %and3A_2355 : vector<16xi1>
        %and3A_2357 = arith.andi %eq3A_2348, %or3A_2356 : vector<16xi1>
        %convert_element_type3A_2358 = arith.extui %and3A_2357 : vector<16xi1> to vector<16xi32>
        %add3A_2359 = arith.addi %add3A_2215, %convert_element_type3A_2358 : vector<16xi32>
        %add3A_2360 = arith.constant 80 : i32
        %add3A_2361 = arith.addi %mul3A_2, %add3A_2360 : i32
        %add3A_2362 = vector.broadcast %add3A_2361 : i32 to vector<16xi32>
        %add3A_2363 = arith.addi %add3A_2362, %iota3A : vector<16xi32>
        %eq3A_2364 = vector.broadcast %squeeze3A_2268 : i32 to vector<16xi32>
        %eq3A_2365 = arith.cmpi eq, %get3A_97, %eq3A_2364 : vector<16xi32>
        %gt3A_2366 = vector.broadcast %squeeze3A_2270 : f32 to vector<16xf32>
        %gt3A_2367 = arith.cmpf ogt, %gt3A_2366, %get3A_145 : vector<16xf32>
        %eq3A_2368 = vector.broadcast %squeeze3A_2270 : f32 to vector<16xf32>
        %eq3A_2369 = arith.cmpf oeq, %eq3A_2368, %get3A_145 : vector<16xf32>
        %lt3A_2370 = vector.broadcast %add3A_2274 : i32 to vector<16xi32>
        %lt3A_2371 = arith.cmpi slt, %lt3A_2370, %add3A_2363 : vector<16xi32>
        %and3A_2372 = arith.andi %eq3A_2369, %lt3A_2371 : vector<16xi1>
        %or3A_2373 = arith.ori %gt3A_2367, %and3A_2372 : vector<16xi1>
        %and3A_2374 = arith.andi %eq3A_2365, %or3A_2373 : vector<16xi1>
        %convert_element_type3A_2375 = arith.extui %and3A_2374 : vector<16xi1> to vector<16xi32>
        %add3A_2376 = arith.addi %add3A_2232, %convert_element_type3A_2375 : vector<16xi32>
        %add3A_2377 = arith.constant 96 : i32
        %add3A_2378 = arith.addi %mul3A_2, %add3A_2377 : i32
        %add3A_2379 = vector.broadcast %add3A_2378 : i32 to vector<16xi32>
        %add3A_2380 = arith.addi %add3A_2379, %iota3A : vector<16xi32>
        %eq3A_2381 = vector.broadcast %squeeze3A_2268 : i32 to vector<16xi32>
        %eq3A_2382 = arith.cmpi eq, %get3A_103, %eq3A_2381 : vector<16xi32>
        %gt3A_2383 = vector.broadcast %squeeze3A_2270 : f32 to vector<16xf32>
        %gt3A_2384 = arith.cmpf ogt, %gt3A_2383, %get3A_151 : vector<16xf32>
        %eq3A_2385 = vector.broadcast %squeeze3A_2270 : f32 to vector<16xf32>
        %eq3A_2386 = arith.cmpf oeq, %eq3A_2385, %get3A_151 : vector<16xf32>
        %lt3A_2387 = vector.broadcast %add3A_2274 : i32 to vector<16xi32>
        %lt3A_2388 = arith.cmpi slt, %lt3A_2387, %add3A_2380 : vector<16xi32>
        %and3A_2389 = arith.andi %eq3A_2386, %lt3A_2388 : vector<16xi1>
        %or3A_2390 = arith.ori %gt3A_2384, %and3A_2389 : vector<16xi1>
        %and3A_2391 = arith.andi %eq3A_2382, %or3A_2390 : vector<16xi1>
        %convert_element_type3A_2392 = arith.extui %and3A_2391 : vector<16xi1> to vector<16xi32>
        %add3A_2393 = arith.addi %add3A_2249, %convert_element_type3A_2392 : vector<16xi32>
        %add3A_2394 = arith.constant 112 : i32
        %add3A_2395 = arith.addi %mul3A_2, %add3A_2394 : i32
        %add3A_2396 = vector.broadcast %add3A_2395 : i32 to vector<16xi32>
        %add3A_2397 = arith.addi %add3A_2396, %iota3A : vector<16xi32>
        %eq3A_2398 = vector.broadcast %squeeze3A_2268 : i32 to vector<16xi32>
        %eq3A_2399 = arith.cmpi eq, %get3A_109, %eq3A_2398 : vector<16xi32>
        %gt3A_2400 = vector.broadcast %squeeze3A_2270 : f32 to vector<16xf32>
        %gt3A_2401 = arith.cmpf ogt, %gt3A_2400, %get3A_157 : vector<16xf32>
        %eq3A_2402 = vector.broadcast %squeeze3A_2270 : f32 to vector<16xf32>
        %eq3A_2403 = arith.cmpf oeq, %eq3A_2402, %get3A_157 : vector<16xf32>
        %lt3A_2404 = vector.broadcast %add3A_2274 : i32 to vector<16xi32>
        %lt3A_2405 = arith.cmpi slt, %lt3A_2404, %add3A_2397 : vector<16xi32>
        %and3A_2406 = arith.andi %eq3A_2403, %lt3A_2405 : vector<16xi1>
        %or3A_2407 = arith.ori %gt3A_2401, %and3A_2406 : vector<16xi1>
        %and3A_2408 = arith.andi %eq3A_2399, %or3A_2407 : vector<16xi1>
        %convert_element_type3A_2409 = arith.extui %and3A_2408 : vector<16xi1> to vector<16xi32>
        %add3A_2410 = arith.addi %add3A_2266, %convert_element_type3A_2409 : vector<16xi32>
        %slice3A_2411 = vector.extract_strided_slice %get3A_1975 {offsets = [3], sizes = [1], strides = [1]} : vector<16xi32> to vector<1xi32>
        %squeeze3A_2412 = vector.extract %slice3A_2411[0] : i32 from vector<1xi32>
        %slice3A_2413 = vector.extract_strided_slice %get3A_1979 {offsets = [3], sizes = [1], strides = [1]} : vector<16xf32> to vector<1xf32>
        %squeeze3A_2414 = vector.extract %slice3A_2413[0] : f32 from vector<1xf32>
        %mul3A_2415 = arith.constant 16 : i32
        %mul3A_2416 = arith.muli %scan3A_1963, %mul3A_2415 : i32
        %add3A_2417 = arith.constant 3 : i32
        %add3A_2418 = arith.addi %mul3A_2416, %add3A_2417 : i32
        %add3A_2419 = arith.constant 0 : i32
        %add3A_2420 = arith.addi %mul3A_2, %add3A_2419 : i32
        %add3A_2421 = vector.broadcast %add3A_2420 : i32 to vector<16xi32>
        %add3A_2422 = arith.addi %add3A_2421, %iota3A : vector<16xi32>
        %eq3A_2423 = vector.broadcast %squeeze3A_2412 : i32 to vector<16xi32>
        %eq3A_2424 = arith.cmpi eq, %get3A_67, %eq3A_2423 : vector<16xi32>
        %gt3A_2425 = vector.broadcast %squeeze3A_2414 : f32 to vector<16xf32>
        %gt3A_2426 = arith.cmpf ogt, %gt3A_2425, %get3A_115 : vector<16xf32>
        %eq3A_2427 = vector.broadcast %squeeze3A_2414 : f32 to vector<16xf32>
        %eq3A_2428 = arith.cmpf oeq, %eq3A_2427, %get3A_115 : vector<16xf32>
        %lt3A_2429 = vector.broadcast %add3A_2418 : i32 to vector<16xi32>
        %lt3A_2430 = arith.cmpi slt, %lt3A_2429, %add3A_2422 : vector<16xi32>
        %and3A_2431 = arith.andi %eq3A_2428, %lt3A_2430 : vector<16xi1>
        %or3A_2432 = arith.ori %gt3A_2426, %and3A_2431 : vector<16xi1>
        %and3A_2433 = arith.andi %eq3A_2424, %or3A_2432 : vector<16xi1>
        %convert_element_type3A_2434 = arith.extui %and3A_2433 : vector<16xi1> to vector<16xi32>
        %add3A_2435 = arith.addi %add3A_2291, %convert_element_type3A_2434 : vector<16xi32>
        %add3A_2436 = arith.constant 16 : i32
        %add3A_2437 = arith.addi %mul3A_2, %add3A_2436 : i32
        %add3A_2438 = vector.broadcast %add3A_2437 : i32 to vector<16xi32>
        %add3A_2439 = arith.addi %add3A_2438, %iota3A : vector<16xi32>
        %eq3A_2440 = vector.broadcast %squeeze3A_2412 : i32 to vector<16xi32>
        %eq3A_2441 = arith.cmpi eq, %get3A_73, %eq3A_2440 : vector<16xi32>
        %gt3A_2442 = vector.broadcast %squeeze3A_2414 : f32 to vector<16xf32>
        %gt3A_2443 = arith.cmpf ogt, %gt3A_2442, %get3A_121 : vector<16xf32>
        %eq3A_2444 = vector.broadcast %squeeze3A_2414 : f32 to vector<16xf32>
        %eq3A_2445 = arith.cmpf oeq, %eq3A_2444, %get3A_121 : vector<16xf32>
        %lt3A_2446 = vector.broadcast %add3A_2418 : i32 to vector<16xi32>
        %lt3A_2447 = arith.cmpi slt, %lt3A_2446, %add3A_2439 : vector<16xi32>
        %and3A_2448 = arith.andi %eq3A_2445, %lt3A_2447 : vector<16xi1>
        %or3A_2449 = arith.ori %gt3A_2443, %and3A_2448 : vector<16xi1>
        %and3A_2450 = arith.andi %eq3A_2441, %or3A_2449 : vector<16xi1>
        %convert_element_type3A_2451 = arith.extui %and3A_2450 : vector<16xi1> to vector<16xi32>
        %add3A_2452 = arith.addi %add3A_2308, %convert_element_type3A_2451 : vector<16xi32>
        %add3A_2453 = arith.constant 32 : i32
        %add3A_2454 = arith.addi %mul3A_2, %add3A_2453 : i32
        %add3A_2455 = vector.broadcast %add3A_2454 : i32 to vector<16xi32>
        %add3A_2456 = arith.addi %add3A_2455, %iota3A : vector<16xi32>
        %eq3A_2457 = vector.broadcast %squeeze3A_2412 : i32 to vector<16xi32>
        %eq3A_2458 = arith.cmpi eq, %get3A_79, %eq3A_2457 : vector<16xi32>
        %gt3A_2459 = vector.broadcast %squeeze3A_2414 : f32 to vector<16xf32>
        %gt3A_2460 = arith.cmpf ogt, %gt3A_2459, %get3A_127 : vector<16xf32>
        %eq3A_2461 = vector.broadcast %squeeze3A_2414 : f32 to vector<16xf32>
        %eq3A_2462 = arith.cmpf oeq, %eq3A_2461, %get3A_127 : vector<16xf32>
        %lt3A_2463 = vector.broadcast %add3A_2418 : i32 to vector<16xi32>
        %lt3A_2464 = arith.cmpi slt, %lt3A_2463, %add3A_2456 : vector<16xi32>
        %and3A_2465 = arith.andi %eq3A_2462, %lt3A_2464 : vector<16xi1>
        %or3A_2466 = arith.ori %gt3A_2460, %and3A_2465 : vector<16xi1>
        %and3A_2467 = arith.andi %eq3A_2458, %or3A_2466 : vector<16xi1>
        %convert_element_type3A_2468 = arith.extui %and3A_2467 : vector<16xi1> to vector<16xi32>
        %add3A_2469 = arith.addi %add3A_2325, %convert_element_type3A_2468 : vector<16xi32>
        %add3A_2470 = arith.constant 48 : i32
        %add3A_2471 = arith.addi %mul3A_2, %add3A_2470 : i32
        %add3A_2472 = vector.broadcast %add3A_2471 : i32 to vector<16xi32>
        %add3A_2473 = arith.addi %add3A_2472, %iota3A : vector<16xi32>
        %eq3A_2474 = vector.broadcast %squeeze3A_2412 : i32 to vector<16xi32>
        %eq3A_2475 = arith.cmpi eq, %get3A_85, %eq3A_2474 : vector<16xi32>
        %gt3A_2476 = vector.broadcast %squeeze3A_2414 : f32 to vector<16xf32>
        %gt3A_2477 = arith.cmpf ogt, %gt3A_2476, %get3A_133 : vector<16xf32>
        %eq3A_2478 = vector.broadcast %squeeze3A_2414 : f32 to vector<16xf32>
        %eq3A_2479 = arith.cmpf oeq, %eq3A_2478, %get3A_133 : vector<16xf32>
        %lt3A_2480 = vector.broadcast %add3A_2418 : i32 to vector<16xi32>
        %lt3A_2481 = arith.cmpi slt, %lt3A_2480, %add3A_2473 : vector<16xi32>
        %and3A_2482 = arith.andi %eq3A_2479, %lt3A_2481 : vector<16xi1>
        %or3A_2483 = arith.ori %gt3A_2477, %and3A_2482 : vector<16xi1>
        %and3A_2484 = arith.andi %eq3A_2475, %or3A_2483 : vector<16xi1>
        %convert_element_type3A_2485 = arith.extui %and3A_2484 : vector<16xi1> to vector<16xi32>
        %add3A_2486 = arith.addi %add3A_2342, %convert_element_type3A_2485 : vector<16xi32>
        %add3A_2487 = arith.constant 64 : i32
        %add3A_2488 = arith.addi %mul3A_2, %add3A_2487 : i32
        %add3A_2489 = vector.broadcast %add3A_2488 : i32 to vector<16xi32>
        %add3A_2490 = arith.addi %add3A_2489, %iota3A : vector<16xi32>
        %eq3A_2491 = vector.broadcast %squeeze3A_2412 : i32 to vector<16xi32>
        %eq3A_2492 = arith.cmpi eq, %get3A_91, %eq3A_2491 : vector<16xi32>
        %gt3A_2493 = vector.broadcast %squeeze3A_2414 : f32 to vector<16xf32>
        %gt3A_2494 = arith.cmpf ogt, %gt3A_2493, %get3A_139 : vector<16xf32>
        %eq3A_2495 = vector.broadcast %squeeze3A_2414 : f32 to vector<16xf32>
        %eq3A_2496 = arith.cmpf oeq, %eq3A_2495, %get3A_139 : vector<16xf32>
        %lt3A_2497 = vector.broadcast %add3A_2418 : i32 to vector<16xi32>
        %lt3A_2498 = arith.cmpi slt, %lt3A_2497, %add3A_2490 : vector<16xi32>
        %and3A_2499 = arith.andi %eq3A_2496, %lt3A_2498 : vector<16xi1>
        %or3A_2500 = arith.ori %gt3A_2494, %and3A_2499 : vector<16xi1>
        %and3A_2501 = arith.andi %eq3A_2492, %or3A_2500 : vector<16xi1>
        %convert_element_type3A_2502 = arith.extui %and3A_2501 : vector<16xi1> to vector<16xi32>
        %add3A_2503 = arith.addi %add3A_2359, %convert_element_type3A_2502 : vector<16xi32>
        %add3A_2504 = arith.constant 80 : i32
        %add3A_2505 = arith.addi %mul3A_2, %add3A_2504 : i32
        %add3A_2506 = vector.broadcast %add3A_2505 : i32 to vector<16xi32>
        %add3A_2507 = arith.addi %add3A_2506, %iota3A : vector<16xi32>
        %eq3A_2508 = vector.broadcast %squeeze3A_2412 : i32 to vector<16xi32>
        %eq3A_2509 = arith.cmpi eq, %get3A_97, %eq3A_2508 : vector<16xi32>
        %gt3A_2510 = vector.broadcast %squeeze3A_2414 : f32 to vector<16xf32>
        %gt3A_2511 = arith.cmpf ogt, %gt3A_2510, %get3A_145 : vector<16xf32>
        %eq3A_2512 = vector.broadcast %squeeze3A_2414 : f32 to vector<16xf32>
        %eq3A_2513 = arith.cmpf oeq, %eq3A_2512, %get3A_145 : vector<16xf32>
        %lt3A_2514 = vector.broadcast %add3A_2418 : i32 to vector<16xi32>
        %lt3A_2515 = arith.cmpi slt, %lt3A_2514, %add3A_2507 : vector<16xi32>
        %and3A_2516 = arith.andi %eq3A_2513, %lt3A_2515 : vector<16xi1>
        %or3A_2517 = arith.ori %gt3A_2511, %and3A_2516 : vector<16xi1>
        %and3A_2518 = arith.andi %eq3A_2509, %or3A_2517 : vector<16xi1>
        %convert_element_type3A_2519 = arith.extui %and3A_2518 : vector<16xi1> to vector<16xi32>
        %add3A_2520 = arith.addi %add3A_2376, %convert_element_type3A_2519 : vector<16xi32>
        %add3A_2521 = arith.constant 96 : i32
        %add3A_2522 = arith.addi %mul3A_2, %add3A_2521 : i32
        %add3A_2523 = vector.broadcast %add3A_2522 : i32 to vector<16xi32>
        %add3A_2524 = arith.addi %add3A_2523, %iota3A : vector<16xi32>
        %eq3A_2525 = vector.broadcast %squeeze3A_2412 : i32 to vector<16xi32>
        %eq3A_2526 = arith.cmpi eq, %get3A_103, %eq3A_2525 : vector<16xi32>
        %gt3A_2527 = vector.broadcast %squeeze3A_2414 : f32 to vector<16xf32>
        %gt3A_2528 = arith.cmpf ogt, %gt3A_2527, %get3A_151 : vector<16xf32>
        %eq3A_2529 = vector.broadcast %squeeze3A_2414 : f32 to vector<16xf32>
        %eq3A_2530 = arith.cmpf oeq, %eq3A_2529, %get3A_151 : vector<16xf32>
        %lt3A_2531 = vector.broadcast %add3A_2418 : i32 to vector<16xi32>
        %lt3A_2532 = arith.cmpi slt, %lt3A_2531, %add3A_2524 : vector<16xi32>
        %and3A_2533 = arith.andi %eq3A_2530, %lt3A_2532 : vector<16xi1>
        %or3A_2534 = arith.ori %gt3A_2528, %and3A_2533 : vector<16xi1>
        %and3A_2535 = arith.andi %eq3A_2526, %or3A_2534 : vector<16xi1>
        %convert_element_type3A_2536 = arith.extui %and3A_2535 : vector<16xi1> to vector<16xi32>
        %add3A_2537 = arith.addi %add3A_2393, %convert_element_type3A_2536 : vector<16xi32>
        %add3A_2538 = arith.constant 112 : i32
        %add3A_2539 = arith.addi %mul3A_2, %add3A_2538 : i32
        %add3A_2540 = vector.broadcast %add3A_2539 : i32 to vector<16xi32>
        %add3A_2541 = arith.addi %add3A_2540, %iota3A : vector<16xi32>
        %eq3A_2542 = vector.broadcast %squeeze3A_2412 : i32 to vector<16xi32>
        %eq3A_2543 = arith.cmpi eq, %get3A_109, %eq3A_2542 : vector<16xi32>
        %gt3A_2544 = vector.broadcast %squeeze3A_2414 : f32 to vector<16xf32>
        %gt3A_2545 = arith.cmpf ogt, %gt3A_2544, %get3A_157 : vector<16xf32>
        %eq3A_2546 = vector.broadcast %squeeze3A_2414 : f32 to vector<16xf32>
        %eq3A_2547 = arith.cmpf oeq, %eq3A_2546, %get3A_157 : vector<16xf32>
        %lt3A_2548 = vector.broadcast %add3A_2418 : i32 to vector<16xi32>
        %lt3A_2549 = arith.cmpi slt, %lt3A_2548, %add3A_2541 : vector<16xi32>
        %and3A_2550 = arith.andi %eq3A_2547, %lt3A_2549 : vector<16xi1>
        %or3A_2551 = arith.ori %gt3A_2545, %and3A_2550 : vector<16xi1>
        %and3A_2552 = arith.andi %eq3A_2543, %or3A_2551 : vector<16xi1>
        %convert_element_type3A_2553 = arith.extui %and3A_2552 : vector<16xi1> to vector<16xi32>
        %add3A_2554 = arith.addi %add3A_2410, %convert_element_type3A_2553 : vector<16xi32>
        %slice3A_2555 = vector.extract_strided_slice %get3A_1975 {offsets = [4], sizes = [1], strides = [1]} : vector<16xi32> to vector<1xi32>
        %squeeze3A_2556 = vector.extract %slice3A_2555[0] : i32 from vector<1xi32>
        %slice3A_2557 = vector.extract_strided_slice %get3A_1979 {offsets = [4], sizes = [1], strides = [1]} : vector<16xf32> to vector<1xf32>
        %squeeze3A_2558 = vector.extract %slice3A_2557[0] : f32 from vector<1xf32>
        %mul3A_2559 = arith.constant 16 : i32
        %mul3A_2560 = arith.muli %scan3A_1963, %mul3A_2559 : i32
        %add3A_2561 = arith.constant 4 : i32
        %add3A_2562 = arith.addi %mul3A_2560, %add3A_2561 : i32
        %add3A_2563 = arith.constant 0 : i32
        %add3A_2564 = arith.addi %mul3A_2, %add3A_2563 : i32
        %add3A_2565 = vector.broadcast %add3A_2564 : i32 to vector<16xi32>
        %add3A_2566 = arith.addi %add3A_2565, %iota3A : vector<16xi32>
        %eq3A_2567 = vector.broadcast %squeeze3A_2556 : i32 to vector<16xi32>
        %eq3A_2568 = arith.cmpi eq, %get3A_67, %eq3A_2567 : vector<16xi32>
        %gt3A_2569 = vector.broadcast %squeeze3A_2558 : f32 to vector<16xf32>
        %gt3A_2570 = arith.cmpf ogt, %gt3A_2569, %get3A_115 : vector<16xf32>
        %eq3A_2571 = vector.broadcast %squeeze3A_2558 : f32 to vector<16xf32>
        %eq3A_2572 = arith.cmpf oeq, %eq3A_2571, %get3A_115 : vector<16xf32>
        %lt3A_2573 = vector.broadcast %add3A_2562 : i32 to vector<16xi32>
        %lt3A_2574 = arith.cmpi slt, %lt3A_2573, %add3A_2566 : vector<16xi32>
        %and3A_2575 = arith.andi %eq3A_2572, %lt3A_2574 : vector<16xi1>
        %or3A_2576 = arith.ori %gt3A_2570, %and3A_2575 : vector<16xi1>
        %and3A_2577 = arith.andi %eq3A_2568, %or3A_2576 : vector<16xi1>
        %convert_element_type3A_2578 = arith.extui %and3A_2577 : vector<16xi1> to vector<16xi32>
        %add3A_2579 = arith.addi %add3A_2435, %convert_element_type3A_2578 : vector<16xi32>
        %add3A_2580 = arith.constant 16 : i32
        %add3A_2581 = arith.addi %mul3A_2, %add3A_2580 : i32
        %add3A_2582 = vector.broadcast %add3A_2581 : i32 to vector<16xi32>
        %add3A_2583 = arith.addi %add3A_2582, %iota3A : vector<16xi32>
        %eq3A_2584 = vector.broadcast %squeeze3A_2556 : i32 to vector<16xi32>
        %eq3A_2585 = arith.cmpi eq, %get3A_73, %eq3A_2584 : vector<16xi32>
        %gt3A_2586 = vector.broadcast %squeeze3A_2558 : f32 to vector<16xf32>
        %gt3A_2587 = arith.cmpf ogt, %gt3A_2586, %get3A_121 : vector<16xf32>
        %eq3A_2588 = vector.broadcast %squeeze3A_2558 : f32 to vector<16xf32>
        %eq3A_2589 = arith.cmpf oeq, %eq3A_2588, %get3A_121 : vector<16xf32>
        %lt3A_2590 = vector.broadcast %add3A_2562 : i32 to vector<16xi32>
        %lt3A_2591 = arith.cmpi slt, %lt3A_2590, %add3A_2583 : vector<16xi32>
        %and3A_2592 = arith.andi %eq3A_2589, %lt3A_2591 : vector<16xi1>
        %or3A_2593 = arith.ori %gt3A_2587, %and3A_2592 : vector<16xi1>
        %and3A_2594 = arith.andi %eq3A_2585, %or3A_2593 : vector<16xi1>
        %convert_element_type3A_2595 = arith.extui %and3A_2594 : vector<16xi1> to vector<16xi32>
        %add3A_2596 = arith.addi %add3A_2452, %convert_element_type3A_2595 : vector<16xi32>
        %add3A_2597 = arith.constant 32 : i32
        %add3A_2598 = arith.addi %mul3A_2, %add3A_2597 : i32
        %add3A_2599 = vector.broadcast %add3A_2598 : i32 to vector<16xi32>
        %add3A_2600 = arith.addi %add3A_2599, %iota3A : vector<16xi32>
        %eq3A_2601 = vector.broadcast %squeeze3A_2556 : i32 to vector<16xi32>
        %eq3A_2602 = arith.cmpi eq, %get3A_79, %eq3A_2601 : vector<16xi32>
        %gt3A_2603 = vector.broadcast %squeeze3A_2558 : f32 to vector<16xf32>
        %gt3A_2604 = arith.cmpf ogt, %gt3A_2603, %get3A_127 : vector<16xf32>
        %eq3A_2605 = vector.broadcast %squeeze3A_2558 : f32 to vector<16xf32>
        %eq3A_2606 = arith.cmpf oeq, %eq3A_2605, %get3A_127 : vector<16xf32>
        %lt3A_2607 = vector.broadcast %add3A_2562 : i32 to vector<16xi32>
        %lt3A_2608 = arith.cmpi slt, %lt3A_2607, %add3A_2600 : vector<16xi32>
        %and3A_2609 = arith.andi %eq3A_2606, %lt3A_2608 : vector<16xi1>
        %or3A_2610 = arith.ori %gt3A_2604, %and3A_2609 : vector<16xi1>
        %and3A_2611 = arith.andi %eq3A_2602, %or3A_2610 : vector<16xi1>
        %convert_element_type3A_2612 = arith.extui %and3A_2611 : vector<16xi1> to vector<16xi32>
        %add3A_2613 = arith.addi %add3A_2469, %convert_element_type3A_2612 : vector<16xi32>
        %add3A_2614 = arith.constant 48 : i32
        %add3A_2615 = arith.addi %mul3A_2, %add3A_2614 : i32
        %add3A_2616 = vector.broadcast %add3A_2615 : i32 to vector<16xi32>
        %add3A_2617 = arith.addi %add3A_2616, %iota3A : vector<16xi32>
        %eq3A_2618 = vector.broadcast %squeeze3A_2556 : i32 to vector<16xi32>
        %eq3A_2619 = arith.cmpi eq, %get3A_85, %eq3A_2618 : vector<16xi32>
        %gt3A_2620 = vector.broadcast %squeeze3A_2558 : f32 to vector<16xf32>
        %gt3A_2621 = arith.cmpf ogt, %gt3A_2620, %get3A_133 : vector<16xf32>
        %eq3A_2622 = vector.broadcast %squeeze3A_2558 : f32 to vector<16xf32>
        %eq3A_2623 = arith.cmpf oeq, %eq3A_2622, %get3A_133 : vector<16xf32>
        %lt3A_2624 = vector.broadcast %add3A_2562 : i32 to vector<16xi32>
        %lt3A_2625 = arith.cmpi slt, %lt3A_2624, %add3A_2617 : vector<16xi32>
        %and3A_2626 = arith.andi %eq3A_2623, %lt3A_2625 : vector<16xi1>
        %or3A_2627 = arith.ori %gt3A_2621, %and3A_2626 : vector<16xi1>
        %and3A_2628 = arith.andi %eq3A_2619, %or3A_2627 : vector<16xi1>
        %convert_element_type3A_2629 = arith.extui %and3A_2628 : vector<16xi1> to vector<16xi32>
        %add3A_2630 = arith.addi %add3A_2486, %convert_element_type3A_2629 : vector<16xi32>
        %add3A_2631 = arith.constant 64 : i32
        %add3A_2632 = arith.addi %mul3A_2, %add3A_2631 : i32
        %add3A_2633 = vector.broadcast %add3A_2632 : i32 to vector<16xi32>
        %add3A_2634 = arith.addi %add3A_2633, %iota3A : vector<16xi32>
        %eq3A_2635 = vector.broadcast %squeeze3A_2556 : i32 to vector<16xi32>
        %eq3A_2636 = arith.cmpi eq, %get3A_91, %eq3A_2635 : vector<16xi32>
        %gt3A_2637 = vector.broadcast %squeeze3A_2558 : f32 to vector<16xf32>
        %gt3A_2638 = arith.cmpf ogt, %gt3A_2637, %get3A_139 : vector<16xf32>
        %eq3A_2639 = vector.broadcast %squeeze3A_2558 : f32 to vector<16xf32>
        %eq3A_2640 = arith.cmpf oeq, %eq3A_2639, %get3A_139 : vector<16xf32>
        %lt3A_2641 = vector.broadcast %add3A_2562 : i32 to vector<16xi32>
        %lt3A_2642 = arith.cmpi slt, %lt3A_2641, %add3A_2634 : vector<16xi32>
        %and3A_2643 = arith.andi %eq3A_2640, %lt3A_2642 : vector<16xi1>
        %or3A_2644 = arith.ori %gt3A_2638, %and3A_2643 : vector<16xi1>
        %and3A_2645 = arith.andi %eq3A_2636, %or3A_2644 : vector<16xi1>
        %convert_element_type3A_2646 = arith.extui %and3A_2645 : vector<16xi1> to vector<16xi32>
        %add3A_2647 = arith.addi %add3A_2503, %convert_element_type3A_2646 : vector<16xi32>
        %add3A_2648 = arith.constant 80 : i32
        %add3A_2649 = arith.addi %mul3A_2, %add3A_2648 : i32
        %add3A_2650 = vector.broadcast %add3A_2649 : i32 to vector<16xi32>
        %add3A_2651 = arith.addi %add3A_2650, %iota3A : vector<16xi32>
        %eq3A_2652 = vector.broadcast %squeeze3A_2556 : i32 to vector<16xi32>
        %eq3A_2653 = arith.cmpi eq, %get3A_97, %eq3A_2652 : vector<16xi32>
        %gt3A_2654 = vector.broadcast %squeeze3A_2558 : f32 to vector<16xf32>
        %gt3A_2655 = arith.cmpf ogt, %gt3A_2654, %get3A_145 : vector<16xf32>
        %eq3A_2656 = vector.broadcast %squeeze3A_2558 : f32 to vector<16xf32>
        %eq3A_2657 = arith.cmpf oeq, %eq3A_2656, %get3A_145 : vector<16xf32>
        %lt3A_2658 = vector.broadcast %add3A_2562 : i32 to vector<16xi32>
        %lt3A_2659 = arith.cmpi slt, %lt3A_2658, %add3A_2651 : vector<16xi32>
        %and3A_2660 = arith.andi %eq3A_2657, %lt3A_2659 : vector<16xi1>
        %or3A_2661 = arith.ori %gt3A_2655, %and3A_2660 : vector<16xi1>
        %and3A_2662 = arith.andi %eq3A_2653, %or3A_2661 : vector<16xi1>
        %convert_element_type3A_2663 = arith.extui %and3A_2662 : vector<16xi1> to vector<16xi32>
        %add3A_2664 = arith.addi %add3A_2520, %convert_element_type3A_2663 : vector<16xi32>
        %add3A_2665 = arith.constant 96 : i32
        %add3A_2666 = arith.addi %mul3A_2, %add3A_2665 : i32
        %add3A_2667 = vector.broadcast %add3A_2666 : i32 to vector<16xi32>
        %add3A_2668 = arith.addi %add3A_2667, %iota3A : vector<16xi32>
        %eq3A_2669 = vector.broadcast %squeeze3A_2556 : i32 to vector<16xi32>
        %eq3A_2670 = arith.cmpi eq, %get3A_103, %eq3A_2669 : vector<16xi32>
        %gt3A_2671 = vector.broadcast %squeeze3A_2558 : f32 to vector<16xf32>
        %gt3A_2672 = arith.cmpf ogt, %gt3A_2671, %get3A_151 : vector<16xf32>
        %eq3A_2673 = vector.broadcast %squeeze3A_2558 : f32 to vector<16xf32>
        %eq3A_2674 = arith.cmpf oeq, %eq3A_2673, %get3A_151 : vector<16xf32>
        %lt3A_2675 = vector.broadcast %add3A_2562 : i32 to vector<16xi32>
        %lt3A_2676 = arith.cmpi slt, %lt3A_2675, %add3A_2668 : vector<16xi32>
        %and3A_2677 = arith.andi %eq3A_2674, %lt3A_2676 : vector<16xi1>
        %or3A_2678 = arith.ori %gt3A_2672, %and3A_2677 : vector<16xi1>
        %and3A_2679 = arith.andi %eq3A_2670, %or3A_2678 : vector<16xi1>
        %convert_element_type3A_2680 = arith.extui %and3A_2679 : vector<16xi1> to vector<16xi32>
        %add3A_2681 = arith.addi %add3A_2537, %convert_element_type3A_2680 : vector<16xi32>
        %add3A_2682 = arith.constant 112 : i32
        %add3A_2683 = arith.addi %mul3A_2, %add3A_2682 : i32
        %add3A_2684 = vector.broadcast %add3A_2683 : i32 to vector<16xi32>
        %add3A_2685 = arith.addi %add3A_2684, %iota3A : vector<16xi32>
        %eq3A_2686 = vector.broadcast %squeeze3A_2556 : i32 to vector<16xi32>
        %eq3A_2687 = arith.cmpi eq, %get3A_109, %eq3A_2686 : vector<16xi32>
        %gt3A_2688 = vector.broadcast %squeeze3A_2558 : f32 to vector<16xf32>
        %gt3A_2689 = arith.cmpf ogt, %gt3A_2688, %get3A_157 : vector<16xf32>
        %eq3A_2690 = vector.broadcast %squeeze3A_2558 : f32 to vector<16xf32>
        %eq3A_2691 = arith.cmpf oeq, %eq3A_2690, %get3A_157 : vector<16xf32>
        %lt3A_2692 = vector.broadcast %add3A_2562 : i32 to vector<16xi32>
        %lt3A_2693 = arith.cmpi slt, %lt3A_2692, %add3A_2685 : vector<16xi32>
        %and3A_2694 = arith.andi %eq3A_2691, %lt3A_2693 : vector<16xi1>
        %or3A_2695 = arith.ori %gt3A_2689, %and3A_2694 : vector<16xi1>
        %and3A_2696 = arith.andi %eq3A_2687, %or3A_2695 : vector<16xi1>
        %convert_element_type3A_2697 = arith.extui %and3A_2696 : vector<16xi1> to vector<16xi32>
        %add3A_2698 = arith.addi %add3A_2554, %convert_element_type3A_2697 : vector<16xi32>
        %slice3A_2699 = vector.extract_strided_slice %get3A_1975 {offsets = [5], sizes = [1], strides = [1]} : vector<16xi32> to vector<1xi32>
        %squeeze3A_2700 = vector.extract %slice3A_2699[0] : i32 from vector<1xi32>
        %slice3A_2701 = vector.extract_strided_slice %get3A_1979 {offsets = [5], sizes = [1], strides = [1]} : vector<16xf32> to vector<1xf32>
        %squeeze3A_2702 = vector.extract %slice3A_2701[0] : f32 from vector<1xf32>
        %mul3A_2703 = arith.constant 16 : i32
        %mul3A_2704 = arith.muli %scan3A_1963, %mul3A_2703 : i32
        %add3A_2705 = arith.constant 5 : i32
        %add3A_2706 = arith.addi %mul3A_2704, %add3A_2705 : i32
        %add3A_2707 = arith.constant 0 : i32
        %add3A_2708 = arith.addi %mul3A_2, %add3A_2707 : i32
        %add3A_2709 = vector.broadcast %add3A_2708 : i32 to vector<16xi32>
        %add3A_2710 = arith.addi %add3A_2709, %iota3A : vector<16xi32>
        %eq3A_2711 = vector.broadcast %squeeze3A_2700 : i32 to vector<16xi32>
        %eq3A_2712 = arith.cmpi eq, %get3A_67, %eq3A_2711 : vector<16xi32>
        %gt3A_2713 = vector.broadcast %squeeze3A_2702 : f32 to vector<16xf32>
        %gt3A_2714 = arith.cmpf ogt, %gt3A_2713, %get3A_115 : vector<16xf32>
        %eq3A_2715 = vector.broadcast %squeeze3A_2702 : f32 to vector<16xf32>
        %eq3A_2716 = arith.cmpf oeq, %eq3A_2715, %get3A_115 : vector<16xf32>
        %lt3A_2717 = vector.broadcast %add3A_2706 : i32 to vector<16xi32>
        %lt3A_2718 = arith.cmpi slt, %lt3A_2717, %add3A_2710 : vector<16xi32>
        %and3A_2719 = arith.andi %eq3A_2716, %lt3A_2718 : vector<16xi1>
        %or3A_2720 = arith.ori %gt3A_2714, %and3A_2719 : vector<16xi1>
        %and3A_2721 = arith.andi %eq3A_2712, %or3A_2720 : vector<16xi1>
        %convert_element_type3A_2722 = arith.extui %and3A_2721 : vector<16xi1> to vector<16xi32>
        %add3A_2723 = arith.addi %add3A_2579, %convert_element_type3A_2722 : vector<16xi32>
        %add3A_2724 = arith.constant 16 : i32
        %add3A_2725 = arith.addi %mul3A_2, %add3A_2724 : i32
        %add3A_2726 = vector.broadcast %add3A_2725 : i32 to vector<16xi32>
        %add3A_2727 = arith.addi %add3A_2726, %iota3A : vector<16xi32>
        %eq3A_2728 = vector.broadcast %squeeze3A_2700 : i32 to vector<16xi32>
        %eq3A_2729 = arith.cmpi eq, %get3A_73, %eq3A_2728 : vector<16xi32>
        %gt3A_2730 = vector.broadcast %squeeze3A_2702 : f32 to vector<16xf32>
        %gt3A_2731 = arith.cmpf ogt, %gt3A_2730, %get3A_121 : vector<16xf32>
        %eq3A_2732 = vector.broadcast %squeeze3A_2702 : f32 to vector<16xf32>
        %eq3A_2733 = arith.cmpf oeq, %eq3A_2732, %get3A_121 : vector<16xf32>
        %lt3A_2734 = vector.broadcast %add3A_2706 : i32 to vector<16xi32>
        %lt3A_2735 = arith.cmpi slt, %lt3A_2734, %add3A_2727 : vector<16xi32>
        %and3A_2736 = arith.andi %eq3A_2733, %lt3A_2735 : vector<16xi1>
        %or3A_2737 = arith.ori %gt3A_2731, %and3A_2736 : vector<16xi1>
        %and3A_2738 = arith.andi %eq3A_2729, %or3A_2737 : vector<16xi1>
        %convert_element_type3A_2739 = arith.extui %and3A_2738 : vector<16xi1> to vector<16xi32>
        %add3A_2740 = arith.addi %add3A_2596, %convert_element_type3A_2739 : vector<16xi32>
        %add3A_2741 = arith.constant 32 : i32
        %add3A_2742 = arith.addi %mul3A_2, %add3A_2741 : i32
        %add3A_2743 = vector.broadcast %add3A_2742 : i32 to vector<16xi32>
        %add3A_2744 = arith.addi %add3A_2743, %iota3A : vector<16xi32>
        %eq3A_2745 = vector.broadcast %squeeze3A_2700 : i32 to vector<16xi32>
        %eq3A_2746 = arith.cmpi eq, %get3A_79, %eq3A_2745 : vector<16xi32>
        %gt3A_2747 = vector.broadcast %squeeze3A_2702 : f32 to vector<16xf32>
        %gt3A_2748 = arith.cmpf ogt, %gt3A_2747, %get3A_127 : vector<16xf32>
        %eq3A_2749 = vector.broadcast %squeeze3A_2702 : f32 to vector<16xf32>
        %eq3A_2750 = arith.cmpf oeq, %eq3A_2749, %get3A_127 : vector<16xf32>
        %lt3A_2751 = vector.broadcast %add3A_2706 : i32 to vector<16xi32>
        %lt3A_2752 = arith.cmpi slt, %lt3A_2751, %add3A_2744 : vector<16xi32>
        %and3A_2753 = arith.andi %eq3A_2750, %lt3A_2752 : vector<16xi1>
        %or3A_2754 = arith.ori %gt3A_2748, %and3A_2753 : vector<16xi1>
        %and3A_2755 = arith.andi %eq3A_2746, %or3A_2754 : vector<16xi1>
        %convert_element_type3A_2756 = arith.extui %and3A_2755 : vector<16xi1> to vector<16xi32>
        %add3A_2757 = arith.addi %add3A_2613, %convert_element_type3A_2756 : vector<16xi32>
        %add3A_2758 = arith.constant 48 : i32
        %add3A_2759 = arith.addi %mul3A_2, %add3A_2758 : i32
        %add3A_2760 = vector.broadcast %add3A_2759 : i32 to vector<16xi32>
        %add3A_2761 = arith.addi %add3A_2760, %iota3A : vector<16xi32>
        %eq3A_2762 = vector.broadcast %squeeze3A_2700 : i32 to vector<16xi32>
        %eq3A_2763 = arith.cmpi eq, %get3A_85, %eq3A_2762 : vector<16xi32>
        %gt3A_2764 = vector.broadcast %squeeze3A_2702 : f32 to vector<16xf32>
        %gt3A_2765 = arith.cmpf ogt, %gt3A_2764, %get3A_133 : vector<16xf32>
        %eq3A_2766 = vector.broadcast %squeeze3A_2702 : f32 to vector<16xf32>
        %eq3A_2767 = arith.cmpf oeq, %eq3A_2766, %get3A_133 : vector<16xf32>
        %lt3A_2768 = vector.broadcast %add3A_2706 : i32 to vector<16xi32>
        %lt3A_2769 = arith.cmpi slt, %lt3A_2768, %add3A_2761 : vector<16xi32>
        %and3A_2770 = arith.andi %eq3A_2767, %lt3A_2769 : vector<16xi1>
        %or3A_2771 = arith.ori %gt3A_2765, %and3A_2770 : vector<16xi1>
        %and3A_2772 = arith.andi %eq3A_2763, %or3A_2771 : vector<16xi1>
        %convert_element_type3A_2773 = arith.extui %and3A_2772 : vector<16xi1> to vector<16xi32>
        %add3A_2774 = arith.addi %add3A_2630, %convert_element_type3A_2773 : vector<16xi32>
        %add3A_2775 = arith.constant 64 : i32
        %add3A_2776 = arith.addi %mul3A_2, %add3A_2775 : i32
        %add3A_2777 = vector.broadcast %add3A_2776 : i32 to vector<16xi32>
        %add3A_2778 = arith.addi %add3A_2777, %iota3A : vector<16xi32>
        %eq3A_2779 = vector.broadcast %squeeze3A_2700 : i32 to vector<16xi32>
        %eq3A_2780 = arith.cmpi eq, %get3A_91, %eq3A_2779 : vector<16xi32>
        %gt3A_2781 = vector.broadcast %squeeze3A_2702 : f32 to vector<16xf32>
        %gt3A_2782 = arith.cmpf ogt, %gt3A_2781, %get3A_139 : vector<16xf32>
        %eq3A_2783 = vector.broadcast %squeeze3A_2702 : f32 to vector<16xf32>
        %eq3A_2784 = arith.cmpf oeq, %eq3A_2783, %get3A_139 : vector<16xf32>
        %lt3A_2785 = vector.broadcast %add3A_2706 : i32 to vector<16xi32>
        %lt3A_2786 = arith.cmpi slt, %lt3A_2785, %add3A_2778 : vector<16xi32>
        %and3A_2787 = arith.andi %eq3A_2784, %lt3A_2786 : vector<16xi1>
        %or3A_2788 = arith.ori %gt3A_2782, %and3A_2787 : vector<16xi1>
        %and3A_2789 = arith.andi %eq3A_2780, %or3A_2788 : vector<16xi1>
        %convert_element_type3A_2790 = arith.extui %and3A_2789 : vector<16xi1> to vector<16xi32>
        %add3A_2791 = arith.addi %add3A_2647, %convert_element_type3A_2790 : vector<16xi32>
        %add3A_2792 = arith.constant 80 : i32
        %add3A_2793 = arith.addi %mul3A_2, %add3A_2792 : i32
        %add3A_2794 = vector.broadcast %add3A_2793 : i32 to vector<16xi32>
        %add3A_2795 = arith.addi %add3A_2794, %iota3A : vector<16xi32>
        %eq3A_2796 = vector.broadcast %squeeze3A_2700 : i32 to vector<16xi32>
        %eq3A_2797 = arith.cmpi eq, %get3A_97, %eq3A_2796 : vector<16xi32>
        %gt3A_2798 = vector.broadcast %squeeze3A_2702 : f32 to vector<16xf32>
        %gt3A_2799 = arith.cmpf ogt, %gt3A_2798, %get3A_145 : vector<16xf32>
        %eq3A_2800 = vector.broadcast %squeeze3A_2702 : f32 to vector<16xf32>
        %eq3A_2801 = arith.cmpf oeq, %eq3A_2800, %get3A_145 : vector<16xf32>
        %lt3A_2802 = vector.broadcast %add3A_2706 : i32 to vector<16xi32>
        %lt3A_2803 = arith.cmpi slt, %lt3A_2802, %add3A_2795 : vector<16xi32>
        %and3A_2804 = arith.andi %eq3A_2801, %lt3A_2803 : vector<16xi1>
        %or3A_2805 = arith.ori %gt3A_2799, %and3A_2804 : vector<16xi1>
        %and3A_2806 = arith.andi %eq3A_2797, %or3A_2805 : vector<16xi1>
        %convert_element_type3A_2807 = arith.extui %and3A_2806 : vector<16xi1> to vector<16xi32>
        %add3A_2808 = arith.addi %add3A_2664, %convert_element_type3A_2807 : vector<16xi32>
        %add3A_2809 = arith.constant 96 : i32
        %add3A_2810 = arith.addi %mul3A_2, %add3A_2809 : i32
        %add3A_2811 = vector.broadcast %add3A_2810 : i32 to vector<16xi32>
        %add3A_2812 = arith.addi %add3A_2811, %iota3A : vector<16xi32>
        %eq3A_2813 = vector.broadcast %squeeze3A_2700 : i32 to vector<16xi32>
        %eq3A_2814 = arith.cmpi eq, %get3A_103, %eq3A_2813 : vector<16xi32>
        %gt3A_2815 = vector.broadcast %squeeze3A_2702 : f32 to vector<16xf32>
        %gt3A_2816 = arith.cmpf ogt, %gt3A_2815, %get3A_151 : vector<16xf32>
        %eq3A_2817 = vector.broadcast %squeeze3A_2702 : f32 to vector<16xf32>
        %eq3A_2818 = arith.cmpf oeq, %eq3A_2817, %get3A_151 : vector<16xf32>
        %lt3A_2819 = vector.broadcast %add3A_2706 : i32 to vector<16xi32>
        %lt3A_2820 = arith.cmpi slt, %lt3A_2819, %add3A_2812 : vector<16xi32>
        %and3A_2821 = arith.andi %eq3A_2818, %lt3A_2820 : vector<16xi1>
        %or3A_2822 = arith.ori %gt3A_2816, %and3A_2821 : vector<16xi1>
        %and3A_2823 = arith.andi %eq3A_2814, %or3A_2822 : vector<16xi1>
        %convert_element_type3A_2824 = arith.extui %and3A_2823 : vector<16xi1> to vector<16xi32>
        %add3A_2825 = arith.addi %add3A_2681, %convert_element_type3A_2824 : vector<16xi32>
        %add3A_2826 = arith.constant 112 : i32
        %add3A_2827 = arith.addi %mul3A_2, %add3A_2826 : i32
        %add3A_2828 = vector.broadcast %add3A_2827 : i32 to vector<16xi32>
        %add3A_2829 = arith.addi %add3A_2828, %iota3A : vector<16xi32>
        %eq3A_2830 = vector.broadcast %squeeze3A_2700 : i32 to vector<16xi32>
        %eq3A_2831 = arith.cmpi eq, %get3A_109, %eq3A_2830 : vector<16xi32>
        %gt3A_2832 = vector.broadcast %squeeze3A_2702 : f32 to vector<16xf32>
        %gt3A_2833 = arith.cmpf ogt, %gt3A_2832, %get3A_157 : vector<16xf32>
        %eq3A_2834 = vector.broadcast %squeeze3A_2702 : f32 to vector<16xf32>
        %eq3A_2835 = arith.cmpf oeq, %eq3A_2834, %get3A_157 : vector<16xf32>
        %lt3A_2836 = vector.broadcast %add3A_2706 : i32 to vector<16xi32>
        %lt3A_2837 = arith.cmpi slt, %lt3A_2836, %add3A_2829 : vector<16xi32>
        %and3A_2838 = arith.andi %eq3A_2835, %lt3A_2837 : vector<16xi1>
        %or3A_2839 = arith.ori %gt3A_2833, %and3A_2838 : vector<16xi1>
        %and3A_2840 = arith.andi %eq3A_2831, %or3A_2839 : vector<16xi1>
        %convert_element_type3A_2841 = arith.extui %and3A_2840 : vector<16xi1> to vector<16xi32>
        %add3A_2842 = arith.addi %add3A_2698, %convert_element_type3A_2841 : vector<16xi32>
        %slice3A_2843 = vector.extract_strided_slice %get3A_1975 {offsets = [6], sizes = [1], strides = [1]} : vector<16xi32> to vector<1xi32>
        %squeeze3A_2844 = vector.extract %slice3A_2843[0] : i32 from vector<1xi32>
        %slice3A_2845 = vector.extract_strided_slice %get3A_1979 {offsets = [6], sizes = [1], strides = [1]} : vector<16xf32> to vector<1xf32>
        %squeeze3A_2846 = vector.extract %slice3A_2845[0] : f32 from vector<1xf32>
        %mul3A_2847 = arith.constant 16 : i32
        %mul3A_2848 = arith.muli %scan3A_1963, %mul3A_2847 : i32
        %add3A_2849 = arith.constant 6 : i32
        %add3A_2850 = arith.addi %mul3A_2848, %add3A_2849 : i32
        %add3A_2851 = arith.constant 0 : i32
        %add3A_2852 = arith.addi %mul3A_2, %add3A_2851 : i32
        %add3A_2853 = vector.broadcast %add3A_2852 : i32 to vector<16xi32>
        %add3A_2854 = arith.addi %add3A_2853, %iota3A : vector<16xi32>
        %eq3A_2855 = vector.broadcast %squeeze3A_2844 : i32 to vector<16xi32>
        %eq3A_2856 = arith.cmpi eq, %get3A_67, %eq3A_2855 : vector<16xi32>
        %gt3A_2857 = vector.broadcast %squeeze3A_2846 : f32 to vector<16xf32>
        %gt3A_2858 = arith.cmpf ogt, %gt3A_2857, %get3A_115 : vector<16xf32>
        %eq3A_2859 = vector.broadcast %squeeze3A_2846 : f32 to vector<16xf32>
        %eq3A_2860 = arith.cmpf oeq, %eq3A_2859, %get3A_115 : vector<16xf32>
        %lt3A_2861 = vector.broadcast %add3A_2850 : i32 to vector<16xi32>
        %lt3A_2862 = arith.cmpi slt, %lt3A_2861, %add3A_2854 : vector<16xi32>
        %and3A_2863 = arith.andi %eq3A_2860, %lt3A_2862 : vector<16xi1>
        %or3A_2864 = arith.ori %gt3A_2858, %and3A_2863 : vector<16xi1>
        %and3A_2865 = arith.andi %eq3A_2856, %or3A_2864 : vector<16xi1>
        %convert_element_type3A_2866 = arith.extui %and3A_2865 : vector<16xi1> to vector<16xi32>
        %add3A_2867 = arith.addi %add3A_2723, %convert_element_type3A_2866 : vector<16xi32>
        %add3A_2868 = arith.constant 16 : i32
        %add3A_2869 = arith.addi %mul3A_2, %add3A_2868 : i32
        %add3A_2870 = vector.broadcast %add3A_2869 : i32 to vector<16xi32>
        %add3A_2871 = arith.addi %add3A_2870, %iota3A : vector<16xi32>
        %eq3A_2872 = vector.broadcast %squeeze3A_2844 : i32 to vector<16xi32>
        %eq3A_2873 = arith.cmpi eq, %get3A_73, %eq3A_2872 : vector<16xi32>
        %gt3A_2874 = vector.broadcast %squeeze3A_2846 : f32 to vector<16xf32>
        %gt3A_2875 = arith.cmpf ogt, %gt3A_2874, %get3A_121 : vector<16xf32>
        %eq3A_2876 = vector.broadcast %squeeze3A_2846 : f32 to vector<16xf32>
        %eq3A_2877 = arith.cmpf oeq, %eq3A_2876, %get3A_121 : vector<16xf32>
        %lt3A_2878 = vector.broadcast %add3A_2850 : i32 to vector<16xi32>
        %lt3A_2879 = arith.cmpi slt, %lt3A_2878, %add3A_2871 : vector<16xi32>
        %and3A_2880 = arith.andi %eq3A_2877, %lt3A_2879 : vector<16xi1>
        %or3A_2881 = arith.ori %gt3A_2875, %and3A_2880 : vector<16xi1>
        %and3A_2882 = arith.andi %eq3A_2873, %or3A_2881 : vector<16xi1>
        %convert_element_type3A_2883 = arith.extui %and3A_2882 : vector<16xi1> to vector<16xi32>
        %add3A_2884 = arith.addi %add3A_2740, %convert_element_type3A_2883 : vector<16xi32>
        %add3A_2885 = arith.constant 32 : i32
        %add3A_2886 = arith.addi %mul3A_2, %add3A_2885 : i32
        %add3A_2887 = vector.broadcast %add3A_2886 : i32 to vector<16xi32>
        %add3A_2888 = arith.addi %add3A_2887, %iota3A : vector<16xi32>
        %eq3A_2889 = vector.broadcast %squeeze3A_2844 : i32 to vector<16xi32>
        %eq3A_2890 = arith.cmpi eq, %get3A_79, %eq3A_2889 : vector<16xi32>
        %gt3A_2891 = vector.broadcast %squeeze3A_2846 : f32 to vector<16xf32>
        %gt3A_2892 = arith.cmpf ogt, %gt3A_2891, %get3A_127 : vector<16xf32>
        %eq3A_2893 = vector.broadcast %squeeze3A_2846 : f32 to vector<16xf32>
        %eq3A_2894 = arith.cmpf oeq, %eq3A_2893, %get3A_127 : vector<16xf32>
        %lt3A_2895 = vector.broadcast %add3A_2850 : i32 to vector<16xi32>
        %lt3A_2896 = arith.cmpi slt, %lt3A_2895, %add3A_2888 : vector<16xi32>
        %and3A_2897 = arith.andi %eq3A_2894, %lt3A_2896 : vector<16xi1>
        %or3A_2898 = arith.ori %gt3A_2892, %and3A_2897 : vector<16xi1>
        %and3A_2899 = arith.andi %eq3A_2890, %or3A_2898 : vector<16xi1>
        %convert_element_type3A_2900 = arith.extui %and3A_2899 : vector<16xi1> to vector<16xi32>
        %add3A_2901 = arith.addi %add3A_2757, %convert_element_type3A_2900 : vector<16xi32>
        %add3A_2902 = arith.constant 48 : i32
        %add3A_2903 = arith.addi %mul3A_2, %add3A_2902 : i32
        %add3A_2904 = vector.broadcast %add3A_2903 : i32 to vector<16xi32>
        %add3A_2905 = arith.addi %add3A_2904, %iota3A : vector<16xi32>
        %eq3A_2906 = vector.broadcast %squeeze3A_2844 : i32 to vector<16xi32>
        %eq3A_2907 = arith.cmpi eq, %get3A_85, %eq3A_2906 : vector<16xi32>
        %gt3A_2908 = vector.broadcast %squeeze3A_2846 : f32 to vector<16xf32>
        %gt3A_2909 = arith.cmpf ogt, %gt3A_2908, %get3A_133 : vector<16xf32>
        %eq3A_2910 = vector.broadcast %squeeze3A_2846 : f32 to vector<16xf32>
        %eq3A_2911 = arith.cmpf oeq, %eq3A_2910, %get3A_133 : vector<16xf32>
        %lt3A_2912 = vector.broadcast %add3A_2850 : i32 to vector<16xi32>
        %lt3A_2913 = arith.cmpi slt, %lt3A_2912, %add3A_2905 : vector<16xi32>
        %and3A_2914 = arith.andi %eq3A_2911, %lt3A_2913 : vector<16xi1>
        %or3A_2915 = arith.ori %gt3A_2909, %and3A_2914 : vector<16xi1>
        %and3A_2916 = arith.andi %eq3A_2907, %or3A_2915 : vector<16xi1>
        %convert_element_type3A_2917 = arith.extui %and3A_2916 : vector<16xi1> to vector<16xi32>
        %add3A_2918 = arith.addi %add3A_2774, %convert_element_type3A_2917 : vector<16xi32>
        %add3A_2919 = arith.constant 64 : i32
        %add3A_2920 = arith.addi %mul3A_2, %add3A_2919 : i32
        %add3A_2921 = vector.broadcast %add3A_2920 : i32 to vector<16xi32>
        %add3A_2922 = arith.addi %add3A_2921, %iota3A : vector<16xi32>
        %eq3A_2923 = vector.broadcast %squeeze3A_2844 : i32 to vector<16xi32>
        %eq3A_2924 = arith.cmpi eq, %get3A_91, %eq3A_2923 : vector<16xi32>
        %gt3A_2925 = vector.broadcast %squeeze3A_2846 : f32 to vector<16xf32>
        %gt3A_2926 = arith.cmpf ogt, %gt3A_2925, %get3A_139 : vector<16xf32>
        %eq3A_2927 = vector.broadcast %squeeze3A_2846 : f32 to vector<16xf32>
        %eq3A_2928 = arith.cmpf oeq, %eq3A_2927, %get3A_139 : vector<16xf32>
        %lt3A_2929 = vector.broadcast %add3A_2850 : i32 to vector<16xi32>
        %lt3A_2930 = arith.cmpi slt, %lt3A_2929, %add3A_2922 : vector<16xi32>
        %and3A_2931 = arith.andi %eq3A_2928, %lt3A_2930 : vector<16xi1>
        %or3A_2932 = arith.ori %gt3A_2926, %and3A_2931 : vector<16xi1>
        %and3A_2933 = arith.andi %eq3A_2924, %or3A_2932 : vector<16xi1>
        %convert_element_type3A_2934 = arith.extui %and3A_2933 : vector<16xi1> to vector<16xi32>
        %add3A_2935 = arith.addi %add3A_2791, %convert_element_type3A_2934 : vector<16xi32>
        %add3A_2936 = arith.constant 80 : i32
        %add3A_2937 = arith.addi %mul3A_2, %add3A_2936 : i32
        %add3A_2938 = vector.broadcast %add3A_2937 : i32 to vector<16xi32>
        %add3A_2939 = arith.addi %add3A_2938, %iota3A : vector<16xi32>
        %eq3A_2940 = vector.broadcast %squeeze3A_2844 : i32 to vector<16xi32>
        %eq3A_2941 = arith.cmpi eq, %get3A_97, %eq3A_2940 : vector<16xi32>
        %gt3A_2942 = vector.broadcast %squeeze3A_2846 : f32 to vector<16xf32>
        %gt3A_2943 = arith.cmpf ogt, %gt3A_2942, %get3A_145 : vector<16xf32>
        %eq3A_2944 = vector.broadcast %squeeze3A_2846 : f32 to vector<16xf32>
        %eq3A_2945 = arith.cmpf oeq, %eq3A_2944, %get3A_145 : vector<16xf32>
        %lt3A_2946 = vector.broadcast %add3A_2850 : i32 to vector<16xi32>
        %lt3A_2947 = arith.cmpi slt, %lt3A_2946, %add3A_2939 : vector<16xi32>
        %and3A_2948 = arith.andi %eq3A_2945, %lt3A_2947 : vector<16xi1>
        %or3A_2949 = arith.ori %gt3A_2943, %and3A_2948 : vector<16xi1>
        %and3A_2950 = arith.andi %eq3A_2941, %or3A_2949 : vector<16xi1>
        %convert_element_type3A_2951 = arith.extui %and3A_2950 : vector<16xi1> to vector<16xi32>
        %add3A_2952 = arith.addi %add3A_2808, %convert_element_type3A_2951 : vector<16xi32>
        %add3A_2953 = arith.constant 96 : i32
        %add3A_2954 = arith.addi %mul3A_2, %add3A_2953 : i32
        %add3A_2955 = vector.broadcast %add3A_2954 : i32 to vector<16xi32>
        %add3A_2956 = arith.addi %add3A_2955, %iota3A : vector<16xi32>
        %eq3A_2957 = vector.broadcast %squeeze3A_2844 : i32 to vector<16xi32>
        %eq3A_2958 = arith.cmpi eq, %get3A_103, %eq3A_2957 : vector<16xi32>
        %gt3A_2959 = vector.broadcast %squeeze3A_2846 : f32 to vector<16xf32>
        %gt3A_2960 = arith.cmpf ogt, %gt3A_2959, %get3A_151 : vector<16xf32>
        %eq3A_2961 = vector.broadcast %squeeze3A_2846 : f32 to vector<16xf32>
        %eq3A_2962 = arith.cmpf oeq, %eq3A_2961, %get3A_151 : vector<16xf32>
        %lt3A_2963 = vector.broadcast %add3A_2850 : i32 to vector<16xi32>
        %lt3A_2964 = arith.cmpi slt, %lt3A_2963, %add3A_2956 : vector<16xi32>
        %and3A_2965 = arith.andi %eq3A_2962, %lt3A_2964 : vector<16xi1>
        %or3A_2966 = arith.ori %gt3A_2960, %and3A_2965 : vector<16xi1>
        %and3A_2967 = arith.andi %eq3A_2958, %or3A_2966 : vector<16xi1>
        %convert_element_type3A_2968 = arith.extui %and3A_2967 : vector<16xi1> to vector<16xi32>
        %add3A_2969 = arith.addi %add3A_2825, %convert_element_type3A_2968 : vector<16xi32>
        %add3A_2970 = arith.constant 112 : i32
        %add3A_2971 = arith.addi %mul3A_2, %add3A_2970 : i32
        %add3A_2972 = vector.broadcast %add3A_2971 : i32 to vector<16xi32>
        %add3A_2973 = arith.addi %add3A_2972, %iota3A : vector<16xi32>
        %eq3A_2974 = vector.broadcast %squeeze3A_2844 : i32 to vector<16xi32>
        %eq3A_2975 = arith.cmpi eq, %get3A_109, %eq3A_2974 : vector<16xi32>
        %gt3A_2976 = vector.broadcast %squeeze3A_2846 : f32 to vector<16xf32>
        %gt3A_2977 = arith.cmpf ogt, %gt3A_2976, %get3A_157 : vector<16xf32>
        %eq3A_2978 = vector.broadcast %squeeze3A_2846 : f32 to vector<16xf32>
        %eq3A_2979 = arith.cmpf oeq, %eq3A_2978, %get3A_157 : vector<16xf32>
        %lt3A_2980 = vector.broadcast %add3A_2850 : i32 to vector<16xi32>
        %lt3A_2981 = arith.cmpi slt, %lt3A_2980, %add3A_2973 : vector<16xi32>
        %and3A_2982 = arith.andi %eq3A_2979, %lt3A_2981 : vector<16xi1>
        %or3A_2983 = arith.ori %gt3A_2977, %and3A_2982 : vector<16xi1>
        %and3A_2984 = arith.andi %eq3A_2975, %or3A_2983 : vector<16xi1>
        %convert_element_type3A_2985 = arith.extui %and3A_2984 : vector<16xi1> to vector<16xi32>
        %add3A_2986 = arith.addi %add3A_2842, %convert_element_type3A_2985 : vector<16xi32>
        %slice3A_2987 = vector.extract_strided_slice %get3A_1975 {offsets = [7], sizes = [1], strides = [1]} : vector<16xi32> to vector<1xi32>
        %squeeze3A_2988 = vector.extract %slice3A_2987[0] : i32 from vector<1xi32>
        %slice3A_2989 = vector.extract_strided_slice %get3A_1979 {offsets = [7], sizes = [1], strides = [1]} : vector<16xf32> to vector<1xf32>
        %squeeze3A_2990 = vector.extract %slice3A_2989[0] : f32 from vector<1xf32>
        %mul3A_2991 = arith.constant 16 : i32
        %mul3A_2992 = arith.muli %scan3A_1963, %mul3A_2991 : i32
        %add3A_2993 = arith.constant 7 : i32
        %add3A_2994 = arith.addi %mul3A_2992, %add3A_2993 : i32
        %add3A_2995 = arith.constant 0 : i32
        %add3A_2996 = arith.addi %mul3A_2, %add3A_2995 : i32
        %add3A_2997 = vector.broadcast %add3A_2996 : i32 to vector<16xi32>
        %add3A_2998 = arith.addi %add3A_2997, %iota3A : vector<16xi32>
        %eq3A_2999 = vector.broadcast %squeeze3A_2988 : i32 to vector<16xi32>
        %eq3A_3000 = arith.cmpi eq, %get3A_67, %eq3A_2999 : vector<16xi32>
        %gt3A_3001 = vector.broadcast %squeeze3A_2990 : f32 to vector<16xf32>
        %gt3A_3002 = arith.cmpf ogt, %gt3A_3001, %get3A_115 : vector<16xf32>
        %eq3A_3003 = vector.broadcast %squeeze3A_2990 : f32 to vector<16xf32>
        %eq3A_3004 = arith.cmpf oeq, %eq3A_3003, %get3A_115 : vector<16xf32>
        %lt3A_3005 = vector.broadcast %add3A_2994 : i32 to vector<16xi32>
        %lt3A_3006 = arith.cmpi slt, %lt3A_3005, %add3A_2998 : vector<16xi32>
        %and3A_3007 = arith.andi %eq3A_3004, %lt3A_3006 : vector<16xi1>
        %or3A_3008 = arith.ori %gt3A_3002, %and3A_3007 : vector<16xi1>
        %and3A_3009 = arith.andi %eq3A_3000, %or3A_3008 : vector<16xi1>
        %convert_element_type3A_3010 = arith.extui %and3A_3009 : vector<16xi1> to vector<16xi32>
        %add3A_3011 = arith.addi %add3A_2867, %convert_element_type3A_3010 : vector<16xi32>
        %add3A_3012 = arith.constant 16 : i32
        %add3A_3013 = arith.addi %mul3A_2, %add3A_3012 : i32
        %add3A_3014 = vector.broadcast %add3A_3013 : i32 to vector<16xi32>
        %add3A_3015 = arith.addi %add3A_3014, %iota3A : vector<16xi32>
        %eq3A_3016 = vector.broadcast %squeeze3A_2988 : i32 to vector<16xi32>
        %eq3A_3017 = arith.cmpi eq, %get3A_73, %eq3A_3016 : vector<16xi32>
        %gt3A_3018 = vector.broadcast %squeeze3A_2990 : f32 to vector<16xf32>
        %gt3A_3019 = arith.cmpf ogt, %gt3A_3018, %get3A_121 : vector<16xf32>
        %eq3A_3020 = vector.broadcast %squeeze3A_2990 : f32 to vector<16xf32>
        %eq3A_3021 = arith.cmpf oeq, %eq3A_3020, %get3A_121 : vector<16xf32>
        %lt3A_3022 = vector.broadcast %add3A_2994 : i32 to vector<16xi32>
        %lt3A_3023 = arith.cmpi slt, %lt3A_3022, %add3A_3015 : vector<16xi32>
        %and3A_3024 = arith.andi %eq3A_3021, %lt3A_3023 : vector<16xi1>
        %or3A_3025 = arith.ori %gt3A_3019, %and3A_3024 : vector<16xi1>
        %and3A_3026 = arith.andi %eq3A_3017, %or3A_3025 : vector<16xi1>
        %convert_element_type3A_3027 = arith.extui %and3A_3026 : vector<16xi1> to vector<16xi32>
        %add3A_3028 = arith.addi %add3A_2884, %convert_element_type3A_3027 : vector<16xi32>
        %add3A_3029 = arith.constant 32 : i32
        %add3A_3030 = arith.addi %mul3A_2, %add3A_3029 : i32
        %add3A_3031 = vector.broadcast %add3A_3030 : i32 to vector<16xi32>
        %add3A_3032 = arith.addi %add3A_3031, %iota3A : vector<16xi32>
        %eq3A_3033 = vector.broadcast %squeeze3A_2988 : i32 to vector<16xi32>
        %eq3A_3034 = arith.cmpi eq, %get3A_79, %eq3A_3033 : vector<16xi32>
        %gt3A_3035 = vector.broadcast %squeeze3A_2990 : f32 to vector<16xf32>
        %gt3A_3036 = arith.cmpf ogt, %gt3A_3035, %get3A_127 : vector<16xf32>
        %eq3A_3037 = vector.broadcast %squeeze3A_2990 : f32 to vector<16xf32>
        %eq3A_3038 = arith.cmpf oeq, %eq3A_3037, %get3A_127 : vector<16xf32>
        %lt3A_3039 = vector.broadcast %add3A_2994 : i32 to vector<16xi32>
        %lt3A_3040 = arith.cmpi slt, %lt3A_3039, %add3A_3032 : vector<16xi32>
        %and3A_3041 = arith.andi %eq3A_3038, %lt3A_3040 : vector<16xi1>
        %or3A_3042 = arith.ori %gt3A_3036, %and3A_3041 : vector<16xi1>
        %and3A_3043 = arith.andi %eq3A_3034, %or3A_3042 : vector<16xi1>
        %convert_element_type3A_3044 = arith.extui %and3A_3043 : vector<16xi1> to vector<16xi32>
        %add3A_3045 = arith.addi %add3A_2901, %convert_element_type3A_3044 : vector<16xi32>
        %add3A_3046 = arith.constant 48 : i32
        %add3A_3047 = arith.addi %mul3A_2, %add3A_3046 : i32
        %add3A_3048 = vector.broadcast %add3A_3047 : i32 to vector<16xi32>
        %add3A_3049 = arith.addi %add3A_3048, %iota3A : vector<16xi32>
        %eq3A_3050 = vector.broadcast %squeeze3A_2988 : i32 to vector<16xi32>
        %eq3A_3051 = arith.cmpi eq, %get3A_85, %eq3A_3050 : vector<16xi32>
        %gt3A_3052 = vector.broadcast %squeeze3A_2990 : f32 to vector<16xf32>
        %gt3A_3053 = arith.cmpf ogt, %gt3A_3052, %get3A_133 : vector<16xf32>
        %eq3A_3054 = vector.broadcast %squeeze3A_2990 : f32 to vector<16xf32>
        %eq3A_3055 = arith.cmpf oeq, %eq3A_3054, %get3A_133 : vector<16xf32>
        %lt3A_3056 = vector.broadcast %add3A_2994 : i32 to vector<16xi32>
        %lt3A_3057 = arith.cmpi slt, %lt3A_3056, %add3A_3049 : vector<16xi32>
        %and3A_3058 = arith.andi %eq3A_3055, %lt3A_3057 : vector<16xi1>
        %or3A_3059 = arith.ori %gt3A_3053, %and3A_3058 : vector<16xi1>
        %and3A_3060 = arith.andi %eq3A_3051, %or3A_3059 : vector<16xi1>
        %convert_element_type3A_3061 = arith.extui %and3A_3060 : vector<16xi1> to vector<16xi32>
        %add3A_3062 = arith.addi %add3A_2918, %convert_element_type3A_3061 : vector<16xi32>
        %add3A_3063 = arith.constant 64 : i32
        %add3A_3064 = arith.addi %mul3A_2, %add3A_3063 : i32
        %add3A_3065 = vector.broadcast %add3A_3064 : i32 to vector<16xi32>
        %add3A_3066 = arith.addi %add3A_3065, %iota3A : vector<16xi32>
        %eq3A_3067 = vector.broadcast %squeeze3A_2988 : i32 to vector<16xi32>
        %eq3A_3068 = arith.cmpi eq, %get3A_91, %eq3A_3067 : vector<16xi32>
        %gt3A_3069 = vector.broadcast %squeeze3A_2990 : f32 to vector<16xf32>
        %gt3A_3070 = arith.cmpf ogt, %gt3A_3069, %get3A_139 : vector<16xf32>
        %eq3A_3071 = vector.broadcast %squeeze3A_2990 : f32 to vector<16xf32>
        %eq3A_3072 = arith.cmpf oeq, %eq3A_3071, %get3A_139 : vector<16xf32>
        %lt3A_3073 = vector.broadcast %add3A_2994 : i32 to vector<16xi32>
        %lt3A_3074 = arith.cmpi slt, %lt3A_3073, %add3A_3066 : vector<16xi32>
        %and3A_3075 = arith.andi %eq3A_3072, %lt3A_3074 : vector<16xi1>
        %or3A_3076 = arith.ori %gt3A_3070, %and3A_3075 : vector<16xi1>
        %and3A_3077 = arith.andi %eq3A_3068, %or3A_3076 : vector<16xi1>
        %convert_element_type3A_3078 = arith.extui %and3A_3077 : vector<16xi1> to vector<16xi32>
        %add3A_3079 = arith.addi %add3A_2935, %convert_element_type3A_3078 : vector<16xi32>
        %add3A_3080 = arith.constant 80 : i32
        %add3A_3081 = arith.addi %mul3A_2, %add3A_3080 : i32
        %add3A_3082 = vector.broadcast %add3A_3081 : i32 to vector<16xi32>
        %add3A_3083 = arith.addi %add3A_3082, %iota3A : vector<16xi32>
        %eq3A_3084 = vector.broadcast %squeeze3A_2988 : i32 to vector<16xi32>
        %eq3A_3085 = arith.cmpi eq, %get3A_97, %eq3A_3084 : vector<16xi32>
        %gt3A_3086 = vector.broadcast %squeeze3A_2990 : f32 to vector<16xf32>
        %gt3A_3087 = arith.cmpf ogt, %gt3A_3086, %get3A_145 : vector<16xf32>
        %eq3A_3088 = vector.broadcast %squeeze3A_2990 : f32 to vector<16xf32>
        %eq3A_3089 = arith.cmpf oeq, %eq3A_3088, %get3A_145 : vector<16xf32>
        %lt3A_3090 = vector.broadcast %add3A_2994 : i32 to vector<16xi32>
        %lt3A_3091 = arith.cmpi slt, %lt3A_3090, %add3A_3083 : vector<16xi32>
        %and3A_3092 = arith.andi %eq3A_3089, %lt3A_3091 : vector<16xi1>
        %or3A_3093 = arith.ori %gt3A_3087, %and3A_3092 : vector<16xi1>
        %and3A_3094 = arith.andi %eq3A_3085, %or3A_3093 : vector<16xi1>
        %convert_element_type3A_3095 = arith.extui %and3A_3094 : vector<16xi1> to vector<16xi32>
        %add3A_3096 = arith.addi %add3A_2952, %convert_element_type3A_3095 : vector<16xi32>
        %add3A_3097 = arith.constant 96 : i32
        %add3A_3098 = arith.addi %mul3A_2, %add3A_3097 : i32
        %add3A_3099 = vector.broadcast %add3A_3098 : i32 to vector<16xi32>
        %add3A_3100 = arith.addi %add3A_3099, %iota3A : vector<16xi32>
        %eq3A_3101 = vector.broadcast %squeeze3A_2988 : i32 to vector<16xi32>
        %eq3A_3102 = arith.cmpi eq, %get3A_103, %eq3A_3101 : vector<16xi32>
        %gt3A_3103 = vector.broadcast %squeeze3A_2990 : f32 to vector<16xf32>
        %gt3A_3104 = arith.cmpf ogt, %gt3A_3103, %get3A_151 : vector<16xf32>
        %eq3A_3105 = vector.broadcast %squeeze3A_2990 : f32 to vector<16xf32>
        %eq3A_3106 = arith.cmpf oeq, %eq3A_3105, %get3A_151 : vector<16xf32>
        %lt3A_3107 = vector.broadcast %add3A_2994 : i32 to vector<16xi32>
        %lt3A_3108 = arith.cmpi slt, %lt3A_3107, %add3A_3100 : vector<16xi32>
        %and3A_3109 = arith.andi %eq3A_3106, %lt3A_3108 : vector<16xi1>
        %or3A_3110 = arith.ori %gt3A_3104, %and3A_3109 : vector<16xi1>
        %and3A_3111 = arith.andi %eq3A_3102, %or3A_3110 : vector<16xi1>
        %convert_element_type3A_3112 = arith.extui %and3A_3111 : vector<16xi1> to vector<16xi32>
        %add3A_3113 = arith.addi %add3A_2969, %convert_element_type3A_3112 : vector<16xi32>
        %add3A_3114 = arith.constant 112 : i32
        %add3A_3115 = arith.addi %mul3A_2, %add3A_3114 : i32
        %add3A_3116 = vector.broadcast %add3A_3115 : i32 to vector<16xi32>
        %add3A_3117 = arith.addi %add3A_3116, %iota3A : vector<16xi32>
        %eq3A_3118 = vector.broadcast %squeeze3A_2988 : i32 to vector<16xi32>
        %eq3A_3119 = arith.cmpi eq, %get3A_109, %eq3A_3118 : vector<16xi32>
        %gt3A_3120 = vector.broadcast %squeeze3A_2990 : f32 to vector<16xf32>
        %gt3A_3121 = arith.cmpf ogt, %gt3A_3120, %get3A_157 : vector<16xf32>
        %eq3A_3122 = vector.broadcast %squeeze3A_2990 : f32 to vector<16xf32>
        %eq3A_3123 = arith.cmpf oeq, %eq3A_3122, %get3A_157 : vector<16xf32>
        %lt3A_3124 = vector.broadcast %add3A_2994 : i32 to vector<16xi32>
        %lt3A_3125 = arith.cmpi slt, %lt3A_3124, %add3A_3117 : vector<16xi32>
        %and3A_3126 = arith.andi %eq3A_3123, %lt3A_3125 : vector<16xi1>
        %or3A_3127 = arith.ori %gt3A_3121, %and3A_3126 : vector<16xi1>
        %and3A_3128 = arith.andi %eq3A_3119, %or3A_3127 : vector<16xi1>
        %convert_element_type3A_3129 = arith.extui %and3A_3128 : vector<16xi1> to vector<16xi32>
        %add3A_3130 = arith.addi %add3A_2986, %convert_element_type3A_3129 : vector<16xi32>
        %slice3A_3131 = vector.extract_strided_slice %get3A_1975 {offsets = [8], sizes = [1], strides = [1]} : vector<16xi32> to vector<1xi32>
        %squeeze3A_3132 = vector.extract %slice3A_3131[0] : i32 from vector<1xi32>
        %slice3A_3133 = vector.extract_strided_slice %get3A_1979 {offsets = [8], sizes = [1], strides = [1]} : vector<16xf32> to vector<1xf32>
        %squeeze3A_3134 = vector.extract %slice3A_3133[0] : f32 from vector<1xf32>
        %mul3A_3135 = arith.constant 16 : i32
        %mul3A_3136 = arith.muli %scan3A_1963, %mul3A_3135 : i32
        %add3A_3137 = arith.constant 8 : i32
        %add3A_3138 = arith.addi %mul3A_3136, %add3A_3137 : i32
        %add3A_3139 = arith.constant 0 : i32
        %add3A_3140 = arith.addi %mul3A_2, %add3A_3139 : i32
        %add3A_3141 = vector.broadcast %add3A_3140 : i32 to vector<16xi32>
        %add3A_3142 = arith.addi %add3A_3141, %iota3A : vector<16xi32>
        %eq3A_3143 = vector.broadcast %squeeze3A_3132 : i32 to vector<16xi32>
        %eq3A_3144 = arith.cmpi eq, %get3A_67, %eq3A_3143 : vector<16xi32>
        %gt3A_3145 = vector.broadcast %squeeze3A_3134 : f32 to vector<16xf32>
        %gt3A_3146 = arith.cmpf ogt, %gt3A_3145, %get3A_115 : vector<16xf32>
        %eq3A_3147 = vector.broadcast %squeeze3A_3134 : f32 to vector<16xf32>
        %eq3A_3148 = arith.cmpf oeq, %eq3A_3147, %get3A_115 : vector<16xf32>
        %lt3A_3149 = vector.broadcast %add3A_3138 : i32 to vector<16xi32>
        %lt3A_3150 = arith.cmpi slt, %lt3A_3149, %add3A_3142 : vector<16xi32>
        %and3A_3151 = arith.andi %eq3A_3148, %lt3A_3150 : vector<16xi1>
        %or3A_3152 = arith.ori %gt3A_3146, %and3A_3151 : vector<16xi1>
        %and3A_3153 = arith.andi %eq3A_3144, %or3A_3152 : vector<16xi1>
        %convert_element_type3A_3154 = arith.extui %and3A_3153 : vector<16xi1> to vector<16xi32>
        %add3A_3155 = arith.addi %add3A_3011, %convert_element_type3A_3154 : vector<16xi32>
        %add3A_3156 = arith.constant 16 : i32
        %add3A_3157 = arith.addi %mul3A_2, %add3A_3156 : i32
        %add3A_3158 = vector.broadcast %add3A_3157 : i32 to vector<16xi32>
        %add3A_3159 = arith.addi %add3A_3158, %iota3A : vector<16xi32>
        %eq3A_3160 = vector.broadcast %squeeze3A_3132 : i32 to vector<16xi32>
        %eq3A_3161 = arith.cmpi eq, %get3A_73, %eq3A_3160 : vector<16xi32>
        %gt3A_3162 = vector.broadcast %squeeze3A_3134 : f32 to vector<16xf32>
        %gt3A_3163 = arith.cmpf ogt, %gt3A_3162, %get3A_121 : vector<16xf32>
        %eq3A_3164 = vector.broadcast %squeeze3A_3134 : f32 to vector<16xf32>
        %eq3A_3165 = arith.cmpf oeq, %eq3A_3164, %get3A_121 : vector<16xf32>
        %lt3A_3166 = vector.broadcast %add3A_3138 : i32 to vector<16xi32>
        %lt3A_3167 = arith.cmpi slt, %lt3A_3166, %add3A_3159 : vector<16xi32>
        %and3A_3168 = arith.andi %eq3A_3165, %lt3A_3167 : vector<16xi1>
        %or3A_3169 = arith.ori %gt3A_3163, %and3A_3168 : vector<16xi1>
        %and3A_3170 = arith.andi %eq3A_3161, %or3A_3169 : vector<16xi1>
        %convert_element_type3A_3171 = arith.extui %and3A_3170 : vector<16xi1> to vector<16xi32>
        %add3A_3172 = arith.addi %add3A_3028, %convert_element_type3A_3171 : vector<16xi32>
        %add3A_3173 = arith.constant 32 : i32
        %add3A_3174 = arith.addi %mul3A_2, %add3A_3173 : i32
        %add3A_3175 = vector.broadcast %add3A_3174 : i32 to vector<16xi32>
        %add3A_3176 = arith.addi %add3A_3175, %iota3A : vector<16xi32>
        %eq3A_3177 = vector.broadcast %squeeze3A_3132 : i32 to vector<16xi32>
        %eq3A_3178 = arith.cmpi eq, %get3A_79, %eq3A_3177 : vector<16xi32>
        %gt3A_3179 = vector.broadcast %squeeze3A_3134 : f32 to vector<16xf32>
        %gt3A_3180 = arith.cmpf ogt, %gt3A_3179, %get3A_127 : vector<16xf32>
        %eq3A_3181 = vector.broadcast %squeeze3A_3134 : f32 to vector<16xf32>
        %eq3A_3182 = arith.cmpf oeq, %eq3A_3181, %get3A_127 : vector<16xf32>
        %lt3A_3183 = vector.broadcast %add3A_3138 : i32 to vector<16xi32>
        %lt3A_3184 = arith.cmpi slt, %lt3A_3183, %add3A_3176 : vector<16xi32>
        %and3A_3185 = arith.andi %eq3A_3182, %lt3A_3184 : vector<16xi1>
        %or3A_3186 = arith.ori %gt3A_3180, %and3A_3185 : vector<16xi1>
        %and3A_3187 = arith.andi %eq3A_3178, %or3A_3186 : vector<16xi1>
        %convert_element_type3A_3188 = arith.extui %and3A_3187 : vector<16xi1> to vector<16xi32>
        %add3A_3189 = arith.addi %add3A_3045, %convert_element_type3A_3188 : vector<16xi32>
        %add3A_3190 = arith.constant 48 : i32
        %add3A_3191 = arith.addi %mul3A_2, %add3A_3190 : i32
        %add3A_3192 = vector.broadcast %add3A_3191 : i32 to vector<16xi32>
        %add3A_3193 = arith.addi %add3A_3192, %iota3A : vector<16xi32>
        %eq3A_3194 = vector.broadcast %squeeze3A_3132 : i32 to vector<16xi32>
        %eq3A_3195 = arith.cmpi eq, %get3A_85, %eq3A_3194 : vector<16xi32>
        %gt3A_3196 = vector.broadcast %squeeze3A_3134 : f32 to vector<16xf32>
        %gt3A_3197 = arith.cmpf ogt, %gt3A_3196, %get3A_133 : vector<16xf32>
        %eq3A_3198 = vector.broadcast %squeeze3A_3134 : f32 to vector<16xf32>
        %eq3A_3199 = arith.cmpf oeq, %eq3A_3198, %get3A_133 : vector<16xf32>
        %lt3A_3200 = vector.broadcast %add3A_3138 : i32 to vector<16xi32>
        %lt3A_3201 = arith.cmpi slt, %lt3A_3200, %add3A_3193 : vector<16xi32>
        %and3A_3202 = arith.andi %eq3A_3199, %lt3A_3201 : vector<16xi1>
        %or3A_3203 = arith.ori %gt3A_3197, %and3A_3202 : vector<16xi1>
        %and3A_3204 = arith.andi %eq3A_3195, %or3A_3203 : vector<16xi1>
        %convert_element_type3A_3205 = arith.extui %and3A_3204 : vector<16xi1> to vector<16xi32>
        %add3A_3206 = arith.addi %add3A_3062, %convert_element_type3A_3205 : vector<16xi32>
        %add3A_3207 = arith.constant 64 : i32
        %add3A_3208 = arith.addi %mul3A_2, %add3A_3207 : i32
        %add3A_3209 = vector.broadcast %add3A_3208 : i32 to vector<16xi32>
        %add3A_3210 = arith.addi %add3A_3209, %iota3A : vector<16xi32>
        %eq3A_3211 = vector.broadcast %squeeze3A_3132 : i32 to vector<16xi32>
        %eq3A_3212 = arith.cmpi eq, %get3A_91, %eq3A_3211 : vector<16xi32>
        %gt3A_3213 = vector.broadcast %squeeze3A_3134 : f32 to vector<16xf32>
        %gt3A_3214 = arith.cmpf ogt, %gt3A_3213, %get3A_139 : vector<16xf32>
        %eq3A_3215 = vector.broadcast %squeeze3A_3134 : f32 to vector<16xf32>
        %eq3A_3216 = arith.cmpf oeq, %eq3A_3215, %get3A_139 : vector<16xf32>
        %lt3A_3217 = vector.broadcast %add3A_3138 : i32 to vector<16xi32>
        %lt3A_3218 = arith.cmpi slt, %lt3A_3217, %add3A_3210 : vector<16xi32>
        %and3A_3219 = arith.andi %eq3A_3216, %lt3A_3218 : vector<16xi1>
        %or3A_3220 = arith.ori %gt3A_3214, %and3A_3219 : vector<16xi1>
        %and3A_3221 = arith.andi %eq3A_3212, %or3A_3220 : vector<16xi1>
        %convert_element_type3A_3222 = arith.extui %and3A_3221 : vector<16xi1> to vector<16xi32>
        %add3A_3223 = arith.addi %add3A_3079, %convert_element_type3A_3222 : vector<16xi32>
        %add3A_3224 = arith.constant 80 : i32
        %add3A_3225 = arith.addi %mul3A_2, %add3A_3224 : i32
        %add3A_3226 = vector.broadcast %add3A_3225 : i32 to vector<16xi32>
        %add3A_3227 = arith.addi %add3A_3226, %iota3A : vector<16xi32>
        %eq3A_3228 = vector.broadcast %squeeze3A_3132 : i32 to vector<16xi32>
        %eq3A_3229 = arith.cmpi eq, %get3A_97, %eq3A_3228 : vector<16xi32>
        %gt3A_3230 = vector.broadcast %squeeze3A_3134 : f32 to vector<16xf32>
        %gt3A_3231 = arith.cmpf ogt, %gt3A_3230, %get3A_145 : vector<16xf32>
        %eq3A_3232 = vector.broadcast %squeeze3A_3134 : f32 to vector<16xf32>
        %eq3A_3233 = arith.cmpf oeq, %eq3A_3232, %get3A_145 : vector<16xf32>
        %lt3A_3234 = vector.broadcast %add3A_3138 : i32 to vector<16xi32>
        %lt3A_3235 = arith.cmpi slt, %lt3A_3234, %add3A_3227 : vector<16xi32>
        %and3A_3236 = arith.andi %eq3A_3233, %lt3A_3235 : vector<16xi1>
        %or3A_3237 = arith.ori %gt3A_3231, %and3A_3236 : vector<16xi1>
        %and3A_3238 = arith.andi %eq3A_3229, %or3A_3237 : vector<16xi1>
        %convert_element_type3A_3239 = arith.extui %and3A_3238 : vector<16xi1> to vector<16xi32>
        %add3A_3240 = arith.addi %add3A_3096, %convert_element_type3A_3239 : vector<16xi32>
        %add3A_3241 = arith.constant 96 : i32
        %add3A_3242 = arith.addi %mul3A_2, %add3A_3241 : i32
        %add3A_3243 = vector.broadcast %add3A_3242 : i32 to vector<16xi32>
        %add3A_3244 = arith.addi %add3A_3243, %iota3A : vector<16xi32>
        %eq3A_3245 = vector.broadcast %squeeze3A_3132 : i32 to vector<16xi32>
        %eq3A_3246 = arith.cmpi eq, %get3A_103, %eq3A_3245 : vector<16xi32>
        %gt3A_3247 = vector.broadcast %squeeze3A_3134 : f32 to vector<16xf32>
        %gt3A_3248 = arith.cmpf ogt, %gt3A_3247, %get3A_151 : vector<16xf32>
        %eq3A_3249 = vector.broadcast %squeeze3A_3134 : f32 to vector<16xf32>
        %eq3A_3250 = arith.cmpf oeq, %eq3A_3249, %get3A_151 : vector<16xf32>
        %lt3A_3251 = vector.broadcast %add3A_3138 : i32 to vector<16xi32>
        %lt3A_3252 = arith.cmpi slt, %lt3A_3251, %add3A_3244 : vector<16xi32>
        %and3A_3253 = arith.andi %eq3A_3250, %lt3A_3252 : vector<16xi1>
        %or3A_3254 = arith.ori %gt3A_3248, %and3A_3253 : vector<16xi1>
        %and3A_3255 = arith.andi %eq3A_3246, %or3A_3254 : vector<16xi1>
        %convert_element_type3A_3256 = arith.extui %and3A_3255 : vector<16xi1> to vector<16xi32>
        %add3A_3257 = arith.addi %add3A_3113, %convert_element_type3A_3256 : vector<16xi32>
        %add3A_3258 = arith.constant 112 : i32
        %add3A_3259 = arith.addi %mul3A_2, %add3A_3258 : i32
        %add3A_3260 = vector.broadcast %add3A_3259 : i32 to vector<16xi32>
        %add3A_3261 = arith.addi %add3A_3260, %iota3A : vector<16xi32>
        %eq3A_3262 = vector.broadcast %squeeze3A_3132 : i32 to vector<16xi32>
        %eq3A_3263 = arith.cmpi eq, %get3A_109, %eq3A_3262 : vector<16xi32>
        %gt3A_3264 = vector.broadcast %squeeze3A_3134 : f32 to vector<16xf32>
        %gt3A_3265 = arith.cmpf ogt, %gt3A_3264, %get3A_157 : vector<16xf32>
        %eq3A_3266 = vector.broadcast %squeeze3A_3134 : f32 to vector<16xf32>
        %eq3A_3267 = arith.cmpf oeq, %eq3A_3266, %get3A_157 : vector<16xf32>
        %lt3A_3268 = vector.broadcast %add3A_3138 : i32 to vector<16xi32>
        %lt3A_3269 = arith.cmpi slt, %lt3A_3268, %add3A_3261 : vector<16xi32>
        %and3A_3270 = arith.andi %eq3A_3267, %lt3A_3269 : vector<16xi1>
        %or3A_3271 = arith.ori %gt3A_3265, %and3A_3270 : vector<16xi1>
        %and3A_3272 = arith.andi %eq3A_3263, %or3A_3271 : vector<16xi1>
        %convert_element_type3A_3273 = arith.extui %and3A_3272 : vector<16xi1> to vector<16xi32>
        %add3A_3274 = arith.addi %add3A_3130, %convert_element_type3A_3273 : vector<16xi32>
        %slice3A_3275 = vector.extract_strided_slice %get3A_1975 {offsets = [9], sizes = [1], strides = [1]} : vector<16xi32> to vector<1xi32>
        %squeeze3A_3276 = vector.extract %slice3A_3275[0] : i32 from vector<1xi32>
        %slice3A_3277 = vector.extract_strided_slice %get3A_1979 {offsets = [9], sizes = [1], strides = [1]} : vector<16xf32> to vector<1xf32>
        %squeeze3A_3278 = vector.extract %slice3A_3277[0] : f32 from vector<1xf32>
        %mul3A_3279 = arith.constant 16 : i32
        %mul3A_3280 = arith.muli %scan3A_1963, %mul3A_3279 : i32
        %add3A_3281 = arith.constant 9 : i32
        %add3A_3282 = arith.addi %mul3A_3280, %add3A_3281 : i32
        %add3A_3283 = arith.constant 0 : i32
        %add3A_3284 = arith.addi %mul3A_2, %add3A_3283 : i32
        %add3A_3285 = vector.broadcast %add3A_3284 : i32 to vector<16xi32>
        %add3A_3286 = arith.addi %add3A_3285, %iota3A : vector<16xi32>
        %eq3A_3287 = vector.broadcast %squeeze3A_3276 : i32 to vector<16xi32>
        %eq3A_3288 = arith.cmpi eq, %get3A_67, %eq3A_3287 : vector<16xi32>
        %gt3A_3289 = vector.broadcast %squeeze3A_3278 : f32 to vector<16xf32>
        %gt3A_3290 = arith.cmpf ogt, %gt3A_3289, %get3A_115 : vector<16xf32>
        %eq3A_3291 = vector.broadcast %squeeze3A_3278 : f32 to vector<16xf32>
        %eq3A_3292 = arith.cmpf oeq, %eq3A_3291, %get3A_115 : vector<16xf32>
        %lt3A_3293 = vector.broadcast %add3A_3282 : i32 to vector<16xi32>
        %lt3A_3294 = arith.cmpi slt, %lt3A_3293, %add3A_3286 : vector<16xi32>
        %and3A_3295 = arith.andi %eq3A_3292, %lt3A_3294 : vector<16xi1>
        %or3A_3296 = arith.ori %gt3A_3290, %and3A_3295 : vector<16xi1>
        %and3A_3297 = arith.andi %eq3A_3288, %or3A_3296 : vector<16xi1>
        %convert_element_type3A_3298 = arith.extui %and3A_3297 : vector<16xi1> to vector<16xi32>
        %add3A_3299 = arith.addi %add3A_3155, %convert_element_type3A_3298 : vector<16xi32>
        %add3A_3300 = arith.constant 16 : i32
        %add3A_3301 = arith.addi %mul3A_2, %add3A_3300 : i32
        %add3A_3302 = vector.broadcast %add3A_3301 : i32 to vector<16xi32>
        %add3A_3303 = arith.addi %add3A_3302, %iota3A : vector<16xi32>
        %eq3A_3304 = vector.broadcast %squeeze3A_3276 : i32 to vector<16xi32>
        %eq3A_3305 = arith.cmpi eq, %get3A_73, %eq3A_3304 : vector<16xi32>
        %gt3A_3306 = vector.broadcast %squeeze3A_3278 : f32 to vector<16xf32>
        %gt3A_3307 = arith.cmpf ogt, %gt3A_3306, %get3A_121 : vector<16xf32>
        %eq3A_3308 = vector.broadcast %squeeze3A_3278 : f32 to vector<16xf32>
        %eq3A_3309 = arith.cmpf oeq, %eq3A_3308, %get3A_121 : vector<16xf32>
        %lt3A_3310 = vector.broadcast %add3A_3282 : i32 to vector<16xi32>
        %lt3A_3311 = arith.cmpi slt, %lt3A_3310, %add3A_3303 : vector<16xi32>
        %and3A_3312 = arith.andi %eq3A_3309, %lt3A_3311 : vector<16xi1>
        %or3A_3313 = arith.ori %gt3A_3307, %and3A_3312 : vector<16xi1>
        %and3A_3314 = arith.andi %eq3A_3305, %or3A_3313 : vector<16xi1>
        %convert_element_type3A_3315 = arith.extui %and3A_3314 : vector<16xi1> to vector<16xi32>
        %add3A_3316 = arith.addi %add3A_3172, %convert_element_type3A_3315 : vector<16xi32>
        %add3A_3317 = arith.constant 32 : i32
        %add3A_3318 = arith.addi %mul3A_2, %add3A_3317 : i32
        %add3A_3319 = vector.broadcast %add3A_3318 : i32 to vector<16xi32>
        %add3A_3320 = arith.addi %add3A_3319, %iota3A : vector<16xi32>
        %eq3A_3321 = vector.broadcast %squeeze3A_3276 : i32 to vector<16xi32>
        %eq3A_3322 = arith.cmpi eq, %get3A_79, %eq3A_3321 : vector<16xi32>
        %gt3A_3323 = vector.broadcast %squeeze3A_3278 : f32 to vector<16xf32>
        %gt3A_3324 = arith.cmpf ogt, %gt3A_3323, %get3A_127 : vector<16xf32>
        %eq3A_3325 = vector.broadcast %squeeze3A_3278 : f32 to vector<16xf32>
        %eq3A_3326 = arith.cmpf oeq, %eq3A_3325, %get3A_127 : vector<16xf32>
        %lt3A_3327 = vector.broadcast %add3A_3282 : i32 to vector<16xi32>
        %lt3A_3328 = arith.cmpi slt, %lt3A_3327, %add3A_3320 : vector<16xi32>
        %and3A_3329 = arith.andi %eq3A_3326, %lt3A_3328 : vector<16xi1>
        %or3A_3330 = arith.ori %gt3A_3324, %and3A_3329 : vector<16xi1>
        %and3A_3331 = arith.andi %eq3A_3322, %or3A_3330 : vector<16xi1>
        %convert_element_type3A_3332 = arith.extui %and3A_3331 : vector<16xi1> to vector<16xi32>
        %add3A_3333 = arith.addi %add3A_3189, %convert_element_type3A_3332 : vector<16xi32>
        %add3A_3334 = arith.constant 48 : i32
        %add3A_3335 = arith.addi %mul3A_2, %add3A_3334 : i32
        %add3A_3336 = vector.broadcast %add3A_3335 : i32 to vector<16xi32>
        %add3A_3337 = arith.addi %add3A_3336, %iota3A : vector<16xi32>
        %eq3A_3338 = vector.broadcast %squeeze3A_3276 : i32 to vector<16xi32>
        %eq3A_3339 = arith.cmpi eq, %get3A_85, %eq3A_3338 : vector<16xi32>
        %gt3A_3340 = vector.broadcast %squeeze3A_3278 : f32 to vector<16xf32>
        %gt3A_3341 = arith.cmpf ogt, %gt3A_3340, %get3A_133 : vector<16xf32>
        %eq3A_3342 = vector.broadcast %squeeze3A_3278 : f32 to vector<16xf32>
        %eq3A_3343 = arith.cmpf oeq, %eq3A_3342, %get3A_133 : vector<16xf32>
        %lt3A_3344 = vector.broadcast %add3A_3282 : i32 to vector<16xi32>
        %lt3A_3345 = arith.cmpi slt, %lt3A_3344, %add3A_3337 : vector<16xi32>
        %and3A_3346 = arith.andi %eq3A_3343, %lt3A_3345 : vector<16xi1>
        %or3A_3347 = arith.ori %gt3A_3341, %and3A_3346 : vector<16xi1>
        %and3A_3348 = arith.andi %eq3A_3339, %or3A_3347 : vector<16xi1>
        %convert_element_type3A_3349 = arith.extui %and3A_3348 : vector<16xi1> to vector<16xi32>
        %add3A_3350 = arith.addi %add3A_3206, %convert_element_type3A_3349 : vector<16xi32>
        %add3A_3351 = arith.constant 64 : i32
        %add3A_3352 = arith.addi %mul3A_2, %add3A_3351 : i32
        %add3A_3353 = vector.broadcast %add3A_3352 : i32 to vector<16xi32>
        %add3A_3354 = arith.addi %add3A_3353, %iota3A : vector<16xi32>
        %eq3A_3355 = vector.broadcast %squeeze3A_3276 : i32 to vector<16xi32>
        %eq3A_3356 = arith.cmpi eq, %get3A_91, %eq3A_3355 : vector<16xi32>
        %gt3A_3357 = vector.broadcast %squeeze3A_3278 : f32 to vector<16xf32>
        %gt3A_3358 = arith.cmpf ogt, %gt3A_3357, %get3A_139 : vector<16xf32>
        %eq3A_3359 = vector.broadcast %squeeze3A_3278 : f32 to vector<16xf32>
        %eq3A_3360 = arith.cmpf oeq, %eq3A_3359, %get3A_139 : vector<16xf32>
        %lt3A_3361 = vector.broadcast %add3A_3282 : i32 to vector<16xi32>
        %lt3A_3362 = arith.cmpi slt, %lt3A_3361, %add3A_3354 : vector<16xi32>
        %and3A_3363 = arith.andi %eq3A_3360, %lt3A_3362 : vector<16xi1>
        %or3A_3364 = arith.ori %gt3A_3358, %and3A_3363 : vector<16xi1>
        %and3A_3365 = arith.andi %eq3A_3356, %or3A_3364 : vector<16xi1>
        %convert_element_type3A_3366 = arith.extui %and3A_3365 : vector<16xi1> to vector<16xi32>
        %add3A_3367 = arith.addi %add3A_3223, %convert_element_type3A_3366 : vector<16xi32>
        %add3A_3368 = arith.constant 80 : i32
        %add3A_3369 = arith.addi %mul3A_2, %add3A_3368 : i32
        %add3A_3370 = vector.broadcast %add3A_3369 : i32 to vector<16xi32>
        %add3A_3371 = arith.addi %add3A_3370, %iota3A : vector<16xi32>
        %eq3A_3372 = vector.broadcast %squeeze3A_3276 : i32 to vector<16xi32>
        %eq3A_3373 = arith.cmpi eq, %get3A_97, %eq3A_3372 : vector<16xi32>
        %gt3A_3374 = vector.broadcast %squeeze3A_3278 : f32 to vector<16xf32>
        %gt3A_3375 = arith.cmpf ogt, %gt3A_3374, %get3A_145 : vector<16xf32>
        %eq3A_3376 = vector.broadcast %squeeze3A_3278 : f32 to vector<16xf32>
        %eq3A_3377 = arith.cmpf oeq, %eq3A_3376, %get3A_145 : vector<16xf32>
        %lt3A_3378 = vector.broadcast %add3A_3282 : i32 to vector<16xi32>
        %lt3A_3379 = arith.cmpi slt, %lt3A_3378, %add3A_3371 : vector<16xi32>
        %and3A_3380 = arith.andi %eq3A_3377, %lt3A_3379 : vector<16xi1>
        %or3A_3381 = arith.ori %gt3A_3375, %and3A_3380 : vector<16xi1>
        %and3A_3382 = arith.andi %eq3A_3373, %or3A_3381 : vector<16xi1>
        %convert_element_type3A_3383 = arith.extui %and3A_3382 : vector<16xi1> to vector<16xi32>
        %add3A_3384 = arith.addi %add3A_3240, %convert_element_type3A_3383 : vector<16xi32>
        %add3A_3385 = arith.constant 96 : i32
        %add3A_3386 = arith.addi %mul3A_2, %add3A_3385 : i32
        %add3A_3387 = vector.broadcast %add3A_3386 : i32 to vector<16xi32>
        %add3A_3388 = arith.addi %add3A_3387, %iota3A : vector<16xi32>
        %eq3A_3389 = vector.broadcast %squeeze3A_3276 : i32 to vector<16xi32>
        %eq3A_3390 = arith.cmpi eq, %get3A_103, %eq3A_3389 : vector<16xi32>
        %gt3A_3391 = vector.broadcast %squeeze3A_3278 : f32 to vector<16xf32>
        %gt3A_3392 = arith.cmpf ogt, %gt3A_3391, %get3A_151 : vector<16xf32>
        %eq3A_3393 = vector.broadcast %squeeze3A_3278 : f32 to vector<16xf32>
        %eq3A_3394 = arith.cmpf oeq, %eq3A_3393, %get3A_151 : vector<16xf32>
        %lt3A_3395 = vector.broadcast %add3A_3282 : i32 to vector<16xi32>
        %lt3A_3396 = arith.cmpi slt, %lt3A_3395, %add3A_3388 : vector<16xi32>
        %and3A_3397 = arith.andi %eq3A_3394, %lt3A_3396 : vector<16xi1>
        %or3A_3398 = arith.ori %gt3A_3392, %and3A_3397 : vector<16xi1>
        %and3A_3399 = arith.andi %eq3A_3390, %or3A_3398 : vector<16xi1>
        %convert_element_type3A_3400 = arith.extui %and3A_3399 : vector<16xi1> to vector<16xi32>
        %add3A_3401 = arith.addi %add3A_3257, %convert_element_type3A_3400 : vector<16xi32>
        %add3A_3402 = arith.constant 112 : i32
        %add3A_3403 = arith.addi %mul3A_2, %add3A_3402 : i32
        %add3A_3404 = vector.broadcast %add3A_3403 : i32 to vector<16xi32>
        %add3A_3405 = arith.addi %add3A_3404, %iota3A : vector<16xi32>
        %eq3A_3406 = vector.broadcast %squeeze3A_3276 : i32 to vector<16xi32>
        %eq3A_3407 = arith.cmpi eq, %get3A_109, %eq3A_3406 : vector<16xi32>
        %gt3A_3408 = vector.broadcast %squeeze3A_3278 : f32 to vector<16xf32>
        %gt3A_3409 = arith.cmpf ogt, %gt3A_3408, %get3A_157 : vector<16xf32>
        %eq3A_3410 = vector.broadcast %squeeze3A_3278 : f32 to vector<16xf32>
        %eq3A_3411 = arith.cmpf oeq, %eq3A_3410, %get3A_157 : vector<16xf32>
        %lt3A_3412 = vector.broadcast %add3A_3282 : i32 to vector<16xi32>
        %lt3A_3413 = arith.cmpi slt, %lt3A_3412, %add3A_3405 : vector<16xi32>
        %and3A_3414 = arith.andi %eq3A_3411, %lt3A_3413 : vector<16xi1>
        %or3A_3415 = arith.ori %gt3A_3409, %and3A_3414 : vector<16xi1>
        %and3A_3416 = arith.andi %eq3A_3407, %or3A_3415 : vector<16xi1>
        %convert_element_type3A_3417 = arith.extui %and3A_3416 : vector<16xi1> to vector<16xi32>
        %add3A_3418 = arith.addi %add3A_3274, %convert_element_type3A_3417 : vector<16xi32>
        %slice3A_3419 = vector.extract_strided_slice %get3A_1975 {offsets = [10], sizes = [1], strides = [1]} : vector<16xi32> to vector<1xi32>
        %squeeze3A_3420 = vector.extract %slice3A_3419[0] : i32 from vector<1xi32>
        %slice3A_3421 = vector.extract_strided_slice %get3A_1979 {offsets = [10], sizes = [1], strides = [1]} : vector<16xf32> to vector<1xf32>
        %squeeze3A_3422 = vector.extract %slice3A_3421[0] : f32 from vector<1xf32>
        %mul3A_3423 = arith.constant 16 : i32
        %mul3A_3424 = arith.muli %scan3A_1963, %mul3A_3423 : i32
        %add3A_3425 = arith.constant 10 : i32
        %add3A_3426 = arith.addi %mul3A_3424, %add3A_3425 : i32
        %add3A_3427 = arith.constant 0 : i32
        %add3A_3428 = arith.addi %mul3A_2, %add3A_3427 : i32
        %add3A_3429 = vector.broadcast %add3A_3428 : i32 to vector<16xi32>
        %add3A_3430 = arith.addi %add3A_3429, %iota3A : vector<16xi32>
        %eq3A_3431 = vector.broadcast %squeeze3A_3420 : i32 to vector<16xi32>
        %eq3A_3432 = arith.cmpi eq, %get3A_67, %eq3A_3431 : vector<16xi32>
        %gt3A_3433 = vector.broadcast %squeeze3A_3422 : f32 to vector<16xf32>
        %gt3A_3434 = arith.cmpf ogt, %gt3A_3433, %get3A_115 : vector<16xf32>
        %eq3A_3435 = vector.broadcast %squeeze3A_3422 : f32 to vector<16xf32>
        %eq3A_3436 = arith.cmpf oeq, %eq3A_3435, %get3A_115 : vector<16xf32>
        %lt3A_3437 = vector.broadcast %add3A_3426 : i32 to vector<16xi32>
        %lt3A_3438 = arith.cmpi slt, %lt3A_3437, %add3A_3430 : vector<16xi32>
        %and3A_3439 = arith.andi %eq3A_3436, %lt3A_3438 : vector<16xi1>
        %or3A_3440 = arith.ori %gt3A_3434, %and3A_3439 : vector<16xi1>
        %and3A_3441 = arith.andi %eq3A_3432, %or3A_3440 : vector<16xi1>
        %convert_element_type3A_3442 = arith.extui %and3A_3441 : vector<16xi1> to vector<16xi32>
        %add3A_3443 = arith.addi %add3A_3299, %convert_element_type3A_3442 : vector<16xi32>
        %add3A_3444 = arith.constant 16 : i32
        %add3A_3445 = arith.addi %mul3A_2, %add3A_3444 : i32
        %add3A_3446 = vector.broadcast %add3A_3445 : i32 to vector<16xi32>
        %add3A_3447 = arith.addi %add3A_3446, %iota3A : vector<16xi32>
        %eq3A_3448 = vector.broadcast %squeeze3A_3420 : i32 to vector<16xi32>
        %eq3A_3449 = arith.cmpi eq, %get3A_73, %eq3A_3448 : vector<16xi32>
        %gt3A_3450 = vector.broadcast %squeeze3A_3422 : f32 to vector<16xf32>
        %gt3A_3451 = arith.cmpf ogt, %gt3A_3450, %get3A_121 : vector<16xf32>
        %eq3A_3452 = vector.broadcast %squeeze3A_3422 : f32 to vector<16xf32>
        %eq3A_3453 = arith.cmpf oeq, %eq3A_3452, %get3A_121 : vector<16xf32>
        %lt3A_3454 = vector.broadcast %add3A_3426 : i32 to vector<16xi32>
        %lt3A_3455 = arith.cmpi slt, %lt3A_3454, %add3A_3447 : vector<16xi32>
        %and3A_3456 = arith.andi %eq3A_3453, %lt3A_3455 : vector<16xi1>
        %or3A_3457 = arith.ori %gt3A_3451, %and3A_3456 : vector<16xi1>
        %and3A_3458 = arith.andi %eq3A_3449, %or3A_3457 : vector<16xi1>
        %convert_element_type3A_3459 = arith.extui %and3A_3458 : vector<16xi1> to vector<16xi32>
        %add3A_3460 = arith.addi %add3A_3316, %convert_element_type3A_3459 : vector<16xi32>
        %add3A_3461 = arith.constant 32 : i32
        %add3A_3462 = arith.addi %mul3A_2, %add3A_3461 : i32
        %add3A_3463 = vector.broadcast %add3A_3462 : i32 to vector<16xi32>
        %add3A_3464 = arith.addi %add3A_3463, %iota3A : vector<16xi32>
        %eq3A_3465 = vector.broadcast %squeeze3A_3420 : i32 to vector<16xi32>
        %eq3A_3466 = arith.cmpi eq, %get3A_79, %eq3A_3465 : vector<16xi32>
        %gt3A_3467 = vector.broadcast %squeeze3A_3422 : f32 to vector<16xf32>
        %gt3A_3468 = arith.cmpf ogt, %gt3A_3467, %get3A_127 : vector<16xf32>
        %eq3A_3469 = vector.broadcast %squeeze3A_3422 : f32 to vector<16xf32>
        %eq3A_3470 = arith.cmpf oeq, %eq3A_3469, %get3A_127 : vector<16xf32>
        %lt3A_3471 = vector.broadcast %add3A_3426 : i32 to vector<16xi32>
        %lt3A_3472 = arith.cmpi slt, %lt3A_3471, %add3A_3464 : vector<16xi32>
        %and3A_3473 = arith.andi %eq3A_3470, %lt3A_3472 : vector<16xi1>
        %or3A_3474 = arith.ori %gt3A_3468, %and3A_3473 : vector<16xi1>
        %and3A_3475 = arith.andi %eq3A_3466, %or3A_3474 : vector<16xi1>
        %convert_element_type3A_3476 = arith.extui %and3A_3475 : vector<16xi1> to vector<16xi32>
        %add3A_3477 = arith.addi %add3A_3333, %convert_element_type3A_3476 : vector<16xi32>
        %add3A_3478 = arith.constant 48 : i32
        %add3A_3479 = arith.addi %mul3A_2, %add3A_3478 : i32
        %add3A_3480 = vector.broadcast %add3A_3479 : i32 to vector<16xi32>
        %add3A_3481 = arith.addi %add3A_3480, %iota3A : vector<16xi32>
        %eq3A_3482 = vector.broadcast %squeeze3A_3420 : i32 to vector<16xi32>
        %eq3A_3483 = arith.cmpi eq, %get3A_85, %eq3A_3482 : vector<16xi32>
        %gt3A_3484 = vector.broadcast %squeeze3A_3422 : f32 to vector<16xf32>
        %gt3A_3485 = arith.cmpf ogt, %gt3A_3484, %get3A_133 : vector<16xf32>
        %eq3A_3486 = vector.broadcast %squeeze3A_3422 : f32 to vector<16xf32>
        %eq3A_3487 = arith.cmpf oeq, %eq3A_3486, %get3A_133 : vector<16xf32>
        %lt3A_3488 = vector.broadcast %add3A_3426 : i32 to vector<16xi32>
        %lt3A_3489 = arith.cmpi slt, %lt3A_3488, %add3A_3481 : vector<16xi32>
        %and3A_3490 = arith.andi %eq3A_3487, %lt3A_3489 : vector<16xi1>
        %or3A_3491 = arith.ori %gt3A_3485, %and3A_3490 : vector<16xi1>
        %and3A_3492 = arith.andi %eq3A_3483, %or3A_3491 : vector<16xi1>
        %convert_element_type3A_3493 = arith.extui %and3A_3492 : vector<16xi1> to vector<16xi32>
        %add3A_3494 = arith.addi %add3A_3350, %convert_element_type3A_3493 : vector<16xi32>
        %add3A_3495 = arith.constant 64 : i32
        %add3A_3496 = arith.addi %mul3A_2, %add3A_3495 : i32
        %add3A_3497 = vector.broadcast %add3A_3496 : i32 to vector<16xi32>
        %add3A_3498 = arith.addi %add3A_3497, %iota3A : vector<16xi32>
        %eq3A_3499 = vector.broadcast %squeeze3A_3420 : i32 to vector<16xi32>
        %eq3A_3500 = arith.cmpi eq, %get3A_91, %eq3A_3499 : vector<16xi32>
        %gt3A_3501 = vector.broadcast %squeeze3A_3422 : f32 to vector<16xf32>
        %gt3A_3502 = arith.cmpf ogt, %gt3A_3501, %get3A_139 : vector<16xf32>
        %eq3A_3503 = vector.broadcast %squeeze3A_3422 : f32 to vector<16xf32>
        %eq3A_3504 = arith.cmpf oeq, %eq3A_3503, %get3A_139 : vector<16xf32>
        %lt3A_3505 = vector.broadcast %add3A_3426 : i32 to vector<16xi32>
        %lt3A_3506 = arith.cmpi slt, %lt3A_3505, %add3A_3498 : vector<16xi32>
        %and3A_3507 = arith.andi %eq3A_3504, %lt3A_3506 : vector<16xi1>
        %or3A_3508 = arith.ori %gt3A_3502, %and3A_3507 : vector<16xi1>
        %and3A_3509 = arith.andi %eq3A_3500, %or3A_3508 : vector<16xi1>
        %convert_element_type3A_3510 = arith.extui %and3A_3509 : vector<16xi1> to vector<16xi32>
        %add3A_3511 = arith.addi %add3A_3367, %convert_element_type3A_3510 : vector<16xi32>
        %add3A_3512 = arith.constant 80 : i32
        %add3A_3513 = arith.addi %mul3A_2, %add3A_3512 : i32
        %add3A_3514 = vector.broadcast %add3A_3513 : i32 to vector<16xi32>
        %add3A_3515 = arith.addi %add3A_3514, %iota3A : vector<16xi32>
        %eq3A_3516 = vector.broadcast %squeeze3A_3420 : i32 to vector<16xi32>
        %eq3A_3517 = arith.cmpi eq, %get3A_97, %eq3A_3516 : vector<16xi32>
        %gt3A_3518 = vector.broadcast %squeeze3A_3422 : f32 to vector<16xf32>
        %gt3A_3519 = arith.cmpf ogt, %gt3A_3518, %get3A_145 : vector<16xf32>
        %eq3A_3520 = vector.broadcast %squeeze3A_3422 : f32 to vector<16xf32>
        %eq3A_3521 = arith.cmpf oeq, %eq3A_3520, %get3A_145 : vector<16xf32>
        %lt3A_3522 = vector.broadcast %add3A_3426 : i32 to vector<16xi32>
        %lt3A_3523 = arith.cmpi slt, %lt3A_3522, %add3A_3515 : vector<16xi32>
        %and3A_3524 = arith.andi %eq3A_3521, %lt3A_3523 : vector<16xi1>
        %or3A_3525 = arith.ori %gt3A_3519, %and3A_3524 : vector<16xi1>
        %and3A_3526 = arith.andi %eq3A_3517, %or3A_3525 : vector<16xi1>
        %convert_element_type3A_3527 = arith.extui %and3A_3526 : vector<16xi1> to vector<16xi32>
        %add3A_3528 = arith.addi %add3A_3384, %convert_element_type3A_3527 : vector<16xi32>
        %add3A_3529 = arith.constant 96 : i32
        %add3A_3530 = arith.addi %mul3A_2, %add3A_3529 : i32
        %add3A_3531 = vector.broadcast %add3A_3530 : i32 to vector<16xi32>
        %add3A_3532 = arith.addi %add3A_3531, %iota3A : vector<16xi32>
        %eq3A_3533 = vector.broadcast %squeeze3A_3420 : i32 to vector<16xi32>
        %eq3A_3534 = arith.cmpi eq, %get3A_103, %eq3A_3533 : vector<16xi32>
        %gt3A_3535 = vector.broadcast %squeeze3A_3422 : f32 to vector<16xf32>
        %gt3A_3536 = arith.cmpf ogt, %gt3A_3535, %get3A_151 : vector<16xf32>
        %eq3A_3537 = vector.broadcast %squeeze3A_3422 : f32 to vector<16xf32>
        %eq3A_3538 = arith.cmpf oeq, %eq3A_3537, %get3A_151 : vector<16xf32>
        %lt3A_3539 = vector.broadcast %add3A_3426 : i32 to vector<16xi32>
        %lt3A_3540 = arith.cmpi slt, %lt3A_3539, %add3A_3532 : vector<16xi32>
        %and3A_3541 = arith.andi %eq3A_3538, %lt3A_3540 : vector<16xi1>
        %or3A_3542 = arith.ori %gt3A_3536, %and3A_3541 : vector<16xi1>
        %and3A_3543 = arith.andi %eq3A_3534, %or3A_3542 : vector<16xi1>
        %convert_element_type3A_3544 = arith.extui %and3A_3543 : vector<16xi1> to vector<16xi32>
        %add3A_3545 = arith.addi %add3A_3401, %convert_element_type3A_3544 : vector<16xi32>
        %add3A_3546 = arith.constant 112 : i32
        %add3A_3547 = arith.addi %mul3A_2, %add3A_3546 : i32
        %add3A_3548 = vector.broadcast %add3A_3547 : i32 to vector<16xi32>
        %add3A_3549 = arith.addi %add3A_3548, %iota3A : vector<16xi32>
        %eq3A_3550 = vector.broadcast %squeeze3A_3420 : i32 to vector<16xi32>
        %eq3A_3551 = arith.cmpi eq, %get3A_109, %eq3A_3550 : vector<16xi32>
        %gt3A_3552 = vector.broadcast %squeeze3A_3422 : f32 to vector<16xf32>
        %gt3A_3553 = arith.cmpf ogt, %gt3A_3552, %get3A_157 : vector<16xf32>
        %eq3A_3554 = vector.broadcast %squeeze3A_3422 : f32 to vector<16xf32>
        %eq3A_3555 = arith.cmpf oeq, %eq3A_3554, %get3A_157 : vector<16xf32>
        %lt3A_3556 = vector.broadcast %add3A_3426 : i32 to vector<16xi32>
        %lt3A_3557 = arith.cmpi slt, %lt3A_3556, %add3A_3549 : vector<16xi32>
        %and3A_3558 = arith.andi %eq3A_3555, %lt3A_3557 : vector<16xi1>
        %or3A_3559 = arith.ori %gt3A_3553, %and3A_3558 : vector<16xi1>
        %and3A_3560 = arith.andi %eq3A_3551, %or3A_3559 : vector<16xi1>
        %convert_element_type3A_3561 = arith.extui %and3A_3560 : vector<16xi1> to vector<16xi32>
        %add3A_3562 = arith.addi %add3A_3418, %convert_element_type3A_3561 : vector<16xi32>
        %slice3A_3563 = vector.extract_strided_slice %get3A_1975 {offsets = [11], sizes = [1], strides = [1]} : vector<16xi32> to vector<1xi32>
        %squeeze3A_3564 = vector.extract %slice3A_3563[0] : i32 from vector<1xi32>
        %slice3A_3565 = vector.extract_strided_slice %get3A_1979 {offsets = [11], sizes = [1], strides = [1]} : vector<16xf32> to vector<1xf32>
        %squeeze3A_3566 = vector.extract %slice3A_3565[0] : f32 from vector<1xf32>
        %mul3A_3567 = arith.constant 16 : i32
        %mul3A_3568 = arith.muli %scan3A_1963, %mul3A_3567 : i32
        %add3A_3569 = arith.constant 11 : i32
        %add3A_3570 = arith.addi %mul3A_3568, %add3A_3569 : i32
        %add3A_3571 = arith.constant 0 : i32
        %add3A_3572 = arith.addi %mul3A_2, %add3A_3571 : i32
        %add3A_3573 = vector.broadcast %add3A_3572 : i32 to vector<16xi32>
        %add3A_3574 = arith.addi %add3A_3573, %iota3A : vector<16xi32>
        %eq3A_3575 = vector.broadcast %squeeze3A_3564 : i32 to vector<16xi32>
        %eq3A_3576 = arith.cmpi eq, %get3A_67, %eq3A_3575 : vector<16xi32>
        %gt3A_3577 = vector.broadcast %squeeze3A_3566 : f32 to vector<16xf32>
        %gt3A_3578 = arith.cmpf ogt, %gt3A_3577, %get3A_115 : vector<16xf32>
        %eq3A_3579 = vector.broadcast %squeeze3A_3566 : f32 to vector<16xf32>
        %eq3A_3580 = arith.cmpf oeq, %eq3A_3579, %get3A_115 : vector<16xf32>
        %lt3A_3581 = vector.broadcast %add3A_3570 : i32 to vector<16xi32>
        %lt3A_3582 = arith.cmpi slt, %lt3A_3581, %add3A_3574 : vector<16xi32>
        %and3A_3583 = arith.andi %eq3A_3580, %lt3A_3582 : vector<16xi1>
        %or3A_3584 = arith.ori %gt3A_3578, %and3A_3583 : vector<16xi1>
        %and3A_3585 = arith.andi %eq3A_3576, %or3A_3584 : vector<16xi1>
        %convert_element_type3A_3586 = arith.extui %and3A_3585 : vector<16xi1> to vector<16xi32>
        %add3A_3587 = arith.addi %add3A_3443, %convert_element_type3A_3586 : vector<16xi32>
        %add3A_3588 = arith.constant 16 : i32
        %add3A_3589 = arith.addi %mul3A_2, %add3A_3588 : i32
        %add3A_3590 = vector.broadcast %add3A_3589 : i32 to vector<16xi32>
        %add3A_3591 = arith.addi %add3A_3590, %iota3A : vector<16xi32>
        %eq3A_3592 = vector.broadcast %squeeze3A_3564 : i32 to vector<16xi32>
        %eq3A_3593 = arith.cmpi eq, %get3A_73, %eq3A_3592 : vector<16xi32>
        %gt3A_3594 = vector.broadcast %squeeze3A_3566 : f32 to vector<16xf32>
        %gt3A_3595 = arith.cmpf ogt, %gt3A_3594, %get3A_121 : vector<16xf32>
        %eq3A_3596 = vector.broadcast %squeeze3A_3566 : f32 to vector<16xf32>
        %eq3A_3597 = arith.cmpf oeq, %eq3A_3596, %get3A_121 : vector<16xf32>
        %lt3A_3598 = vector.broadcast %add3A_3570 : i32 to vector<16xi32>
        %lt3A_3599 = arith.cmpi slt, %lt3A_3598, %add3A_3591 : vector<16xi32>
        %and3A_3600 = arith.andi %eq3A_3597, %lt3A_3599 : vector<16xi1>
        %or3A_3601 = arith.ori %gt3A_3595, %and3A_3600 : vector<16xi1>
        %and3A_3602 = arith.andi %eq3A_3593, %or3A_3601 : vector<16xi1>
        %convert_element_type3A_3603 = arith.extui %and3A_3602 : vector<16xi1> to vector<16xi32>
        %add3A_3604 = arith.addi %add3A_3460, %convert_element_type3A_3603 : vector<16xi32>
        %add3A_3605 = arith.constant 32 : i32
        %add3A_3606 = arith.addi %mul3A_2, %add3A_3605 : i32
        %add3A_3607 = vector.broadcast %add3A_3606 : i32 to vector<16xi32>
        %add3A_3608 = arith.addi %add3A_3607, %iota3A : vector<16xi32>
        %eq3A_3609 = vector.broadcast %squeeze3A_3564 : i32 to vector<16xi32>
        %eq3A_3610 = arith.cmpi eq, %get3A_79, %eq3A_3609 : vector<16xi32>
        %gt3A_3611 = vector.broadcast %squeeze3A_3566 : f32 to vector<16xf32>
        %gt3A_3612 = arith.cmpf ogt, %gt3A_3611, %get3A_127 : vector<16xf32>
        %eq3A_3613 = vector.broadcast %squeeze3A_3566 : f32 to vector<16xf32>
        %eq3A_3614 = arith.cmpf oeq, %eq3A_3613, %get3A_127 : vector<16xf32>
        %lt3A_3615 = vector.broadcast %add3A_3570 : i32 to vector<16xi32>
        %lt3A_3616 = arith.cmpi slt, %lt3A_3615, %add3A_3608 : vector<16xi32>
        %and3A_3617 = arith.andi %eq3A_3614, %lt3A_3616 : vector<16xi1>
        %or3A_3618 = arith.ori %gt3A_3612, %and3A_3617 : vector<16xi1>
        %and3A_3619 = arith.andi %eq3A_3610, %or3A_3618 : vector<16xi1>
        %convert_element_type3A_3620 = arith.extui %and3A_3619 : vector<16xi1> to vector<16xi32>
        %add3A_3621 = arith.addi %add3A_3477, %convert_element_type3A_3620 : vector<16xi32>
        %add3A_3622 = arith.constant 48 : i32
        %add3A_3623 = arith.addi %mul3A_2, %add3A_3622 : i32
        %add3A_3624 = vector.broadcast %add3A_3623 : i32 to vector<16xi32>
        %add3A_3625 = arith.addi %add3A_3624, %iota3A : vector<16xi32>
        %eq3A_3626 = vector.broadcast %squeeze3A_3564 : i32 to vector<16xi32>
        %eq3A_3627 = arith.cmpi eq, %get3A_85, %eq3A_3626 : vector<16xi32>
        %gt3A_3628 = vector.broadcast %squeeze3A_3566 : f32 to vector<16xf32>
        %gt3A_3629 = arith.cmpf ogt, %gt3A_3628, %get3A_133 : vector<16xf32>
        %eq3A_3630 = vector.broadcast %squeeze3A_3566 : f32 to vector<16xf32>
        %eq3A_3631 = arith.cmpf oeq, %eq3A_3630, %get3A_133 : vector<16xf32>
        %lt3A_3632 = vector.broadcast %add3A_3570 : i32 to vector<16xi32>
        %lt3A_3633 = arith.cmpi slt, %lt3A_3632, %add3A_3625 : vector<16xi32>
        %and3A_3634 = arith.andi %eq3A_3631, %lt3A_3633 : vector<16xi1>
        %or3A_3635 = arith.ori %gt3A_3629, %and3A_3634 : vector<16xi1>
        %and3A_3636 = arith.andi %eq3A_3627, %or3A_3635 : vector<16xi1>
        %convert_element_type3A_3637 = arith.extui %and3A_3636 : vector<16xi1> to vector<16xi32>
        %add3A_3638 = arith.addi %add3A_3494, %convert_element_type3A_3637 : vector<16xi32>
        %add3A_3639 = arith.constant 64 : i32
        %add3A_3640 = arith.addi %mul3A_2, %add3A_3639 : i32
        %add3A_3641 = vector.broadcast %add3A_3640 : i32 to vector<16xi32>
        %add3A_3642 = arith.addi %add3A_3641, %iota3A : vector<16xi32>
        %eq3A_3643 = vector.broadcast %squeeze3A_3564 : i32 to vector<16xi32>
        %eq3A_3644 = arith.cmpi eq, %get3A_91, %eq3A_3643 : vector<16xi32>
        %gt3A_3645 = vector.broadcast %squeeze3A_3566 : f32 to vector<16xf32>
        %gt3A_3646 = arith.cmpf ogt, %gt3A_3645, %get3A_139 : vector<16xf32>
        %eq3A_3647 = vector.broadcast %squeeze3A_3566 : f32 to vector<16xf32>
        %eq3A_3648 = arith.cmpf oeq, %eq3A_3647, %get3A_139 : vector<16xf32>
        %lt3A_3649 = vector.broadcast %add3A_3570 : i32 to vector<16xi32>
        %lt3A_3650 = arith.cmpi slt, %lt3A_3649, %add3A_3642 : vector<16xi32>
        %and3A_3651 = arith.andi %eq3A_3648, %lt3A_3650 : vector<16xi1>
        %or3A_3652 = arith.ori %gt3A_3646, %and3A_3651 : vector<16xi1>
        %and3A_3653 = arith.andi %eq3A_3644, %or3A_3652 : vector<16xi1>
        %convert_element_type3A_3654 = arith.extui %and3A_3653 : vector<16xi1> to vector<16xi32>
        %add3A_3655 = arith.addi %add3A_3511, %convert_element_type3A_3654 : vector<16xi32>
        %add3A_3656 = arith.constant 80 : i32
        %add3A_3657 = arith.addi %mul3A_2, %add3A_3656 : i32
        %add3A_3658 = vector.broadcast %add3A_3657 : i32 to vector<16xi32>
        %add3A_3659 = arith.addi %add3A_3658, %iota3A : vector<16xi32>
        %eq3A_3660 = vector.broadcast %squeeze3A_3564 : i32 to vector<16xi32>
        %eq3A_3661 = arith.cmpi eq, %get3A_97, %eq3A_3660 : vector<16xi32>
        %gt3A_3662 = vector.broadcast %squeeze3A_3566 : f32 to vector<16xf32>
        %gt3A_3663 = arith.cmpf ogt, %gt3A_3662, %get3A_145 : vector<16xf32>
        %eq3A_3664 = vector.broadcast %squeeze3A_3566 : f32 to vector<16xf32>
        %eq3A_3665 = arith.cmpf oeq, %eq3A_3664, %get3A_145 : vector<16xf32>
        %lt3A_3666 = vector.broadcast %add3A_3570 : i32 to vector<16xi32>
        %lt3A_3667 = arith.cmpi slt, %lt3A_3666, %add3A_3659 : vector<16xi32>
        %and3A_3668 = arith.andi %eq3A_3665, %lt3A_3667 : vector<16xi1>
        %or3A_3669 = arith.ori %gt3A_3663, %and3A_3668 : vector<16xi1>
        %and3A_3670 = arith.andi %eq3A_3661, %or3A_3669 : vector<16xi1>
        %convert_element_type3A_3671 = arith.extui %and3A_3670 : vector<16xi1> to vector<16xi32>
        %add3A_3672 = arith.addi %add3A_3528, %convert_element_type3A_3671 : vector<16xi32>
        %add3A_3673 = arith.constant 96 : i32
        %add3A_3674 = arith.addi %mul3A_2, %add3A_3673 : i32
        %add3A_3675 = vector.broadcast %add3A_3674 : i32 to vector<16xi32>
        %add3A_3676 = arith.addi %add3A_3675, %iota3A : vector<16xi32>
        %eq3A_3677 = vector.broadcast %squeeze3A_3564 : i32 to vector<16xi32>
        %eq3A_3678 = arith.cmpi eq, %get3A_103, %eq3A_3677 : vector<16xi32>
        %gt3A_3679 = vector.broadcast %squeeze3A_3566 : f32 to vector<16xf32>
        %gt3A_3680 = arith.cmpf ogt, %gt3A_3679, %get3A_151 : vector<16xf32>
        %eq3A_3681 = vector.broadcast %squeeze3A_3566 : f32 to vector<16xf32>
        %eq3A_3682 = arith.cmpf oeq, %eq3A_3681, %get3A_151 : vector<16xf32>
        %lt3A_3683 = vector.broadcast %add3A_3570 : i32 to vector<16xi32>
        %lt3A_3684 = arith.cmpi slt, %lt3A_3683, %add3A_3676 : vector<16xi32>
        %and3A_3685 = arith.andi %eq3A_3682, %lt3A_3684 : vector<16xi1>
        %or3A_3686 = arith.ori %gt3A_3680, %and3A_3685 : vector<16xi1>
        %and3A_3687 = arith.andi %eq3A_3678, %or3A_3686 : vector<16xi1>
        %convert_element_type3A_3688 = arith.extui %and3A_3687 : vector<16xi1> to vector<16xi32>
        %add3A_3689 = arith.addi %add3A_3545, %convert_element_type3A_3688 : vector<16xi32>
        %add3A_3690 = arith.constant 112 : i32
        %add3A_3691 = arith.addi %mul3A_2, %add3A_3690 : i32
        %add3A_3692 = vector.broadcast %add3A_3691 : i32 to vector<16xi32>
        %add3A_3693 = arith.addi %add3A_3692, %iota3A : vector<16xi32>
        %eq3A_3694 = vector.broadcast %squeeze3A_3564 : i32 to vector<16xi32>
        %eq3A_3695 = arith.cmpi eq, %get3A_109, %eq3A_3694 : vector<16xi32>
        %gt3A_3696 = vector.broadcast %squeeze3A_3566 : f32 to vector<16xf32>
        %gt3A_3697 = arith.cmpf ogt, %gt3A_3696, %get3A_157 : vector<16xf32>
        %eq3A_3698 = vector.broadcast %squeeze3A_3566 : f32 to vector<16xf32>
        %eq3A_3699 = arith.cmpf oeq, %eq3A_3698, %get3A_157 : vector<16xf32>
        %lt3A_3700 = vector.broadcast %add3A_3570 : i32 to vector<16xi32>
        %lt3A_3701 = arith.cmpi slt, %lt3A_3700, %add3A_3693 : vector<16xi32>
        %and3A_3702 = arith.andi %eq3A_3699, %lt3A_3701 : vector<16xi1>
        %or3A_3703 = arith.ori %gt3A_3697, %and3A_3702 : vector<16xi1>
        %and3A_3704 = arith.andi %eq3A_3695, %or3A_3703 : vector<16xi1>
        %convert_element_type3A_3705 = arith.extui %and3A_3704 : vector<16xi1> to vector<16xi32>
        %add3A_3706 = arith.addi %add3A_3562, %convert_element_type3A_3705 : vector<16xi32>
        %slice3A_3707 = vector.extract_strided_slice %get3A_1975 {offsets = [12], sizes = [1], strides = [1]} : vector<16xi32> to vector<1xi32>
        %squeeze3A_3708 = vector.extract %slice3A_3707[0] : i32 from vector<1xi32>
        %slice3A_3709 = vector.extract_strided_slice %get3A_1979 {offsets = [12], sizes = [1], strides = [1]} : vector<16xf32> to vector<1xf32>
        %squeeze3A_3710 = vector.extract %slice3A_3709[0] : f32 from vector<1xf32>
        %mul3A_3711 = arith.constant 16 : i32
        %mul3A_3712 = arith.muli %scan3A_1963, %mul3A_3711 : i32
        %add3A_3713 = arith.constant 12 : i32
        %add3A_3714 = arith.addi %mul3A_3712, %add3A_3713 : i32
        %add3A_3715 = arith.constant 0 : i32
        %add3A_3716 = arith.addi %mul3A_2, %add3A_3715 : i32
        %add3A_3717 = vector.broadcast %add3A_3716 : i32 to vector<16xi32>
        %add3A_3718 = arith.addi %add3A_3717, %iota3A : vector<16xi32>
        %eq3A_3719 = vector.broadcast %squeeze3A_3708 : i32 to vector<16xi32>
        %eq3A_3720 = arith.cmpi eq, %get3A_67, %eq3A_3719 : vector<16xi32>
        %gt3A_3721 = vector.broadcast %squeeze3A_3710 : f32 to vector<16xf32>
        %gt3A_3722 = arith.cmpf ogt, %gt3A_3721, %get3A_115 : vector<16xf32>
        %eq3A_3723 = vector.broadcast %squeeze3A_3710 : f32 to vector<16xf32>
        %eq3A_3724 = arith.cmpf oeq, %eq3A_3723, %get3A_115 : vector<16xf32>
        %lt3A_3725 = vector.broadcast %add3A_3714 : i32 to vector<16xi32>
        %lt3A_3726 = arith.cmpi slt, %lt3A_3725, %add3A_3718 : vector<16xi32>
        %and3A_3727 = arith.andi %eq3A_3724, %lt3A_3726 : vector<16xi1>
        %or3A_3728 = arith.ori %gt3A_3722, %and3A_3727 : vector<16xi1>
        %and3A_3729 = arith.andi %eq3A_3720, %or3A_3728 : vector<16xi1>
        %convert_element_type3A_3730 = arith.extui %and3A_3729 : vector<16xi1> to vector<16xi32>
        %add3A_3731 = arith.addi %add3A_3587, %convert_element_type3A_3730 : vector<16xi32>
        %add3A_3732 = arith.constant 16 : i32
        %add3A_3733 = arith.addi %mul3A_2, %add3A_3732 : i32
        %add3A_3734 = vector.broadcast %add3A_3733 : i32 to vector<16xi32>
        %add3A_3735 = arith.addi %add3A_3734, %iota3A : vector<16xi32>
        %eq3A_3736 = vector.broadcast %squeeze3A_3708 : i32 to vector<16xi32>
        %eq3A_3737 = arith.cmpi eq, %get3A_73, %eq3A_3736 : vector<16xi32>
        %gt3A_3738 = vector.broadcast %squeeze3A_3710 : f32 to vector<16xf32>
        %gt3A_3739 = arith.cmpf ogt, %gt3A_3738, %get3A_121 : vector<16xf32>
        %eq3A_3740 = vector.broadcast %squeeze3A_3710 : f32 to vector<16xf32>
        %eq3A_3741 = arith.cmpf oeq, %eq3A_3740, %get3A_121 : vector<16xf32>
        %lt3A_3742 = vector.broadcast %add3A_3714 : i32 to vector<16xi32>
        %lt3A_3743 = arith.cmpi slt, %lt3A_3742, %add3A_3735 : vector<16xi32>
        %and3A_3744 = arith.andi %eq3A_3741, %lt3A_3743 : vector<16xi1>
        %or3A_3745 = arith.ori %gt3A_3739, %and3A_3744 : vector<16xi1>
        %and3A_3746 = arith.andi %eq3A_3737, %or3A_3745 : vector<16xi1>
        %convert_element_type3A_3747 = arith.extui %and3A_3746 : vector<16xi1> to vector<16xi32>
        %add3A_3748 = arith.addi %add3A_3604, %convert_element_type3A_3747 : vector<16xi32>
        %add3A_3749 = arith.constant 32 : i32
        %add3A_3750 = arith.addi %mul3A_2, %add3A_3749 : i32
        %add3A_3751 = vector.broadcast %add3A_3750 : i32 to vector<16xi32>
        %add3A_3752 = arith.addi %add3A_3751, %iota3A : vector<16xi32>
        %eq3A_3753 = vector.broadcast %squeeze3A_3708 : i32 to vector<16xi32>
        %eq3A_3754 = arith.cmpi eq, %get3A_79, %eq3A_3753 : vector<16xi32>
        %gt3A_3755 = vector.broadcast %squeeze3A_3710 : f32 to vector<16xf32>
        %gt3A_3756 = arith.cmpf ogt, %gt3A_3755, %get3A_127 : vector<16xf32>
        %eq3A_3757 = vector.broadcast %squeeze3A_3710 : f32 to vector<16xf32>
        %eq3A_3758 = arith.cmpf oeq, %eq3A_3757, %get3A_127 : vector<16xf32>
        %lt3A_3759 = vector.broadcast %add3A_3714 : i32 to vector<16xi32>
        %lt3A_3760 = arith.cmpi slt, %lt3A_3759, %add3A_3752 : vector<16xi32>
        %and3A_3761 = arith.andi %eq3A_3758, %lt3A_3760 : vector<16xi1>
        %or3A_3762 = arith.ori %gt3A_3756, %and3A_3761 : vector<16xi1>
        %and3A_3763 = arith.andi %eq3A_3754, %or3A_3762 : vector<16xi1>
        %convert_element_type3A_3764 = arith.extui %and3A_3763 : vector<16xi1> to vector<16xi32>
        %add3A_3765 = arith.addi %add3A_3621, %convert_element_type3A_3764 : vector<16xi32>
        %add3A_3766 = arith.constant 48 : i32
        %add3A_3767 = arith.addi %mul3A_2, %add3A_3766 : i32
        %add3A_3768 = vector.broadcast %add3A_3767 : i32 to vector<16xi32>
        %add3A_3769 = arith.addi %add3A_3768, %iota3A : vector<16xi32>
        %eq3A_3770 = vector.broadcast %squeeze3A_3708 : i32 to vector<16xi32>
        %eq3A_3771 = arith.cmpi eq, %get3A_85, %eq3A_3770 : vector<16xi32>
        %gt3A_3772 = vector.broadcast %squeeze3A_3710 : f32 to vector<16xf32>
        %gt3A_3773 = arith.cmpf ogt, %gt3A_3772, %get3A_133 : vector<16xf32>
        %eq3A_3774 = vector.broadcast %squeeze3A_3710 : f32 to vector<16xf32>
        %eq3A_3775 = arith.cmpf oeq, %eq3A_3774, %get3A_133 : vector<16xf32>
        %lt3A_3776 = vector.broadcast %add3A_3714 : i32 to vector<16xi32>
        %lt3A_3777 = arith.cmpi slt, %lt3A_3776, %add3A_3769 : vector<16xi32>
        %and3A_3778 = arith.andi %eq3A_3775, %lt3A_3777 : vector<16xi1>
        %or3A_3779 = arith.ori %gt3A_3773, %and3A_3778 : vector<16xi1>
        %and3A_3780 = arith.andi %eq3A_3771, %or3A_3779 : vector<16xi1>
        %convert_element_type3A_3781 = arith.extui %and3A_3780 : vector<16xi1> to vector<16xi32>
        %add3A_3782 = arith.addi %add3A_3638, %convert_element_type3A_3781 : vector<16xi32>
        %add3A_3783 = arith.constant 64 : i32
        %add3A_3784 = arith.addi %mul3A_2, %add3A_3783 : i32
        %add3A_3785 = vector.broadcast %add3A_3784 : i32 to vector<16xi32>
        %add3A_3786 = arith.addi %add3A_3785, %iota3A : vector<16xi32>
        %eq3A_3787 = vector.broadcast %squeeze3A_3708 : i32 to vector<16xi32>
        %eq3A_3788 = arith.cmpi eq, %get3A_91, %eq3A_3787 : vector<16xi32>
        %gt3A_3789 = vector.broadcast %squeeze3A_3710 : f32 to vector<16xf32>
        %gt3A_3790 = arith.cmpf ogt, %gt3A_3789, %get3A_139 : vector<16xf32>
        %eq3A_3791 = vector.broadcast %squeeze3A_3710 : f32 to vector<16xf32>
        %eq3A_3792 = arith.cmpf oeq, %eq3A_3791, %get3A_139 : vector<16xf32>
        %lt3A_3793 = vector.broadcast %add3A_3714 : i32 to vector<16xi32>
        %lt3A_3794 = arith.cmpi slt, %lt3A_3793, %add3A_3786 : vector<16xi32>
        %and3A_3795 = arith.andi %eq3A_3792, %lt3A_3794 : vector<16xi1>
        %or3A_3796 = arith.ori %gt3A_3790, %and3A_3795 : vector<16xi1>
        %and3A_3797 = arith.andi %eq3A_3788, %or3A_3796 : vector<16xi1>
        %convert_element_type3A_3798 = arith.extui %and3A_3797 : vector<16xi1> to vector<16xi32>
        %add3A_3799 = arith.addi %add3A_3655, %convert_element_type3A_3798 : vector<16xi32>
        %add3A_3800 = arith.constant 80 : i32
        %add3A_3801 = arith.addi %mul3A_2, %add3A_3800 : i32
        %add3A_3802 = vector.broadcast %add3A_3801 : i32 to vector<16xi32>
        %add3A_3803 = arith.addi %add3A_3802, %iota3A : vector<16xi32>
        %eq3A_3804 = vector.broadcast %squeeze3A_3708 : i32 to vector<16xi32>
        %eq3A_3805 = arith.cmpi eq, %get3A_97, %eq3A_3804 : vector<16xi32>
        %gt3A_3806 = vector.broadcast %squeeze3A_3710 : f32 to vector<16xf32>
        %gt3A_3807 = arith.cmpf ogt, %gt3A_3806, %get3A_145 : vector<16xf32>
        %eq3A_3808 = vector.broadcast %squeeze3A_3710 : f32 to vector<16xf32>
        %eq3A_3809 = arith.cmpf oeq, %eq3A_3808, %get3A_145 : vector<16xf32>
        %lt3A_3810 = vector.broadcast %add3A_3714 : i32 to vector<16xi32>
        %lt3A_3811 = arith.cmpi slt, %lt3A_3810, %add3A_3803 : vector<16xi32>
        %and3A_3812 = arith.andi %eq3A_3809, %lt3A_3811 : vector<16xi1>
        %or3A_3813 = arith.ori %gt3A_3807, %and3A_3812 : vector<16xi1>
        %and3A_3814 = arith.andi %eq3A_3805, %or3A_3813 : vector<16xi1>
        %convert_element_type3A_3815 = arith.extui %and3A_3814 : vector<16xi1> to vector<16xi32>
        %add3A_3816 = arith.addi %add3A_3672, %convert_element_type3A_3815 : vector<16xi32>
        %add3A_3817 = arith.constant 96 : i32
        %add3A_3818 = arith.addi %mul3A_2, %add3A_3817 : i32
        %add3A_3819 = vector.broadcast %add3A_3818 : i32 to vector<16xi32>
        %add3A_3820 = arith.addi %add3A_3819, %iota3A : vector<16xi32>
        %eq3A_3821 = vector.broadcast %squeeze3A_3708 : i32 to vector<16xi32>
        %eq3A_3822 = arith.cmpi eq, %get3A_103, %eq3A_3821 : vector<16xi32>
        %gt3A_3823 = vector.broadcast %squeeze3A_3710 : f32 to vector<16xf32>
        %gt3A_3824 = arith.cmpf ogt, %gt3A_3823, %get3A_151 : vector<16xf32>
        %eq3A_3825 = vector.broadcast %squeeze3A_3710 : f32 to vector<16xf32>
        %eq3A_3826 = arith.cmpf oeq, %eq3A_3825, %get3A_151 : vector<16xf32>
        %lt3A_3827 = vector.broadcast %add3A_3714 : i32 to vector<16xi32>
        %lt3A_3828 = arith.cmpi slt, %lt3A_3827, %add3A_3820 : vector<16xi32>
        %and3A_3829 = arith.andi %eq3A_3826, %lt3A_3828 : vector<16xi1>
        %or3A_3830 = arith.ori %gt3A_3824, %and3A_3829 : vector<16xi1>
        %and3A_3831 = arith.andi %eq3A_3822, %or3A_3830 : vector<16xi1>
        %convert_element_type3A_3832 = arith.extui %and3A_3831 : vector<16xi1> to vector<16xi32>
        %add3A_3833 = arith.addi %add3A_3689, %convert_element_type3A_3832 : vector<16xi32>
        %add3A_3834 = arith.constant 112 : i32
        %add3A_3835 = arith.addi %mul3A_2, %add3A_3834 : i32
        %add3A_3836 = vector.broadcast %add3A_3835 : i32 to vector<16xi32>
        %add3A_3837 = arith.addi %add3A_3836, %iota3A : vector<16xi32>
        %eq3A_3838 = vector.broadcast %squeeze3A_3708 : i32 to vector<16xi32>
        %eq3A_3839 = arith.cmpi eq, %get3A_109, %eq3A_3838 : vector<16xi32>
        %gt3A_3840 = vector.broadcast %squeeze3A_3710 : f32 to vector<16xf32>
        %gt3A_3841 = arith.cmpf ogt, %gt3A_3840, %get3A_157 : vector<16xf32>
        %eq3A_3842 = vector.broadcast %squeeze3A_3710 : f32 to vector<16xf32>
        %eq3A_3843 = arith.cmpf oeq, %eq3A_3842, %get3A_157 : vector<16xf32>
        %lt3A_3844 = vector.broadcast %add3A_3714 : i32 to vector<16xi32>
        %lt3A_3845 = arith.cmpi slt, %lt3A_3844, %add3A_3837 : vector<16xi32>
        %and3A_3846 = arith.andi %eq3A_3843, %lt3A_3845 : vector<16xi1>
        %or3A_3847 = arith.ori %gt3A_3841, %and3A_3846 : vector<16xi1>
        %and3A_3848 = arith.andi %eq3A_3839, %or3A_3847 : vector<16xi1>
        %convert_element_type3A_3849 = arith.extui %and3A_3848 : vector<16xi1> to vector<16xi32>
        %add3A_3850 = arith.addi %add3A_3706, %convert_element_type3A_3849 : vector<16xi32>
        %slice3A_3851 = vector.extract_strided_slice %get3A_1975 {offsets = [13], sizes = [1], strides = [1]} : vector<16xi32> to vector<1xi32>
        %squeeze3A_3852 = vector.extract %slice3A_3851[0] : i32 from vector<1xi32>
        %slice3A_3853 = vector.extract_strided_slice %get3A_1979 {offsets = [13], sizes = [1], strides = [1]} : vector<16xf32> to vector<1xf32>
        %squeeze3A_3854 = vector.extract %slice3A_3853[0] : f32 from vector<1xf32>
        %mul3A_3855 = arith.constant 16 : i32
        %mul3A_3856 = arith.muli %scan3A_1963, %mul3A_3855 : i32
        %add3A_3857 = arith.constant 13 : i32
        %add3A_3858 = arith.addi %mul3A_3856, %add3A_3857 : i32
        %add3A_3859 = arith.constant 0 : i32
        %add3A_3860 = arith.addi %mul3A_2, %add3A_3859 : i32
        %add3A_3861 = vector.broadcast %add3A_3860 : i32 to vector<16xi32>
        %add3A_3862 = arith.addi %add3A_3861, %iota3A : vector<16xi32>
        %eq3A_3863 = vector.broadcast %squeeze3A_3852 : i32 to vector<16xi32>
        %eq3A_3864 = arith.cmpi eq, %get3A_67, %eq3A_3863 : vector<16xi32>
        %gt3A_3865 = vector.broadcast %squeeze3A_3854 : f32 to vector<16xf32>
        %gt3A_3866 = arith.cmpf ogt, %gt3A_3865, %get3A_115 : vector<16xf32>
        %eq3A_3867 = vector.broadcast %squeeze3A_3854 : f32 to vector<16xf32>
        %eq3A_3868 = arith.cmpf oeq, %eq3A_3867, %get3A_115 : vector<16xf32>
        %lt3A_3869 = vector.broadcast %add3A_3858 : i32 to vector<16xi32>
        %lt3A_3870 = arith.cmpi slt, %lt3A_3869, %add3A_3862 : vector<16xi32>
        %and3A_3871 = arith.andi %eq3A_3868, %lt3A_3870 : vector<16xi1>
        %or3A_3872 = arith.ori %gt3A_3866, %and3A_3871 : vector<16xi1>
        %and3A_3873 = arith.andi %eq3A_3864, %or3A_3872 : vector<16xi1>
        %convert_element_type3A_3874 = arith.extui %and3A_3873 : vector<16xi1> to vector<16xi32>
        %add3A_3875 = arith.addi %add3A_3731, %convert_element_type3A_3874 : vector<16xi32>
        %add3A_3876 = arith.constant 16 : i32
        %add3A_3877 = arith.addi %mul3A_2, %add3A_3876 : i32
        %add3A_3878 = vector.broadcast %add3A_3877 : i32 to vector<16xi32>
        %add3A_3879 = arith.addi %add3A_3878, %iota3A : vector<16xi32>
        %eq3A_3880 = vector.broadcast %squeeze3A_3852 : i32 to vector<16xi32>
        %eq3A_3881 = arith.cmpi eq, %get3A_73, %eq3A_3880 : vector<16xi32>
        %gt3A_3882 = vector.broadcast %squeeze3A_3854 : f32 to vector<16xf32>
        %gt3A_3883 = arith.cmpf ogt, %gt3A_3882, %get3A_121 : vector<16xf32>
        %eq3A_3884 = vector.broadcast %squeeze3A_3854 : f32 to vector<16xf32>
        %eq3A_3885 = arith.cmpf oeq, %eq3A_3884, %get3A_121 : vector<16xf32>
        %lt3A_3886 = vector.broadcast %add3A_3858 : i32 to vector<16xi32>
        %lt3A_3887 = arith.cmpi slt, %lt3A_3886, %add3A_3879 : vector<16xi32>
        %and3A_3888 = arith.andi %eq3A_3885, %lt3A_3887 : vector<16xi1>
        %or3A_3889 = arith.ori %gt3A_3883, %and3A_3888 : vector<16xi1>
        %and3A_3890 = arith.andi %eq3A_3881, %or3A_3889 : vector<16xi1>
        %convert_element_type3A_3891 = arith.extui %and3A_3890 : vector<16xi1> to vector<16xi32>
        %add3A_3892 = arith.addi %add3A_3748, %convert_element_type3A_3891 : vector<16xi32>
        %add3A_3893 = arith.constant 32 : i32
        %add3A_3894 = arith.addi %mul3A_2, %add3A_3893 : i32
        %add3A_3895 = vector.broadcast %add3A_3894 : i32 to vector<16xi32>
        %add3A_3896 = arith.addi %add3A_3895, %iota3A : vector<16xi32>
        %eq3A_3897 = vector.broadcast %squeeze3A_3852 : i32 to vector<16xi32>
        %eq3A_3898 = arith.cmpi eq, %get3A_79, %eq3A_3897 : vector<16xi32>
        %gt3A_3899 = vector.broadcast %squeeze3A_3854 : f32 to vector<16xf32>
        %gt3A_3900 = arith.cmpf ogt, %gt3A_3899, %get3A_127 : vector<16xf32>
        %eq3A_3901 = vector.broadcast %squeeze3A_3854 : f32 to vector<16xf32>
        %eq3A_3902 = arith.cmpf oeq, %eq3A_3901, %get3A_127 : vector<16xf32>
        %lt3A_3903 = vector.broadcast %add3A_3858 : i32 to vector<16xi32>
        %lt3A_3904 = arith.cmpi slt, %lt3A_3903, %add3A_3896 : vector<16xi32>
        %and3A_3905 = arith.andi %eq3A_3902, %lt3A_3904 : vector<16xi1>
        %or3A_3906 = arith.ori %gt3A_3900, %and3A_3905 : vector<16xi1>
        %and3A_3907 = arith.andi %eq3A_3898, %or3A_3906 : vector<16xi1>
        %convert_element_type3A_3908 = arith.extui %and3A_3907 : vector<16xi1> to vector<16xi32>
        %add3A_3909 = arith.addi %add3A_3765, %convert_element_type3A_3908 : vector<16xi32>
        %add3A_3910 = arith.constant 48 : i32
        %add3A_3911 = arith.addi %mul3A_2, %add3A_3910 : i32
        %add3A_3912 = vector.broadcast %add3A_3911 : i32 to vector<16xi32>
        %add3A_3913 = arith.addi %add3A_3912, %iota3A : vector<16xi32>
        %eq3A_3914 = vector.broadcast %squeeze3A_3852 : i32 to vector<16xi32>
        %eq3A_3915 = arith.cmpi eq, %get3A_85, %eq3A_3914 : vector<16xi32>
        %gt3A_3916 = vector.broadcast %squeeze3A_3854 : f32 to vector<16xf32>
        %gt3A_3917 = arith.cmpf ogt, %gt3A_3916, %get3A_133 : vector<16xf32>
        %eq3A_3918 = vector.broadcast %squeeze3A_3854 : f32 to vector<16xf32>
        %eq3A_3919 = arith.cmpf oeq, %eq3A_3918, %get3A_133 : vector<16xf32>
        %lt3A_3920 = vector.broadcast %add3A_3858 : i32 to vector<16xi32>
        %lt3A_3921 = arith.cmpi slt, %lt3A_3920, %add3A_3913 : vector<16xi32>
        %and3A_3922 = arith.andi %eq3A_3919, %lt3A_3921 : vector<16xi1>
        %or3A_3923 = arith.ori %gt3A_3917, %and3A_3922 : vector<16xi1>
        %and3A_3924 = arith.andi %eq3A_3915, %or3A_3923 : vector<16xi1>
        %convert_element_type3A_3925 = arith.extui %and3A_3924 : vector<16xi1> to vector<16xi32>
        %add3A_3926 = arith.addi %add3A_3782, %convert_element_type3A_3925 : vector<16xi32>
        %add3A_3927 = arith.constant 64 : i32
        %add3A_3928 = arith.addi %mul3A_2, %add3A_3927 : i32
        %add3A_3929 = vector.broadcast %add3A_3928 : i32 to vector<16xi32>
        %add3A_3930 = arith.addi %add3A_3929, %iota3A : vector<16xi32>
        %eq3A_3931 = vector.broadcast %squeeze3A_3852 : i32 to vector<16xi32>
        %eq3A_3932 = arith.cmpi eq, %get3A_91, %eq3A_3931 : vector<16xi32>
        %gt3A_3933 = vector.broadcast %squeeze3A_3854 : f32 to vector<16xf32>
        %gt3A_3934 = arith.cmpf ogt, %gt3A_3933, %get3A_139 : vector<16xf32>
        %eq3A_3935 = vector.broadcast %squeeze3A_3854 : f32 to vector<16xf32>
        %eq3A_3936 = arith.cmpf oeq, %eq3A_3935, %get3A_139 : vector<16xf32>
        %lt3A_3937 = vector.broadcast %add3A_3858 : i32 to vector<16xi32>
        %lt3A_3938 = arith.cmpi slt, %lt3A_3937, %add3A_3930 : vector<16xi32>
        %and3A_3939 = arith.andi %eq3A_3936, %lt3A_3938 : vector<16xi1>
        %or3A_3940 = arith.ori %gt3A_3934, %and3A_3939 : vector<16xi1>
        %and3A_3941 = arith.andi %eq3A_3932, %or3A_3940 : vector<16xi1>
        %convert_element_type3A_3942 = arith.extui %and3A_3941 : vector<16xi1> to vector<16xi32>
        %add3A_3943 = arith.addi %add3A_3799, %convert_element_type3A_3942 : vector<16xi32>
        %add3A_3944 = arith.constant 80 : i32
        %add3A_3945 = arith.addi %mul3A_2, %add3A_3944 : i32
        %add3A_3946 = vector.broadcast %add3A_3945 : i32 to vector<16xi32>
        %add3A_3947 = arith.addi %add3A_3946, %iota3A : vector<16xi32>
        %eq3A_3948 = vector.broadcast %squeeze3A_3852 : i32 to vector<16xi32>
        %eq3A_3949 = arith.cmpi eq, %get3A_97, %eq3A_3948 : vector<16xi32>
        %gt3A_3950 = vector.broadcast %squeeze3A_3854 : f32 to vector<16xf32>
        %gt3A_3951 = arith.cmpf ogt, %gt3A_3950, %get3A_145 : vector<16xf32>
        %eq3A_3952 = vector.broadcast %squeeze3A_3854 : f32 to vector<16xf32>
        %eq3A_3953 = arith.cmpf oeq, %eq3A_3952, %get3A_145 : vector<16xf32>
        %lt3A_3954 = vector.broadcast %add3A_3858 : i32 to vector<16xi32>
        %lt3A_3955 = arith.cmpi slt, %lt3A_3954, %add3A_3947 : vector<16xi32>
        %and3A_3956 = arith.andi %eq3A_3953, %lt3A_3955 : vector<16xi1>
        %or3A_3957 = arith.ori %gt3A_3951, %and3A_3956 : vector<16xi1>
        %and3A_3958 = arith.andi %eq3A_3949, %or3A_3957 : vector<16xi1>
        %convert_element_type3A_3959 = arith.extui %and3A_3958 : vector<16xi1> to vector<16xi32>
        %add3A_3960 = arith.addi %add3A_3816, %convert_element_type3A_3959 : vector<16xi32>
        %add3A_3961 = arith.constant 96 : i32
        %add3A_3962 = arith.addi %mul3A_2, %add3A_3961 : i32
        %add3A_3963 = vector.broadcast %add3A_3962 : i32 to vector<16xi32>
        %add3A_3964 = arith.addi %add3A_3963, %iota3A : vector<16xi32>
        %eq3A_3965 = vector.broadcast %squeeze3A_3852 : i32 to vector<16xi32>
        %eq3A_3966 = arith.cmpi eq, %get3A_103, %eq3A_3965 : vector<16xi32>
        %gt3A_3967 = vector.broadcast %squeeze3A_3854 : f32 to vector<16xf32>
        %gt3A_3968 = arith.cmpf ogt, %gt3A_3967, %get3A_151 : vector<16xf32>
        %eq3A_3969 = vector.broadcast %squeeze3A_3854 : f32 to vector<16xf32>
        %eq3A_3970 = arith.cmpf oeq, %eq3A_3969, %get3A_151 : vector<16xf32>
        %lt3A_3971 = vector.broadcast %add3A_3858 : i32 to vector<16xi32>
        %lt3A_3972 = arith.cmpi slt, %lt3A_3971, %add3A_3964 : vector<16xi32>
        %and3A_3973 = arith.andi %eq3A_3970, %lt3A_3972 : vector<16xi1>
        %or3A_3974 = arith.ori %gt3A_3968, %and3A_3973 : vector<16xi1>
        %and3A_3975 = arith.andi %eq3A_3966, %or3A_3974 : vector<16xi1>
        %convert_element_type3A_3976 = arith.extui %and3A_3975 : vector<16xi1> to vector<16xi32>
        %add3A_3977 = arith.addi %add3A_3833, %convert_element_type3A_3976 : vector<16xi32>
        %add3A_3978 = arith.constant 112 : i32
        %add3A_3979 = arith.addi %mul3A_2, %add3A_3978 : i32
        %add3A_3980 = vector.broadcast %add3A_3979 : i32 to vector<16xi32>
        %add3A_3981 = arith.addi %add3A_3980, %iota3A : vector<16xi32>
        %eq3A_3982 = vector.broadcast %squeeze3A_3852 : i32 to vector<16xi32>
        %eq3A_3983 = arith.cmpi eq, %get3A_109, %eq3A_3982 : vector<16xi32>
        %gt3A_3984 = vector.broadcast %squeeze3A_3854 : f32 to vector<16xf32>
        %gt3A_3985 = arith.cmpf ogt, %gt3A_3984, %get3A_157 : vector<16xf32>
        %eq3A_3986 = vector.broadcast %squeeze3A_3854 : f32 to vector<16xf32>
        %eq3A_3987 = arith.cmpf oeq, %eq3A_3986, %get3A_157 : vector<16xf32>
        %lt3A_3988 = vector.broadcast %add3A_3858 : i32 to vector<16xi32>
        %lt3A_3989 = arith.cmpi slt, %lt3A_3988, %add3A_3981 : vector<16xi32>
        %and3A_3990 = arith.andi %eq3A_3987, %lt3A_3989 : vector<16xi1>
        %or3A_3991 = arith.ori %gt3A_3985, %and3A_3990 : vector<16xi1>
        %and3A_3992 = arith.andi %eq3A_3983, %or3A_3991 : vector<16xi1>
        %convert_element_type3A_3993 = arith.extui %and3A_3992 : vector<16xi1> to vector<16xi32>
        %add3A_3994 = arith.addi %add3A_3850, %convert_element_type3A_3993 : vector<16xi32>
        %slice3A_3995 = vector.extract_strided_slice %get3A_1975 {offsets = [14], sizes = [1], strides = [1]} : vector<16xi32> to vector<1xi32>
        %squeeze3A_3996 = vector.extract %slice3A_3995[0] : i32 from vector<1xi32>
        %slice3A_3997 = vector.extract_strided_slice %get3A_1979 {offsets = [14], sizes = [1], strides = [1]} : vector<16xf32> to vector<1xf32>
        %squeeze3A_3998 = vector.extract %slice3A_3997[0] : f32 from vector<1xf32>
        %mul3A_3999 = arith.constant 16 : i32
        %mul3A_4000 = arith.muli %scan3A_1963, %mul3A_3999 : i32
        %add3A_4001 = arith.constant 14 : i32
        %add3A_4002 = arith.addi %mul3A_4000, %add3A_4001 : i32
        %add3A_4003 = arith.constant 0 : i32
        %add3A_4004 = arith.addi %mul3A_2, %add3A_4003 : i32
        %add3A_4005 = vector.broadcast %add3A_4004 : i32 to vector<16xi32>
        %add3A_4006 = arith.addi %add3A_4005, %iota3A : vector<16xi32>
        %eq3A_4007 = vector.broadcast %squeeze3A_3996 : i32 to vector<16xi32>
        %eq3A_4008 = arith.cmpi eq, %get3A_67, %eq3A_4007 : vector<16xi32>
        %gt3A_4009 = vector.broadcast %squeeze3A_3998 : f32 to vector<16xf32>
        %gt3A_4010 = arith.cmpf ogt, %gt3A_4009, %get3A_115 : vector<16xf32>
        %eq3A_4011 = vector.broadcast %squeeze3A_3998 : f32 to vector<16xf32>
        %eq3A_4012 = arith.cmpf oeq, %eq3A_4011, %get3A_115 : vector<16xf32>
        %lt3A_4013 = vector.broadcast %add3A_4002 : i32 to vector<16xi32>
        %lt3A_4014 = arith.cmpi slt, %lt3A_4013, %add3A_4006 : vector<16xi32>
        %and3A_4015 = arith.andi %eq3A_4012, %lt3A_4014 : vector<16xi1>
        %or3A_4016 = arith.ori %gt3A_4010, %and3A_4015 : vector<16xi1>
        %and3A_4017 = arith.andi %eq3A_4008, %or3A_4016 : vector<16xi1>
        %convert_element_type3A_4018 = arith.extui %and3A_4017 : vector<16xi1> to vector<16xi32>
        %add3A_4019 = arith.addi %add3A_3875, %convert_element_type3A_4018 : vector<16xi32>
        %add3A_4020 = arith.constant 16 : i32
        %add3A_4021 = arith.addi %mul3A_2, %add3A_4020 : i32
        %add3A_4022 = vector.broadcast %add3A_4021 : i32 to vector<16xi32>
        %add3A_4023 = arith.addi %add3A_4022, %iota3A : vector<16xi32>
        %eq3A_4024 = vector.broadcast %squeeze3A_3996 : i32 to vector<16xi32>
        %eq3A_4025 = arith.cmpi eq, %get3A_73, %eq3A_4024 : vector<16xi32>
        %gt3A_4026 = vector.broadcast %squeeze3A_3998 : f32 to vector<16xf32>
        %gt3A_4027 = arith.cmpf ogt, %gt3A_4026, %get3A_121 : vector<16xf32>
        %eq3A_4028 = vector.broadcast %squeeze3A_3998 : f32 to vector<16xf32>
        %eq3A_4029 = arith.cmpf oeq, %eq3A_4028, %get3A_121 : vector<16xf32>
        %lt3A_4030 = vector.broadcast %add3A_4002 : i32 to vector<16xi32>
        %lt3A_4031 = arith.cmpi slt, %lt3A_4030, %add3A_4023 : vector<16xi32>
        %and3A_4032 = arith.andi %eq3A_4029, %lt3A_4031 : vector<16xi1>
        %or3A_4033 = arith.ori %gt3A_4027, %and3A_4032 : vector<16xi1>
        %and3A_4034 = arith.andi %eq3A_4025, %or3A_4033 : vector<16xi1>
        %convert_element_type3A_4035 = arith.extui %and3A_4034 : vector<16xi1> to vector<16xi32>
        %add3A_4036 = arith.addi %add3A_3892, %convert_element_type3A_4035 : vector<16xi32>
        %add3A_4037 = arith.constant 32 : i32
        %add3A_4038 = arith.addi %mul3A_2, %add3A_4037 : i32
        %add3A_4039 = vector.broadcast %add3A_4038 : i32 to vector<16xi32>
        %add3A_4040 = arith.addi %add3A_4039, %iota3A : vector<16xi32>
        %eq3A_4041 = vector.broadcast %squeeze3A_3996 : i32 to vector<16xi32>
        %eq3A_4042 = arith.cmpi eq, %get3A_79, %eq3A_4041 : vector<16xi32>
        %gt3A_4043 = vector.broadcast %squeeze3A_3998 : f32 to vector<16xf32>
        %gt3A_4044 = arith.cmpf ogt, %gt3A_4043, %get3A_127 : vector<16xf32>
        %eq3A_4045 = vector.broadcast %squeeze3A_3998 : f32 to vector<16xf32>
        %eq3A_4046 = arith.cmpf oeq, %eq3A_4045, %get3A_127 : vector<16xf32>
        %lt3A_4047 = vector.broadcast %add3A_4002 : i32 to vector<16xi32>
        %lt3A_4048 = arith.cmpi slt, %lt3A_4047, %add3A_4040 : vector<16xi32>
        %and3A_4049 = arith.andi %eq3A_4046, %lt3A_4048 : vector<16xi1>
        %or3A_4050 = arith.ori %gt3A_4044, %and3A_4049 : vector<16xi1>
        %and3A_4051 = arith.andi %eq3A_4042, %or3A_4050 : vector<16xi1>
        %convert_element_type3A_4052 = arith.extui %and3A_4051 : vector<16xi1> to vector<16xi32>
        %add3A_4053 = arith.addi %add3A_3909, %convert_element_type3A_4052 : vector<16xi32>
        %add3A_4054 = arith.constant 48 : i32
        %add3A_4055 = arith.addi %mul3A_2, %add3A_4054 : i32
        %add3A_4056 = vector.broadcast %add3A_4055 : i32 to vector<16xi32>
        %add3A_4057 = arith.addi %add3A_4056, %iota3A : vector<16xi32>
        %eq3A_4058 = vector.broadcast %squeeze3A_3996 : i32 to vector<16xi32>
        %eq3A_4059 = arith.cmpi eq, %get3A_85, %eq3A_4058 : vector<16xi32>
        %gt3A_4060 = vector.broadcast %squeeze3A_3998 : f32 to vector<16xf32>
        %gt3A_4061 = arith.cmpf ogt, %gt3A_4060, %get3A_133 : vector<16xf32>
        %eq3A_4062 = vector.broadcast %squeeze3A_3998 : f32 to vector<16xf32>
        %eq3A_4063 = arith.cmpf oeq, %eq3A_4062, %get3A_133 : vector<16xf32>
        %lt3A_4064 = vector.broadcast %add3A_4002 : i32 to vector<16xi32>
        %lt3A_4065 = arith.cmpi slt, %lt3A_4064, %add3A_4057 : vector<16xi32>
        %and3A_4066 = arith.andi %eq3A_4063, %lt3A_4065 : vector<16xi1>
        %or3A_4067 = arith.ori %gt3A_4061, %and3A_4066 : vector<16xi1>
        %and3A_4068 = arith.andi %eq3A_4059, %or3A_4067 : vector<16xi1>
        %convert_element_type3A_4069 = arith.extui %and3A_4068 : vector<16xi1> to vector<16xi32>
        %add3A_4070 = arith.addi %add3A_3926, %convert_element_type3A_4069 : vector<16xi32>
        %add3A_4071 = arith.constant 64 : i32
        %add3A_4072 = arith.addi %mul3A_2, %add3A_4071 : i32
        %add3A_4073 = vector.broadcast %add3A_4072 : i32 to vector<16xi32>
        %add3A_4074 = arith.addi %add3A_4073, %iota3A : vector<16xi32>
        %eq3A_4075 = vector.broadcast %squeeze3A_3996 : i32 to vector<16xi32>
        %eq3A_4076 = arith.cmpi eq, %get3A_91, %eq3A_4075 : vector<16xi32>
        %gt3A_4077 = vector.broadcast %squeeze3A_3998 : f32 to vector<16xf32>
        %gt3A_4078 = arith.cmpf ogt, %gt3A_4077, %get3A_139 : vector<16xf32>
        %eq3A_4079 = vector.broadcast %squeeze3A_3998 : f32 to vector<16xf32>
        %eq3A_4080 = arith.cmpf oeq, %eq3A_4079, %get3A_139 : vector<16xf32>
        %lt3A_4081 = vector.broadcast %add3A_4002 : i32 to vector<16xi32>
        %lt3A_4082 = arith.cmpi slt, %lt3A_4081, %add3A_4074 : vector<16xi32>
        %and3A_4083 = arith.andi %eq3A_4080, %lt3A_4082 : vector<16xi1>
        %or3A_4084 = arith.ori %gt3A_4078, %and3A_4083 : vector<16xi1>
        %and3A_4085 = arith.andi %eq3A_4076, %or3A_4084 : vector<16xi1>
        %convert_element_type3A_4086 = arith.extui %and3A_4085 : vector<16xi1> to vector<16xi32>
        %add3A_4087 = arith.addi %add3A_3943, %convert_element_type3A_4086 : vector<16xi32>
        %add3A_4088 = arith.constant 80 : i32
        %add3A_4089 = arith.addi %mul3A_2, %add3A_4088 : i32
        %add3A_4090 = vector.broadcast %add3A_4089 : i32 to vector<16xi32>
        %add3A_4091 = arith.addi %add3A_4090, %iota3A : vector<16xi32>
        %eq3A_4092 = vector.broadcast %squeeze3A_3996 : i32 to vector<16xi32>
        %eq3A_4093 = arith.cmpi eq, %get3A_97, %eq3A_4092 : vector<16xi32>
        %gt3A_4094 = vector.broadcast %squeeze3A_3998 : f32 to vector<16xf32>
        %gt3A_4095 = arith.cmpf ogt, %gt3A_4094, %get3A_145 : vector<16xf32>
        %eq3A_4096 = vector.broadcast %squeeze3A_3998 : f32 to vector<16xf32>
        %eq3A_4097 = arith.cmpf oeq, %eq3A_4096, %get3A_145 : vector<16xf32>
        %lt3A_4098 = vector.broadcast %add3A_4002 : i32 to vector<16xi32>
        %lt3A_4099 = arith.cmpi slt, %lt3A_4098, %add3A_4091 : vector<16xi32>
        %and3A_4100 = arith.andi %eq3A_4097, %lt3A_4099 : vector<16xi1>
        %or3A_4101 = arith.ori %gt3A_4095, %and3A_4100 : vector<16xi1>
        %and3A_4102 = arith.andi %eq3A_4093, %or3A_4101 : vector<16xi1>
        %convert_element_type3A_4103 = arith.extui %and3A_4102 : vector<16xi1> to vector<16xi32>
        %add3A_4104 = arith.addi %add3A_3960, %convert_element_type3A_4103 : vector<16xi32>
        %add3A_4105 = arith.constant 96 : i32
        %add3A_4106 = arith.addi %mul3A_2, %add3A_4105 : i32
        %add3A_4107 = vector.broadcast %add3A_4106 : i32 to vector<16xi32>
        %add3A_4108 = arith.addi %add3A_4107, %iota3A : vector<16xi32>
        %eq3A_4109 = vector.broadcast %squeeze3A_3996 : i32 to vector<16xi32>
        %eq3A_4110 = arith.cmpi eq, %get3A_103, %eq3A_4109 : vector<16xi32>
        %gt3A_4111 = vector.broadcast %squeeze3A_3998 : f32 to vector<16xf32>
        %gt3A_4112 = arith.cmpf ogt, %gt3A_4111, %get3A_151 : vector<16xf32>
        %eq3A_4113 = vector.broadcast %squeeze3A_3998 : f32 to vector<16xf32>
        %eq3A_4114 = arith.cmpf oeq, %eq3A_4113, %get3A_151 : vector<16xf32>
        %lt3A_4115 = vector.broadcast %add3A_4002 : i32 to vector<16xi32>
        %lt3A_4116 = arith.cmpi slt, %lt3A_4115, %add3A_4108 : vector<16xi32>
        %and3A_4117 = arith.andi %eq3A_4114, %lt3A_4116 : vector<16xi1>
        %or3A_4118 = arith.ori %gt3A_4112, %and3A_4117 : vector<16xi1>
        %and3A_4119 = arith.andi %eq3A_4110, %or3A_4118 : vector<16xi1>
        %convert_element_type3A_4120 = arith.extui %and3A_4119 : vector<16xi1> to vector<16xi32>
        %add3A_4121 = arith.addi %add3A_3977, %convert_element_type3A_4120 : vector<16xi32>
        %add3A_4122 = arith.constant 112 : i32
        %add3A_4123 = arith.addi %mul3A_2, %add3A_4122 : i32
        %add3A_4124 = vector.broadcast %add3A_4123 : i32 to vector<16xi32>
        %add3A_4125 = arith.addi %add3A_4124, %iota3A : vector<16xi32>
        %eq3A_4126 = vector.broadcast %squeeze3A_3996 : i32 to vector<16xi32>
        %eq3A_4127 = arith.cmpi eq, %get3A_109, %eq3A_4126 : vector<16xi32>
        %gt3A_4128 = vector.broadcast %squeeze3A_3998 : f32 to vector<16xf32>
        %gt3A_4129 = arith.cmpf ogt, %gt3A_4128, %get3A_157 : vector<16xf32>
        %eq3A_4130 = vector.broadcast %squeeze3A_3998 : f32 to vector<16xf32>
        %eq3A_4131 = arith.cmpf oeq, %eq3A_4130, %get3A_157 : vector<16xf32>
        %lt3A_4132 = vector.broadcast %add3A_4002 : i32 to vector<16xi32>
        %lt3A_4133 = arith.cmpi slt, %lt3A_4132, %add3A_4125 : vector<16xi32>
        %and3A_4134 = arith.andi %eq3A_4131, %lt3A_4133 : vector<16xi1>
        %or3A_4135 = arith.ori %gt3A_4129, %and3A_4134 : vector<16xi1>
        %and3A_4136 = arith.andi %eq3A_4127, %or3A_4135 : vector<16xi1>
        %convert_element_type3A_4137 = arith.extui %and3A_4136 : vector<16xi1> to vector<16xi32>
        %add3A_4138 = arith.addi %add3A_3994, %convert_element_type3A_4137 : vector<16xi32>
        %slice3A_4139 = vector.extract_strided_slice %get3A_1975 {offsets = [15], sizes = [1], strides = [1]} : vector<16xi32> to vector<1xi32>
        %squeeze3A_4140 = vector.extract %slice3A_4139[0] : i32 from vector<1xi32>
        %slice3A_4141 = vector.extract_strided_slice %get3A_1979 {offsets = [15], sizes = [1], strides = [1]} : vector<16xf32> to vector<1xf32>
        %squeeze3A_4142 = vector.extract %slice3A_4141[0] : f32 from vector<1xf32>
        %mul3A_4143 = arith.constant 16 : i32
        %mul3A_4144 = arith.muli %scan3A_1963, %mul3A_4143 : i32
        %add3A_4145 = arith.constant 15 : i32
        %add3A_4146 = arith.addi %mul3A_4144, %add3A_4145 : i32
        %add3A_4147 = arith.constant 0 : i32
        %add3A_4148 = arith.addi %mul3A_2, %add3A_4147 : i32
        %add3A_4149 = vector.broadcast %add3A_4148 : i32 to vector<16xi32>
        %add3A_4150 = arith.addi %add3A_4149, %iota3A : vector<16xi32>
        %eq3A_4151 = vector.broadcast %squeeze3A_4140 : i32 to vector<16xi32>
        %eq3A_4152 = arith.cmpi eq, %get3A_67, %eq3A_4151 : vector<16xi32>
        %gt3A_4153 = vector.broadcast %squeeze3A_4142 : f32 to vector<16xf32>
        %gt3A_4154 = arith.cmpf ogt, %gt3A_4153, %get3A_115 : vector<16xf32>
        %eq3A_4155 = vector.broadcast %squeeze3A_4142 : f32 to vector<16xf32>
        %eq3A_4156 = arith.cmpf oeq, %eq3A_4155, %get3A_115 : vector<16xf32>
        %lt3A_4157 = vector.broadcast %add3A_4146 : i32 to vector<16xi32>
        %lt3A_4158 = arith.cmpi slt, %lt3A_4157, %add3A_4150 : vector<16xi32>
        %and3A_4159 = arith.andi %eq3A_4156, %lt3A_4158 : vector<16xi1>
        %or3A_4160 = arith.ori %gt3A_4154, %and3A_4159 : vector<16xi1>
        %and3A_4161 = arith.andi %eq3A_4152, %or3A_4160 : vector<16xi1>
        %convert_element_type3A_4162 = arith.extui %and3A_4161 : vector<16xi1> to vector<16xi32>
        %add3A_4163 = arith.addi %add3A_4019, %convert_element_type3A_4162 : vector<16xi32>
        %add3A_4164 = arith.constant 16 : i32
        %add3A_4165 = arith.addi %mul3A_2, %add3A_4164 : i32
        %add3A_4166 = vector.broadcast %add3A_4165 : i32 to vector<16xi32>
        %add3A_4167 = arith.addi %add3A_4166, %iota3A : vector<16xi32>
        %eq3A_4168 = vector.broadcast %squeeze3A_4140 : i32 to vector<16xi32>
        %eq3A_4169 = arith.cmpi eq, %get3A_73, %eq3A_4168 : vector<16xi32>
        %gt3A_4170 = vector.broadcast %squeeze3A_4142 : f32 to vector<16xf32>
        %gt3A_4171 = arith.cmpf ogt, %gt3A_4170, %get3A_121 : vector<16xf32>
        %eq3A_4172 = vector.broadcast %squeeze3A_4142 : f32 to vector<16xf32>
        %eq3A_4173 = arith.cmpf oeq, %eq3A_4172, %get3A_121 : vector<16xf32>
        %lt3A_4174 = vector.broadcast %add3A_4146 : i32 to vector<16xi32>
        %lt3A_4175 = arith.cmpi slt, %lt3A_4174, %add3A_4167 : vector<16xi32>
        %and3A_4176 = arith.andi %eq3A_4173, %lt3A_4175 : vector<16xi1>
        %or3A_4177 = arith.ori %gt3A_4171, %and3A_4176 : vector<16xi1>
        %and3A_4178 = arith.andi %eq3A_4169, %or3A_4177 : vector<16xi1>
        %convert_element_type3A_4179 = arith.extui %and3A_4178 : vector<16xi1> to vector<16xi32>
        %add3A_4180 = arith.addi %add3A_4036, %convert_element_type3A_4179 : vector<16xi32>
        %add3A_4181 = arith.constant 32 : i32
        %add3A_4182 = arith.addi %mul3A_2, %add3A_4181 : i32
        %add3A_4183 = vector.broadcast %add3A_4182 : i32 to vector<16xi32>
        %add3A_4184 = arith.addi %add3A_4183, %iota3A : vector<16xi32>
        %eq3A_4185 = vector.broadcast %squeeze3A_4140 : i32 to vector<16xi32>
        %eq3A_4186 = arith.cmpi eq, %get3A_79, %eq3A_4185 : vector<16xi32>
        %gt3A_4187 = vector.broadcast %squeeze3A_4142 : f32 to vector<16xf32>
        %gt3A_4188 = arith.cmpf ogt, %gt3A_4187, %get3A_127 : vector<16xf32>
        %eq3A_4189 = vector.broadcast %squeeze3A_4142 : f32 to vector<16xf32>
        %eq3A_4190 = arith.cmpf oeq, %eq3A_4189, %get3A_127 : vector<16xf32>
        %lt3A_4191 = vector.broadcast %add3A_4146 : i32 to vector<16xi32>
        %lt3A_4192 = arith.cmpi slt, %lt3A_4191, %add3A_4184 : vector<16xi32>
        %and3A_4193 = arith.andi %eq3A_4190, %lt3A_4192 : vector<16xi1>
        %or3A_4194 = arith.ori %gt3A_4188, %and3A_4193 : vector<16xi1>
        %and3A_4195 = arith.andi %eq3A_4186, %or3A_4194 : vector<16xi1>
        %convert_element_type3A_4196 = arith.extui %and3A_4195 : vector<16xi1> to vector<16xi32>
        %add3A_4197 = arith.addi %add3A_4053, %convert_element_type3A_4196 : vector<16xi32>
        %add3A_4198 = arith.constant 48 : i32
        %add3A_4199 = arith.addi %mul3A_2, %add3A_4198 : i32
        %add3A_4200 = vector.broadcast %add3A_4199 : i32 to vector<16xi32>
        %add3A_4201 = arith.addi %add3A_4200, %iota3A : vector<16xi32>
        %eq3A_4202 = vector.broadcast %squeeze3A_4140 : i32 to vector<16xi32>
        %eq3A_4203 = arith.cmpi eq, %get3A_85, %eq3A_4202 : vector<16xi32>
        %gt3A_4204 = vector.broadcast %squeeze3A_4142 : f32 to vector<16xf32>
        %gt3A_4205 = arith.cmpf ogt, %gt3A_4204, %get3A_133 : vector<16xf32>
        %eq3A_4206 = vector.broadcast %squeeze3A_4142 : f32 to vector<16xf32>
        %eq3A_4207 = arith.cmpf oeq, %eq3A_4206, %get3A_133 : vector<16xf32>
        %lt3A_4208 = vector.broadcast %add3A_4146 : i32 to vector<16xi32>
        %lt3A_4209 = arith.cmpi slt, %lt3A_4208, %add3A_4201 : vector<16xi32>
        %and3A_4210 = arith.andi %eq3A_4207, %lt3A_4209 : vector<16xi1>
        %or3A_4211 = arith.ori %gt3A_4205, %and3A_4210 : vector<16xi1>
        %and3A_4212 = arith.andi %eq3A_4203, %or3A_4211 : vector<16xi1>
        %convert_element_type3A_4213 = arith.extui %and3A_4212 : vector<16xi1> to vector<16xi32>
        %add3A_4214 = arith.addi %add3A_4070, %convert_element_type3A_4213 : vector<16xi32>
        %add3A_4215 = arith.constant 64 : i32
        %add3A_4216 = arith.addi %mul3A_2, %add3A_4215 : i32
        %add3A_4217 = vector.broadcast %add3A_4216 : i32 to vector<16xi32>
        %add3A_4218 = arith.addi %add3A_4217, %iota3A : vector<16xi32>
        %eq3A_4219 = vector.broadcast %squeeze3A_4140 : i32 to vector<16xi32>
        %eq3A_4220 = arith.cmpi eq, %get3A_91, %eq3A_4219 : vector<16xi32>
        %gt3A_4221 = vector.broadcast %squeeze3A_4142 : f32 to vector<16xf32>
        %gt3A_4222 = arith.cmpf ogt, %gt3A_4221, %get3A_139 : vector<16xf32>
        %eq3A_4223 = vector.broadcast %squeeze3A_4142 : f32 to vector<16xf32>
        %eq3A_4224 = arith.cmpf oeq, %eq3A_4223, %get3A_139 : vector<16xf32>
        %lt3A_4225 = vector.broadcast %add3A_4146 : i32 to vector<16xi32>
        %lt3A_4226 = arith.cmpi slt, %lt3A_4225, %add3A_4218 : vector<16xi32>
        %and3A_4227 = arith.andi %eq3A_4224, %lt3A_4226 : vector<16xi1>
        %or3A_4228 = arith.ori %gt3A_4222, %and3A_4227 : vector<16xi1>
        %and3A_4229 = arith.andi %eq3A_4220, %or3A_4228 : vector<16xi1>
        %convert_element_type3A_4230 = arith.extui %and3A_4229 : vector<16xi1> to vector<16xi32>
        %add3A_4231 = arith.addi %add3A_4087, %convert_element_type3A_4230 : vector<16xi32>
        %add3A_4232 = arith.constant 80 : i32
        %add3A_4233 = arith.addi %mul3A_2, %add3A_4232 : i32
        %add3A_4234 = vector.broadcast %add3A_4233 : i32 to vector<16xi32>
        %add3A_4235 = arith.addi %add3A_4234, %iota3A : vector<16xi32>
        %eq3A_4236 = vector.broadcast %squeeze3A_4140 : i32 to vector<16xi32>
        %eq3A_4237 = arith.cmpi eq, %get3A_97, %eq3A_4236 : vector<16xi32>
        %gt3A_4238 = vector.broadcast %squeeze3A_4142 : f32 to vector<16xf32>
        %gt3A_4239 = arith.cmpf ogt, %gt3A_4238, %get3A_145 : vector<16xf32>
        %eq3A_4240 = vector.broadcast %squeeze3A_4142 : f32 to vector<16xf32>
        %eq3A_4241 = arith.cmpf oeq, %eq3A_4240, %get3A_145 : vector<16xf32>
        %lt3A_4242 = vector.broadcast %add3A_4146 : i32 to vector<16xi32>
        %lt3A_4243 = arith.cmpi slt, %lt3A_4242, %add3A_4235 : vector<16xi32>
        %and3A_4244 = arith.andi %eq3A_4241, %lt3A_4243 : vector<16xi1>
        %or3A_4245 = arith.ori %gt3A_4239, %and3A_4244 : vector<16xi1>
        %and3A_4246 = arith.andi %eq3A_4237, %or3A_4245 : vector<16xi1>
        %convert_element_type3A_4247 = arith.extui %and3A_4246 : vector<16xi1> to vector<16xi32>
        %add3A_4248 = arith.addi %add3A_4104, %convert_element_type3A_4247 : vector<16xi32>
        %add3A_4249 = arith.constant 96 : i32
        %add3A_4250 = arith.addi %mul3A_2, %add3A_4249 : i32
        %add3A_4251 = vector.broadcast %add3A_4250 : i32 to vector<16xi32>
        %add3A_4252 = arith.addi %add3A_4251, %iota3A : vector<16xi32>
        %eq3A_4253 = vector.broadcast %squeeze3A_4140 : i32 to vector<16xi32>
        %eq3A_4254 = arith.cmpi eq, %get3A_103, %eq3A_4253 : vector<16xi32>
        %gt3A_4255 = vector.broadcast %squeeze3A_4142 : f32 to vector<16xf32>
        %gt3A_4256 = arith.cmpf ogt, %gt3A_4255, %get3A_151 : vector<16xf32>
        %eq3A_4257 = vector.broadcast %squeeze3A_4142 : f32 to vector<16xf32>
        %eq3A_4258 = arith.cmpf oeq, %eq3A_4257, %get3A_151 : vector<16xf32>
        %lt3A_4259 = vector.broadcast %add3A_4146 : i32 to vector<16xi32>
        %lt3A_4260 = arith.cmpi slt, %lt3A_4259, %add3A_4252 : vector<16xi32>
        %and3A_4261 = arith.andi %eq3A_4258, %lt3A_4260 : vector<16xi1>
        %or3A_4262 = arith.ori %gt3A_4256, %and3A_4261 : vector<16xi1>
        %and3A_4263 = arith.andi %eq3A_4254, %or3A_4262 : vector<16xi1>
        %convert_element_type3A_4264 = arith.extui %and3A_4263 : vector<16xi1> to vector<16xi32>
        %add3A_4265 = arith.addi %add3A_4121, %convert_element_type3A_4264 : vector<16xi32>
        %add3A_4266 = arith.constant 112 : i32
        %add3A_4267 = arith.addi %mul3A_2, %add3A_4266 : i32
        %add3A_4268 = vector.broadcast %add3A_4267 : i32 to vector<16xi32>
        %add3A_4269 = arith.addi %add3A_4268, %iota3A : vector<16xi32>
        %eq3A_4270 = vector.broadcast %squeeze3A_4140 : i32 to vector<16xi32>
        %eq3A_4271 = arith.cmpi eq, %get3A_109, %eq3A_4270 : vector<16xi32>
        %gt3A_4272 = vector.broadcast %squeeze3A_4142 : f32 to vector<16xf32>
        %gt3A_4273 = arith.cmpf ogt, %gt3A_4272, %get3A_157 : vector<16xf32>
        %eq3A_4274 = vector.broadcast %squeeze3A_4142 : f32 to vector<16xf32>
        %eq3A_4275 = arith.cmpf oeq, %eq3A_4274, %get3A_157 : vector<16xf32>
        %lt3A_4276 = vector.broadcast %add3A_4146 : i32 to vector<16xi32>
        %lt3A_4277 = arith.cmpi slt, %lt3A_4276, %add3A_4269 : vector<16xi32>
        %and3A_4278 = arith.andi %eq3A_4275, %lt3A_4277 : vector<16xi1>
        %or3A_4279 = arith.ori %gt3A_4273, %and3A_4278 : vector<16xi1>
        %and3A_4280 = arith.andi %eq3A_4271, %or3A_4279 : vector<16xi1>
        %convert_element_type3A_4281 = arith.extui %and3A_4280 : vector<16xi1> to vector<16xi32>
        %add3A_4282 = arith.addi %add3A_4138, %convert_element_type3A_4281 : vector<16xi32>
        scf.yield %add3A_4163, %add3A_4180, %add3A_4197, %add3A_4214, %add3A_4231, %add3A_4248, %add3A_4265, %add3A_4282 : vector<16xi32>, vector<16xi32>, vector<16xi32>, vector<16xi32>, vector<16xi32>, vector<16xi32>, vector<16xi32>, vector<16xi32>
      }
      %scan3A_1962 = arith.constant 256 : i32
      scf.yield %scan3A_1961#0, %scan3A_1961#1, %scan3A_1961#2, %scan3A_1961#3, %scan3A_1961#4, %scan3A_1961#5, %scan3A_1961#6, %scan3A_1961#7 : vector<16xi32>, vector<16xi32>, vector<16xi32>, vector<16xi32>, vector<16xi32>, vector<16xi32>, vector<16xi32>, vector<16xi32>
    } else {
      %broadcast_in_dim3A_1941 = arith.constant 0 : i32
      %broadcast_in_dim3A_1942 = vector.broadcast %broadcast_in_dim3A_1941 : i32 to vector<16xi32>
      %broadcast_in_dim3A_1943 = arith.constant 0 : i32
      %broadcast_in_dim3A_1944 = vector.broadcast %broadcast_in_dim3A_1943 : i32 to vector<16xi32>
      %broadcast_in_dim3A_1945 = arith.constant 0 : i32
      %broadcast_in_dim3A_1946 = vector.broadcast %broadcast_in_dim3A_1945 : i32 to vector<16xi32>
      %broadcast_in_dim3A_1947 = arith.constant 0 : i32
      %broadcast_in_dim3A_1948 = vector.broadcast %broadcast_in_dim3A_1947 : i32 to vector<16xi32>
      %broadcast_in_dim3A_1949 = arith.constant 0 : i32
      %broadcast_in_dim3A_1950 = vector.broadcast %broadcast_in_dim3A_1949 : i32 to vector<16xi32>
      %broadcast_in_dim3A_1951 = arith.constant 0 : i32
      %broadcast_in_dim3A_1952 = vector.broadcast %broadcast_in_dim3A_1951 : i32 to vector<16xi32>
      %broadcast_in_dim3A_1953 = arith.constant 0 : i32
      %broadcast_in_dim3A_1954 = vector.broadcast %broadcast_in_dim3A_1953 : i32 to vector<16xi32>
      %broadcast_in_dim3A_1955 = arith.constant 0 : i32
      %broadcast_in_dim3A_1956 = vector.broadcast %broadcast_in_dim3A_1955 : i32 to vector<16xi32>
      scf.yield %broadcast_in_dim3A_1942, %broadcast_in_dim3A_1944, %broadcast_in_dim3A_1946, %broadcast_in_dim3A_1948, %broadcast_in_dim3A_1950, %broadcast_in_dim3A_1952, %broadcast_in_dim3A_1954, %broadcast_in_dim3A_1956 : vector<16xi32>, vector<16xi32>, vector<16xi32>, vector<16xi32>, vector<16xi32>, vector<16xi32>, vector<16xi32>, vector<16xi32>
    }
    %broadcast_in_dim3A_1259 = arith.constant 0 : i32
    %broadcast_in_dim3A_1260 = vector.broadcast %broadcast_in_dim3A_1259 : i32 to vector<16xi32>
    %eq3A_1261 = arith.constant 0 : i32
    %eq3A_1262 = vector.broadcast %eq3A_1261 : i32 to vector<16xi32>
    %eq3A_1263 = arith.cmpi eq, %get3A_67, %eq3A_1262 : vector<16xi32>
    %jit3A = arith.constant 1 : i32
    %jit3A_1264 = arith.constant 0 : i32
    %select_n3A_1265 = arith.select %gt3A_42, %jit3A, %jit3A_1264 : i32
    %broadcast_in_dim3A_1266 = vector.broadcast %select_n3A_1265 : i32 to vector<16xi32>
    %select_n3A_1267 = arith.select %eq3A_1263, %broadcast_in_dim3A_1266, %broadcast_in_dim3A_1260 : vector<16xi1>, vector<16xi32>
    %eq3A_1268 = arith.constant 1 : i32
    %eq3A_1269 = vector.broadcast %eq3A_1268 : i32 to vector<16xi32>
    %eq3A_1270 = arith.cmpi eq, %get3A_67, %eq3A_1269 : vector<16xi32>
    %jit3A_1271 = arith.constant 1 : i32
    %jit3A_1272 = arith.constant 0 : i32
    %select_n3A_1273 = arith.select %gt3A_44, %jit3A_1271, %jit3A_1272 : i32
    %broadcast_in_dim3A_1274 = vector.broadcast %select_n3A_1273 : i32 to vector<16xi32>
    %select_n3A_1275 = arith.select %eq3A_1270, %broadcast_in_dim3A_1274, %select_n3A_1267 : vector<16xi1>, vector<16xi32>
    %eq3A_1276 = arith.constant 2 : i32
    %eq3A_1277 = vector.broadcast %eq3A_1276 : i32 to vector<16xi32>
    %eq3A_1278 = arith.cmpi eq, %get3A_67, %eq3A_1277 : vector<16xi32>
    %jit3A_1279 = arith.constant 1 : i32
    %jit3A_1280 = arith.constant 0 : i32
    %select_n3A_1281 = arith.select %gt3A_46, %jit3A_1279, %jit3A_1280 : i32
    %broadcast_in_dim3A_1282 = vector.broadcast %select_n3A_1281 : i32 to vector<16xi32>
    %select_n3A_1283 = arith.select %eq3A_1278, %broadcast_in_dim3A_1282, %select_n3A_1275 : vector<16xi1>, vector<16xi32>
    %eq3A_1284 = arith.constant 3 : i32
    %eq3A_1285 = vector.broadcast %eq3A_1284 : i32 to vector<16xi32>
    %eq3A_1286 = arith.cmpi eq, %get3A_67, %eq3A_1285 : vector<16xi32>
    %jit3A_1287 = arith.constant 1 : i32
    %jit3A_1288 = arith.constant 0 : i32
    %select_n3A_1289 = arith.select %gt3A_48, %jit3A_1287, %jit3A_1288 : i32
    %broadcast_in_dim3A_1290 = vector.broadcast %select_n3A_1289 : i32 to vector<16xi32>
    %select_n3A_1291 = arith.select %eq3A_1286, %broadcast_in_dim3A_1290, %select_n3A_1283 : vector<16xi1>, vector<16xi32>
    %eq3A_1292 = arith.constant 4 : i32
    %eq3A_1293 = vector.broadcast %eq3A_1292 : i32 to vector<16xi32>
    %eq3A_1294 = arith.cmpi eq, %get3A_67, %eq3A_1293 : vector<16xi32>
    %jit3A_1295 = arith.constant 1 : i32
    %jit3A_1296 = arith.constant 0 : i32
    %select_n3A_1297 = arith.select %gt3A_50, %jit3A_1295, %jit3A_1296 : i32
    %broadcast_in_dim3A_1298 = vector.broadcast %select_n3A_1297 : i32 to vector<16xi32>
    %select_n3A_1299 = arith.select %eq3A_1294, %broadcast_in_dim3A_1298, %select_n3A_1291 : vector<16xi1>, vector<16xi32>
    %eq3A_1300 = arith.constant 5 : i32
    %eq3A_1301 = vector.broadcast %eq3A_1300 : i32 to vector<16xi32>
    %eq3A_1302 = arith.cmpi eq, %get3A_67, %eq3A_1301 : vector<16xi32>
    %jit3A_1303 = arith.constant 1 : i32
    %jit3A_1304 = arith.constant 0 : i32
    %select_n3A_1305 = arith.select %gt3A_52, %jit3A_1303, %jit3A_1304 : i32
    %broadcast_in_dim3A_1306 = vector.broadcast %select_n3A_1305 : i32 to vector<16xi32>
    %select_n3A_1307 = arith.select %eq3A_1302, %broadcast_in_dim3A_1306, %select_n3A_1299 : vector<16xi1>, vector<16xi32>
    %eq3A_1308 = arith.constant 6 : i32
    %eq3A_1309 = vector.broadcast %eq3A_1308 : i32 to vector<16xi32>
    %eq3A_1310 = arith.cmpi eq, %get3A_67, %eq3A_1309 : vector<16xi32>
    %jit3A_1311 = arith.constant 1 : i32
    %jit3A_1312 = arith.constant 0 : i32
    %select_n3A_1313 = arith.select %gt3A_54, %jit3A_1311, %jit3A_1312 : i32
    %broadcast_in_dim3A_1314 = vector.broadcast %select_n3A_1313 : i32 to vector<16xi32>
    %select_n3A_1315 = arith.select %eq3A_1310, %broadcast_in_dim3A_1314, %select_n3A_1307 : vector<16xi1>, vector<16xi32>
    %eq3A_1316 = arith.constant 7 : i32
    %eq3A_1317 = vector.broadcast %eq3A_1316 : i32 to vector<16xi32>
    %eq3A_1318 = arith.cmpi eq, %get3A_67, %eq3A_1317 : vector<16xi32>
    %jit3A_1319 = arith.constant 1 : i32
    %jit3A_1320 = arith.constant 0 : i32
    %select_n3A_1321 = arith.select %gt3A_56, %jit3A_1319, %jit3A_1320 : i32
    %broadcast_in_dim3A_1322 = vector.broadcast %select_n3A_1321 : i32 to vector<16xi32>
    %select_n3A_1323 = arith.select %eq3A_1318, %broadcast_in_dim3A_1322, %select_n3A_1315 : vector<16xi1>, vector<16xi32>
    %eq3A_1324 = arith.constant 1 : i32
    %eq3A_1325 = vector.broadcast %eq3A_1324 : i32 to vector<16xi32>
    %eq3A_1326 = arith.cmpi eq, %select_n3A_1323, %eq3A_1325 : vector<16xi32>
    %select_n3A_1327 = arith.select %eq3A_1326, %cond3A_1258#0, %select_n3A_285 : vector<16xi1>, vector<16xi32>
    %lt3A = arith.constant 640 : i32
    %lt3A_1328 = vector.broadcast %lt3A : i32 to vector<16xi32>
    %lt3A_1329 = arith.cmpi slt, %cond3A_1258#0, %lt3A_1328 : vector<16xi32>
    %jit3A_1330 = arith.constant true
    %broadcast_in_dim3A_1331 = vector.broadcast %jit3A_1330 : i1 to vector<16xi1>
    %select_n3A_1332 = arith.select %eq3A_1326, %lt3A_1329, %broadcast_in_dim3A_1331 : vector<16xi1>, vector<16xi1>
    %mul3A_1333 = arith.constant 640 : i32
    %mul3A_1334 = vector.broadcast %mul3A_1333 : i32 to vector<16xi32>
    %mul3A_1335 = arith.muli %get3A_67, %mul3A_1334 : vector<16xi32>
    %add3A_1336 = arith.addi %mul3A_1335, %select_n3A_1327 : vector<16xi32>
    %jit3A_1337 = arith.constant 5120 : i32
    %broadcast_in_dim3A_1338 = vector.broadcast %jit3A_1337 : i32 to vector<16xi32>
    %select_n3A_1339 = arith.select %select_n3A_1332, %add3A_1336, %broadcast_in_dim3A_1338 : vector<16xi1>, vector<16xi32>
    %swap3A = arith.constant 0 : index
    %swap3A_1340 = tpu.vector_load %arg8[%swap3A] {strides = array<i32>} : memref<128xi32, #tpu.memory_space<vmem>>, vector<16xi32>,
    tpu.vector_store %arg8[%swap3A], %select_n3A_1339 {strides = array<i32>} : memref<128xi32, #tpu.memory_space<vmem>>, vector<16xi32>,
    %broadcast_in_dim3A_1341 = arith.constant 0 : i32
    %broadcast_in_dim3A_1342 = vector.broadcast %broadcast_in_dim3A_1341 : i32 to vector<16xi32>
    %eq3A_1343 = arith.constant 0 : i32
    %eq3A_1344 = vector.broadcast %eq3A_1343 : i32 to vector<16xi32>
    %eq3A_1345 = arith.cmpi eq, %get3A_73, %eq3A_1344 : vector<16xi32>
    %jit3A_1346 = arith.constant 1 : i32
    %jit3A_1347 = arith.constant 0 : i32
    %select_n3A_1348 = arith.select %gt3A_42, %jit3A_1346, %jit3A_1347 : i32
    %broadcast_in_dim3A_1349 = vector.broadcast %select_n3A_1348 : i32 to vector<16xi32>
    %select_n3A_1350 = arith.select %eq3A_1345, %broadcast_in_dim3A_1349, %broadcast_in_dim3A_1342 : vector<16xi1>, vector<16xi32>
    %eq3A_1351 = arith.constant 1 : i32
    %eq3A_1352 = vector.broadcast %eq3A_1351 : i32 to vector<16xi32>
    %eq3A_1353 = arith.cmpi eq, %get3A_73, %eq3A_1352 : vector<16xi32>
    %jit3A_1354 = arith.constant 1 : i32
    %jit3A_1355 = arith.constant 0 : i32
    %select_n3A_1356 = arith.select %gt3A_44, %jit3A_1354, %jit3A_1355 : i32
    %broadcast_in_dim3A_1357 = vector.broadcast %select_n3A_1356 : i32 to vector<16xi32>
    %select_n3A_1358 = arith.select %eq3A_1353, %broadcast_in_dim3A_1357, %select_n3A_1350 : vector<16xi1>, vector<16xi32>
    %eq3A_1359 = arith.constant 2 : i32
    %eq3A_1360 = vector.broadcast %eq3A_1359 : i32 to vector<16xi32>
    %eq3A_1361 = arith.cmpi eq, %get3A_73, %eq3A_1360 : vector<16xi32>
    %jit3A_1362 = arith.constant 1 : i32
    %jit3A_1363 = arith.constant 0 : i32
    %select_n3A_1364 = arith.select %gt3A_46, %jit3A_1362, %jit3A_1363 : i32
    %broadcast_in_dim3A_1365 = vector.broadcast %select_n3A_1364 : i32 to vector<16xi32>
    %select_n3A_1366 = arith.select %eq3A_1361, %broadcast_in_dim3A_1365, %select_n3A_1358 : vector<16xi1>, vector<16xi32>
    %eq3A_1367 = arith.constant 3 : i32
    %eq3A_1368 = vector.broadcast %eq3A_1367 : i32 to vector<16xi32>
    %eq3A_1369 = arith.cmpi eq, %get3A_73, %eq3A_1368 : vector<16xi32>
    %jit3A_1370 = arith.constant 1 : i32
    %jit3A_1371 = arith.constant 0 : i32
    %select_n3A_1372 = arith.select %gt3A_48, %jit3A_1370, %jit3A_1371 : i32
    %broadcast_in_dim3A_1373 = vector.broadcast %select_n3A_1372 : i32 to vector<16xi32>
    %select_n3A_1374 = arith.select %eq3A_1369, %broadcast_in_dim3A_1373, %select_n3A_1366 : vector<16xi1>, vector<16xi32>
    %eq3A_1375 = arith.constant 4 : i32
    %eq3A_1376 = vector.broadcast %eq3A_1375 : i32 to vector<16xi32>
    %eq3A_1377 = arith.cmpi eq, %get3A_73, %eq3A_1376 : vector<16xi32>
    %jit3A_1378 = arith.constant 1 : i32
    %jit3A_1379 = arith.constant 0 : i32
    %select_n3A_1380 = arith.select %gt3A_50, %jit3A_1378, %jit3A_1379 : i32
    %broadcast_in_dim3A_1381 = vector.broadcast %select_n3A_1380 : i32 to vector<16xi32>
    %select_n3A_1382 = arith.select %eq3A_1377, %broadcast_in_dim3A_1381, %select_n3A_1374 : vector<16xi1>, vector<16xi32>
    %eq3A_1383 = arith.constant 5 : i32
    %eq3A_1384 = vector.broadcast %eq3A_1383 : i32 to vector<16xi32>
    %eq3A_1385 = arith.cmpi eq, %get3A_73, %eq3A_1384 : vector<16xi32>
    %jit3A_1386 = arith.constant 1 : i32
    %jit3A_1387 = arith.constant 0 : i32
    %select_n3A_1388 = arith.select %gt3A_52, %jit3A_1386, %jit3A_1387 : i32
    %broadcast_in_dim3A_1389 = vector.broadcast %select_n3A_1388 : i32 to vector<16xi32>
    %select_n3A_1390 = arith.select %eq3A_1385, %broadcast_in_dim3A_1389, %select_n3A_1382 : vector<16xi1>, vector<16xi32>
    %eq3A_1391 = arith.constant 6 : i32
    %eq3A_1392 = vector.broadcast %eq3A_1391 : i32 to vector<16xi32>
    %eq3A_1393 = arith.cmpi eq, %get3A_73, %eq3A_1392 : vector<16xi32>
    %jit3A_1394 = arith.constant 1 : i32
    %jit3A_1395 = arith.constant 0 : i32
    %select_n3A_1396 = arith.select %gt3A_54, %jit3A_1394, %jit3A_1395 : i32
    %broadcast_in_dim3A_1397 = vector.broadcast %select_n3A_1396 : i32 to vector<16xi32>
    %select_n3A_1398 = arith.select %eq3A_1393, %broadcast_in_dim3A_1397, %select_n3A_1390 : vector<16xi1>, vector<16xi32>
    %eq3A_1399 = arith.constant 7 : i32
    %eq3A_1400 = vector.broadcast %eq3A_1399 : i32 to vector<16xi32>
    %eq3A_1401 = arith.cmpi eq, %get3A_73, %eq3A_1400 : vector<16xi32>
    %jit3A_1402 = arith.constant 1 : i32
    %jit3A_1403 = arith.constant 0 : i32
    %select_n3A_1404 = arith.select %gt3A_56, %jit3A_1402, %jit3A_1403 : i32
    %broadcast_in_dim3A_1405 = vector.broadcast %select_n3A_1404 : i32 to vector<16xi32>
    %select_n3A_1406 = arith.select %eq3A_1401, %broadcast_in_dim3A_1405, %select_n3A_1398 : vector<16xi1>, vector<16xi32>
    %eq3A_1407 = arith.constant 1 : i32
    %eq3A_1408 = vector.broadcast %eq3A_1407 : i32 to vector<16xi32>
    %eq3A_1409 = arith.cmpi eq, %select_n3A_1406, %eq3A_1408 : vector<16xi32>
    %select_n3A_1410 = arith.select %eq3A_1409, %cond3A_1258#1, %select_n3A_423 : vector<16xi1>, vector<16xi32>
    %lt3A_1411 = arith.constant 640 : i32
    %lt3A_1412 = vector.broadcast %lt3A_1411 : i32 to vector<16xi32>
    %lt3A_1413 = arith.cmpi slt, %cond3A_1258#1, %lt3A_1412 : vector<16xi32>
    %jit3A_1414 = arith.constant true
    %broadcast_in_dim3A_1415 = vector.broadcast %jit3A_1414 : i1 to vector<16xi1>
    %select_n3A_1416 = arith.select %eq3A_1409, %lt3A_1413, %broadcast_in_dim3A_1415 : vector<16xi1>, vector<16xi1>
    %mul3A_1417 = arith.constant 640 : i32
    %mul3A_1418 = vector.broadcast %mul3A_1417 : i32 to vector<16xi32>
    %mul3A_1419 = arith.muli %get3A_73, %mul3A_1418 : vector<16xi32>
    %add3A_1420 = arith.addi %mul3A_1419, %select_n3A_1410 : vector<16xi32>
    %jit3A_1421 = arith.constant 5120 : i32
    %broadcast_in_dim3A_1422 = vector.broadcast %jit3A_1421 : i32 to vector<16xi32>
    %select_n3A_1423 = arith.select %select_n3A_1416, %add3A_1420, %broadcast_in_dim3A_1422 : vector<16xi1>, vector<16xi32>
    %swap3A_1424 = arith.constant 16 : index
    %swap3A_1425 = tpu.vector_load %arg8[%swap3A_1424] {strides = array<i32>} : memref<128xi32, #tpu.memory_space<vmem>>, vector<16xi32>,
    tpu.vector_store %arg8[%swap3A_1424], %select_n3A_1423 {strides = array<i32>} : memref<128xi32, #tpu.memory_space<vmem>>, vector<16xi32>,
    %broadcast_in_dim3A_1426 = arith.constant 0 : i32
    %broadcast_in_dim3A_1427 = vector.broadcast %broadcast_in_dim3A_1426 : i32 to vector<16xi32>
    %eq3A_1428 = arith.constant 0 : i32
    %eq3A_1429 = vector.broadcast %eq3A_1428 : i32 to vector<16xi32>
    %eq3A_1430 = arith.cmpi eq, %get3A_79, %eq3A_1429 : vector<16xi32>
    %jit3A_1431 = arith.constant 1 : i32
    %jit3A_1432 = arith.constant 0 : i32
    %select_n3A_1433 = arith.select %gt3A_42, %jit3A_1431, %jit3A_1432 : i32
    %broadcast_in_dim3A_1434 = vector.broadcast %select_n3A_1433 : i32 to vector<16xi32>
    %select_n3A_1435 = arith.select %eq3A_1430, %broadcast_in_dim3A_1434, %broadcast_in_dim3A_1427 : vector<16xi1>, vector<16xi32>
    %eq3A_1436 = arith.constant 1 : i32
    %eq3A_1437 = vector.broadcast %eq3A_1436 : i32 to vector<16xi32>
    %eq3A_1438 = arith.cmpi eq, %get3A_79, %eq3A_1437 : vector<16xi32>
    %jit3A_1439 = arith.constant 1 : i32
    %jit3A_1440 = arith.constant 0 : i32
    %select_n3A_1441 = arith.select %gt3A_44, %jit3A_1439, %jit3A_1440 : i32
    %broadcast_in_dim3A_1442 = vector.broadcast %select_n3A_1441 : i32 to vector<16xi32>
    %select_n3A_1443 = arith.select %eq3A_1438, %broadcast_in_dim3A_1442, %select_n3A_1435 : vector<16xi1>, vector<16xi32>
    %eq3A_1444 = arith.constant 2 : i32
    %eq3A_1445 = vector.broadcast %eq3A_1444 : i32 to vector<16xi32>
    %eq3A_1446 = arith.cmpi eq, %get3A_79, %eq3A_1445 : vector<16xi32>
    %jit3A_1447 = arith.constant 1 : i32
    %jit3A_1448 = arith.constant 0 : i32
    %select_n3A_1449 = arith.select %gt3A_46, %jit3A_1447, %jit3A_1448 : i32
    %broadcast_in_dim3A_1450 = vector.broadcast %select_n3A_1449 : i32 to vector<16xi32>
    %select_n3A_1451 = arith.select %eq3A_1446, %broadcast_in_dim3A_1450, %select_n3A_1443 : vector<16xi1>, vector<16xi32>
    %eq3A_1452 = arith.constant 3 : i32
    %eq3A_1453 = vector.broadcast %eq3A_1452 : i32 to vector<16xi32>
    %eq3A_1454 = arith.cmpi eq, %get3A_79, %eq3A_1453 : vector<16xi32>
    %jit3A_1455 = arith.constant 1 : i32
    %jit3A_1456 = arith.constant 0 : i32
    %select_n3A_1457 = arith.select %gt3A_48, %jit3A_1455, %jit3A_1456 : i32
    %broadcast_in_dim3A_1458 = vector.broadcast %select_n3A_1457 : i32 to vector<16xi32>
    %select_n3A_1459 = arith.select %eq3A_1454, %broadcast_in_dim3A_1458, %select_n3A_1451 : vector<16xi1>, vector<16xi32>
    %eq3A_1460 = arith.constant 4 : i32
    %eq3A_1461 = vector.broadcast %eq3A_1460 : i32 to vector<16xi32>
    %eq3A_1462 = arith.cmpi eq, %get3A_79, %eq3A_1461 : vector<16xi32>
    %jit3A_1463 = arith.constant 1 : i32
    %jit3A_1464 = arith.constant 0 : i32
    %select_n3A_1465 = arith.select %gt3A_50, %jit3A_1463, %jit3A_1464 : i32
    %broadcast_in_dim3A_1466 = vector.broadcast %select_n3A_1465 : i32 to vector<16xi32>
    %select_n3A_1467 = arith.select %eq3A_1462, %broadcast_in_dim3A_1466, %select_n3A_1459 : vector<16xi1>, vector<16xi32>
    %eq3A_1468 = arith.constant 5 : i32
    %eq3A_1469 = vector.broadcast %eq3A_1468 : i32 to vector<16xi32>
    %eq3A_1470 = arith.cmpi eq, %get3A_79, %eq3A_1469 : vector<16xi32>
    %jit3A_1471 = arith.constant 1 : i32
    %jit3A_1472 = arith.constant 0 : i32
    %select_n3A_1473 = arith.select %gt3A_52, %jit3A_1471, %jit3A_1472 : i32
    %broadcast_in_dim3A_1474 = vector.broadcast %select_n3A_1473 : i32 to vector<16xi32>
    %select_n3A_1475 = arith.select %eq3A_1470, %broadcast_in_dim3A_1474, %select_n3A_1467 : vector<16xi1>, vector<16xi32>
    %eq3A_1476 = arith.constant 6 : i32
    %eq3A_1477 = vector.broadcast %eq3A_1476 : i32 to vector<16xi32>
    %eq3A_1478 = arith.cmpi eq, %get3A_79, %eq3A_1477 : vector<16xi32>
    %jit3A_1479 = arith.constant 1 : i32
    %jit3A_1480 = arith.constant 0 : i32
    %select_n3A_1481 = arith.select %gt3A_54, %jit3A_1479, %jit3A_1480 : i32
    %broadcast_in_dim3A_1482 = vector.broadcast %select_n3A_1481 : i32 to vector<16xi32>
    %select_n3A_1483 = arith.select %eq3A_1478, %broadcast_in_dim3A_1482, %select_n3A_1475 : vector<16xi1>, vector<16xi32>
    %eq3A_1484 = arith.constant 7 : i32
    %eq3A_1485 = vector.broadcast %eq3A_1484 : i32 to vector<16xi32>
    %eq3A_1486 = arith.cmpi eq, %get3A_79, %eq3A_1485 : vector<16xi32>
    %jit3A_1487 = arith.constant 1 : i32
    %jit3A_1488 = arith.constant 0 : i32
    %select_n3A_1489 = arith.select %gt3A_56, %jit3A_1487, %jit3A_1488 : i32
    %broadcast_in_dim3A_1490 = vector.broadcast %select_n3A_1489 : i32 to vector<16xi32>
    %select_n3A_1491 = arith.select %eq3A_1486, %broadcast_in_dim3A_1490, %select_n3A_1483 : vector<16xi1>, vector<16xi32>
    %eq3A_1492 = arith.constant 1 : i32
    %eq3A_1493 = vector.broadcast %eq3A_1492 : i32 to vector<16xi32>
    %eq3A_1494 = arith.cmpi eq, %select_n3A_1491, %eq3A_1493 : vector<16xi32>
    %select_n3A_1495 = arith.select %eq3A_1494, %cond3A_1258#2, %select_n3A_561 : vector<16xi1>, vector<16xi32>
    %lt3A_1496 = arith.constant 640 : i32
    %lt3A_1497 = vector.broadcast %lt3A_1496 : i32 to vector<16xi32>
    %lt3A_1498 = arith.cmpi slt, %cond3A_1258#2, %lt3A_1497 : vector<16xi32>
    %jit3A_1499 = arith.constant true
    %broadcast_in_dim3A_1500 = vector.broadcast %jit3A_1499 : i1 to vector<16xi1>
    %select_n3A_1501 = arith.select %eq3A_1494, %lt3A_1498, %broadcast_in_dim3A_1500 : vector<16xi1>, vector<16xi1>
    %mul3A_1502 = arith.constant 640 : i32
    %mul3A_1503 = vector.broadcast %mul3A_1502 : i32 to vector<16xi32>
    %mul3A_1504 = arith.muli %get3A_79, %mul3A_1503 : vector<16xi32>
    %add3A_1505 = arith.addi %mul3A_1504, %select_n3A_1495 : vector<16xi32>
    %jit3A_1506 = arith.constant 5120 : i32
    %broadcast_in_dim3A_1507 = vector.broadcast %jit3A_1506 : i32 to vector<16xi32>
    %select_n3A_1508 = arith.select %select_n3A_1501, %add3A_1505, %broadcast_in_dim3A_1507 : vector<16xi1>, vector<16xi32>
    %swap3A_1509 = arith.constant 32 : index
    %swap3A_1510 = tpu.vector_load %arg8[%swap3A_1509] {strides = array<i32>} : memref<128xi32, #tpu.memory_space<vmem>>, vector<16xi32>,
    tpu.vector_store %arg8[%swap3A_1509], %select_n3A_1508 {strides = array<i32>} : memref<128xi32, #tpu.memory_space<vmem>>, vector<16xi32>,
    %broadcast_in_dim3A_1511 = arith.constant 0 : i32
    %broadcast_in_dim3A_1512 = vector.broadcast %broadcast_in_dim3A_1511 : i32 to vector<16xi32>
    %eq3A_1513 = arith.constant 0 : i32
    %eq3A_1514 = vector.broadcast %eq3A_1513 : i32 to vector<16xi32>
    %eq3A_1515 = arith.cmpi eq, %get3A_85, %eq3A_1514 : vector<16xi32>
    %jit3A_1516 = arith.constant 1 : i32
    %jit3A_1517 = arith.constant 0 : i32
    %select_n3A_1518 = arith.select %gt3A_42, %jit3A_1516, %jit3A_1517 : i32
    %broadcast_in_dim3A_1519 = vector.broadcast %select_n3A_1518 : i32 to vector<16xi32>
    %select_n3A_1520 = arith.select %eq3A_1515, %broadcast_in_dim3A_1519, %broadcast_in_dim3A_1512 : vector<16xi1>, vector<16xi32>
    %eq3A_1521 = arith.constant 1 : i32
    %eq3A_1522 = vector.broadcast %eq3A_1521 : i32 to vector<16xi32>
    %eq3A_1523 = arith.cmpi eq, %get3A_85, %eq3A_1522 : vector<16xi32>
    %jit3A_1524 = arith.constant 1 : i32
    %jit3A_1525 = arith.constant 0 : i32
    %select_n3A_1526 = arith.select %gt3A_44, %jit3A_1524, %jit3A_1525 : i32
    %broadcast_in_dim3A_1527 = vector.broadcast %select_n3A_1526 : i32 to vector<16xi32>
    %select_n3A_1528 = arith.select %eq3A_1523, %broadcast_in_dim3A_1527, %select_n3A_1520 : vector<16xi1>, vector<16xi32>
    %eq3A_1529 = arith.constant 2 : i32
    %eq3A_1530 = vector.broadcast %eq3A_1529 : i32 to vector<16xi32>
    %eq3A_1531 = arith.cmpi eq, %get3A_85, %eq3A_1530 : vector<16xi32>
    %jit3A_1532 = arith.constant 1 : i32
    %jit3A_1533 = arith.constant 0 : i32
    %select_n3A_1534 = arith.select %gt3A_46, %jit3A_1532, %jit3A_1533 : i32
    %broadcast_in_dim3A_1535 = vector.broadcast %select_n3A_1534 : i32 to vector<16xi32>
    %select_n3A_1536 = arith.select %eq3A_1531, %broadcast_in_dim3A_1535, %select_n3A_1528 : vector<16xi1>, vector<16xi32>
    %eq3A_1537 = arith.constant 3 : i32
    %eq3A_1538 = vector.broadcast %eq3A_1537 : i32 to vector<16xi32>
    %eq3A_1539 = arith.cmpi eq, %get3A_85, %eq3A_1538 : vector<16xi32>
    %jit3A_1540 = arith.constant 1 : i32
    %jit3A_1541 = arith.constant 0 : i32
    %select_n3A_1542 = arith.select %gt3A_48, %jit3A_1540, %jit3A_1541 : i32
    %broadcast_in_dim3A_1543 = vector.broadcast %select_n3A_1542 : i32 to vector<16xi32>
    %select_n3A_1544 = arith.select %eq3A_1539, %broadcast_in_dim3A_1543, %select_n3A_1536 : vector<16xi1>, vector<16xi32>
    %eq3A_1545 = arith.constant 4 : i32
    %eq3A_1546 = vector.broadcast %eq3A_1545 : i32 to vector<16xi32>
    %eq3A_1547 = arith.cmpi eq, %get3A_85, %eq3A_1546 : vector<16xi32>
    %jit3A_1548 = arith.constant 1 : i32
    %jit3A_1549 = arith.constant 0 : i32
    %select_n3A_1550 = arith.select %gt3A_50, %jit3A_1548, %jit3A_1549 : i32
    %broadcast_in_dim3A_1551 = vector.broadcast %select_n3A_1550 : i32 to vector<16xi32>
    %select_n3A_1552 = arith.select %eq3A_1547, %broadcast_in_dim3A_1551, %select_n3A_1544 : vector<16xi1>, vector<16xi32>
    %eq3A_1553 = arith.constant 5 : i32
    %eq3A_1554 = vector.broadcast %eq3A_1553 : i32 to vector<16xi32>
    %eq3A_1555 = arith.cmpi eq, %get3A_85, %eq3A_1554 : vector<16xi32>
    %jit3A_1556 = arith.constant 1 : i32
    %jit3A_1557 = arith.constant 0 : i32
    %select_n3A_1558 = arith.select %gt3A_52, %jit3A_1556, %jit3A_1557 : i32
    %broadcast_in_dim3A_1559 = vector.broadcast %select_n3A_1558 : i32 to vector<16xi32>
    %select_n3A_1560 = arith.select %eq3A_1555, %broadcast_in_dim3A_1559, %select_n3A_1552 : vector<16xi1>, vector<16xi32>
    %eq3A_1561 = arith.constant 6 : i32
    %eq3A_1562 = vector.broadcast %eq3A_1561 : i32 to vector<16xi32>
    %eq3A_1563 = arith.cmpi eq, %get3A_85, %eq3A_1562 : vector<16xi32>
    %jit3A_1564 = arith.constant 1 : i32
    %jit3A_1565 = arith.constant 0 : i32
    %select_n3A_1566 = arith.select %gt3A_54, %jit3A_1564, %jit3A_1565 : i32
    %broadcast_in_dim3A_1567 = vector.broadcast %select_n3A_1566 : i32 to vector<16xi32>
    %select_n3A_1568 = arith.select %eq3A_1563, %broadcast_in_dim3A_1567, %select_n3A_1560 : vector<16xi1>, vector<16xi32>
    %eq3A_1569 = arith.constant 7 : i32
    %eq3A_1570 = vector.broadcast %eq3A_1569 : i32 to vector<16xi32>
    %eq3A_1571 = arith.cmpi eq, %get3A_85, %eq3A_1570 : vector<16xi32>
    %jit3A_1572 = arith.constant 1 : i32
    %jit3A_1573 = arith.constant 0 : i32
    %select_n3A_1574 = arith.select %gt3A_56, %jit3A_1572, %jit3A_1573 : i32
    %broadcast_in_dim3A_1575 = vector.broadcast %select_n3A_1574 : i32 to vector<16xi32>
    %select_n3A_1576 = arith.select %eq3A_1571, %broadcast_in_dim3A_1575, %select_n3A_1568 : vector<16xi1>, vector<16xi32>
    %eq3A_1577 = arith.constant 1 : i32
    %eq3A_1578 = vector.broadcast %eq3A_1577 : i32 to vector<16xi32>
    %eq3A_1579 = arith.cmpi eq, %select_n3A_1576, %eq3A_1578 : vector<16xi32>
    %select_n3A_1580 = arith.select %eq3A_1579, %cond3A_1258#3, %select_n3A_699 : vector<16xi1>, vector<16xi32>
    %lt3A_1581 = arith.constant 640 : i32
    %lt3A_1582 = vector.broadcast %lt3A_1581 : i32 to vector<16xi32>
    %lt3A_1583 = arith.cmpi slt, %cond3A_1258#3, %lt3A_1582 : vector<16xi32>
    %jit3A_1584 = arith.constant true
    %broadcast_in_dim3A_1585 = vector.broadcast %jit3A_1584 : i1 to vector<16xi1>
    %select_n3A_1586 = arith.select %eq3A_1579, %lt3A_1583, %broadcast_in_dim3A_1585 : vector<16xi1>, vector<16xi1>
    %mul3A_1587 = arith.constant 640 : i32
    %mul3A_1588 = vector.broadcast %mul3A_1587 : i32 to vector<16xi32>
    %mul3A_1589 = arith.muli %get3A_85, %mul3A_1588 : vector<16xi32>
    %add3A_1590 = arith.addi %mul3A_1589, %select_n3A_1580 : vector<16xi32>
    %jit3A_1591 = arith.constant 5120 : i32
    %broadcast_in_dim3A_1592 = vector.broadcast %jit3A_1591 : i32 to vector<16xi32>
    %select_n3A_1593 = arith.select %select_n3A_1586, %add3A_1590, %broadcast_in_dim3A_1592 : vector<16xi1>, vector<16xi32>
    %swap3A_1594 = arith.constant 48 : index
    %swap3A_1595 = tpu.vector_load %arg8[%swap3A_1594] {strides = array<i32>} : memref<128xi32, #tpu.memory_space<vmem>>, vector<16xi32>,
    tpu.vector_store %arg8[%swap3A_1594], %select_n3A_1593 {strides = array<i32>} : memref<128xi32, #tpu.memory_space<vmem>>, vector<16xi32>,
    %broadcast_in_dim3A_1596 = arith.constant 0 : i32
    %broadcast_in_dim3A_1597 = vector.broadcast %broadcast_in_dim3A_1596 : i32 to vector<16xi32>
    %eq3A_1598 = arith.constant 0 : i32
    %eq3A_1599 = vector.broadcast %eq3A_1598 : i32 to vector<16xi32>
    %eq3A_1600 = arith.cmpi eq, %get3A_91, %eq3A_1599 : vector<16xi32>
    %jit3A_1601 = arith.constant 1 : i32
    %jit3A_1602 = arith.constant 0 : i32
    %select_n3A_1603 = arith.select %gt3A_42, %jit3A_1601, %jit3A_1602 : i32
    %broadcast_in_dim3A_1604 = vector.broadcast %select_n3A_1603 : i32 to vector<16xi32>
    %select_n3A_1605 = arith.select %eq3A_1600, %broadcast_in_dim3A_1604, %broadcast_in_dim3A_1597 : vector<16xi1>, vector<16xi32>
    %eq3A_1606 = arith.constant 1 : i32
    %eq3A_1607 = vector.broadcast %eq3A_1606 : i32 to vector<16xi32>
    %eq3A_1608 = arith.cmpi eq, %get3A_91, %eq3A_1607 : vector<16xi32>
    %jit3A_1609 = arith.constant 1 : i32
    %jit3A_1610 = arith.constant 0 : i32
    %select_n3A_1611 = arith.select %gt3A_44, %jit3A_1609, %jit3A_1610 : i32
    %broadcast_in_dim3A_1612 = vector.broadcast %select_n3A_1611 : i32 to vector<16xi32>
    %select_n3A_1613 = arith.select %eq3A_1608, %broadcast_in_dim3A_1612, %select_n3A_1605 : vector<16xi1>, vector<16xi32>
    %eq3A_1614 = arith.constant 2 : i32
    %eq3A_1615 = vector.broadcast %eq3A_1614 : i32 to vector<16xi32>
    %eq3A_1616 = arith.cmpi eq, %get3A_91, %eq3A_1615 : vector<16xi32>
    %jit3A_1617 = arith.constant 1 : i32
    %jit3A_1618 = arith.constant 0 : i32
    %select_n3A_1619 = arith.select %gt3A_46, %jit3A_1617, %jit3A_1618 : i32
    %broadcast_in_dim3A_1620 = vector.broadcast %select_n3A_1619 : i32 to vector<16xi32>
    %select_n3A_1621 = arith.select %eq3A_1616, %broadcast_in_dim3A_1620, %select_n3A_1613 : vector<16xi1>, vector<16xi32>
    %eq3A_1622 = arith.constant 3 : i32
    %eq3A_1623 = vector.broadcast %eq3A_1622 : i32 to vector<16xi32>
    %eq3A_1624 = arith.cmpi eq, %get3A_91, %eq3A_1623 : vector<16xi32>
    %jit3A_1625 = arith.constant 1 : i32
    %jit3A_1626 = arith.constant 0 : i32
    %select_n3A_1627 = arith.select %gt3A_48, %jit3A_1625, %jit3A_1626 : i32
    %broadcast_in_dim3A_1628 = vector.broadcast %select_n3A_1627 : i32 to vector<16xi32>
    %select_n3A_1629 = arith.select %eq3A_1624, %broadcast_in_dim3A_1628, %select_n3A_1621 : vector<16xi1>, vector<16xi32>
    %eq3A_1630 = arith.constant 4 : i32
    %eq3A_1631 = vector.broadcast %eq3A_1630 : i32 to vector<16xi32>
    %eq3A_1632 = arith.cmpi eq, %get3A_91, %eq3A_1631 : vector<16xi32>
    %jit3A_1633 = arith.constant 1 : i32
    %jit3A_1634 = arith.constant 0 : i32
    %select_n3A_1635 = arith.select %gt3A_50, %jit3A_1633, %jit3A_1634 : i32
    %broadcast_in_dim3A_1636 = vector.broadcast %select_n3A_1635 : i32 to vector<16xi32>
    %select_n3A_1637 = arith.select %eq3A_1632, %broadcast_in_dim3A_1636, %select_n3A_1629 : vector<16xi1>, vector<16xi32>
    %eq3A_1638 = arith.constant 5 : i32
    %eq3A_1639 = vector.broadcast %eq3A_1638 : i32 to vector<16xi32>
    %eq3A_1640 = arith.cmpi eq, %get3A_91, %eq3A_1639 : vector<16xi32>
    %jit3A_1641 = arith.constant 1 : i32
    %jit3A_1642 = arith.constant 0 : i32
    %select_n3A_1643 = arith.select %gt3A_52, %jit3A_1641, %jit3A_1642 : i32
    %broadcast_in_dim3A_1644 = vector.broadcast %select_n3A_1643 : i32 to vector<16xi32>
    %select_n3A_1645 = arith.select %eq3A_1640, %broadcast_in_dim3A_1644, %select_n3A_1637 : vector<16xi1>, vector<16xi32>
    %eq3A_1646 = arith.constant 6 : i32
    %eq3A_1647 = vector.broadcast %eq3A_1646 : i32 to vector<16xi32>
    %eq3A_1648 = arith.cmpi eq, %get3A_91, %eq3A_1647 : vector<16xi32>
    %jit3A_1649 = arith.constant 1 : i32
    %jit3A_1650 = arith.constant 0 : i32
    %select_n3A_1651 = arith.select %gt3A_54, %jit3A_1649, %jit3A_1650 : i32
    %broadcast_in_dim3A_1652 = vector.broadcast %select_n3A_1651 : i32 to vector<16xi32>
    %select_n3A_1653 = arith.select %eq3A_1648, %broadcast_in_dim3A_1652, %select_n3A_1645 : vector<16xi1>, vector<16xi32>
    %eq3A_1654 = arith.constant 7 : i32
    %eq3A_1655 = vector.broadcast %eq3A_1654 : i32 to vector<16xi32>
    %eq3A_1656 = arith.cmpi eq, %get3A_91, %eq3A_1655 : vector<16xi32>
    %jit3A_1657 = arith.constant 1 : i32
    %jit3A_1658 = arith.constant 0 : i32
    %select_n3A_1659 = arith.select %gt3A_56, %jit3A_1657, %jit3A_1658 : i32
    %broadcast_in_dim3A_1660 = vector.broadcast %select_n3A_1659 : i32 to vector<16xi32>
    %select_n3A_1661 = arith.select %eq3A_1656, %broadcast_in_dim3A_1660, %select_n3A_1653 : vector<16xi1>, vector<16xi32>
    %eq3A_1662 = arith.constant 1 : i32
    %eq3A_1663 = vector.broadcast %eq3A_1662 : i32 to vector<16xi32>
    %eq3A_1664 = arith.cmpi eq, %select_n3A_1661, %eq3A_1663 : vector<16xi32>
    %select_n3A_1665 = arith.select %eq3A_1664, %cond3A_1258#4, %select_n3A_837 : vector<16xi1>, vector<16xi32>
    %lt3A_1666 = arith.constant 640 : i32
    %lt3A_1667 = vector.broadcast %lt3A_1666 : i32 to vector<16xi32>
    %lt3A_1668 = arith.cmpi slt, %cond3A_1258#4, %lt3A_1667 : vector<16xi32>
    %jit3A_1669 = arith.constant true
    %broadcast_in_dim3A_1670 = vector.broadcast %jit3A_1669 : i1 to vector<16xi1>
    %select_n3A_1671 = arith.select %eq3A_1664, %lt3A_1668, %broadcast_in_dim3A_1670 : vector<16xi1>, vector<16xi1>
    %mul3A_1672 = arith.constant 640 : i32
    %mul3A_1673 = vector.broadcast %mul3A_1672 : i32 to vector<16xi32>
    %mul3A_1674 = arith.muli %get3A_91, %mul3A_1673 : vector<16xi32>
    %add3A_1675 = arith.addi %mul3A_1674, %select_n3A_1665 : vector<16xi32>
    %jit3A_1676 = arith.constant 5120 : i32
    %broadcast_in_dim3A_1677 = vector.broadcast %jit3A_1676 : i32 to vector<16xi32>
    %select_n3A_1678 = arith.select %select_n3A_1671, %add3A_1675, %broadcast_in_dim3A_1677 : vector<16xi1>, vector<16xi32>
    %swap3A_1679 = arith.constant 64 : index
    %swap3A_1680 = tpu.vector_load %arg8[%swap3A_1679] {strides = array<i32>} : memref<128xi32, #tpu.memory_space<vmem>>, vector<16xi32>,
    tpu.vector_store %arg8[%swap3A_1679], %select_n3A_1678 {strides = array<i32>} : memref<128xi32, #tpu.memory_space<vmem>>, vector<16xi32>,
    %broadcast_in_dim3A_1681 = arith.constant 0 : i32
    %broadcast_in_dim3A_1682 = vector.broadcast %broadcast_in_dim3A_1681 : i32 to vector<16xi32>
    %eq3A_1683 = arith.constant 0 : i32
    %eq3A_1684 = vector.broadcast %eq3A_1683 : i32 to vector<16xi32>
    %eq3A_1685 = arith.cmpi eq, %get3A_97, %eq3A_1684 : vector<16xi32>
    %jit3A_1686 = arith.constant 1 : i32
    %jit3A_1687 = arith.constant 0 : i32
    %select_n3A_1688 = arith.select %gt3A_42, %jit3A_1686, %jit3A_1687 : i32
    %broadcast_in_dim3A_1689 = vector.broadcast %select_n3A_1688 : i32 to vector<16xi32>
    %select_n3A_1690 = arith.select %eq3A_1685, %broadcast_in_dim3A_1689, %broadcast_in_dim3A_1682 : vector<16xi1>, vector<16xi32>
    %eq3A_1691 = arith.constant 1 : i32
    %eq3A_1692 = vector.broadcast %eq3A_1691 : i32 to vector<16xi32>
    %eq3A_1693 = arith.cmpi eq, %get3A_97, %eq3A_1692 : vector<16xi32>
    %jit3A_1694 = arith.constant 1 : i32
    %jit3A_1695 = arith.constant 0 : i32
    %select_n3A_1696 = arith.select %gt3A_44, %jit3A_1694, %jit3A_1695 : i32
    %broadcast_in_dim3A_1697 = vector.broadcast %select_n3A_1696 : i32 to vector<16xi32>
    %select_n3A_1698 = arith.select %eq3A_1693, %broadcast_in_dim3A_1697, %select_n3A_1690 : vector<16xi1>, vector<16xi32>
    %eq3A_1699 = arith.constant 2 : i32
    %eq3A_1700 = vector.broadcast %eq3A_1699 : i32 to vector<16xi32>
    %eq3A_1701 = arith.cmpi eq, %get3A_97, %eq3A_1700 : vector<16xi32>
    %jit3A_1702 = arith.constant 1 : i32
    %jit3A_1703 = arith.constant 0 : i32
    %select_n3A_1704 = arith.select %gt3A_46, %jit3A_1702, %jit3A_1703 : i32
    %broadcast_in_dim3A_1705 = vector.broadcast %select_n3A_1704 : i32 to vector<16xi32>
    %select_n3A_1706 = arith.select %eq3A_1701, %broadcast_in_dim3A_1705, %select_n3A_1698 : vector<16xi1>, vector<16xi32>
    %eq3A_1707 = arith.constant 3 : i32
    %eq3A_1708 = vector.broadcast %eq3A_1707 : i32 to vector<16xi32>
    %eq3A_1709 = arith.cmpi eq, %get3A_97, %eq3A_1708 : vector<16xi32>
    %jit3A_1710 = arith.constant 1 : i32
    %jit3A_1711 = arith.constant 0 : i32
    %select_n3A_1712 = arith.select %gt3A_48, %jit3A_1710, %jit3A_1711 : i32
    %broadcast_in_dim3A_1713 = vector.broadcast %select_n3A_1712 : i32 to vector<16xi32>
    %select_n3A_1714 = arith.select %eq3A_1709, %broadcast_in_dim3A_1713, %select_n3A_1706 : vector<16xi1>, vector<16xi32>
    %eq3A_1715 = arith.constant 4 : i32
    %eq3A_1716 = vector.broadcast %eq3A_1715 : i32 to vector<16xi32>
    %eq3A_1717 = arith.cmpi eq, %get3A_97, %eq3A_1716 : vector<16xi32>
    %jit3A_1718 = arith.constant 1 : i32
    %jit3A_1719 = arith.constant 0 : i32
    %select_n3A_1720 = arith.select %gt3A_50, %jit3A_1718, %jit3A_1719 : i32
    %broadcast_in_dim3A_1721 = vector.broadcast %select_n3A_1720 : i32 to vector<16xi32>
    %select_n3A_1722 = arith.select %eq3A_1717, %broadcast_in_dim3A_1721, %select_n3A_1714 : vector<16xi1>, vector<16xi32>
    %eq3A_1723 = arith.constant 5 : i32
    %eq3A_1724 = vector.broadcast %eq3A_1723 : i32 to vector<16xi32>
    %eq3A_1725 = arith.cmpi eq, %get3A_97, %eq3A_1724 : vector<16xi32>
    %jit3A_1726 = arith.constant 1 : i32
    %jit3A_1727 = arith.constant 0 : i32
    %select_n3A_1728 = arith.select %gt3A_52, %jit3A_1726, %jit3A_1727 : i32
    %broadcast_in_dim3A_1729 = vector.broadcast %select_n3A_1728 : i32 to vector<16xi32>
    %select_n3A_1730 = arith.select %eq3A_1725, %broadcast_in_dim3A_1729, %select_n3A_1722 : vector<16xi1>, vector<16xi32>
    %eq3A_1731 = arith.constant 6 : i32
    %eq3A_1732 = vector.broadcast %eq3A_1731 : i32 to vector<16xi32>
    %eq3A_1733 = arith.cmpi eq, %get3A_97, %eq3A_1732 : vector<16xi32>
    %jit3A_1734 = arith.constant 1 : i32
    %jit3A_1735 = arith.constant 0 : i32
    %select_n3A_1736 = arith.select %gt3A_54, %jit3A_1734, %jit3A_1735 : i32
    %broadcast_in_dim3A_1737 = vector.broadcast %select_n3A_1736 : i32 to vector<16xi32>
    %select_n3A_1738 = arith.select %eq3A_1733, %broadcast_in_dim3A_1737, %select_n3A_1730 : vector<16xi1>, vector<16xi32>
    %eq3A_1739 = arith.constant 7 : i32
    %eq3A_1740 = vector.broadcast %eq3A_1739 : i32 to vector<16xi32>
    %eq3A_1741 = arith.cmpi eq, %get3A_97, %eq3A_1740 : vector<16xi32>
    %jit3A_1742 = arith.constant 1 : i32
    %jit3A_1743 = arith.constant 0 : i32
    %select_n3A_1744 = arith.select %gt3A_56, %jit3A_1742, %jit3A_1743 : i32
    %broadcast_in_dim3A_1745 = vector.broadcast %select_n3A_1744 : i32 to vector<16xi32>
    %select_n3A_1746 = arith.select %eq3A_1741, %broadcast_in_dim3A_1745, %select_n3A_1738 : vector<16xi1>, vector<16xi32>
    %eq3A_1747 = arith.constant 1 : i32
    %eq3A_1748 = vector.broadcast %eq3A_1747 : i32 to vector<16xi32>
    %eq3A_1749 = arith.cmpi eq, %select_n3A_1746, %eq3A_1748 : vector<16xi32>
    %select_n3A_1750 = arith.select %eq3A_1749, %cond3A_1258#5, %select_n3A_975 : vector<16xi1>, vector<16xi32>
    %lt3A_1751 = arith.constant 640 : i32
    %lt3A_1752 = vector.broadcast %lt3A_1751 : i32 to vector<16xi32>
    %lt3A_1753 = arith.cmpi slt, %cond3A_1258#5, %lt3A_1752 : vector<16xi32>
    %jit3A_1754 = arith.constant true
    %broadcast_in_dim3A_1755 = vector.broadcast %jit3A_1754 : i1 to vector<16xi1>
    %select_n3A_1756 = arith.select %eq3A_1749, %lt3A_1753, %broadcast_in_dim3A_1755 : vector<16xi1>, vector<16xi1>
    %mul3A_1757 = arith.constant 640 : i32
    %mul3A_1758 = vector.broadcast %mul3A_1757 : i32 to vector<16xi32>
    %mul3A_1759 = arith.muli %get3A_97, %mul3A_1758 : vector<16xi32>
    %add3A_1760 = arith.addi %mul3A_1759, %select_n3A_1750 : vector<16xi32>
    %jit3A_1761 = arith.constant 5120 : i32
    %broadcast_in_dim3A_1762 = vector.broadcast %jit3A_1761 : i32 to vector<16xi32>
    %select_n3A_1763 = arith.select %select_n3A_1756, %add3A_1760, %broadcast_in_dim3A_1762 : vector<16xi1>, vector<16xi32>
    %swap3A_1764 = arith.constant 80 : index
    %swap3A_1765 = tpu.vector_load %arg8[%swap3A_1764] {strides = array<i32>} : memref<128xi32, #tpu.memory_space<vmem>>, vector<16xi32>,
    tpu.vector_store %arg8[%swap3A_1764], %select_n3A_1763 {strides = array<i32>} : memref<128xi32, #tpu.memory_space<vmem>>, vector<16xi32>,
    %broadcast_in_dim3A_1766 = arith.constant 0 : i32
    %broadcast_in_dim3A_1767 = vector.broadcast %broadcast_in_dim3A_1766 : i32 to vector<16xi32>
    %eq3A_1768 = arith.constant 0 : i32
    %eq3A_1769 = vector.broadcast %eq3A_1768 : i32 to vector<16xi32>
    %eq3A_1770 = arith.cmpi eq, %get3A_103, %eq3A_1769 : vector<16xi32>
    %jit3A_1771 = arith.constant 1 : i32
    %jit3A_1772 = arith.constant 0 : i32
    %select_n3A_1773 = arith.select %gt3A_42, %jit3A_1771, %jit3A_1772 : i32
    %broadcast_in_dim3A_1774 = vector.broadcast %select_n3A_1773 : i32 to vector<16xi32>
    %select_n3A_1775 = arith.select %eq3A_1770, %broadcast_in_dim3A_1774, %broadcast_in_dim3A_1767 : vector<16xi1>, vector<16xi32>
    %eq3A_1776 = arith.constant 1 : i32
    %eq3A_1777 = vector.broadcast %eq3A_1776 : i32 to vector<16xi32>
    %eq3A_1778 = arith.cmpi eq, %get3A_103, %eq3A_1777 : vector<16xi32>
    %jit3A_1779 = arith.constant 1 : i32
    %jit3A_1780 = arith.constant 0 : i32
    %select_n3A_1781 = arith.select %gt3A_44, %jit3A_1779, %jit3A_1780 : i32
    %broadcast_in_dim3A_1782 = vector.broadcast %select_n3A_1781 : i32 to vector<16xi32>
    %select_n3A_1783 = arith.select %eq3A_1778, %broadcast_in_dim3A_1782, %select_n3A_1775 : vector<16xi1>, vector<16xi32>
    %eq3A_1784 = arith.constant 2 : i32
    %eq3A_1785 = vector.broadcast %eq3A_1784 : i32 to vector<16xi32>
    %eq3A_1786 = arith.cmpi eq, %get3A_103, %eq3A_1785 : vector<16xi32>
    %jit3A_1787 = arith.constant 1 : i32
    %jit3A_1788 = arith.constant 0 : i32
    %select_n3A_1789 = arith.select %gt3A_46, %jit3A_1787, %jit3A_1788 : i32
    %broadcast_in_dim3A_1790 = vector.broadcast %select_n3A_1789 : i32 to vector<16xi32>
    %select_n3A_1791 = arith.select %eq3A_1786, %broadcast_in_dim3A_1790, %select_n3A_1783 : vector<16xi1>, vector<16xi32>
    %eq3A_1792 = arith.constant 3 : i32
    %eq3A_1793 = vector.broadcast %eq3A_1792 : i32 to vector<16xi32>
    %eq3A_1794 = arith.cmpi eq, %get3A_103, %eq3A_1793 : vector<16xi32>
    %jit3A_1795 = arith.constant 1 : i32
    %jit3A_1796 = arith.constant 0 : i32
    %select_n3A_1797 = arith.select %gt3A_48, %jit3A_1795, %jit3A_1796 : i32
    %broadcast_in_dim3A_1798 = vector.broadcast %select_n3A_1797 : i32 to vector<16xi32>
    %select_n3A_1799 = arith.select %eq3A_1794, %broadcast_in_dim3A_1798, %select_n3A_1791 : vector<16xi1>, vector<16xi32>
    %eq3A_1800 = arith.constant 4 : i32
    %eq3A_1801 = vector.broadcast %eq3A_1800 : i32 to vector<16xi32>
    %eq3A_1802 = arith.cmpi eq, %get3A_103, %eq3A_1801 : vector<16xi32>
    %jit3A_1803 = arith.constant 1 : i32
    %jit3A_1804 = arith.constant 0 : i32
    %select_n3A_1805 = arith.select %gt3A_50, %jit3A_1803, %jit3A_1804 : i32
    %broadcast_in_dim3A_1806 = vector.broadcast %select_n3A_1805 : i32 to vector<16xi32>
    %select_n3A_1807 = arith.select %eq3A_1802, %broadcast_in_dim3A_1806, %select_n3A_1799 : vector<16xi1>, vector<16xi32>
    %eq3A_1808 = arith.constant 5 : i32
    %eq3A_1809 = vector.broadcast %eq3A_1808 : i32 to vector<16xi32>
    %eq3A_1810 = arith.cmpi eq, %get3A_103, %eq3A_1809 : vector<16xi32>
    %jit3A_1811 = arith.constant 1 : i32
    %jit3A_1812 = arith.constant 0 : i32
    %select_n3A_1813 = arith.select %gt3A_52, %jit3A_1811, %jit3A_1812 : i32
    %broadcast_in_dim3A_1814 = vector.broadcast %select_n3A_1813 : i32 to vector<16xi32>
    %select_n3A_1815 = arith.select %eq3A_1810, %broadcast_in_dim3A_1814, %select_n3A_1807 : vector<16xi1>, vector<16xi32>
    %eq3A_1816 = arith.constant 6 : i32
    %eq3A_1817 = vector.broadcast %eq3A_1816 : i32 to vector<16xi32>
    %eq3A_1818 = arith.cmpi eq, %get3A_103, %eq3A_1817 : vector<16xi32>
    %jit3A_1819 = arith.constant 1 : i32
    %jit3A_1820 = arith.constant 0 : i32
    %select_n3A_1821 = arith.select %gt3A_54, %jit3A_1819, %jit3A_1820 : i32
    %broadcast_in_dim3A_1822 = vector.broadcast %select_n3A_1821 : i32 to vector<16xi32>
    %select_n3A_1823 = arith.select %eq3A_1818, %broadcast_in_dim3A_1822, %select_n3A_1815 : vector<16xi1>, vector<16xi32>
    %eq3A_1824 = arith.constant 7 : i32
    %eq3A_1825 = vector.broadcast %eq3A_1824 : i32 to vector<16xi32>
    %eq3A_1826 = arith.cmpi eq, %get3A_103, %eq3A_1825 : vector<16xi32>
    %jit3A_1827 = arith.constant 1 : i32
    %jit3A_1828 = arith.constant 0 : i32
    %select_n3A_1829 = arith.select %gt3A_56, %jit3A_1827, %jit3A_1828 : i32
    %broadcast_in_dim3A_1830 = vector.broadcast %select_n3A_1829 : i32 to vector<16xi32>
    %select_n3A_1831 = arith.select %eq3A_1826, %broadcast_in_dim3A_1830, %select_n3A_1823 : vector<16xi1>, vector<16xi32>
    %eq3A_1832 = arith.constant 1 : i32
    %eq3A_1833 = vector.broadcast %eq3A_1832 : i32 to vector<16xi32>
    %eq3A_1834 = arith.cmpi eq, %select_n3A_1831, %eq3A_1833 : vector<16xi32>
    %select_n3A_1835 = arith.select %eq3A_1834, %cond3A_1258#6, %select_n3A_1113 : vector<16xi1>, vector<16xi32>
    %lt3A_1836 = arith.constant 640 : i32
    %lt3A_1837 = vector.broadcast %lt3A_1836 : i32 to vector<16xi32>
    %lt3A_1838 = arith.cmpi slt, %cond3A_1258#6, %lt3A_1837 : vector<16xi32>
    %jit3A_1839 = arith.constant true
    %broadcast_in_dim3A_1840 = vector.broadcast %jit3A_1839 : i1 to vector<16xi1>
    %select_n3A_1841 = arith.select %eq3A_1834, %lt3A_1838, %broadcast_in_dim3A_1840 : vector<16xi1>, vector<16xi1>
    %mul3A_1842 = arith.constant 640 : i32
    %mul3A_1843 = vector.broadcast %mul3A_1842 : i32 to vector<16xi32>
    %mul3A_1844 = arith.muli %get3A_103, %mul3A_1843 : vector<16xi32>
    %add3A_1845 = arith.addi %mul3A_1844, %select_n3A_1835 : vector<16xi32>
    %jit3A_1846 = arith.constant 5120 : i32
    %broadcast_in_dim3A_1847 = vector.broadcast %jit3A_1846 : i32 to vector<16xi32>
    %select_n3A_1848 = arith.select %select_n3A_1841, %add3A_1845, %broadcast_in_dim3A_1847 : vector<16xi1>, vector<16xi32>
    %swap3A_1849 = arith.constant 96 : index
    %swap3A_1850 = tpu.vector_load %arg8[%swap3A_1849] {strides = array<i32>} : memref<128xi32, #tpu.memory_space<vmem>>, vector<16xi32>,
    tpu.vector_store %arg8[%swap3A_1849], %select_n3A_1848 {strides = array<i32>} : memref<128xi32, #tpu.memory_space<vmem>>, vector<16xi32>,
    %broadcast_in_dim3A_1851 = arith.constant 0 : i32
    %broadcast_in_dim3A_1852 = vector.broadcast %broadcast_in_dim3A_1851 : i32 to vector<16xi32>
    %eq3A_1853 = arith.constant 0 : i32
    %eq3A_1854 = vector.broadcast %eq3A_1853 : i32 to vector<16xi32>
    %eq3A_1855 = arith.cmpi eq, %get3A_109, %eq3A_1854 : vector<16xi32>
    %jit3A_1856 = arith.constant 1 : i32
    %jit3A_1857 = arith.constant 0 : i32
    %select_n3A_1858 = arith.select %gt3A_42, %jit3A_1856, %jit3A_1857 : i32
    %broadcast_in_dim3A_1859 = vector.broadcast %select_n3A_1858 : i32 to vector<16xi32>
    %select_n3A_1860 = arith.select %eq3A_1855, %broadcast_in_dim3A_1859, %broadcast_in_dim3A_1852 : vector<16xi1>, vector<16xi32>
    %eq3A_1861 = arith.constant 1 : i32
    %eq3A_1862 = vector.broadcast %eq3A_1861 : i32 to vector<16xi32>
    %eq3A_1863 = arith.cmpi eq, %get3A_109, %eq3A_1862 : vector<16xi32>
    %jit3A_1864 = arith.constant 1 : i32
    %jit3A_1865 = arith.constant 0 : i32
    %select_n3A_1866 = arith.select %gt3A_44, %jit3A_1864, %jit3A_1865 : i32
    %broadcast_in_dim3A_1867 = vector.broadcast %select_n3A_1866 : i32 to vector<16xi32>
    %select_n3A_1868 = arith.select %eq3A_1863, %broadcast_in_dim3A_1867, %select_n3A_1860 : vector<16xi1>, vector<16xi32>
    %eq3A_1869 = arith.constant 2 : i32
    %eq3A_1870 = vector.broadcast %eq3A_1869 : i32 to vector<16xi32>
    %eq3A_1871 = arith.cmpi eq, %get3A_109, %eq3A_1870 : vector<16xi32>
    %jit3A_1872 = arith.constant 1 : i32
    %jit3A_1873 = arith.constant 0 : i32
    %select_n3A_1874 = arith.select %gt3A_46, %jit3A_1872, %jit3A_1873 : i32
    %broadcast_in_dim3A_1875 = vector.broadcast %select_n3A_1874 : i32 to vector<16xi32>
    %select_n3A_1876 = arith.select %eq3A_1871, %broadcast_in_dim3A_1875, %select_n3A_1868 : vector<16xi1>, vector<16xi32>
    %eq3A_1877 = arith.constant 3 : i32
    %eq3A_1878 = vector.broadcast %eq3A_1877 : i32 to vector<16xi32>
    %eq3A_1879 = arith.cmpi eq, %get3A_109, %eq3A_1878 : vector<16xi32>
    %jit3A_1880 = arith.constant 1 : i32
    %jit3A_1881 = arith.constant 0 : i32
    %select_n3A_1882 = arith.select %gt3A_48, %jit3A_1880, %jit3A_1881 : i32
    %broadcast_in_dim3A_1883 = vector.broadcast %select_n3A_1882 : i32 to vector<16xi32>
    %select_n3A_1884 = arith.select %eq3A_1879, %broadcast_in_dim3A_1883, %select_n3A_1876 : vector<16xi1>, vector<16xi32>
    %eq3A_1885 = arith.constant 4 : i32
    %eq3A_1886 = vector.broadcast %eq3A_1885 : i32 to vector<16xi32>
    %eq3A_1887 = arith.cmpi eq, %get3A_109, %eq3A_1886 : vector<16xi32>
    %jit3A_1888 = arith.constant 1 : i32
    %jit3A_1889 = arith.constant 0 : i32
    %select_n3A_1890 = arith.select %gt3A_50, %jit3A_1888, %jit3A_1889 : i32
    %broadcast_in_dim3A_1891 = vector.broadcast %select_n3A_1890 : i32 to vector<16xi32>
    %select_n3A_1892 = arith.select %eq3A_1887, %broadcast_in_dim3A_1891, %select_n3A_1884 : vector<16xi1>, vector<16xi32>
    %eq3A_1893 = arith.constant 5 : i32
    %eq3A_1894 = vector.broadcast %eq3A_1893 : i32 to vector<16xi32>
    %eq3A_1895 = arith.cmpi eq, %get3A_109, %eq3A_1894 : vector<16xi32>
    %jit3A_1896 = arith.constant 1 : i32
    %jit3A_1897 = arith.constant 0 : i32
    %select_n3A_1898 = arith.select %gt3A_52, %jit3A_1896, %jit3A_1897 : i32
    %broadcast_in_dim3A_1899 = vector.broadcast %select_n3A_1898 : i32 to vector<16xi32>
    %select_n3A_1900 = arith.select %eq3A_1895, %broadcast_in_dim3A_1899, %select_n3A_1892 : vector<16xi1>, vector<16xi32>
    %eq3A_1901 = arith.constant 6 : i32
    %eq3A_1902 = vector.broadcast %eq3A_1901 : i32 to vector<16xi32>
    %eq3A_1903 = arith.cmpi eq, %get3A_109, %eq3A_1902 : vector<16xi32>
    %jit3A_1904 = arith.constant 1 : i32
    %jit3A_1905 = arith.constant 0 : i32
    %select_n3A_1906 = arith.select %gt3A_54, %jit3A_1904, %jit3A_1905 : i32
    %broadcast_in_dim3A_1907 = vector.broadcast %select_n3A_1906 : i32 to vector<16xi32>
    %select_n3A_1908 = arith.select %eq3A_1903, %broadcast_in_dim3A_1907, %select_n3A_1900 : vector<16xi1>, vector<16xi32>
    %eq3A_1909 = arith.constant 7 : i32
    %eq3A_1910 = vector.broadcast %eq3A_1909 : i32 to vector<16xi32>
    %eq3A_1911 = arith.cmpi eq, %get3A_109, %eq3A_1910 : vector<16xi32>
    %jit3A_1912 = arith.constant 1 : i32
    %jit3A_1913 = arith.constant 0 : i32
    %select_n3A_1914 = arith.select %gt3A_56, %jit3A_1912, %jit3A_1913 : i32
    %broadcast_in_dim3A_1915 = vector.broadcast %select_n3A_1914 : i32 to vector<16xi32>
    %select_n3A_1916 = arith.select %eq3A_1911, %broadcast_in_dim3A_1915, %select_n3A_1908 : vector<16xi1>, vector<16xi32>
    %eq3A_1917 = arith.constant 1 : i32
    %eq3A_1918 = vector.broadcast %eq3A_1917 : i32 to vector<16xi32>
    %eq3A_1919 = arith.cmpi eq, %select_n3A_1916, %eq3A_1918 : vector<16xi32>
    %select_n3A_1920 = arith.select %eq3A_1919, %cond3A_1258#7, %select_n3A_1251 : vector<16xi1>, vector<16xi32>
    %lt3A_1921 = arith.constant 640 : i32
    %lt3A_1922 = vector.broadcast %lt3A_1921 : i32 to vector<16xi32>
    %lt3A_1923 = arith.cmpi slt, %cond3A_1258#7, %lt3A_1922 : vector<16xi32>
    %jit3A_1924 = arith.constant true
    %broadcast_in_dim3A_1925 = vector.broadcast %jit3A_1924 : i1 to vector<16xi1>
    %select_n3A_1926 = arith.select %eq3A_1919, %lt3A_1923, %broadcast_in_dim3A_1925 : vector<16xi1>, vector<16xi1>
    %mul3A_1927 = arith.constant 640 : i32
    %mul3A_1928 = vector.broadcast %mul3A_1927 : i32 to vector<16xi32>
    %mul3A_1929 = arith.muli %get3A_109, %mul3A_1928 : vector<16xi32>
    %add3A_1930 = arith.addi %mul3A_1929, %select_n3A_1920 : vector<16xi32>
    %jit3A_1931 = arith.constant 5120 : i32
    %broadcast_in_dim3A_1932 = vector.broadcast %jit3A_1931 : i32 to vector<16xi32>
    %select_n3A_1933 = arith.select %select_n3A_1926, %add3A_1930, %broadcast_in_dim3A_1932 : vector<16xi1>, vector<16xi32>
    %swap3A_1934 = arith.constant 112 : index
    %swap3A_1935 = tpu.vector_load %arg8[%swap3A_1934] {strides = array<i32>} : memref<128xi32, #tpu.memory_space<vmem>>, vector<16xi32>,
    tpu.vector_store %arg8[%swap3A_1934], %select_n3A_1933 {strides = array<i32>} : memref<128xi32, #tpu.memory_space<vmem>>, vector<16xi32>,
    "tpu.region"() ({
      %run_scoped3A = tpu.sem_alloc : memref<!tpu.dma_semaphore, #tpu.memory_space<semaphore_mem>>
      %dma_start3A = tpu.memref_slice %arg4[%mul3A_2] : memref<4096xi32, #tpu.memory_space<hbm>> -> memref<128xi32, #tpu.memory_space<hbm>>
      %dma_start3A_1941 = tpu.memref_slice %arg4[%mul3A_2] : memref<4096xi32, #tpu.memory_space<hbm>> -> memref<128xi32, #tpu.memory_space<hbm>>
      tpu.enqueue_dma source(%arg8 : memref<128xi32, #tpu.memory_space<vmem>>) target(%dma_start3A_1941 : memref<128xi32, #tpu.memory_space<hbm>>) target_semaphore(%run_scoped3A : memref<!tpu.dma_semaphore, #tpu.memory_space<semaphore_mem>>)
      %dma_wait3A = tpu.memref_slice %arg4[%mul3A_2] : memref<4096xi32, #tpu.memory_space<hbm>> -> memref<128xi32, #tpu.memory_space<hbm>>
      %dma_wait3A_1942 = tpu.memref_slice %arg4[%mul3A_2] : memref<4096xi32, #tpu.memory_space<hbm>> -> memref<128xi32, #tpu.memory_space<hbm>>
      tpu.wait_dma2 semaphore(%run_scoped3A : memref<!tpu.dma_semaphore, #tpu.memory_space<semaphore_mem>>) src(%arg8 : memref<128xi32, #tpu.memory_space<vmem>>) dst(%dma_wait3A_1942 : memref<128xi32, #tpu.memory_space<hbm>>)
      tpu.yield
    }) : () -> ()
    %eq3A_1936 = arith.constant 0 : i32
    %eq3A_1937 = arith.cmpi eq, %add3A, %eq3A_1936 : i32
    %convert_element_type3A_1938 = arith.extui %eq3A_1937 : i1 to i32
    %cond3A_1939 = arith.constant 0 : i32
    %cond3A_1940 = arith.cmpi ne, %convert_element_type3A_1938, %cond3A_1939 : i32
    scf.if %cond3A_1940 {
      %broadcast_in_dim3A_1941 = arith.constant 0 : i32
      %broadcast_in_dim3A_1942 = vector.broadcast %broadcast_in_dim3A_1941 : i32 to vector<16xi32>
      %eq3A_1943 = arith.constant 0 : i32
      %eq3A_1944 = vector.broadcast %eq3A_1943 : i32 to vector<16xi32>
      %eq3A_1945 = arith.cmpi eq, %iota3A, %eq3A_1944 : vector<16xi32>
      %broadcast_in_dim3A_1946 = vector.broadcast %squeeze3A : i32 to vector<16xi32>
      %select_n3A_1947 = arith.select %eq3A_1945, %broadcast_in_dim3A_1946, %broadcast_in_dim3A_1942 : vector<16xi1>, vector<16xi32>
      %eq3A_1948 = arith.constant 1 : i32
      %eq3A_1949 = vector.broadcast %eq3A_1948 : i32 to vector<16xi32>
      %eq3A_1950 = arith.cmpi eq, %iota3A, %eq3A_1949 : vector<16xi32>
      %broadcast_in_dim3A_1951 = vector.broadcast %squeeze3A_13 : i32 to vector<16xi32>
      %select_n3A_1952 = arith.select %eq3A_1950, %broadcast_in_dim3A_1951, %select_n3A_1947 : vector<16xi1>, vector<16xi32>
      %eq3A_1953 = arith.constant 2 : i32
      %eq3A_1954 = vector.broadcast %eq3A_1953 : i32 to vector<16xi32>
      %eq3A_1955 = arith.cmpi eq, %iota3A, %eq3A_1954 : vector<16xi32>
      %broadcast_in_dim3A_1956 = vector.broadcast %squeeze3A_15 : i32 to vector<16xi32>
      %select_n3A_1957 = arith.select %eq3A_1955, %broadcast_in_dim3A_1956, %select_n3A_1952 : vector<16xi1>, vector<16xi32>
      %eq3A_1958 = arith.constant 3 : i32
      %eq3A_1959 = vector.broadcast %eq3A_1958 : i32 to vector<16xi32>
      %eq3A_1960 = arith.cmpi eq, %iota3A, %eq3A_1959 : vector<16xi32>
      %broadcast_in_dim3A_1961 = vector.broadcast %squeeze3A_17 : i32 to vector<16xi32>
      %select_n3A_1962 = arith.select %eq3A_1960, %broadcast_in_dim3A_1961, %select_n3A_1957 : vector<16xi1>, vector<16xi32>
      %eq3A_1963 = arith.constant 4 : i32
      %eq3A_1964 = vector.broadcast %eq3A_1963 : i32 to vector<16xi32>
      %eq3A_1965 = arith.cmpi eq, %iota3A, %eq3A_1964 : vector<16xi32>
      %broadcast_in_dim3A_1966 = vector.broadcast %squeeze3A_19 : i32 to vector<16xi32>
      %select_n3A_1967 = arith.select %eq3A_1965, %broadcast_in_dim3A_1966, %select_n3A_1962 : vector<16xi1>, vector<16xi32>
      %eq3A_1968 = arith.constant 5 : i32
      %eq3A_1969 = vector.broadcast %eq3A_1968 : i32 to vector<16xi32>
      %eq3A_1970 = arith.cmpi eq, %iota3A, %eq3A_1969 : vector<16xi32>
      %broadcast_in_dim3A_1971 = vector.broadcast %squeeze3A_21 : i32 to vector<16xi32>
      %select_n3A_1972 = arith.select %eq3A_1970, %broadcast_in_dim3A_1971, %select_n3A_1967 : vector<16xi1>, vector<16xi32>
      %eq3A_1973 = arith.constant 6 : i32
      %eq3A_1974 = vector.broadcast %eq3A_1973 : i32 to vector<16xi32>
      %eq3A_1975 = arith.cmpi eq, %iota3A, %eq3A_1974 : vector<16xi32>
      %broadcast_in_dim3A_1976 = vector.broadcast %squeeze3A_23 : i32 to vector<16xi32>
      %select_n3A_1977 = arith.select %eq3A_1975, %broadcast_in_dim3A_1976, %select_n3A_1972 : vector<16xi1>, vector<16xi32>
      %eq3A_1978 = arith.constant 7 : i32
      %eq3A_1979 = vector.broadcast %eq3A_1978 : i32 to vector<16xi32>
      %eq3A_1980 = arith.cmpi eq, %iota3A, %eq3A_1979 : vector<16xi32>
      %broadcast_in_dim3A_1981 = vector.broadcast %squeeze3A_25 : i32 to vector<16xi32>
      %select_n3A_1982 = arith.select %eq3A_1980, %broadcast_in_dim3A_1981, %select_n3A_1977 : vector<16xi1>, vector<16xi32>
      %swap3A_1983 = arith.constant 0 : index
      %swap3A_1984 = tpu.vector_load %arg9[%swap3A_1983] {strides = array<i32>} : memref<16xi32, #tpu.memory_space<vmem>>, vector<16xi32>,
      tpu.vector_store %arg9[%swap3A_1983], %select_n3A_1982 {strides = array<i32>} : memref<16xi32, #tpu.memory_space<vmem>>, vector<16xi32>,
      "tpu.region"() ({
        %run_scoped3A = tpu.sem_alloc : memref<!tpu.dma_semaphore, #tpu.memory_space<semaphore_mem>>
        tpu.enqueue_dma source(%arg9 : memref<16xi32, #tpu.memory_space<vmem>>) target(%arg5 : memref<16xi32, #tpu.memory_space<hbm>>) target_semaphore(%run_scoped3A : memref<!tpu.dma_semaphore, #tpu.memory_space<semaphore_mem>>)
        tpu.wait_dma2 semaphore(%run_scoped3A : memref<!tpu.dma_semaphore, #tpu.memory_space<semaphore_mem>>) src(%arg9 : memref<16xi32, #tpu.memory_space<vmem>>) dst(%arg5 : memref<16xi32, #tpu.memory_space<hbm>>)
        tpu.yield
      }) : () -> ()
    } else {
    }
    return
  }
}

module attributes {stable_mosaic.version = 14 : i64} {
  func.func @_router_body(%arg0: i32, %arg1: memref<1024x2048xf32, #tpu.memory_space<vmem>>, %arg2: memref<2048x8xf32, #tpu.memory_space<vmem>>, %arg3: memref<1024x8xf32, #tpu.memory_space<vmem>>, %arg4: memref<1024x1xf32, #tpu.memory_space<vmem>>, %arg5: memref<1024x1xi32, #tpu.memory_space<vmem>>, %arg6: memref<1x1x16xf32, #tpu.memory_space<vmem>>) attributes {dimension_semantics = [#tpu.dimension_semantics<arbitrary>], iteration_bounds = array<i64: 4>, scalar_prefetch = 0 : i64, scratch_operands = 0 : i64, tpu.core_type = #tpu.core_type<tc>, window_params = [{transform_indices = @transform_0, window_bounds = array<i64: 1024, 2048>}, {pipeline_mode = #tpu.pipeline_mode<synchronous>, transform_indices = @transform_1, window_bounds = array<i64: 2048, 8>}, {transform_indices = @transform_2, window_bounds = array<i64: 1024, 8>}, {transform_indices = @transform_3, window_bounds = array<i64: 1024, 1>}, {transform_indices = @transform_4, window_bounds = array<i64: 1024, 1>}, {transform_indices = @transform_5, window_bounds = array<i64: 1, 1, 16>}]} {
    %get3A = arith.constant 0 : index
    %get3A_0 = arith.constant 0 : index
    %get3A_1 = vector.load %arg1[%get3A, %get3A_0] : memref<1024x2048xf32, #tpu.memory_space<vmem>>, vector<1024x2048xf32>
    %get3A_2 = arith.constant 0 : index
    %get3A_3 = arith.constant 0 : index
    %get3A_4 = vector.load %arg2[%get3A_2, %get3A_3] : memref<2048x8xf32, #tpu.memory_space<vmem>>, vector<2048x8xf32>
    %dot_general3A = arith.constant dense<0.000000e+00> : vector<1024x8xf32>
    %dot_general3A_5 = tpu.matmul %get3A_1, %get3A_4, %dot_general3A {dimension_numbers = #tpu.dot_dimension_numbers<[1], [0], [0], [1], [0, 0, 1, 1], [], []>, transpose_lhs_hint = false} : vector<1024x2048xf32>, vector<2048x8xf32>, vector<1024x8xf32> -> vector<1024x8xf32>
    %reduce_max3A = arith.constant dense<0xFF800000> : vector<1024xf32>
    %reduce_max3A_6 = vector.multi_reduction <maximumf>, %dot_general3A_5, %reduce_max3A [1] : vector<1024x8xf32> to vector<1024xf32>
    %broadcast_in_dim3A = vector.shape_cast %reduce_max3A_6 : vector<1024xf32> to vector<1024x1xf32>
    %sub3A = vector.broadcast %broadcast_in_dim3A : vector<1024x1xf32> to vector<1024x8xf32>
    %sub3A_7 = arith.subf %dot_general3A_5, %sub3A : vector<1024x8xf32>
    %exp3A = math.exp %sub3A_7 : vector<1024x8xf32>
    %reduce_sum3A = arith.constant dense<0.000000e+00> : vector<1024xf32>
    %reduce_sum3A_8 = vector.multi_reduction <add>, %exp3A, %reduce_sum3A [1] : vector<1024x8xf32> to vector<1024xf32>
    %broadcast_in_dim3A_9 = vector.shape_cast %reduce_sum3A_8 : vector<1024xf32> to vector<1024x1xf32>
    %div3A = vector.broadcast %broadcast_in_dim3A_9 : vector<1024x1xf32> to vector<1024x8xf32>
    %div3A_10 = arith.divf %exp3A, %div3A : vector<1024x8xf32>
    %swap3A = arith.constant 0 : index
    %swap3A_11 = arith.constant 0 : index
    %swap3A_12 = vector.load %arg3[%swap3A, %swap3A_11] : memref<1024x8xf32, #tpu.memory_space<vmem>>, vector<1024x8xf32>
    tpu.vector_store %arg3[%swap3A, %swap3A_11], %div3A_10 {strides = array<i32>} : memref<1024x8xf32, #tpu.memory_space<vmem>>, vector<1024x8xf32>,
    %reduce_max3A_13 = arith.constant dense<0xFF800000> : vector<1024xf32>
    %reduce_max3A_14 = vector.multi_reduction <maximumf>, %div3A_10, %reduce_max3A_13 [1] : vector<1024x8xf32> to vector<1024xf32>
    %broadcast_in_dim3A_15 = vector.shape_cast %reduce_max3A_14 : vector<1024xf32> to vector<1024x1xf32>
    %swap3A_16 = arith.constant 0 : index
    %swap3A_17 = arith.constant 0 : index
    %swap3A_18 = vector.load %arg4[%swap3A_16, %swap3A_17] : memref<1024x1xf32, #tpu.memory_space<vmem>>, vector<1024x1xf32>
    tpu.vector_store %arg4[%swap3A_16, %swap3A_17], %broadcast_in_dim3A_15 {strides = array<i32>} : memref<1024x1xf32, #tpu.memory_space<vmem>>, vector<1024x1xf32>,
    %iota3A = tpu.iota {dimensions = array<i32: 1>} : vector<1024x8xi32>
    %eq3A = vector.broadcast %broadcast_in_dim3A_15 : vector<1024x1xf32> to vector<1024x8xf32>
    %eq3A_19 = arith.cmpf oeq, %div3A_10, %eq3A : vector<1024x8xf32>
    %jit3A = arith.constant 8 : i32
    %broadcast_in_dim3A_20 = vector.broadcast %jit3A : i32 to vector<1024x8xi32>
    %select_n3A = arith.select %eq3A_19, %iota3A, %broadcast_in_dim3A_20 : vector<1024x8xi1>, vector<1024x8xi32>
    %reduce_min3A = arith.constant dense<2147483647> : vector<1024xi32>
    %reduce_min3A_21 = vector.multi_reduction <minsi>, %select_n3A, %reduce_min3A [1] : vector<1024x8xi32> to vector<1024xi32>
    %broadcast_in_dim3A_22 = vector.shape_cast %reduce_min3A_21 : vector<1024xi32> to vector<1024x1xi32>
    %swap3A_23 = arith.constant 0 : index
    %swap3A_24 = arith.constant 0 : index
    %swap3A_25 = vector.load %arg5[%swap3A_23, %swap3A_24] : memref<1024x1xi32, #tpu.memory_space<vmem>>, vector<1024x1xi32>
    tpu.vector_store %arg5[%swap3A_23, %swap3A_24], %broadcast_in_dim3A_22 {strides = array<i32>} : memref<1024x1xi32, #tpu.memory_space<vmem>>, vector<1024x1xi32>,
    %reduce_sum3A_26 = arith.constant dense<0.000000e+00> : vector<8xf32>
    %reduce_sum3A_27 = vector.multi_reduction <add>, %div3A_10, %reduce_sum3A_26 [0] : vector<1024x8xf32> to vector<8xf32>
    %mul3A = arith.mulf %dot_general3A_5, %dot_general3A_5 : vector<1024x8xf32>
    %reduce_sum3A_28 = vector.shape_cast %mul3A : vector<1024x8xf32> to vector<1x1024x8xf32>
    %reduce_sum3A_29 = arith.constant dense<0.000000e+00> : vector<1xf32>
    %reduce_sum3A_30 = vector.multi_reduction <add>, %reduce_sum3A_28, %reduce_sum3A_29 [1, 2] : vector<1x1024x8xf32> to vector<1xf32>
    %reduce_sum3A_31 = vector.shape_cast %reduce_sum3A_30 : vector<1xf32> to vector<1x1x1xf32>
    %reduce_sum3A_32 = vector.extract %reduce_sum3A_31[0, 0, 0] : f32 from vector<1x1x1xf32>
    %broadcast_in_dim3A_33 = vector.broadcast %reduce_sum3A_32 : f32 to vector<8xf32>
    %concatenate3A = tpu.concatenate %reduce_sum3A_27, %broadcast_in_dim3A_33 in 0 : vector<8xf32>, vector<8xf32> -> vector<16xf32>
    %reshape3A = vector.shape_cast %concatenate3A : vector<16xf32> to vector<1x1x16xf32>
    %swap3A_34 = arith.constant 0 : index
    %swap3A_35 = arith.constant 0 : index
    %swap3A_36 = arith.constant 0 : index
    %swap3A_37 = vector.load %arg6[%swap3A_34, %swap3A_35, %swap3A_36] : memref<1x1x16xf32, #tpu.memory_space<vmem>>, vector<1x1x16xf32>
    tpu.vector_store %arg6[%swap3A_34, %swap3A_35, %swap3A_36], %reshape3A {strides = array<i32>} : memref<1x1x16xf32, #tpu.memory_space<vmem>>, vector<1x1x16xf32>,
    return
  }
  func.func @transform_0(%arg0: i32) -> (i32, i32) {
    %c0_i32 = arith.constant 0 : i32
    %c0_i32_0 = arith.constant 0 : i32
    return %arg0, %c0_i32 : i32, i32
  }
  func.func @transform_1(%arg0: i32) -> (i32, i32) {
    %c0_i32 = arith.constant 0 : i32
    %c0_i32_0 = arith.constant 0 : i32
    %c0_i32_1 = arith.constant 0 : i32
    return %c0_i32, %c0_i32_0 : i32, i32
  }
  func.func @transform_2(%arg0: i32) -> (i32, i32) {
    %c0_i32 = arith.constant 0 : i32
    %c0_i32_0 = arith.constant 0 : i32
    return %arg0, %c0_i32 : i32, i32
  }
  func.func @transform_3(%arg0: i32) -> (i32, i32) {
    %c0_i32 = arith.constant 0 : i32
    %c0_i32_0 = arith.constant 0 : i32
    return %arg0, %c0_i32 : i32, i32
  }
  func.func @transform_4(%arg0: i32) -> (i32, i32) {
    %c0_i32 = arith.constant 0 : i32
    %c0_i32_0 = arith.constant 0 : i32
    return %arg0, %c0_i32 : i32, i32
  }
  func.func @transform_5(%arg0: i32) -> (i32, i32, i32) {
    %c0_i32 = arith.constant 0 : i32
    %c0_i32_0 = arith.constant 0 : i32
    %c0_i32_1 = arith.constant 0 : i32
    return %arg0, %c0_i32, %c0_i32_0 : i32, i32, i32
  }
}

module attributes {stable_mosaic.version = 14 : i64} {
  func.func @_expand_body(%arg0: i32, %arg1: memref<256x1xi32, #tpu.memory_space<vmem>>, %arg2: memref<256x1xf32, #tpu.memory_space<vmem>>, %arg3: memref<256x8x640xf32, #tpu.memory_space<vmem>>, %arg4: memref<256x8x640xf32, #tpu.memory_space<vmem>>) attributes {dimension_semantics = [#tpu.dimension_semantics<arbitrary>], iteration_bounds = array<i64: 16>, scalar_prefetch = 0 : i64, scratch_operands = 0 : i64, tpu.core_type = #tpu.core_type<tc>, window_params = [{transform_indices = @transform_0, window_bounds = array<i64: 256, 1>}, {transform_indices = @transform_1, window_bounds = array<i64: 256, 1>}, {transform_indices = @transform_2, window_bounds = array<i64: 256, 8, 640>}, {transform_indices = @transform_3, window_bounds = array<i64: 256, 8, 640>}]} {
    %get3A = arith.constant 0 : index
    %get3A_0 = arith.constant 0 : index
    %get3A_1 = vector.load %arg1[%get3A, %get3A_0] : memref<256x1xi32, #tpu.memory_space<vmem>>, vector<256x1xi32>
    %reshape3A = vector.shape_cast %get3A_1 : vector<256x1xi32> to vector<256x1x1xi32>
    %get3A_2 = arith.constant 0 : index
    %get3A_3 = arith.constant 0 : index
    %get3A_4 = vector.load %arg2[%get3A_2, %get3A_3] : memref<256x1xf32, #tpu.memory_space<vmem>>, vector<256x1xf32>
    %reshape3A_5 = vector.shape_cast %get3A_4 : vector<256x1xf32> to vector<256x1x1xf32>
    %iota3A = tpu.iota {dimensions = array<i32: 1>} : vector<256x8x640xi32>
    %mul3A = arith.constant 640 : i32
    %mul3A_6 = vector.broadcast %mul3A : i32 to vector<256x8x640xi32>
    %mul3A_7 = arith.muli %iota3A, %mul3A_6 : vector<256x8x640xi32>
    %iota3A_8 = tpu.iota {dimensions = array<i32: 2>} : vector<256x8x640xi32>
    %add3A = arith.addi %mul3A_7, %iota3A_8 : vector<256x8x640xi32>
    %eq3A = vector.broadcast %reshape3A : vector<256x1x1xi32> to vector<256x8x640xi32>
    %eq3A_9 = arith.cmpi eq, %add3A, %eq3A : vector<256x8x640xi32>
    %convert_element_type3A = arith.extui %eq3A_9 : vector<256x8x640xi1> to vector<256x8x640xi32>
    %convert_element_type3A_10 = arith.sitofp %convert_element_type3A : vector<256x8x640xi32> to vector<256x8x640xf32>
    %swap3A = arith.constant 0 : index
    %swap3A_11 = arith.constant 0 : index
    %swap3A_12 = arith.constant 0 : index
    %swap3A_13 = vector.load %arg3[%swap3A, %swap3A_11, %swap3A_12] : memref<256x8x640xf32, #tpu.memory_space<vmem>>, vector<256x8x640xf32>
    tpu.vector_store %arg3[%swap3A, %swap3A_11, %swap3A_12], %convert_element_type3A_10 {strides = array<i32>} : memref<256x8x640xf32, #tpu.memory_space<vmem>>, vector<256x8x640xf32>,
    %jit3A = arith.constant 0.000000e+00 : f32
    %broadcast_in_dim3A = vector.shape_cast %reshape3A_5 : vector<256x1x1xf32> to vector<256x1x1xf32>
    %broadcast_in_dim3A_14 = vector.broadcast %broadcast_in_dim3A : vector<256x1x1xf32> to vector<256x8x640xf32>
    %broadcast_in_dim3A_15 = vector.broadcast %jit3A : f32 to vector<256x8x640xf32>
    %select_n3A = arith.select %eq3A_9, %broadcast_in_dim3A_14, %broadcast_in_dim3A_15 : vector<256x8x640xi1>, vector<256x8x640xf32>
    %swap3A_16 = arith.constant 0 : index
    %swap3A_17 = arith.constant 0 : index
    %swap3A_18 = arith.constant 0 : index
    %swap3A_19 = vector.load %arg4[%swap3A_16, %swap3A_17, %swap3A_18] : memref<256x8x640xf32, #tpu.memory_space<vmem>>, vector<256x8x640xf32>
    tpu.vector_store %arg4[%swap3A_16, %swap3A_17, %swap3A_18], %select_n3A {strides = array<i32>} : memref<256x8x640xf32, #tpu.memory_space<vmem>>, vector<256x8x640xf32>,
    return
  }
  func.func @transform_0(%arg0: i32) -> (i32, i32) {
    %c0_i32 = arith.constant 0 : i32
    %c0_i32_0 = arith.constant 0 : i32
    return %arg0, %c0_i32 : i32, i32
  }
  func.func @transform_1(%arg0: i32) -> (i32, i32) {
    %c0_i32 = arith.constant 0 : i32
    %c0_i32_0 = arith.constant 0 : i32
    return %arg0, %c0_i32 : i32, i32
  }
  func.func @transform_2(%arg0: i32) -> (i32, i32, i32) {
    %c0_i32 = arith.constant 0 : i32
    %c0_i32_0 = arith.constant 0 : i32
    %c0_i32_1 = arith.constant 0 : i32
    return %arg0, %c0_i32, %c0_i32_0 : i32, i32, i32
  }
  func.func @transform_3(%arg0: i32) -> (i32, i32, i32) {
    %c0_i32 = arith.constant 0 : i32
    %c0_i32_0 = arith.constant 0 : i32
    %c0_i32_1 = arith.constant 0 : i32
    return %arg0, %c0_i32, %c0_i32_0 : i32, i32, i32
  }
}

</mosaic_0001>

<sc_bundles>
// kernel: kernel.5.cloned.1.call-start
scs
__scs_entry_jumppad:
0x0: {  	(pc) =	sbr.rel $0x88, $3  }
0x1: {  	(tag) =	ssettag $0x0;
	lr =	simm.s32 $0x1  }
0x2: {  	[smem:$0x3F9F] =	sst lr;
	_ =	strace $0xD0000000  }
0x3: {  	_ = 	snop  }
0x4: {  	_ = 	snop  }
0x5: {  	_ = 	snop  }
0x6: {  	_ = 	snop  }
0x7: {  	_ = 	snop  }
__scs_overlays_trampoline_lowered:
0x8: {  	[smem:$0x3FAE] =	sst s0  }
0x9: {  	[smem:$0x3FAF] =	sst s1  }
0xa: {  	[smem:$0x3FB0] =	sst s2  }
0xb: {  	[smem:$0x3FB1] =	sst s3  }
0xc: {  	[smem:$0x3FB2] =	sst s4  }
0xd: {  	[smem:$0x3FB3] =	sst s5  }
0xe: {  	[smem:$0x3FB4] =	sst s6  }
0xf: {  	[smem:$0x3FB5] =	sst s7  }
0x10: {  	[smem:$0x3FB6] =	sst s8  }
0x11: {  	[smem:$0x3FB7] =	sst s9;
	s0 =	simm.s32 @!p0 $0x0  }
0x12: {  	s1 =	sld [smem:$0x3F9D];
	s0 =	simm.s32 @p0 $0x1  }
0x13: {  	[smem:$0x3FB8] =	sst s0;
	s0 =	simm.s32 @!p1 $0x0  }
0x14: {  	s2 =	sld [smem:$0x3F9C];
	s0 =	simm.s32 @p1 $0x1  }
0x15: {  	[smem:$0x3FB9] =	sst s0;
	s0 =	simm.s32 @!p2 $0x0  }
0x16: {  	s3 =	sld [smem:$0x3FDB];
	s0 =	simm.s32 @p2 $0x1  }
0x17: {  	s4 =	simm.s32 $0x1BF5;
	[smem:$0x3FBB] =	sst s0  }
0x18: {  	s0 =	sld [smem:$0x3F9E];
	_ =	swait.ge [sflag:s4], $0x0  }
0x19: {  	s7 =	sld [smem:$0x3F9F]  }
0x1a: {  	s8 =	sadd.s32 $0xFFFFE003, lr  }
0x1b: {  	s9 =	sadd.s32 $0xFFFFFEF7, lr;
	s5 =	simm.s32 $0xFFFFFFFF;
	p2 =	slt.u32 s8, $0xFFFFF086  }
0x1c: {  	p1 =	slt.u32 s9, $0xF7A;
	s5 =	simm.s32 @!p2 $0x0  }
0x1d: {  	s5 =	simm.s32 @p1 $0x1;
	p0 =	seq.s32 s7, s2  }
0x1e: {  	s7 =	smul.u32 @!p0 $0xF7A, s2;
	p2 =	seq.s32 @!p0 s5, $0x0  }
0x1f: {  	s9 =	smul.u32 $0xF7A, s1;
	s8 =	simm.s32 @!p0 $0x1BF5;
	p2 =	por !p2, p0  }
0x20: {  	[sflag:s8] =	ssyncset.s32 @!p0 $0xFFFFF086;
	s6 =	sadd.s32 @!p0 s3, s7;
	s7 =	simm.s32 @!p0 $0x108  }
0x21: {  	s3 =	sadd.s32 s3, s9;
	s6 =	sadd.s32 @!p0 $0x88, s6;
	s7 =	simm.s32 @p2 $0x1082  }
0x22: {  	[simem:s7], [sflag:s8] =	dma.local @!p0 [hbm:s6], $0xF7A  }
0x23: {  	s9 =	sor.u32 $0xD0000000, s2;
	s6 =	simm.s32 $0x108;
	_ =	swait.ge @!p0 [sflag:s8], $0x0  }
0x24: {  	s3 =	sadd.s32 $0x88, s3;
	s6 =	simm.s32 @!p1 $0x1082;
	[sflag:s4] =	ssyncset.s32 $0xFFFFF086  }
0x25: {  	[simem:s6], [sflag:s4] =	dma.local [hbm:s3], $0xF7A  }
0x26: {  	[smem:$0x3F9F] =	sst s1;
	(tag) =	ssettag s2;
	_ =	strace s9  }
0x27: {  	s1 =	sld [smem:$0x3FAF]  }
0x28: {  	s2 =	sld [smem:$0x3FB0]  }
0x29: {  	s4 =	sld [smem:$0x3FB2]  }
0x2a: {  	p0 =	seq.s32 s5, $0x0;
	s5 =	sld [smem:$0x3FB3]  }
0x2b: {  	s6 =	sld [smem:$0x3FB4]  }
0x2c: {  	s7 =	sld [smem:$0x3FB5]  }
0x2d: {  	s3 =	simm.s32 $0x108;
	s8 =	sld [smem:$0x3FB6]  }
0x2e: {  	s3 =	simm.s32 @!p0 $0x1082;
	s9 =	sld [smem:$0x3FB7]  }
0x2f: {  	lr =	sadd.s32 s0, s3;
	s0 =	sld [smem:$0x3FAE]  }
0x30: {  	s3 =	sld [smem:$0x3FB1]  }
0x31: {  	[smem:$0x3FBA] =	sst s10  }
0x32: {  	s10 =	sld [smem:$0x3FB8];
	_ =	sdelay $0x3  }
0x33: {  	p0 =	seq.s32 s10, $0x1;
	s10 =	sld [smem:$0x3FBA];
	_ =	sdelay $0x3  }
0x34: {  	[smem:$0x3FBA] =	sst s10  }
0x35: {  	s10 =	sld [smem:$0x3FB9];
	_ =	sdelay $0x3  }
0x36: {  	p1 =	seq.s32 s10, $0x1;
	s10 =	sld [smem:$0x3FBA];
	_ =	sdelay $0x3  }
0x37: {  	[smem:$0x3FBA] =	sst s10  }
0x38: {  	s10 =	sld [smem:$0x3FBB]  }
0x39: {  	_ = 	snop;
	(pc) =	sbr.ind lr, $3  }
0x3a: {  	_ = 	snop  }
0x3b: {  	_ = 	snop  }
0x3c: {  	p2 =	seq.s32 s10, $0x1;
	s10 =	sld [smem:$0x3FBA]  }
0x3d: {  	_ =	shalt  }
0x3e: {  	_ =	shalt  }
0x3f: {  	_ =	shalt  }
0x40: {  	_ =	shalt  }
0x41: {  	_ =	shalt  }
0x42: {  	_ =	shalt  }
0x43: {  	_ =	shalt  }
0x44: {  	_ =	shalt  }
0x45: {  	_ =	shalt  }
0x46: {  	_ =	shalt  }
0x47: {  	_ =	shalt  }
0x48: {  	_ =	shalt  }
0x49: {  	_ =	shalt  }
0x4a: {  	_ =	shalt  }
0x4b: {  	_ =	shalt  }
0x4c: {  	_ =	shalt  }
0x4d: {  	_ =	shalt  }
0x4e: {  	_ =	shalt  }
0x4f: {  	_ =	shalt  }
0x50: {  	_ =	shalt  }
0x51: {  	_ =	shalt  }
0x52: {  	_ =	shalt  }
0x53: {  	_ =	shalt  }
0x54: {  	_ =	shalt  }
0x55: {  	_ =	shalt  }
0x56: {  	_ =	shalt  }
0x57: {  	_ =	shalt  }
0x58: {  	_ =	shalt  }
0x59: {  	_ =	shalt  }
0x5a: {  	_ =	shalt  }
0x5b: {  	_ =	shalt  }
0x5c: {  	_ =	shalt  }
0x5d: {  	_ =	shalt  }
0x5e: {  	_ =	shalt  }
0x5f: {  	_ =	shalt  }
0x60: {  	_ =	shalt  }
0x61: {  	_ =	shalt  }
0x62: {  	_ =	shalt  }
0x63: {  	_ =	shalt  }
0x64: {  	_ =	shalt  }
0x65: {  	_ =	shalt  }
0x66: {  	_ =	shalt  }
0x67: {  	_ =	shalt  }
0x68: {  	_ =	shalt  }
0x69: {  	_ =	shalt  }
0x6a: {  	_ =	shalt  }
0x6b: {  	_ =	shalt  }
0x6c: {  	_ =	shalt  }
0x6d: {  	_ =	shalt  }
0x6e: {  	_ =	shalt  }
0x6f: {  	_ =	shalt  }
0x70: {  	_ =	shalt  }
0x71: {  	_ =	shalt  }
0x72: {  	_ =	shalt  }
0x73: {  	_ =	shalt  }
0x74: {  	_ =	shalt  }
0x75: {  	_ =	shalt  }
0x76: {  	_ =	shalt  }
0x77: {  	_ =	shalt  }
0x78: {  	_ =	shalt  }
0x79: {  	_ =	shalt  }
0x7a: {  	_ =	shalt  }
0x7b: {  	_ =	shalt  }
0x7c: {  	_ =	shalt  }
0x7d: {  	_ =	shalt  }
0x7e: {  	_ =	shalt  }
0x7f: {  	_ =	shalt  }
0x80: {  	_ =	shalt  }
0x81: {  	_ =	shalt  }
0x82: {  	_ =	shalt  }
0x83: {  	_ =	shalt  }
0x84: {  	_ =	shalt  }
0x85: {  	_ =	shalt  }
0x86: {  	_ =	shalt  }
0x87: {  	_ =	shalt  }
.Lfunc_end0:
.L_simem_size_0:
called_computation_lowered:
.L_overlay_start_0:
0x88: {  	s2 =	sld [smem:$0x3FD9]  }
0x89: {  	s3 =	sld [smem:$0x3FFE];
	_ =	sdelay $0x1  }
0x8a: {  	s1 =	srdreg.scid  }
0x8b: {  	s0 =	sand.u32 $0x1, s1  }
0x8c: {  	s14 =	sshll.u32 s0, $0xA;
	s2 =	sadd.s32 s3, s2  }
0x8d: {  	s2 =	sadd.s32 s2, s14  }
0x8e: {  	[smem:$0x3FC6] =	sst s2  }
0x8f: {  	_ = 	snop  }
0x90: {  	s2 =	sld [smem:$0x3FD0];
	_ =	sdelay $0x2  }
0x91: {  	s15 =	simm.s32 $0xA;
	s4 =	simm.s32 $0x10  }
0x92: {  	[smem:s4], [sflag:s15] =	dma.local [hbm:s2], $0x1  }
0x93: {  	_ =	swait.eq [sflag:s15], $0x1  }
0x94: {  	s16 =	sld [smem:$0x10];
	[sflag:s15] =	ssyncset.done $0x0  }
0x95: {  	s17 =	sld [smem:$0x11];
	[sflag:s15] =	ssyncadd.s32 $0xFFFFFFFF  }
0x96: {  	s18 =	sld [smem:$0x15];
	(tm) =	ssettm $0x1  }
0x97: {  	s5 =	sld [smem:$0x3FFB];
	_ =	sdelay $0x3  }
0x98: {  	_ =	strace s5  }
0x99: {  	s5 =	sld [smem:$0x3FFC];
	_ =	sdelay $0x3  }
0x9a: {  	_ =	strace s5  }
0x9b: {  	s5 =	sld [smem:$0x3FFD];
	_ =	sdelay $0x3  }
0x9c: {  	_ =	strace s5  }
0x9d: {  	_ =	strace $0x8FFFFFFF  }
0x9e: {  	s19 =	sld [smem:$0x3FDB];
	_ =	sdelay $0x1  }
0x9f: {  	s6 =	simm.s32 $_scs_section_size  }
0xa0: {  	s7 =	simm.s32 $_size__tile_overlayer_lowered;
	s8 =	simm.s32 $_tile_overlayer_lowered  }
0xa1: {  	s22 =	simm.s32 $0x1BFF;
	s21 =	sshll.u32 s8, $0x1;
	s5 =	sadd.s32 s6, s19  }
0xa2: {  	s9 =	simm.s32 $0x0;
	s20 =	sshll.u32 s7, $0x1;
	s7 =	sadd.s32 s21, s5  }
0xa3: {  	[timem:s9], [sflag:s22] =	dma.local [hbm:s7], s20  }
0xa4: {  	_ =	swait.ge [sflag:s22], s20  }
0xa5: {  	s6 =	ssub.s32 $0x0, s20;
	[sflag:s22] =	ssyncset.done $0x0  }
0xa6: {  	[sflag:s22] =	ssyncadd.s32 s6;
	_ =	sdelay $0x1  }
0xa7: {  	s23 =	simm.s32 $0x1B8B  }
0xa8: {  	_ =	swait.ge [sflag:s23], $0x1  }
0xa9: {  	[sflag:s23] =	ssyncset.done $0x0  }
0xaa: {  	s25 =	simm.s32 $0x1B8E;
	s24 =	sld [smem:$0x3FFE];
	[sflag:s23] =	ssyncadd.s32 $0xFFFFFFFF  }
0xab: {  	s26 =	simm.s32 $execute0_lowered;
	[smem:$0x3FD2] =	sst s25  }
0xac: {  	s7 =	sshll.u32 s26, $0x1;
	_ =	strace $0x80000046;
	[dreg:$0x1] =	wrdreg $0xFFFFFFFF  }
0xad: {  	s28 =	simm.s32 $_size_execute0_lowered;
	s5 =	sadd.s32 s5, s7;
	[dreg:$0x0] =	wrdreg $0x0  }
0xae: {  	s7 =	sshll.u32 s28, $0x1;
	[dreg:$0x2] =	wrdreg s5  }
0xaf: {  	[dreg:$0x3] =	wrdreg s7  }
0xb0: {  	[dreg:$0x4] =	wrdreg $0xC0  }
0xb1: {  	_ =	task [dreg:s9], $0x5FFFF  }
0xb2: {  	[dreg:$0x1] =	wrdreg $0xFFFFFFFF  }
0xb3: {  	[dreg:$0x0] =	wrdreg $0x60  }
0xb4: {  	[dreg:$0x2] =	wrdreg s17  }
0xb5: {  	[dreg:$0x3] =	wrdreg s16  }
0xb6: {  	[dreg:$0x4] =	wrdreg s24  }
0xb7: {  	[dreg:$0x5] =	wrdreg s18  }
0xb8: {  	[dreg:$0x6] =	wrdreg $0x9  }
0xb9: {  	_ =	task.clear_ibuf [dreg:s9], $0x7FFFF;
	_ =	strace $0x90000046  }
0xba: {  	s29 =	simm.s32 $0x9;
	_ =	strace $0x80000048  }
0xbb: {  	_ =	swait.ge [sflag:s29], $0x1  }
0xbc: {  	[sflag:s29] =	ssyncadd.s32 $0xFFFFFFFF  }
0xbd: {  	_ =	strace $0x90000048  }
0xbe: {  	_ =	sfence  }
0xbf: {  	s30 =	sld [smem:$0x0];
	_ =	sdelay $0x2  }
0xc0: {  	s31 =	sshll.u32 s1, $0xD;
	s1 =	sshrl.u32 s1, $0x2  }
0xc1: {  	s3 =	sand.u32 $0x4000, s31;
	s1 =	sadd.s32 s1, s30  }
0xc2: {  	s0 =	sor.u32 s3, s0;
	s1 =	sshll.u32 s1, $0x11  }
0xc3: {  	s0 =	sor.u32 s1, s0  }
0xc4: {  	s0 =	sadd.s32 $0x8F2B, s0  }
0xc5: {  	[sflag:s0] =	ssyncadd.remote.s32 $0x1  }
0xc6: {  	_ =	sfence.sel $0xFFFF  }
0xc7: {  	[dreg:$0x0] =	wrdreg $0xFFFFFFFF;
	(pc) =	sbr.abs _section_cstart, $3  }
0xc8: {  	[dreg:$0x1] =	wrdreg $0xFFFFFFFF  }
0xc9: {  	_ =	task.clear_ibuf [dreg:s9], $0x2FFFF;
	_ =	strace $0x9FFFFFFF  }
0xca: {  	(tm) =	ssettm $0x7FFFFFFF  }
0xcb: {  	_ =	shalt  }
tec
execute0_lowered:
.L_overlay_start_1:
0x0: {  	(tag) =	ssettag $0x1  }
0x1: {  	s0 =	rddreg [dreg:$0x2];
	s1 =	srdreg.scid;
	s5 =	simm.s32 $0x0  }
0x2: {  	s3 =	stileid.u32;
	s17 =	simm.s32 $0x1;
	s1 =	sand.u32 $0x1, s1  }
0x3: {  	[smem:$0x7FF] =	sst s5;
	s3 =	sshll.u32 s3, $0x1;
	s2 =	ssub.s32 $0x2, s1  }
0x4: {  	_ =	strace $0x80000047;
	s1 =	sor.u32 s1, s3;
	s4 =	sshrl.u32 s2, $0x1  }
0x5: {  	s6 =	sshll.u32 s1, $0x7;
	s3 =	sshll.u32 s1, $0x4;
	p0 =	sne.s32 s1, $0x0  }
0x6: {  	s2 =	ssub.s32 s2, s4;
	s8 =	sor.u32 $0x10, s6;
	s9 =	sor.u32 $0x20, s6  }
.Ltmp0:
0x7: {  	s10 =	sor.u32 $0x30, s6;
	s11 =	sor.u32 $0x40, s6;
	(pc) =	sbr.rel .LBB2_1-.Ltmp0, $4  }
0x8: {  	v7 =	vlaneseq.u32;
	s12 =	sor.u32 $0x50, s6;
	s13 =	sor.u32 $0x60, s6;
	s0 =	sadd.s32 s0, s3  }
0x9: {  	v8 =	vimm.s32 $0x0;
	v0 =	vor.u32 s6, v7;
	v1 =	vor.u32 s8, v7;
	[dreg:$0x5] =	wrdreg s0;
	s31 =	smax.u32 s2, $0x1;
	s0 =	simm.s32 @!p0 $0x0  }
0xa: {  	s14 =	sor.u32 $0x70, s6;
	v2 =	vor.u32 s9, v7;
	v3 =	vor.u32 s10, v7;
	v4 =	vor.u32 s11, v7;
	[dreg:$0x6] =	wrdreg s31;
	s0 =	simm.s32 @p0 $0x1  }
0xb: {  	s20 =	simm.s32 $0x0;
	s7 =	sshll.u32 s1, $0x3;
	v5 =	vor.u32 s12, v7;
	v6 =	vor.u32 s13, v7;
	v7 =	vor.u32 s14, v7;
	[smem:$0x7FD] =	sst s0  }
.LBB2_4:
0xc: {  	v49 =	vimm.s32 $0x0  }
0xd: {  	v48 =	vimm.s32 $0x0;
	v47 =	vimm.s32 $0x0;
	v46 =	vimm.s32 $0x0  }
0xe: {  	v45 =	vimm.s32 $0x0;
	v44 =	vimm.s32 $0x0;
	v43 =	vimm.s32 $0x0  }
.LBB2_7:
0xf: {  	s0 =	sld [smem:$0x7FC];
	v34 =	vld [tilespmem:$0x1FCB0]  }
0x10: {  	v35 =	vld [tilespmem:$0x1FCC0]  }
0x11: {  	v42 =	vld [tilespmem:$0x1FFE0]  }
0x12: {  	s1 =	simm.s32 $0x1;
	v51 =	vld [tilespmem:$0x1FCD0];
	p0 =	seq.s32 s0, $0x1  }
0x13: {  	v52 =	vld [tilespmem:$0x1FCE0];
	s1 =	simm.s32 @!p0 $0x0  }
0x14: {  	v53 =	vld [tilespmem:$0x1FCF0];
	s0 =	simm.s32 $0x1;
	p0 =	sgt.s32 s23, $0x280;
	v33 =	vmov s1;
	vm8 =	vnez.u8 v34  }
0x15: {  	v54 =	vld [tilespmem:$0x1FD10];
	s0 =	simm.s32 @!p0 $0x0;
	p0 =	sgt.s32 s21, $0x280;
	s21 =	simm.s32 $0x1;
	vm15 =	vnez.u8 v35;
	v34 =	vnsel vm8, $0x0, v33  }
0x16: {  	v36 =	vld [tilespmem:$0x1FD00];
	s21 =	simm.s32 @!p0 $0x0;
	p0 =	sgt.s32 s22, $0x280;
	s22 =	simm.s32 $0x1;
	v34 =	vsel vm15, s0, v34;
	vm15 =	vnez.u8 v42  }
0x17: {  	v55 =	vld [tilespmem:$0x1FD20];
	s23 =	simm.s32 $0x1;
	s22 =	simm.s32 @!p0 $0x0;
	p0 =	sgt.s32 s24, $0x280;
	v34 =	vsel vm15, s21, v34;
	vm15 =	vnez.u8 v51  }
0x18: {  	s3 =	simm.s32 $0x1;
	v56 =	vld [tilespmem:$0x1FD60];
	s23 =	simm.s32 @!p0 $0x0;
	p0 =	sgt.s32 s28, $0x280;
	v34 =	vsel vm15, s22, v34;
	vm15 =	vnez.u8 v52  }
0x19: {  	v57 =	vld [tilespmem:$0x1FD30];
	s3 =	simm.s32 @!p0 $0x0;
	v34 =	vsel vm15, s23, v34;
	vm15 =	vnez.u8 v53  }
0x1a: {  	v58 =	vld [tilespmem:$0x1FD40];
	s24 =	simm.s32 $0x1;
	p0 =	sgt.s32 s26, $0x280;
	v34 =	vsel vm15, s3, v34;
	vm15 =	vnez.u8 v54  }
0x1b: {  	v59 =	vld [tilespmem:$0x1FD80];
	s24 =	simm.s32 @!p0 $0x0;
	v35 =	vnsel vm15, $0x0, v33;
	vm15 =	vnez.u8 v36  }
0x1c: {  	s1 =	simm.s32 $0x1;
	p0 =	sgt.s32 s25, $0x280;
	v34 =	vsel vm15, s24, v34;
	vm15 =	vnez.u8 v55  }
0x1d: {  	v60 =	vld [tilespmem:$0x1FFF0];
	s1 =	simm.s32 @!p0 $0x0;
	v35 =	vsel vm15, s0, v35;
	vm15 =	vnez.u8 v56  }
0x1e: {  	v61 =	vld [tilespmem:$0x1FD90];
	v34 =	vsel vm15, s1, v34;
	vm15 =	vnez.u8 v57  }
0x1f: {  	v62 =	vld [tilespmem:$0x1FD50];
	v35 =	vsel vm15, s21, v35;
	vm15 =	vnez.u8 v58  }
0x20: {  	v63 =	vld [tilespmem:$0x1FDA0];
	v35 =	vsel vm15, s22, v35;
	vm15 =	vnez.u8 v59  }
0x21: {  	vm9 =	vlt.s32 v50, $0x280;
	v38 =	vld [tilespmem:$0x1FD70];
	v36 =	vnsel vm15, $0x0, v33;
	vm15 =	vne.s32 v34, $0x1  }
0x22: {  	v39 =	vld [tilespmem:$0x1FDB0];
	v20 =	vsel vm15, v20, v50;
	vm8 =	vmor vm15, vm9;
	vm15 =	vnez.u8 v60  }
0x23: {  	v17 =	vmul.u32 $0x280, v17;
	v40 =	vld [tilespmem:$0x1FDE0];
	v34 =	vsel vm15, s23, v35;
	vm15 =	vnez.u8 v61  }
0x24: {  	v41 =	vld [tilespmem:$0x1FDC0];
	v18 =	vmul.u32 $0x280, v18;
	v35 =	vsel vm15, s0, v36;
	vm15 =	vnez.u8 v62  }
0x25: {  	v19 =	vmul.u32 $0x280, v19;
	v42 =	vld [tilespmem:$0x1FE00];
	v34 =	vsel vm15, s3, v34;
	vm15 =	vnez.u8 v63  }
0x26: {  	v21 =	vmul.u32 $0x280, v21;
	s28 =	sld [smem:$0x7FD];
	v50 =	vld [tilespmem:$0x1FDD0];
	v35 =	vsel vm15, s21, v35;
	vm15 =	vnez.u8 v38  }
0x27: {  	v51 =	vld [tilespmem:$0x1FE10];
	v17 =	vadd.s32 v17, v20;
	v20 =	vsel vm15, s24, v34;
	vm15 =	vnez.u8 v39  }
0x28: {  	v23 =	vmul.u32 $0x280, v23;
	v34 =	vsel vm15, s22, v35;
	vm15 =	vnez.u8 v40  }
0x29: {  	v25 =	vmul.u32 $0x280, v25;
	v52 =	vld [tilespmem:$0x1FDF0];
	p1 =	seq.s32 s28, $0x1;
	v20 =	vsel vm15, s1, v20;
	vm15 =	vnez.u8 v41  }
0x2a: {  	v53 =	vld [tilespmem:$0x1FE20];
	v16 =	vbroadcast @!p1 v16, $0x0;
	v34 =	vsel vm15, s23, v34;
	vm15 =	vnez.u8 v42  }
0x2b: {  	v54 =	vld [tilespmem:$0x1FE60];
	v14 =	vbroadcast @!p1 v14, $0x0;
	v35 =	vnsel vm15, $0x0, v33;
	vm15 =	vnez.u8 v50  }
0x2c: {  	v55 =	vld [tilespmem:$0x1FE30];
	v17 =	vnsel vm8, $0x1400, v17;
	v34 =	vsel vm15, s3, v34;
	vm15 =	vnez.u8 v51  }
0x2d: {  	v56 =	vld [tilespmem:$0x1FE40];
	vm8 =	vne.s32 v20, $0x1;
	v35 =	vsel vm15, s0, v35;
	vm15 =	vlt.s32 v49, $0x280  }
0x2e: {  	v57 =	vld [tilespmem:$0x1FE50];
	v20 =	vsel vm8, v22, v49;
	vm8 =	vmor vm8, vm15;
	vm15 =	vnez.u8 v52  }
0x2f: {  	v12 =	vbroadcast @!p1 v12, $0x0;
	v58 =	vld [tilespmem:$0x1FE80];
	v22 =	vsel vm15, s24, v34;
	vm15 =	vnez.u8 v53  }
0x30: {  	v13 =	vbroadcast @!p1 v13, $0x0;
	v59 =	vld [tilespmem:$0x1FE70];
	v34 =	vsel vm15, s21, v35;
	vm15 =	vnez.u8 v54  }
0x31: {  	v60 =	vld [tilespmem:$0x1FE90];
	v18 =	vadd.s32 v18, v20;
	v22 =	vsel vm15, s1, v22;
	vm15 =	vnez.u8 v55  }
0x32: {  	v41 =	vld [tilespmem:$0x1FF20];
	v18 =	vnsel vm8, $0x1400, v18;
	v34 =	vsel vm15, s22, v34;
	vm15 =	vnez.u8 v56  }
0x33: {  	v61 =	vld [tilespmem:$0x1FEE0];
	vm8 =	vne.s32 v22, $0x1;
	v20 =	vsel vm15, s23, v34;
	vm15 =	vlt.s32 v48, $0x280  }
0x34: {  	v62 =	vld [tilespmem:$0x1FEA0];
	v22 =	vsel vm8, v24, v48;
	vm8 =	vmor vm8, vm15;
	vm15 =	vnez.u8 v57  }
0x35: {  	vm9 =	vlt.s32 v46, $0x280;
	v63 =	vld [tilespmem:$0x1FEB0];
	v20 =	vsel vm15, s3, v20;
	vm15 =	vnez.u8 v58  }
0x36: {  	v40 =	vnsel vm0, $0x0, v33;
	v42 =	vld [tilespmem:$0x1FF40];
	v24 =	vnsel vm15, $0x0, v33;
	vm15 =	vnez.u8 v59  }
0x37: {  	vm10 =	vnez.u8 v41;
	v34 =	vld [tilespmem:$0x1FEC0];
	v20 =	vsel vm15, s24, v20;
	vm15 =	vnez.u8 v60  }
0x38: {  	v35 =	vld [tilespmem:$0x1FF00];
	v19 =	vadd.s32 v19, v22;
	v24 =	vsel vm15, s0, v24;
	vm15 =	vnez.u8 v61  }
0x39: {  	v36 =	vld [tilespmem:$0x1FED0];
	v19 =	vnsel vm8, $0x1400, v19;
	v20 =	vsel vm15, s1, v20;
	vm15 =	vnez.u8 v62  }
0x3a: {  	v37 =	vld [tilespmem:$0x1FF10];
	v22 =	vsel vm15, s21, v24;
	vm8 =	vne.s32 v20, $0x1;
	vm15 =	vlt.s32 v47, $0x280  }
0x3b: {  	v38 =	vld [tilespmem:$0x1FEF0];
	v20 =	vsel vm8, v26, v47;
	vm8 =	vmor vm8, vm15;
	vm15 =	vnez.u8 v63  }
0x3c: {  	v39 =	vld [tilespmem:$0x1FF30];
	vm11 =	vnez.u8 v42;
	v22 =	vsel vm15, s22, v22;
	vm15 =	vnez.u8 v34  }
0x3d: {  	v56 =	vmul.u32 $0x280, v27;
	v48 =	vld [tilespmem:$0x1FF60];
	v22 =	vsel vm15, s23, v22;
	vm15 =	vnez.u8 v35  }
0x3e: {  	v61 =	vmul.u32 $0x280, v29;
	v47 =	vld [tilespmem:$0x1FF50];
	v24 =	vnsel vm15, $0x0, v33;
	vm15 =	vnez.u8 v36  }
0x3f: {  	v49 =	vld [tilespmem:$0x1FF70];
	v20 =	vadd.s32 v21, v20;
	v21 =	vsel vm15, s3, v22;
	vm15 =	vnez.u8 v37  }
0x40: {  	v52 =	vld [tilespmem:$0x1FF90];
	v20 =	vnsel vm8, $0x1400, v20;
	v22 =	vsel vm15, s0, v24;
	vm15 =	vnez.u8 v38  }
0x41: {  	v24 =	vsel vm1, s0, v40;
	v21 =	vsel vm15, s24, v21;
	vm15 =	vnez.u8 v39  }
0x42: {  	v50 =	vld [tilespmem:$0x1FF80];
	v24 =	vsel vm3, s21, v24;
	v22 =	vsel vm15, s21, v22;
	v21 =	vsel vm10, s1, v21  }
0x43: {  	vm15 =	vnez.u8 v47;
	vm10 =	vnez.u8 v48;
	v24 =	vsel vm2, s22, v24  }
0x44: {  	vm2 =	vmmov @!p1 $0x1;
	v22 =	vsel vm11, s22, v22;
	vm8 =	vne.s32 v21, $0x1  }
0x45: {  	v53 =	vld [tilespmem:$0x1FFA0];
	vm11 =	vnez.u8 v49;
	v24 =	vsel vm4, s23, v24;
	vm4 =	vnez.u8 v52  }
0x46: {  	v55 =	vld [tilespmem:$0x1FFB0];
	v15 =	vnsel @!p1 vm2, $0x0, v15;
	vm2 =	vcmask @!p1 $0x320;
	v22 =	vsel vm15, s23, v22  }
0x47: {  	v21 =	vsel vm8, v28, v46;
	vm0 =	vmor vm8, vm9;
	vm15 =	vnez.u8 v50  }
0x48: {  	v51 =	vsel vm6, s3, v24;
	v24 =	vnsel vm4, $0x0, v33;
	v22 =	vsel vm10, s3, v22  }
0x49: {  	vm8 =	vlt.s32 v45, $0x280;
	v21 =	vadd.s32 v23, v21;
	v22 =	vsel vm11, s24, v22  }
0x4a: {  	v57 =	vld [tilespmem:$0x1FFC0];
	v23 =	vsel vm7, s24, v51;
	vm7 =	vnez.u8 v53;
	v22 =	vsel vm15, s1, v22  }
0x4b: {  	v58 =	vld [tilespmem:$0x1FFD0];
	vm9 =	vnez.u8 v55;
	vm6 =	vne.s32 v22, $0x1;
	v22 =	vsel vm7, s0, v24  }
0x4c: {  	v15 =	vsel @!p1 vm2, v15, v16;
	v21 =	vnsel vm0, $0x1400, v21;
	v22 =	vsel vm9, s21, v22  }
0x4d: {  	v23 =	vsel vm5, s1, v23;
	vm11 =	vlt.s32 v44, $0x280;
	v22 =	vsel vm12, s22, v22  }
0x4e: {  	vm10 =	vne.s32 v23, $0x1;
	vm15 =	vlt.s32 v43, $0x280;
	v22 =	vsel vm13, s23, v22  }
0x4f: {  	[tilespmem:$0x2000] =	vst v17;
	v23 =	vsel vm10, v32, v44;
	vm12 =	vnez.u8 v57;
	v22 =	vsel vm14, s3, v22  }
0x50: {  	[tilespmem:$0x2010] =	vst v18;
	vm1 =	vmor vm10, vm11;
	vm13 =	vnez.u8 v58;
	v22 =	vsel vm12, s24, v22  }
0x51: {  	[tilespmem:$0x2020] =	vst v19;
	v54 =	vsel vm6, v30, v45;
	vm0 =	vmor vm6, vm8;
	v22 =	vsel vm13, s1, v22  }
0x52: {  	[tilespmem:$0x2030] =	vst v20;
	v60 =	vadd.s32 v56, v23;
	v59 =	vadd.s32 v25, v54;
	vm14 =	vne.s32 v22, $0x1  }
0x53: {  	[tilespmem:$0x2040] =	vst v21;
	v17 =	vnsel vm1, $0x1400, v60;
	vm1 =	vcmask @!p1 $0x720;
	v62 =	vsel vm14, v31, v43  }
0x54: {  	v16 =	vnsel vm0, $0x1400, v59;
	[tilespmem:$0x2060] =	vst v17;
	vm0 =	vmor vm14, vm15;
	v63 =	vadd.s32 v61, v62  }
0x55: {  	v14 =	vsel @!p1 vm1, v15, v14;
	[tilespmem:$0x2050] =	vst v16;
	v15 =	vnsel vm0, $0x1400, v63;
	vm0 =	vcmask @!p1 $0xB20  }
0x56: {  	s29 =	rddreg [dreg:$0x5];
	s30 =	simm.s32 $0x2000;
	v11 =	vbroadcast @!p1 v11, $0x0;
	v12 =	vsel @!p1 vm0, v14, v12;
	[tilespmem:$0x2070] =	vst v15;
	vm0 =	vcmask @!p1 $0xF20  }
0x57: {  	v10 =	vbroadcast @!p1 v10, $0x0;
	v12 =	vsel @!p1 vm0, v12, v13;
	[hbm4b:s29+s5] =	stream.linear.scatter [tilespmem:s30], [sflag:$0x1], $0x80, $0x38;
	vm0 =	vcmask @!p1 $0x1320;
	[tilespmem:$0x2100] =	vst v63  }
0x58: {  	v9 =	vbroadcast @!p1 v9, $0x0;
	v11 =	vsel @!p1 vm0, v12, v11;
	_ =	swait.ge [sflag:s17], $0x80;
	vm0 =	vcmask @!p1 $0x1720  }
0x59: {  	v10 =	vsel @!p1 vm0, v11, v10;
	[sflag:s17] =	ssyncset.done $0x0;
	vm0 =	vcmask @!p1 $0x1B20  }
0x5a: {  	v9 =	vsel @!p1 vm0, v10, v9;
	[sflag:s17] =	ssyncadd.s32 $0xFFFFFF80  }
0x5b: {  	s0 =	simm.s32 @!p1 $0x0;
	s1 =	simm.s32 @!p1 $0x2080;
	[tilespmem:$0x2080] =	vst @!p1 v9;
	s2 =	rddreg [dreg:$0x3]  }
0x5c: {  	[hbm4b:s2+s0] =	stream.linear.scatter @!p1 [tilespmem:s1], [sflag:$0x1], $0x80, $0x38;
	[tilespmem:$0x2100] =	vst v63  }
0x5d: {  	s0 =	simm.s32 @!p1 $0x1  }
0x5e: {  	_ =	swait.ge @!p1 [sflag:s0], $0x80  }
0x5f: {  	s20 =	sadd.s32 $0x1, s20;
	s31 =	rddreg [dreg:$0x6]  }
0x60: {  	p0 =	sne.s32 s20, s31  }
.Ltmp1:
0x61: {  	_ = 	snop;
	(pc) =	sbr.rel @!p0 .LBB2_8-.Ltmp1, $3  }
0x62: {  	_ =	sdelay $0x1  }
0x63: {  	[sflag:s0] =	ssyncset.done @!p1 $0x0  }
0x64: {  	[sflag:s0] =	ssyncadd.s32 @!p1 $0xFFFFFF80  }
.LBB2_1:
0x65: {  	s0 =	rddreg [dreg:$0x0]  }
0x66: {  	[tilespmem:s5], [sflag:$0x1] =	stream.linear.gather [hbm4b:s0+s5], $0x1000, $0x38;
	[tilespmem:$0x2100] =	vst v63  }
0x67: {  	_ =	swait.ge [sflag:s17], $0x1000  }
0x68: {  	[sflag:s17] =	ssyncset.done $0x0  }
0x69: {  	[sflag:s17] =	ssyncadd.s32 $0xFFFFF000  }
0x6a: {  	s1 =	simm.s32 $0x1000;
	s31 =	rddreg [dreg:$0x1]  }
0x6b: {  	[tilespmem:s1], [sflag:$0x1] =	stream.linear.gather [hbm4b:s31+s5], $0x1000, $0x38;
	[tilespmem:$0x2100] =	vst v63  }
0x6c: {  	_ =	swait.ge [sflag:s17], $0x1000  }
0x6d: {  	[sflag:s17] =	ssyncset.done $0x0  }
0x6e: {  	[sflag:s17] =	ssyncadd.s32 $0xFFFFF000  }
0x6f: {  	v9 =	vld [tilespmem:s5+$0x0];
	_ =	sdelay $0x2  }
0x70: {  	v15 =	vimm.s32 $0x0  }
0x71: {  	v16 =	vimm.s32 $0x0;
	v17 =	vimm.s32 $0x0;
	v25 =	vimm.s32 $0x0  }
0x72: {  	v26 =	vimm.s32 $0x0;
	vm0 =	veq.s32 v9, $0x0;
	vm1 =	veq.s32 v9, $0x1  }
0x73: {  	vm2 =	veq.s32 v9, $0x7;
	vm3 =	veq.s32 v9, $0x2;
	vm4 =	veq.s32 v9, $0x3  }
0x74: {  	vm15 =	veq.s32 v9, $0x4;
	v10 =	vmpcnt.ones.xlane vm2;
	v22 =	vmpcnt.ones.xlane vm0  }
0x75: {  	vm5 =	veq.s32 v9, $0x5;
	v23 =	vmpcnt.ones.xlane vm1;
	v28 =	vmpcnt.ones.xlane vm3  }
0x76: {  	p1 =	sgt.u32 s7, $0x0;
	s0 =	simm.s32 $0x1;
	vm6 =	veq.s32 v9, $0x6;
	v24 =	vmpcnt.ones.xlane vm4;
	v29 =	vmpcnt.ones.xlane vm15  }
0x77: {  	v27 =	vimm.s32 $0x0;
	s0 =	simm.s32 @!p1 $0x0;
	v30 =	vmpcnt.ones.xlane vm5;
	v31 =	vmpcnt.ones.xlane vm6  }
0x78: {  	v11 =	vmul.u32 s0, v10;
	v9 =	vadd.s32 v8, v10;
	v12 =	vmul.u32 s0, v23  }
0x79: {  	v13 =	vmul.u32 s0, v28;
	v14 =	vmul.u32 s0, v24;
	v33 =	vmul.u32 s0, v29  }
0x7a: {  	v34 =	vmul.u32 s0, v30;
	v35 =	vmul.u32 s0, v31;
	v10 =	vadd.s32 v8, v11  }
0x7b: {  	v11 =	vmul.u32 s0, v22;
	v20 =	vadd.s32 v8, v12;
	v18 =	vadd.s32 v8, v13  }
0x7c: {  	s1 =	simm.s32 $0x10;
	v19 =	vadd.s32 v8, v14;
	v12 =	vimm.s32 $0x0;
	v13 =	vimm.s32 $0x0  }
0x7d: {  	s2 =	simm.s32 $0x2;
	v32 =	vld [tilespmem:s1+$0x0];
	v14 =	vimm.s32 $0x0;
	s0 =	simm.s32 $0x1;
	v21 =	vadd.s32 v8, v11;
	v11 =	vimm.s32 $0x0  }
.LBB2_2:
0x7e: {  	p1 =	sne.s32 s2, $0xFF;
	v11 =	vadd.s32 v11, v33;
	v12 =	vadd.s32 v12, v34;
	v13 =	vadd.s32 v13, v35  }
0x7f: {  	v14 =	vadd.s32 v14, v22;
	v15 =	vadd.s32 v15, v23;
	v16 =	vadd.s32 v16, v28  }
0x80: {  	v17 =	vadd.s32 v17, v24;
	v25 =	vadd.s32 v25, v29;
	v26 =	vadd.s32 v26, v30  }
0x81: {  	v27 =	vadd.s32 v27, v31  }
0x82: {  	vm0 =	veq.s32 v32, $0x0;
	vm1 =	veq.s32 v32, $0x1;
	vm2 =	veq.s32 v32, $0x7  }
0x83: {  	p2 =	slt.u32 s0, s7;
	s0 =	smov.u32 s2;
	s3 =	simm.s32 $0x1;
	vm3 =	veq.s32 v32, $0x2;
	vm4 =	veq.s32 v32, $0x3;
	v29 =	vmpcnt.ones.xlane vm2  }
0x84: {  	s3 =	simm.s32 @!p2 $0x0;
	vm5 =	veq.s32 v32, $0x5;
	vm6 =	veq.s32 v32, $0x6;
	vm2 =	veq.s32 v32, $0x4  }
0x85: {  	v22 =	vmpcnt.ones.xlane vm0;
	v23 =	vmpcnt.ones.xlane vm1;
	v31 =	vmul.u32 s3, v29  }
0x86: {  	v28 =	vmpcnt.ones.xlane vm3;
	v24 =	vmpcnt.ones.xlane vm4;
	v9 =	vadd.s32 v9, v29  }
.Ltmp2:
0x87: {  	v30 =	vmpcnt.ones.xlane vm5;
	v29 =	vmpcnt.ones.xlane vm2;
	v10 =	vadd.s32 v10, v31;
	(pc) =	sbr.rel @p1 .LBB2_2-.Ltmp2, $4  }
0x88: {  	v32 =	vmul.u32 s3, v22;
	v36 =	vmul.u32 s3, v23;
	v31 =	vmpcnt.ones.xlane vm6  }
0x89: {  	v37 =	vmul.u32 s3, v28;
	v38 =	vmul.u32 s3, v24;
	v33 =	vmul.u32 s3, v29  }
0x8a: {  	s1 =	sadd.s32 $0x10, s1;
	v34 =	vmul.u32 s3, v30;
	v21 =	vadd.s32 v21, v32;
	v35 =	vmul.u32 s3, v31  }
0x8b: {  	s2 =	sadd.s32 $0x1, s2;
	v20 =	vadd.s32 v20, v36;
	v18 =	vadd.s32 v18, v37;
	v19 =	vadd.s32 v19, v38;
	v32 =	vld [tilespmem:s1+$0x0]  }
0x8c: {  	v33 =	vadd.s32 v11, v33;
	v34 =	vadd.s32 v12, v34  }
0x8d: {  	v35 =	vadd.s32 v13, v35;
	v11 =	vadd.s32 v14, v22;
	v12 =	vadd.s32 v15, v23  }
0x8e: {  	v13 =	vadd.s32 v16, v28;
	v17 =	vadd.s32 v17, v24;
	v23 =	vadd.s32 v25, v29  }
0x8f: {  	v24 =	vadd.s32 v26, v30;
	v25 =	vadd.s32 v27, v31;
	v58 =	vimm.s32 $0x0  }
0x90: {  	v59 =	vimm.s32 $0x0;
	v62 =	vimm.s32 $0x0;
	v38 =	vimm.s32 $0x0  }
0x91: {  	v40 =	vimm.s32 $0x0;
	v44 =	vimm.s32 $0x0;
	v45 =	vimm.s32 $0x0  }
0x92: {  	v53 =	vimm.s32 $0x0;
	vm0 =	veq.s32 v32, $0x0;
	vm1 =	veq.s32 v32, $0x1  }
0x93: {  	vm2 =	veq.s32 v32, $0x7;
	vm3 =	veq.s32 v32, $0x2;
	vm4 =	veq.s32 v32, $0x3  }
0x94: {  	vm5 =	veq.s32 v32, $0x5;
	v14 =	vmpcnt.ones.xlane vm2;
	v16 =	vmpcnt.ones.xlane vm0  }
0x95: {  	p1 =	slt.u32 s0, s7;
	s0 =	simm.s32 $0x1;
	vm6 =	veq.s32 v32, $0x6;
	v26 =	vmpcnt.ones.xlane vm1;
	v27 =	vmpcnt.ones.xlane vm3  }
0x96: {  	s0 =	simm.s32 @!p1 $0x0;
	vm2 =	veq.s32 v32, $0x4;
	v28 =	vmpcnt.ones.xlane vm4;
	v30 =	vmpcnt.ones.xlane vm5  }
0x97: {  	v32 =	vmpcnt.ones.xlane vm6;
	v29 =	vmpcnt.ones.xlane vm2;
	v15 =	vmul.u32 s0, v14  }
0x98: {  	v9 =	vadd.s32 v9, v14;
	v31 =	vmul.u32 s0, v16;
	v14 =	vadd.s32 v13, v27  }
0x99: {  	v27 =	vmul.u32 s0, v27;
	v13 =	vadd.s32 v23, v29;
	v23 =	vmul.u32 s0, v28  }
0x9a: {  	v22 =	vadd.s32 v10, v15;
	v15 =	vadd.s32 v11, v16;
	v16 =	vadd.s32 v12, v26  }
0x9b: {  	v26 =	vmul.u32 s0, v26;
	v12 =	vadd.s32 v17, v28;
	v11 =	vadd.s32 v24, v30  }
0x9c: {  	v17 =	vld [tilespmem:s6+$0x0];
	v24 =	vmul.u32 s0, v29;
	v10 =	vadd.s32 v25, v32;
	v21 =	vadd.s32 v21, v31  }
0x9d: {  	v25 =	vmul.u32 s0, v30;
	v28 =	vmul.u32 s0, v32;
	(v2sf) =	vpush v15, $0x0  }
0x9e: {  	v18 =	vadd.s32 v18, v27;
	v29 =	vimm.s32 $0x0;
	(v2sf) =	vpush v16, $0x0  }
0x9f: {  	v30 =	vimm.s32 $0x0;
	v31 =	vimm.s32 $0x0;
	(v2sf) =	vpush v14, $0x0  }
0xa0: {  	v19 =	vadd.s32 v19, v23;
	v20 =	vadd.s32 v20, v26;
	(v2sf) =	vpush v12, $0x0  }
0xa1: {  	v23 =	vadd.s32 v33, v24;
	(v2sf) =	vpush v13, $0x0;
	vm0 =	veq.s32 v17, $0x0  }
0xa2: {  	v24 =	vadd.s32 v34, v25;
	(v2sf) =	vpush v11, $0x0;
	v26 =	vsel vm0, $0x1, v8  }
0xa3: {  	v25 =	vadd.s32 v35, v28;
	v28 =	vimm.s32 $0x0;
	(v2sf) =	vpush v10, $0x0;
	(xrf0) =	vadd.scan.msk.s32 $0xffff, v26  }
0xa4: {  	vm1 =	veq.s32 v17, $0x1;
	vm8 =	veq.s32 v17, $0x2;
	(v2sf) =	vpush v9, $0x0  }
0xa5: {  	vm2 =	veq.s32 v17, $0x3;
	v26 =	vsel vm1, $0x1, v8;
	(v2sf) =	vpush v21, $0x0  }
0xa6: {  	vm3 =	veq.s32 v17, $0x4;
	(xrf0) =	vadd.scan.msk.s32 $0xffff, v26;
	v26 =	vsel vm8, $0x1, v8;
	(v2sf) =	vpush v20, $0x0  }
0xa7: {  	v27 =	vmpcnt.ones.xlane vm0;
	v21 =	vadd.s32 $0xFFFFFFFF, v21;
	(v2sf) =	vpush v18, $0x0  }
0xa8: {  	v28 =	vsel vm0, $0xFFFFFFFF, v28;
	(xrf0) =	vadd.scan.msk.s32 $0xffff, v26;
	v21 =	vbroadcast v21, $0x0;
	(v2sf) =	vpush v19, $0x0  }
0xa9: {  	v20 =	vadd.s32 $0xFFFFFFFF, v20;
	v18 =	vadd.s32 $0xFFFFFFFF, v18;
	(v2sf) =	vpush v23, $0x0;
	v26, _, _ =	vpop (xrf0)  }
0xaa: {  	(v2sf) =	vpush v24, $0x0;
	v21 =	vadd.s32 v26, v21;
	v26 =	vmpcnt.ones.xlane vm1  }
0xab: {  	v20 =	vbroadcast v20, $0x0;
	v18 =	vbroadcast v18, $0x0;
	(v2sf) =	vpush v25, $0x0  }
0xac: {  	[tilespmem:$0x1FCB0] =	vst v28;
	v23 =	vadd.s32 $0xFFFFFFFF, v23;
	v28, _, _ =	vpop (xrf0);
	v21 =	vnsel vm0, $0x0, v21;
	(v2sf) =	vpush v22, $0x0  }
0xad: {  	v20 =	vadd.s32 v28, v20;
	s29 =	spop (v2sf);
	(v2sf) =	vpush v27, $0x0;
	v27 =	vsel vm2, $0x1, v8  }
0xae: {  	v23 =	vbroadcast v23, $0x0;
	v20 =	vsel vm1, v20, v21;
	s23 =	spop (v2sf);
	(xrf0) =	vadd.scan.msk.s32 $0xffff, v27;
	(v2sf) =	vpush v26, $0x0;
	v26, _, _ =	vpop (xrf0)  }
0xaf: {  	v27 =	vsel vm3, $0x1, v8;
	v21 =	vadd.s32 v26, v18;
	v18 =	vadd.s32 $0xFFFFFFFF, v19  }
0xb0: {  	v28 =	vmpcnt.ones.xlane vm8;
	(xrf0) =	vadd.scan.msk.s32 $0xffff, v27;
	v27 =	vimm.s32 $0x0;
	v19 =	vbroadcast v18, $0x0;
	v18 =	vld [tilespmem:s8+$0x0]  }
0xb1: {  	vm0 =	veq.s32 v17, $0x6;
	v27 =	vsel vm1, $0xFFFFFFFF, v27;
	vm1 =	veq.s32 v17, $0x5  }
0xb2: {  	s21 =	spop (v2sf);
	(v2sf) =	vpush v28, $0x0;
	[tilespmem:$0x1FCC0] =	vst v27;
	v26 =	vsel vm1, $0x1, v8;
	v27 =	vmpcnt.ones.xlane vm2  }
0xb3: {  	s22 =	spop (v2sf);
	v28 =	vimm.s32 $0x0;
	v20 =	vsel vm8, v21, v20;
	(xrf0) =	vadd.scan.msk.s32 $0xffff, v26;
	v26 =	vsel vm0, $0x1, v8  }
0xb4: {  	s24 =	spop (v2sf);
	(v2sf) =	vpush v27, $0x0;
	v27 =	vimm.s32 $0x0;
	v21, _, _ =	vpop (xrf0);
	(xrf0) =	vadd.scan.msk.s32 $0xffff, v26;
	v26 =	vmpcnt.ones.xlane vm3  }
0xb5: {  	s28 =	spop (v2sf);
	v27 =	vsel vm2, $0xFFFFFFFF, v27;
	v19 =	vadd.s32 v21, v19;
	vm4 =	veq.s32 v18, $0x0  }
0xb6: {  	s26 =	spop (v2sf);
	v21, _, _ =	vpop (xrf0);
	[tilespmem:$0x1FCD0] =	vst v27;
	v27 =	vimm.s32 $0x0;
	vm9 =	veq.s32 v18, $0x4;
	v19 =	vsel vm2, v19, v20  }
0xb7: {  	s25 =	spop (v2sf);
	v20 =	vadd.s32 v21, v23;
	v21 =	vadd.s32 $0xFFFFFFFF, v24;
	(v2sf) =	vpush v26, $0x0  }
0xb8: {  	s3 =	spop (v2sf);
	vm2 =	veq.s32 v17, $0x7;
	v23 =	vadd.s32 $0xFFFFFFFF, v25;
	v26 =	vmpcnt.ones.xlane vm1  }
0xb9: {  	s16 =	spop (v2sf);
	v27 =	vsel vm3, $0xFFFFFFFF, v27;
	v21 =	vbroadcast v21, $0x0;
	v24 =	vsel vm2, $0x1, v8  }
0xba: {  	s18 =	spop (v2sf);
	v23 =	vbroadcast v23, $0x0;
	[tilespmem:$0x1FCE0] =	vst v27;
	v19 =	vsel vm3, v20, v19;
	vm3 =	veq.s32 v18, $0x3  }
0xbb: {  	s1 =	spop (v2sf);
	v27 =	vimm.s32 $0x0;
	v25, _, _ =	vpop (xrf0);
	(xrf0) =	vadd.scan.msk.s32 $0xffff, v24;
	v24 =	vsel vm4, $0x1, v8;
	(v2sf) =	vpush v26, $0x0  }
0xbc: {  	s2 =	spop (v2sf);
	v20 =	vadd.s32 v25, v21;
	v25 =	vmpcnt.ones.xlane vm0;
	(xrf0) =	vadd.scan.msk.s32 $0xffff, v24;
	v24 =	vimm.s32 $0x0  }
0xbd: {  	s4 =	spop (v2sf);
	v24 =	vsel vm1, $0xFFFFFFFF, v24;
	v19 =	vsel vm1, v20, v19;
	vm1 =	veq.s32 v18, $0x2  }
0xbe: {  	v27 =	vsel vm4, $0xFFFFFFFF, v27;
	s15 =	spop (v2sf);
	v21, _, _ =	vpop (xrf0);
	[tilespmem:$0x1FCF0] =	vst v24;
	(v2sf) =	vpush v25, $0x0;
	v24 =	vsel vm1, $0x1, v8  }
0xbf: {  	s0 =	spop (v2sf);
	v25 =	vmpcnt.ones.xlane vm4;
	v20 =	vadd.s32 v21, v23;
	v21 =	vimm.s32 $0x0  }
0xc0: {  	v28 =	vsel vm1, $0xFFFFFFFF, v28;
	s19 =	spop (v2sf);
	v23 =	vmpcnt.ones.xlane vm2;
	v21 =	vsel vm0, $0xFFFFFFFF, v21  }
0xc1: {  	[tilespmem:$0x1FD30] =	vst v28;
	s3 =	sadd.s32 s3, s19;
	v20 =	vsel vm0, v20, v19;
	vm0 =	veq.s32 v18, $0x1;
	v19 =	vadd.s32 $0xFFFFFFFF, v22;
	s30 =	spop (v2sf)  }
0xc2: {  	[tilespmem:$0x1FD00] =	vst v21;
	v21 =	vmov s3;
	v22 =	vsel vm0, $0x1, v8;
	v19 =	vbroadcast v19, $0x0;
	s31 =	spop (v2sf)  }
0xc3: {  	v28 =	vimm.s32 $0x0;
	s30 =	sadd.s32 s16, s30;
	(v2sf) =	vpush v23, $0x0;
	v21 =	vadd.s32 $0xFFFFFFFF, v21;
	(xrf0) =	vadd.scan.msk.s32 $0xffff, v22;
	s31 =	sadd.s32 s18, s31  }
0xc4: {  	v26 =	vmov s30;
	(v2sf) =	vpush v25, $0x0;
	v23 =	vmov s31  }
0xc5: {  	v21 =	vbroadcast v21, $0x0;
	v22, _, _ =	vpop (xrf0);
	(xrf0) =	vadd.scan.msk.s32 $0xffff, v24;
	v24 =	vsel vm3, $0x1, v8;
	v23 =	vadd.s32 $0xFFFFFFFF, v23  }
0xc6: {  	v22 =	vadd.s32 v22, v19;
	v19, _, _ =	vpop (xrf0);
	(xrf0) =	vadd.scan.msk.s32 $0xffff, v24;
	v24 =	vsel vm9, $0x1, v8;
	v23 =	vbroadcast v23, $0x0  }
0xc7: {  	v19 =	vadd.s32 v19, v21;
	v21 =	vadd.s32 $0xFFFFFFFF, v26;
	v26 =	vmpcnt.ones.xlane vm0  }
0xc8: {  	v20 =	vsel vm2, v22, v20;
	v22 =	vimm.s32 $0x0;
	v21 =	vbroadcast v21, $0x0  }
0xc9: {  	s19 =	spop (v2sf);
	v19 =	vnsel vm4, $0x0, v19;
	vm4 =	veq.s32 v18, $0x5;
	v25, _, _ =	vpop (xrf0);
	(xrf0) =	vadd.scan.msk.s32 $0xffff, v24;
	v24 =	vimm.s32 $0x0  }
0xca: {  	s18 =	spop (v2sf);
	(v2sf) =	vpush v26, $0x0;
	v26 =	vsel vm4, $0x1, v8;
	v21 =	vadd.s32 v25, v21  }
0xcb: {  	s1 =	sadd.s32 s1, s19;
	v28 =	vsel vm4, $0xFFFFFFFF, v28;
	v24 =	vsel vm0, $0xFFFFFFFF, v24;
	s2 =	sadd.s32 s2, s18;
	v21 =	vsel vm0, v21, v19  }
0xcc: {  	[tilespmem:$0x1FD20] =	vst v24;
	v19, _, _ =	vpop (xrf0);
	v24 =	vmov s1;
	v25 =	vmov s2;
	vm0 =	veq.s32 v18, $0x6  }
0xcd: {  	v23 =	vadd.s32 v19, v23;
	v19 =	vmpcnt.ones.xlane vm1;
	v24 =	vadd.s32 $0xFFFFFFFF, v24  }
0xce: {  	(xrf0) =	vadd.scan.msk.s32 $0xffff, v26;
	v25 =	vadd.s32 $0xFFFFFFFF, v25;
	v26 =	vsel vm0, $0x1, v8;
	v24 =	vbroadcast v24, $0x0  }
0xcf: {  	[tilespmem:$0x1FD10] =	vst v27;
	v27, _, _ =	vpop (xrf0);
	v22 =	vsel vm0, $0xFFFFFFFF, v22;
	v25 =	vbroadcast v25, $0x0;
	v21 =	vsel vm1, v23, v21  }
0xd0: {  	vm1 =	veq.s32 v18, $0x7;
	v23 =	vadd.s32 v27, v24;
	v27, _, _ =	vpop (xrf0);
	(xrf0) =	vadd.scan.msk.s32 $0xffff, v26;
	v26 =	vimm.s32 $0x0  }
0xd1: {  	s19 =	spop (v2sf);
	(v2sf) =	vpush v19, $0x0;
	v19 =	vld [tilespmem:s9+$0x0];
	v24 =	vmpcnt.ones.xlane vm3;
	v26 =	vsel vm3, $0xFFFFFFFF, v26  }
0xd2: {  	s4 =	sadd.s32 s4, s19;
	s18 =	spop (v2sf);
	v21 =	vsel vm3, v23, v21;
	v23 =	vadd.s32 v27, v25;
	v25 =	vmpcnt.ones.xlane vm9  }
0xd3: {  	s18 =	sadd.s32 s15, s18;
	(v2sf) =	vpush v24, $0x0;
	v21 =	vsel vm9, v23, v21;
	v23 =	vmov s4  }
0xd4: {  	[tilespmem:$0x1FD40] =	vst v26;
	v24 =	vmov s18;
	v26 =	vsel vm1, $0x1, v8;
	v23 =	vadd.s32 $0xFFFFFFFF, v23  }
0xd5: {  	(v2sf) =	vpush v25, $0x0;
	v24 =	vadd.s32 $0xFFFFFFFF, v24;
	v23 =	vbroadcast v23, $0x0  }
0xd6: {  	v24 =	vbroadcast v24, $0x0;
	vm3 =	veq.s32 v19, $0x0;
	vm5 =	veq.s32 v19, $0x4;
	v25, _, _ =	vpop (xrf0)  }
0xd7: {  	(xrf0) =	vadd.scan.msk.s32 $0xffff, v26;
	v26 =	vsel vm3, $0x1, v8;
	v29 =	vsel vm3, $0xFFFFFFFF, v29;
	v23 =	vadd.s32 v25, v23  }
0xd8: {  	v25 =	vmpcnt.ones.xlane vm4;
	v27, _, _ =	vpop (xrf0);
	(xrf0) =	vadd.scan.msk.s32 $0xffff, v26;
	v26 =	vimm.s32 $0x0;
	v21 =	vsel vm4, v23, v21  }
0xd9: {  	s19 =	spop (v2sf);
	v23 =	vadd.s32 v27, v24;
	v24 =	vmpcnt.ones.xlane vm0;
	v26 =	vsel vm2, $0xFFFFFFFF, v26  }
0xda: {  	s0 =	sadd.s32 s0, s19;
	s16 =	spop (v2sf);
	vm2 =	veq.s32 v19, $0x2;
	v27 =	vmpcnt.ones.xlane vm3;
	vm4 =	veq.s32 v19, $0x3  }
0xdb: {  	[tilespmem:$0x1FD70] =	vst v22;
	s3 =	sadd.s32 s3, s16;
	(v2sf) =	vpush v25, $0x0;
	v22 =	vsel vm0, v23, v21;
	v21 =	vmov s0  }
0xdc: {  	vm0 =	veq.s32 v19, $0x1;
	v23 =	vmov s3;
	v25 =	vmpcnt.ones.xlane vm1  }
0xdd: {  	(v2sf) =	vpush v24, $0x0;
	v21 =	vadd.s32 $0xFFFFFFFF, v21;
	v24 =	vsel vm0, $0x1, v8  }
0xde: {  	[tilespmem:$0x1FD60] =	vst v26;
	v26 =	vsel vm2, $0x1, v8;
	v30 =	vsel vm2, $0xFFFFFFFF, v30;
	s19 =	spop (v2sf);
	v21 =	vbroadcast v21, $0x0  }
0xdf: {  	v23 =	vadd.s32 $0xFFFFFFFF, v23;
	[tilespmem:$0x1FDA0] =	vst v30;
	v30 =	vimm.s32 $0x0;
	(xrf0) =	vadd.scan.msk.s32 $0xffff, v24;
	s30 =	sadd.s32 s30, s19  }
0xe0: {  	[tilespmem:$0x1FD50] =	vst v28;
	v23 =	vbroadcast v23, $0x0;
	(v2sf) =	vpush v25, $0x0;
	v28 =	vmov s30;
	v24, _, _ =	vpop (xrf0)  }
0xe1: {  	(xrf0) =	vadd.scan.msk.s32 $0xffff, v26;
	v26 =	vsel vm4, $0x1, v8;
	v24 =	vadd.s32 v24, v21;
	s16 =	spop (v2sf);
	(v2sf) =	vpush v27, $0x0  }
0xe2: {  	v21, _, _ =	vpop (xrf0);
	(xrf0) =	vadd.scan.msk.s32 $0xffff, v26;
	v26 =	vsel vm5, $0x1, v8;
	v22 =	vsel vm1, v24, v22;
	v24 =	vimm.s32 $0x0  }
0xe3: {  	v21 =	vadd.s32 v21, v23;
	v23 =	vadd.s32 $0xFFFFFFFF, v28;
	s31 =	sadd.s32 s31, s16;
	v28 =	vmpcnt.ones.xlane vm0  }
0xe4: {  	v23 =	vbroadcast v23, $0x0;
	v25 =	vmov s31;
	v21 =	vnsel vm3, $0x0, v21  }
0xe5: {  	v27, _, _ =	vpop (xrf0);
	(xrf0) =	vadd.scan.msk.s32 $0xffff, v26;
	v26 =	vimm.s32 $0x0;
	vm3 =	veq.s32 v19, $0x5;
	v25 =	vadd.s32 $0xFFFFFFFF, v25  }
0xe6: {  	s19 =	spop (v2sf);
	v26 =	vsel vm0, $0xFFFFFFFF, v26;
	(v2sf) =	vpush v28, $0x0;
	v28 =	vsel vm3, $0x1, v8  }
0xe7: {  	v30 =	vsel vm3, $0xFFFFFFFF, v30;
	s1 =	sadd.s32 s1, s19;
	v23 =	vadd.s32 v27, v23;
	v25 =	vbroadcast v25, $0x0  }
0xe8: {  	s16 =	spop (v2sf);
	[tilespmem:$0x1FD90] =	vst v26;
	v23 =	vsel vm0, v23, v21;
	v21, _, _ =	vpop (xrf0);
	v26 =	vmov s1;
	vm0 =	veq.s32 v19, $0x6  }
0xe9: {  	s2 =	sadd.s32 s2, s16;
	v25 =	vadd.s32 v21, v25;
	v21 =	vmpcnt.ones.xlane vm2;
	v26 =	vadd.s32 $0xFFFFFFFF, v26  }
0xea: {  	(xrf0) =	vadd.scan.msk.s32 $0xffff, v28;
	v27 =	vmov s2;
	v28 =	vsel vm0, $0x1, v8;
	v24 =	vsel vm0, $0xFFFFFFFF, v24  }
0xeb: {  	v26 =	vbroadcast v26, $0x0;
	v27 =	vadd.s32 $0xFFFFFFFF, v27;
	v23 =	vsel vm2, v25, v23  }
0xec: {  	[tilespmem:$0x1FD80] =	vst v29;
	v29, _, _ =	vpop (xrf0);
	vm2 =	veq.s32 v19, $0x7;
	(v2sf) =	vpush v21, $0x0;
	v27 =	vbroadcast v27, $0x0  }
0xed: {  	v21 =	vld [tilespmem:s10+$0x0];
	v25 =	vadd.s32 v29, v26;
	v26 =	vmpcnt.ones.xlane vm4;
	v29, _, _ =	vpop (xrf0);
	(xrf0) =	vadd.scan.msk.s32 $0xffff, v28;
	v28 =	vimm.s32 $0x0  }
0xee: {  	s19 =	spop (v2sf);
	v28 =	vsel vm4, $0xFFFFFFFF, v28;
	v23 =	vsel vm4, v25, v23;
	v25 =	vadd.s32 v29, v27  }
0xef: {  	s4 =	sadd.s32 s4, s19;
	v27 =	vmpcnt.ones.xlane vm5;
	(v2sf) =	vpush v26, $0x0;
	v26 =	vimm.s32 $0x0  }
0xf0: {  	s16 =	spop (v2sf);
	[tilespmem:$0x1FDB0] =	vst v28;
	v23 =	vsel vm5, v25, v23;
	v25 =	vmov s4;
	v28 =	vsel vm2, $0x1, v8  }
0xf1: {  	s18 =	sadd.s32 s18, s16;
	v26 =	vsel vm5, $0xFFFFFFFF, v26;
	(v2sf) =	vpush v27, $0x0;
	v25 =	vadd.s32 $0xFFFFFFFF, v25  }
0xf2: {  	[tilespmem:$0x1FDC0] =	vst v26;
	v26 =	vmov s18;
	v25 =	vbroadcast v25, $0x0;
	vm4 =	veq.s32 v21, $0x0  }
0xf3: {  	vm5 =	veq.s32 v21, $0x4;
	v26 =	vadd.s32 $0xFFFFFFFF, v26;
	v27, _, _ =	vpop (xrf0);
	(xrf0) =	vadd.scan.msk.s32 $0xffff, v28;
	v28 =	vsel vm4, $0x1, v8  }
0xf4: {  	v31 =	vsel vm4, $0xFFFFFFFF, v31;
	v26 =	vbroadcast v26, $0x0;
	v25 =	vadd.s32 v27, v25  }
0xf5: {  	v27 =	vmpcnt.ones.xlane vm3;
	(xrf0) =	vadd.scan.msk.s32 $0xffff, v28;
	v28 =	vimm.s32 $0x0;
	v23 =	vsel vm3, v25, v23  }
0xf6: {  	s19 =	spop (v2sf);
	v29, _, _ =	vpop (xrf0);
	v28 =	vsel vm1, $0xFFFFFFFF, v28;
	vm1 =	veq.s32 v21, $0x2;
	vm3 =	veq.s32 v21, $0x3  }
0xf7: {  	s0 =	sadd.s32 s0, s19;
	v25 =	vadd.s32 v29, v26;
	v26 =	vmpcnt.ones.xlane vm0;
	(v2sf) =	vpush v27, $0x0  }
0xf8: {  	[tilespmem:$0x1FDF0] =	vst v24;
	s16 =	spop (v2sf);
	v24 =	vsel vm0, v25, v23;
	v23 =	vmov s0;
	vm0 =	veq.s32 v21, $0x1  }
0xf9: {  	s3 =	sadd.s32 s3, s16;
	(v2sf) =	vpush v26, $0x0;
	v23 =	vadd.s32 $0xFFFFFFFF, v23;
	v26 =	vsel vm0, $0x1, v8  }
0xfa: {  	[tilespmem:$0x1FDE0] =	vst v28;
	v27 =	vmpcnt.ones.xlane vm2;
	v25 =	vmov s3;
	s19 =	spop (v2sf);
	v23 =	vbroadcast v23, $0x0  }
0xfb: {  	v28 =	vsel vm1, $0x1, v8;
	v29 =	vmpcnt.ones.xlane vm4;
	v25 =	vadd.s32 $0xFFFFFFFF, v25;
	s30 =	sadd.s32 s30, s19;
	(xrf0) =	vadd.scan.msk.s32 $0xffff, v26  }
0xfc: {  	[tilespmem:$0x1FDD0] =	vst v30;
	v32 =	vsel vm1, $0xFFFFFFFF, v58;
	v25 =	vbroadcast v25, $0x0;
	v30 =	vmov s30;
	v26, _, _ =	vpop (xrf0)  }
0xfd: {  	(v2sf) =	vpush v27, $0x0;
	(xrf0) =	vadd.scan.msk.s32 $0xffff, v28;
	v28 =	vsel vm3, $0x1, v8;
	v26 =	vadd.s32 v26, v23  }
0xfe: {  	s16 =	spop (v2sf);
	(v2sf) =	vpush v29, $0x0;
	v23, _, _ =	vpop (xrf0);
	(xrf0) =	vadd.scan.msk.s32 $0xffff, v28;
	v28 =	vsel vm5, $0x1, v8;
	v24 =	vsel vm2, v26, v24  }
0xff: {  	s31 =	sadd.s32 s31, s16;
	v26 =	vimm.s32 $0x0;
	v23 =	vadd.s32 v23, v25;
	v25 =	vadd.s32 $0xFFFFFFFF, v30  }
0x100: {  	v27 =	vmov s31;
	v30 =	vmpcnt.ones.xlane vm0;
	v25 =	vbroadcast v25, $0x0  }
0x101: {  	s19 =	spop (v2sf);
	v29, _, _ =	vpop (xrf0);
	v27 =	vadd.s32 $0xFFFFFFFF, v27;
	v23 =	vnsel vm4, $0x0, v23;
	(xrf0) =	vadd.scan.msk.s32 $0xffff, v28;
	v28 =	vimm.s32 $0x0  }
0x102: {  	vm4 =	veq.s32 v21, $0x6;
	s1 =	sadd.s32 s1, s19;
	v27 =	vbroadcast v27, $0x0;
	v28 =	vsel vm0, $0xFFFFFFFF, v28  }
0x103: {  	s16 =	spop (v2sf);
	(v2sf) =	vpush v30, $0x0;
	v25 =	vadd.s32 v29, v25;
	[tilespmem:$0x1FE10] =	vst v28;
	v28 =	vmov s1  }
0x104: {  	v26 =	vsel vm4, $0xFFFFFFFF, v26;
	s2 =	sadd.s32 s2, s16;
	v25 =	vsel vm0, v25, v23;
	v23, _, _ =	vpop (xrf0);
	v28 =	vadd.s32 $0xFFFFFFFF, v28  }
0x105: {  	v29 =	vmov s2;
	vm0 =	veq.s32 v21, $0x5;
	v27 =	vadd.s32 v23, v27  }
0x106: {  	[tilespmem:$0x1FE00] =	vst v31;
	v23 =	vmpcnt.ones.xlane vm1;
	v28 =	vbroadcast v28, $0x0;
	v29 =	vadd.s32 $0xFFFFFFFF, v29  }
0x107: {  	[tilespmem:$0x1FE20] =	vst v32;
	v30 =	vsel vm0, $0x1, v8;
	v32 =	vsel vm0, $0xFFFFFFFF, v59;
	v59 =	vimm.s32 $0x0  }
0x108: {  	v31, _, _ =	vpop (xrf0);
	v29 =	vbroadcast v29, $0x0;
	(xrf0) =	vadd.scan.msk.s32 $0xffff, v30;
	v30 =	vsel vm4, $0x1, v8;
	v25 =	vsel vm1, v27, v25  }
0x109: {  	v27 =	vadd.s32 v31, v28;
	v28 =	vmpcnt.ones.xlane vm3;
	v31, _, _ =	vpop (xrf0);
	(xrf0) =	vadd.scan.msk.s32 $0xffff, v30;
	v30 =	vimm.s32 $0x0  }
0x10a: {  	(v2sf) =	vpush v23, $0x0;
	v23 =	vld [tilespmem:s11+$0x0];
	s19 =	spop (v2sf);
	v30 =	vsel vm3, $0xFFFFFFFF, v30;
	v25 =	vsel vm3, v27, v25  }
0x10b: {  	s4 =	sadd.s32 s4, s19;
	v27 =	vadd.s32 v31, v29;
	v29 =	vmpcnt.ones.xlane vm5;
	(v2sf) =	vpush v28, $0x0  }
0x10c: {  	s16 =	spop (v2sf);
	v28 =	vimm.s32 $0x0;
	v25 =	vsel vm5, v27, v25;
	v27 =	vmov s4  }
0x10d: {  	vm1 =	veq.s32 v21, $0x7;
	[tilespmem:$0x1FE30] =	vst v30;
	s18 =	sadd.s32 s18, s16;
	v28 =	vsel vm5, $0xFFFFFFFF, v28;
	v27 =	vadd.s32 $0xFFFFFFFF, v27  }
0x10e: {  	v30 =	vsel vm1, $0x1, v8;
	[tilespmem:$0x1FE40] =	vst v28;
	v28 =	vmov s18;
	v27 =	vbroadcast v27, $0x0  }
0x10f: {  	(v2sf) =	vpush v29, $0x0;
	v28 =	vadd.s32 $0xFFFFFFFF, v28;
	v29, _, _ =	vpop (xrf0);
	vm3 =	veq.s32 v23, $0x0  }
0x110: {  	vm5 =	veq.s32 v23, $0x4;
	v28 =	vbroadcast v28, $0x0;
	v27 =	vadd.s32 v29, v27  }
0x111: {  	(xrf0) =	vadd.scan.msk.s32 $0xffff, v30;
	v29 =	vmpcnt.ones.xlane vm0;
	v30 =	vsel vm3, $0x1, v8;
	v33 =	vsel vm3, $0xFFFFFFFF, v62  }
0x112: {  	v31, _, _ =	vpop (xrf0);
	v62 =	vimm.s32 $0x0;
	v25 =	vsel vm0, v27, v25;
	(xrf0) =	vadd.scan.msk.s32 $0xffff, v30;
	v30 =	vimm.s32 $0x0  }
0x113: {  	s19 =	spop (v2sf);
	vm0 =	veq.s32 v23, $0x1;
	v27 =	vadd.s32 v31, v28;
	v28 =	vmpcnt.ones.xlane vm4  }
0x114: {  	s16 =	spop (v2sf);
	v30 =	vsel vm2, $0xFFFFFFFF, v30;
	(v2sf) =	vpush v29, $0x0;
	v29 =	vmpcnt.ones.xlane vm1  }
0x115: {  	s19 =	sadd.s32 s0, s19;
	s15 =	sadd.s32 s3, s16;
	vm2 =	veq.s32 v23, $0x2;
	v31 =	vmpcnt.ones.xlane vm3;
	v61 =	vmpcnt.ones.xlane vm0  }
0x116: {  	[tilespmem:$0x1FE70] =	vst v26;
	v26 =	vsel vm4, v27, v25;
	v25 =	vmov s19;
	v27 =	vmov s15  }
0x117: {  	[tilespmem:$0x1FE50] =	vst v32;
	(v2sf) =	vpush v28, $0x0;
	v25 =	vadd.s32 $0xFFFFFFFF, v25;
	v28 =	vsel vm0, $0x1, v8  }
0x118: {  	[tilespmem:$0x1FE60] =	vst v30;
	v30 =	vsel vm2, $0x1, v8;
	vm4 =	veq.s32 v23, $0x3;
	v25 =	vbroadcast v25, $0x0  }
0x119: {  	v34 =	vsel vm2, $0xFFFFFFFF, v38;
	s3 =	spop (v2sf);
	v27 =	vadd.s32 $0xFFFFFFFF, v27;
	v32 =	vsel vm4, $0xFFFFFFFF, v40;
	(xrf0) =	vadd.scan.msk.s32 $0xffff, v28  }
0x11a: {  	s30 =	sadd.s32 s30, s3;
	v27 =	vbroadcast v27, $0x0;
	(v2sf) =	vpush v29, $0x0;
	[tilespmem:$0x1FEB0] =	vst v32;
	v32 =	vsel vm1, $0xFFFFFFFF, v45;
	v28, _, _ =	vpop (xrf0)  }
0x11b: {  	v60 =	vmov s30;
	(xrf0) =	vadd.scan.msk.s32 $0xffff, v30;
	v30 =	vsel vm4, $0x1, v8;
	v28 =	vadd.s32 v28, v25  }
0x11c: {  	v25, _, _ =	vpop (xrf0);
	s16 =	spop (v2sf);
	(v2sf) =	vpush v31, $0x0;
	(xrf0) =	vadd.scan.msk.s32 $0xffff, v30;
	v30 =	vsel vm5, $0x1, v8;
	v26 =	vsel vm1, v28, v26  }
0x11d: {  	v28 =	vimm.s32 $0x0;
	v25 =	vadd.s32 v25, v27;
	v27 =	vadd.s32 $0xFFFFFFFF, v60;
	s31 =	sadd.s32 s31, s16  }
0x11e: {  	v27 =	vbroadcast v27, $0x0;
	v29 =	vmov s31;
	v25 =	vnsel vm3, $0x0, v25  }
0x11f: {  	s3 =	spop (v2sf);
	v31, _, _ =	vpop (xrf0);
	(xrf0) =	vadd.scan.msk.s32 $0xffff, v30;
	v30 =	vimm.s32 $0x0;
	(v2sf) =	vpush v61, $0x0;
	vm3 =	veq.s32 v23, $0x6  }
0x120: {  	v29 =	vadd.s32 $0xFFFFFFFF, v29;
	s0 =	sadd.s32 s1, s3;
	v30 =	vsel vm0, $0xFFFFFFFF, v30;
	v37 =	vsel vm3, $0x1, v8  }
0x121: {  	s16 =	spop (v2sf);
	v27 =	vadd.s32 v31, v27;
	v29 =	vbroadcast v29, $0x0;
	[tilespmem:$0x1FE90] =	vst v30;
	v30 =	vmov s0  }
0x122: {  	v28 =	vsel vm3, $0xFFFFFFFF, v28;
	s3 =	sadd.s32 s2, s16;
	v27 =	vsel vm0, v27, v25;
	v25, _, _ =	vpop (xrf0);
	v30 =	vadd.s32 $0xFFFFFFFF, v30  }
0x123: {  	v31 =	vmov s3;
	vm0 =	veq.s32 v23, $0x5;
	v29 =	vadd.s32 v25, v29  }
0x124: {  	v25 =	vmpcnt.ones.xlane vm2;
	v30 =	vbroadcast v30, $0x0;
	v31 =	vadd.s32 $0xFFFFFFFF, v31  }
0x125: {  	[tilespmem:$0x1FEA0] =	vst v34;
	v63 =	vsel vm0, $0x1, v8;
	v34 =	vsel vm0, $0xFFFFFFFF, v44;
	v31 =	vbroadcast v31, $0x0  }
0x126: {  	v36, _, _ =	vpop (xrf0);
	v27 =	vsel vm2, v29, v27;
	vm2 =	veq.s32 v23, $0x7;
	(v2sf) =	vpush v25, $0x0  }
0x127: {  	(xrf0) =	vadd.scan.msk.s32 $0xffff, v63;
	v29 =	vadd.s32 v36, v30;
	v30 =	vmpcnt.ones.xlane vm4;
	v41 =	vsel vm2, $0x1, v8  }
0x128: {  	v25 =	vld [tilespmem:s12+$0x0];
	s2 =	spop (v2sf);
	v39, _, _ =	vpop (xrf0);
	(xrf0) =	vadd.scan.msk.s32 $0xffff, v37;
	v35 =	vsel vm2, $0xFFFFFFFF, v59;
	v37 =	vimm.s32 $0x0;
	v27 =	vsel vm4, v29, v27  }
0x129: {  	s16 =	sadd.s32 s4, s2;
	v29 =	vadd.s32 v39, v31;
	v31 =	vmpcnt.ones.xlane vm5;
	s4 =	spop (v2sf);
	(v2sf) =	vpush v30, $0x0  }
0x12a: {  	v30 =	vimm.s32 $0x0;
	v27 =	vsel vm5, v29, v27;
	v29 =	vmov s16  }
0x12b: {  	v39 =	vimm.s32 $0x0;
	s1 =	sadd.s32 s18, s4;
	v30 =	vsel vm5, $0xFFFFFFFF, v30;
	v29 =	vadd.s32 $0xFFFFFFFF, v29;
	s18 =	spop (v2sf)  }
0x12c: {  	(v2sf) =	vpush v31, $0x0;
	[tilespmem:$0x1FEC0] =	vst v30;
	v30 =	vmov s1;
	v29 =	vbroadcast v29, $0x0;
	s18 =	sadd.s32 s19, s18  }
0x12d: {  	[tilespmem:$0x1FEF0] =	vst v28;
	v30 =	vadd.s32 $0xFFFFFFFF, v30;
	vm4 =	veq.s32 v25, $0x0;
	v28 =	vmov s18  }
0x12e: {  	v31, _, _ =	vpop (xrf0);
	vm1 =	veq.s32 v25, $0x2;
	vm5 =	veq.s32 v25, $0x6;
	vm12 =	veq.s32 v25, $0x7  }
0x12f: {  	v30 =	vbroadcast v30, $0x0;
	v29 =	vadd.s32 v31, v29;
	v31 =	vmpcnt.ones.xlane vm0  }
0x130: {  	v43 =	vsel vm4, $0x1, v8;
	v28 =	vadd.s32 $0xFFFFFFFF, v28;
	v46 =	vsel vm1, $0x1, v8  }
0x131: {  	v47 =	vmpcnt.ones.xlane vm4;
	v58 =	vsel vm5, $0x1, v8;
	v40 =	vmpcnt.ones.xlane vm5  }
0x132: {  	(xrf0) =	vadd.scan.msk.s32 $0xffff, v41;
	v42, _, _ =	vpop (xrf0);
	v27 =	vsel vm0, v29, v27;
	vm0 =	veq.s32 v25, $0x1;
	v28 =	vbroadcast v28, $0x0  }
0x133: {  	(xrf0) =	vadd.scan.msk.s32 $0xffff, v43;
	s4 =	spop (v2sf);
	v29 =	vadd.s32 v42, v30;
	v30 =	vmpcnt.ones.xlane vm3;
	(v2sf) =	vpush v31, $0x0  }
0x134: {  	[tilespmem:$0x1FED0] =	vst v34;
	s4 =	sadd.s32 s15, s4;
	v31 =	vmpcnt.ones.xlane vm2;
	v34 =	vsel vm0, $0xFFFFFFFF, v53;
	v27 =	vsel vm3, v29, v27  }
0x135: {  	v29 =	vmov s4;
	(v2sf) =	vpush v30, $0x0;
	v30 =	vsel vm0, $0x1, v8  }
0x136: {  	v42 =	vmpcnt.ones.xlane vm12;
	vm3 =	veq.s32 v25, $0x3;
	v29 =	vadd.s32 $0xFFFFFFFF, v29  }
0x137: {  	s15 =	spop (v2sf);
	[tilespmem:$0x1FF10] =	vst v34;
	v51 =	vsel vm3, $0x1, v8;
	v57 =	vmpcnt.ones.xlane vm3;
	v34 =	vsel vm3, $0xFFFFFFFF, v62  }
0x138: {  	s2 =	sadd.s32 s30, s15;
	(xrf0) =	vadd.scan.msk.s32 $0xffff, v30;
	v29 =	vbroadcast v29, $0x0;
	(v2sf) =	vpush v31, $0x0;
	v31 =	vimm.s32 $0x0;
	v30, _, _ =	vpop (xrf0)  }
0x139: {  	v48 =	vmov s2;
	v31 =	vsel vm4, $0xFFFFFFFF, v31;
	v28 =	vadd.s32 v30, v28;
	v30, _, _ =	vpop (xrf0)  }
0x13a: {  	[tilespmem:$0x1FF00] =	vst v31;
	v31 =	vmpcnt.ones.xlane vm0;
	v29 =	vadd.s32 v30, v29;
	v30 =	vadd.s32 $0xFFFFFFFF, v48  }
0x13b: {  	[tilespmem:$0x1FEE0] =	vst v32;
	s19 =	spop (v2sf);
	(v2sf) =	vpush v47, $0x0;
	v28 =	vsel vm2, v28, v27;
	v27 =	vimm.s32 $0x0  }
0x13c: {  	(xrf0) =	vadd.scan.msk.s32 $0xffff, v46;
	s15 =	sadd.s32 s31, s19;
	v29 =	vnsel vm4, $0x0, v29;
	v30 =	vbroadcast v30, $0x0;
	vm4 =	veq.s32 v25, $0x4  }
0x13d: {  	[tilespmem:$0x1FF20] =	vst v35;
	v27 =	vsel vm1, $0xFFFFFFFF, v27;
	v49 =	vmov s15;
	v52 =	vsel vm4, $0x1, v8  }
0x13e: {  	v50, _, _ =	vpop (xrf0);
	s30 =	spop (v2sf);
	(xrf0) =	vadd.scan.msk.s32 $0xffff, v51;
	(v2sf) =	vpush v31, $0x0;
	v31 =	vmpcnt.ones.xlane vm1;
	v63 =	vmpcnt.ones.xlane vm4  }
0x13f: {  	v51 =	vimm.s32 $0x0;
	v32 =	vadd.s32 $0xFFFFFFFF, v49;
	v30 =	vadd.s32 v50, v30;
	(xrf0) =	vadd.scan.msk.s32 $0xffff, v52  }
0x140: {  	[tilespmem:$0x1FF40] =	vst v34;
	v34 =	vsel vm4, $0xFFFFFFFF, v37;
	s19 =	sadd.s32 s0, s30;
	s31 =	spop (v2sf);
	v35 =	vsel vm5, $0xFFFFFFFF, v51;
	v32 =	vbroadcast v32, $0x0  }
0x141: {  	v29 =	vsel vm0, v30, v29;
	v54 =	vmov s19;
	vm0 =	veq.s32 v25, $0x5;
	s3 =	sadd.s32 s3, s31  }
0x142: {  	[tilespmem:$0x1FE80] =	vst v33;
	(v2sf) =	vpush v31, $0x0;
	v55 =	vsel vm0, $0x1, v8;
	v56 =	vmov s3;
	v30, _, _ =	vpop (xrf0)  }
0x143: {  	v31 =	vadd.s32 $0xFFFFFFFF, v54;
	(xrf0) =	vadd.scan.msk.s32 $0xffff, v55;
	v33 =	vadd.s32 $0xFFFFFFFF, v56;
	v30 =	vadd.s32 v30, v32  }
0x144: {  	[tilespmem:$0x1FF30] =	vst v27;
	v31 =	vbroadcast v31, $0x0;
	s30 =	spop (v2sf);
	v29 =	vsel vm1, v30, v29;
	v27, _, _ =	vpop (xrf0);
	v30 =	vbroadcast v33, $0x0  }
0x145: {  	v38 =	vmpcnt.ones.xlane vm0;
	v32 =	vsel vm0, $0xFFFFFFFF, v39;
	(v2sf) =	vpush v57, $0x0;
	s0 =	sadd.s32 s16, s30;
	v60, _, _ =	vpop (xrf0)  }
0x146: {  	v31 =	vadd.s32 v27, v31;
	v27 =	vld [tilespmem:s13+$0x0];
	s31 =	spop (v2sf);
	v61 =	vmov s0;
	v30 =	vadd.s32 v60, v30  }
0x147: {  	v29 =	vsel vm3, v31, v29;
	(v2sf) =	vpush v63, $0x0;
	s31 =	sadd.s32 s1, s31;
	v31 =	vadd.s32 $0xFFFFFFFF, v61  }
0x148: {  	(v2sf) =	vpush v38, $0x0;
	s30 =	spop (v2sf);
	v31 =	vbroadcast v31, $0x0;
	v36 =	vmov s31  }
0x149: {  	(xrf0) =	vadd.scan.msk.s32 $0xffff, v58;
	v29 =	vsel vm4, v30, v29;
	s30 =	sadd.s32 s18, s30;
	(v2sf) =	vpush v40, $0x0;
	v30, _, _ =	vpop (xrf0);
	v33 =	vadd.s32 $0xFFFFFFFF, v36  }
0x14a: {  	v41 =	vmov s30;
	v30 =	vadd.s32 v30, v31;
	v31 =	vbroadcast v33, $0x0  }
0x14b: {  	vm1 =	veq.s32 v27, $0x1;
	v43 =	vadd.s32 $0xFFFFFFFF, v41;
	vm3 =	veq.s32 v27, $0x2  }
0x14c: {  	vm2 =	veq.s32 v27, $0x3;
	vm4 =	veq.s32 v27, $0x4;
	vm6 =	veq.s32 v27, $0x5  }
0x14d: {  	vm7 =	veq.s32 v27, $0x6;
	v29 =	vsel vm0, v30, v29;
	vm0 =	veq.s32 v27, $0x0  }
0x14e: {  	s16 =	spop (v2sf);
	(v2sf) =	vpush v42, $0x0;
	v48 =	vsel vm3, $0x1, v8;
	v53 =	vmpcnt.ones.xlane vm1  }
0x14f: {  	v50 =	vsel vm2, $0x1, v8;
	v57 =	vmpcnt.ones.xlane vm3;
	v38 =	vmpcnt.ones.xlane vm2;
	v30, _, _ =	vpop (xrf0)  }
0x150: {  	s16 =	sadd.s32 s4, s16;
	v46 =	vmpcnt.ones.xlane vm0;
	v30 =	vadd.s32 v30, v31;
	v31 =	vsel vm12, $0x1, v8  }
0x151: {  	v39 =	vsel vm4, $0x1, v8;
	v44 =	vmov s16;
	s18 =	spop (v2sf);
	(xrf0) =	vadd.scan.msk.s32 $0xffff, v31;
	v31 =	vsel vm0, $0x1, v8  }
0x152: {  	v62 =	vmpcnt.ones.xlane vm4;
	v45 =	vadd.s32 $0xFFFFFFFF, v44;
	s4 =	spop (v2sf);
	(v2sf) =	vpush v46, $0x0;
	(xrf0) =	vadd.scan.msk.s32 $0xffff, v31  }
0x153: {  	[tilespmem:$0x1FF60] =	vst v32;
	v63 =	vsel vm6, $0x1, v8;
	v42 =	vmpcnt.ones.xlane vm6;
	s2 =	sadd.s32 s2, s18;
	v32 =	vbroadcast v45, $0x0  }
0x154: {  	v47 =	vmov s2;
	v30 =	vsel vm5, v30, v29;
	vm5 =	veq.s32 v27, $0x7  }
0x155: {  	v45 =	vmpcnt.ones.xlane vm7;
	v31 =	vsel vm1, $0x1, v8;
	(v2sf) =	vpush v53, $0x0  }
0x156: {  	v49 =	vadd.s32 $0xFFFFFFFF, v47;
	v40 =	vsel vm5, $0x1, v8;
	v46 =	vmpcnt.ones.xlane vm5;
	(xrf0) =	vadd.scan.msk.s32 $0xffff, v31  }
0x157: {  	s1 =	sadd.s32 s15, s4;
	v53 =	vimm.s32 $0x0;
	v31 =	vbroadcast v43, $0x0;
	s15 =	spop (v2sf);
	(v2sf) =	vpush v57, $0x0;
	v36, _, _ =	vpop (xrf0)  }
0x158: {  	v33 =	vbroadcast v49, $0x0;
	v54 =	vmov s1;
	(xrf0) =	vadd.scan.msk.s32 $0xffff, v48;
	(v2sf) =	vpush v38, $0x0;
	v29, _, _ =	vpop (xrf0)  }
0x159: {  	s18 =	spop (v2sf);
	(v2sf) =	vpush v62, $0x0;
	v31 =	vadd.s32 v36, v31;
	v29 =	vadd.s32 v29, v32  }
0x15a: {  	s4 =	sadd.s32 s19, s15;
	(xrf0) =	vadd.scan.msk.s32 $0xffff, v50;
	s3 =	sadd.s32 s3, s18;
	s19 =	spop (v2sf);
	(v2sf) =	vpush v42, $0x0;
	v55 =	vnsel vm0, $0x0, v29;
	v29 =	vadd.s32 $0xFFFFFFFF, v54  }
0x15b: {  	v61 =	vmov s3;
	v56 =	vbroadcast v29, $0x0;
	v29 =	vmov s4  }
0x15c: {  	v52, _, _ =	vpop (xrf0);
	s15 =	spop (v2sf);
	(v2sf) =	vpush v45, $0x0;
	v30 =	vsel vm12, v31, v30;
	v29 =	vadd.s32 $0xFFFFFFFF, v29  }
0x15d: {  	[tilespmem:$0x1FF50] =	vst v34;
	s0 =	sadd.s32 s0, s19;
	v32 =	vadd.s32 v52, v33;
	v34 =	vadd.s32 $0xFFFFFFFF, v61;
	s15 =	sadd.s32 s31, s15;
	v37 =	vbroadcast v29, $0x0;
	v29 =	vld [tilespmem:s14+$0x0]  }
0x15e: {  	v58, _, _ =	vpop (xrf0);
	v44 =	vmov s0;
	v32 =	vsel vm1, v32, v55;
	v51 =	vmov s15  }
0x15f: {  	v34 =	vbroadcast v34, $0x0;
	v52 =	vadd.s32 $0xFFFFFFFF, v51;
	v33 =	vadd.s32 v58, v56  }
0x160: {  	s18 =	spop (v2sf);
	(v2sf) =	vpush v46, $0x0;
	v54 =	vbroadcast v52, $0x0;
	v59, _, _ =	vpop (xrf0);
	(xrf0) =	vadd.scan.msk.s32 $0xffff, v39;
	v32 =	vsel vm3, v33, v32  }
0x161: {  	v39 =	vsel vm7, $0x1, v8;
	v60 =	vadd.s32 v59, v37;
	v37 =	vsel vm12, $0xFFFFFFFF, v53;
	s19 =	spop (v2sf)  }
0x162: {  	(xrf0) =	vadd.scan.msk.s32 $0xffff, v63;
	v59 =	vimm.s32 $0x0;
	v32 =	vsel vm2, v60, v32;
	s16 =	sadd.s32 s16, s19;
	vm10 =	veq.s32 v29, $0x0  }
0x163: {  	(xrf0) =	vadd.scan.msk.s32 $0xffff, v39;
	vm11 =	veq.s32 v29, $0x1;
	v48 =	vmov s16;
	vm12 =	veq.s32 v29, $0x2  }
0x164: {  	s31 =	spop (v2sf);
	vm14 =	veq.s32 v29, $0x3;
	vm13 =	veq.s32 v29, $0x4;
	vm15 =	veq.s32 v29, $0x7  }
0x165: {  	[tilespmem:$0x1FF70] =	vst v35;
	s2 =	sadd.s32 s2, s31;
	v43 =	vsel vm10, $0x1, v8;
	v49 =	vsel vm11, $0x1, v8;
	v35 =	vadd.s32 $0xFFFFFFFF, v48  }
0x166: {  	(xrf0) =	vadd.scan.msk.s32 $0xffff, v40;
	v56 =	vmov s2;
	v57 =	vsel vm12, $0x1, v8;
	v58 =	vsel vm14, $0x1, v8;
	v41, _, _ =	vpop (xrf0)  }
0x167: {  	v62 =	vsel vm13, $0x1, v8;
	(xrf0) =	vadd.scan.msk.s32 $0xffff, v43;
	s16 =	spop (v2sf);
	v33 =	vadd.s32 v41, v34;
	v34 =	vadd.s32 $0xFFFFFFFF, v44  }
0x168: {  	v35 =	vbroadcast v35, $0x0;
	v47, _, _ =	vpop (xrf0);
	s1 =	sadd.s32 s1, s16;
	v41 =	vimm.s32 $0x0;
	v34 =	vbroadcast v34, $0x0  }
0x169: {  	s19 =	spop (v2sf);
	v32 =	vsel vm4, v33, v32;
	v50, _, _ =	vpop (xrf0);
	(xrf0) =	vadd.scan.msk.s32 $0xffff, v49;
	v33 =	vsel vm10, $0xFFFFFFFF, v59;
	v63 =	vmov s1  }
0x16a: {  	s31 =	sadd.s32 s4, s19;
	s4 =	spop (v2sf);
	v36 =	vsel vm11, $0xFFFFFFFF, v41;
	v49 =	vsel vm15, $0x1, v8;
	v41 =	vimm.s32 $0x0  }
0x16b: {  	v40 =	vmov s31;
	v42 =	vadd.s32 $0xFFFFFFFF, v63;
	s1 =	sadd.s32 s3, s4;
	v41 =	vsel vm12, $0xFFFFFFFF, v41  }
0x16c: {  	p0 =	sgt.s32 s29, $0x280;
	s18 =	sadd.s32 s30, s18;
	v39, _, _ =	vpop (xrf0);
	(xrf0) =	vadd.scan.msk.s32 $0xffff, v57;
	v34 =	vadd.s32 v47, v34;
	v43 =	vadd.s32 $0xFFFFFFFF, v40;
	v44 =	vmov s1  }
0x16d: {  	p1 =	sgt.s32 @!p0 s23, $0x280;
	[tilespmem:$0x1FFA0] =	vst v36;
	s16 =	spop (v2sf);
	v40 =	vmov s18;
	v31 =	vsel vm6, v34, v32;
	v32 =	vadd.s32 v50, v54;
	v55, _, _ =	vpop (xrf0)  }
0x16e: {  	p2 =	por p0, p1;
	(xrf0) =	vadd.scan.msk.s32 $0xffff, v58;
	s0 =	sadd.s32 s0, s16;
	v36 =	vadd.s32 $0xFFFFFFFF, v44;
	v34 =	vadd.s32 v55, v35;
	v35 =	vadd.s32 $0xFFFFFFFF, v56  }
0x16f: {  	p1 =	sgt.s32 @!p2 s21, $0x280;
	v51 =	vmov s0;
	v40 =	vadd.s32 $0xFFFFFFFF, v40;
	v35 =	vbroadcast v35, $0x0;
	v61, _, _ =	vpop (xrf0);
	(xrf0) =	vadd.scan.msk.s32 $0xffff, v62  }
0x170: {  	p3 =	por p2, p1;
	v36 =	vbroadcast v36, $0x0;
	v52 =	vadd.s32 $0xFFFFFFFF, v51;
	v40 =	vbroadcast v40, $0x0  }
0x171: {  	p1 =	sgt.s32 @!p3 s22, $0x280;
	s19 =	spop (v2sf);
	v60 =	vnsel vm10, $0x0, v34;
	vm10 =	veq.s32 v29, $0x5;
	v34 =	vadd.s32 v61, v35  }
0x172: {  	p4 =	por p3, p1;
	[tilespmem:$0x1FF90] =	vst v33;
	s29 =	sadd.s32 s15, s19;
	v45 =	vsel vm10, $0x1, v8;
	v33 =	vsel vm11, v34, v60;
	vm11 =	veq.s32 v29, $0x6  }
0x173: {  	p1 =	sgt.s32 @!p4 s24, $0x280;
	v53 =	vmov s29;
	v31 =	vsel vm7, v32, v31;
	s30 =	spop (v2sf);
	v46, _, _ =	vpop (xrf0);
	(xrf0) =	vadd.scan.msk.s32 $0xffff, v45;
	v47 =	vsel vm11, $0x1, v8  }
0x174: {  	p5 =	por p4, p1;
	v54 =	vbroadcast v52, $0x0;
	v55 =	vadd.s32 $0xFFFFFFFF, v53;
	s31 =	sadd.s32 s18, s30;
	v40 =	vadd.s32 v39, v40;
	v48, _, _ =	vpop (xrf0);
	(xrf0) =	vadd.scan.msk.s32 $0xffff, v47  }
0x175: {  	p1 =	sgt.s32 @!p5 s28, $0x280;
	v56 =	vmov s31;
	v32 =	vsel vm5, v40, v31;
	v34 =	vbroadcast v42, $0x0;
	v50, _, _ =	vpop (xrf0);
	(xrf0) =	vadd.scan.msk.s32 $0xffff, v49  }
0x176: {  	p6 =	por p5, p1;
	[tilespmem:$0x1FF80] =	vst v37;
	v35 =	vbroadcast v43, $0x0;
	v37 =	vadd.s32 $0xFFFFFFFF, v56;
	v61 =	vimm.s32 $0x0  }
0x177: {  	p1 =	sgt.s32 @!p6 s26, $0x280;
	v42 =	vbroadcast v55, $0x0;
	v57 =	vbroadcast v37, $0x0;
	v34 =	vadd.s32 v46, v34  }
0x178: {  	p1 =	por p6, p1;
	s2 =	simm.s32 @!p0 $0x0;
	v40 =	vld [tilespmem:s14+$0x1000];
	v35 =	vadd.s32 v48, v35;
	v34 =	vsel vm12, v34, v33;
	vm12 =	vmmov vm14  }
0x179: {  	s2 =	simm.s32 @p0 $0x1;
	p0 =	slt.s32 @!p1 s25, $0x281;
	[tilespmem:$0x1FFB0] =	vst v41;
	v37 =	vld [tilespmem:s11+$0x1000];
	v39 =	vsel vm11, $0xFFFFFFFF, v61;
	v35 =	vsel vm12, v35, v34;
	v36 =	vadd.s32 v50, v36;
	v43, _, _ =	vpop (xrf0)  }
0x17a: {  	p0 =	por p1, !p0;
	v62 =	vimm.s32 $0x0;
	[tilespmem:$0x1FFC0] =	vst v39;
	v39 =	vld [tilespmem:s13+$0x1000];
	v38 =	vsel vm13, v36, v35;
	v41 =	vadd.s32 v43, v54;
	v44, _, _ =	vpop (xrf0)  }
.Ltmp3:
0x17b: {  	v31 =	vimm.s32 $0x0;
	v33 =	vld [tilespmem:s6+$0x1000];
	v58 =	vsel vm10, v41, v38;
	v59 =	vadd.s32 v44, v42;
	v60, _, _ =	vpop (xrf0);
	(pc) =	sbr.rel @!p0 .LBB2_4-.Ltmp3, $4  }
0x17c: {  	v31 =	vsel vm15, $0xFFFFFFFF, v31;
	v34 =	vld [tilespmem:s8+$0x1000];
	v41 =	vsel vm11, v59, v58;
	v42 =	vadd.s32 v60, v57  }
0x17d: {  	v63 =	vimm.s32 $0x0;
	[tilespmem:$0x1FFD0] =	vst v31;
	v35 =	vld [tilespmem:s9+$0x1000];
	v31 =	vsel vm15, v42, v41;
	v41 =	vsel vm8, $0xFFFFFFFF, v62  }
0x17e: {  	v36 =	vld [tilespmem:s10+$0x1000];
	[tilespmem:$0x1FFE0] =	vst v41;
	v41 =	vsel vm9, $0xFFFFFFFF, v63  }
0x17f: {  	[smem:$0x7FC] =	sst s2;
	vm14 =	vmmov vm10;
	v50 =	vimm.s32 $0x0;
	v38 =	vld [tilespmem:s12+$0x1000];
	[tilespmem:$0x1FFF0] =	vst v41  }
0x180: {  	s0 =	sld [smem:$0x7FC];
	_ =	sdelay $0x2  }
0x181: {  	p0 =	seq.s32 s0, $0x1  }
0x182: {  	v41 =	vpsel p0, $0x0, v50  }
0x183: {  	s29 =	simm.s32 $0x1000;
	s30 =	simm.s32 $0x0;
	s31 =	simm.s32 $0xF;
	v41 =	vpsel !p2, $0x0, v41  }
0x184: {  	s29 =	simm.s32 @p0 $0x1000;
	s30 =	simm.s32 @p0 $0x0;
	s31 =	simm.s32 @p0 $0xF;
	v41 =	vpsel !p3, $0x0, v41  }
0x185: {  	s29 =	simm.s32 @!p2 $0x1000;
	s30 =	simm.s32 @!p2 $0x0;
	s31 =	simm.s32 @!p2 $0xF;
	v41 =	vpsel !p4, $0x0, v41  }
0x186: {  	s29 =	simm.s32 @!p3 $0x1000;
	s30 =	simm.s32 @!p3 $0x0;
	s31 =	simm.s32 @!p3 $0xF;
	v41 =	vpsel !p5, $0x0, v41  }
0x187: {  	s29 =	simm.s32 @!p4 $0x1000;
	s30 =	simm.s32 @!p4 $0x0;
	s31 =	simm.s32 @!p4 $0xF;
	v41 =	vpsel !p6, $0x0, v41  }
0x188: {  	s29 =	simm.s32 @!p5 $0x1000;
	s30 =	simm.s32 @!p5 $0x0;
	s31 =	simm.s32 @!p5 $0xF;
	v43 =	vpsel !p1, $0x0, v41;
	v44 =	vpsel !p1, $0x0, v41  }
0x189: {  	s29 =	simm.s32 @!p6 $0x1000;
	s30 =	simm.s32 @!p6 $0x0;
	s31 =	simm.s32 @!p6 $0xF;
	v45 =	vpsel !p1, $0x0, v41;
	v46 =	vpsel !p1, $0x0, v41;
	v47 =	vpsel !p1, $0x0, v41  }
0x18a: {  	s29 =	simm.s32 @!p1 $0x1000;
	s30 =	simm.s32 @!p1 $0x0;
	s31 =	simm.s32 @!p1 $0xF;
	v48 =	vpsel !p1, $0x0, v41;
	v49 =	vpsel !p1, $0x0, v41;
	v50 =	vpsel !p1, $0x0, v41  }
.LBB2_6:
0x18b: {  	v42 =	vld [tilespmem:s29+$0x0];
	_ =	sdelay $0x1  }
0x18c: {  	v41 =	vld [tilespmem:s30+$0x0];
	_ =	sdelay $0x2  }
0x18d: {  	s0 =	sadd.s32 $0xFFFFFFF1, s31;
	v51 =	vbroadcast v42, $0x0  }
0x18e: {  	v52 =	vmov s0  }
0x18f: {  	vm9 =	vlt.u32 v52, v0;
	v53 =	vbroadcast v41, $0x0;
	vm8 =	veq.f32 v51, v33  }
0x190: {  	vm10 =	vgt.f32 v51, v33;
	vm8 =	vmand vm9, vm8  }
0x191: {  	vm9 =	veq.s32 v17, v53;
	vm8 =	vmor vm10, vm8  }
0x192: {  	vm10 =	vlt.u32 v52, v1;
	vm8 =	vmand vm9, vm8;
	vm9 =	veq.f32 v51, v34  }
0x193: {  	v54 =	vsel vm8, $0x1, v8;
	vm8 =	vgt.f32 v51, v34;
	vm9 =	vmand vm10, vm9  }
0x194: {  	vm10 =	veq.s32 v18, v53;
	v50 =	vadd.s32 v54, v50;
	vm8 =	vmor vm8, vm9  }
0x195: {  	vm9 =	veq.f32 v51, v35;
	vm8 =	vmand vm10, vm8;
	vm10 =	vlt.u32 v52, v2  }
0x196: {  	v59 =	vsel vm8, $0x1, v8;
	vm8 =	vgt.f32 v51, v35;
	vm9 =	vmand vm10, vm9  }
0x197: {  	vm10 =	veq.s32 v19, v53;
	v49 =	vadd.s32 v59, v49;
	vm8 =	vmor vm8, vm9  }
0x198: {  	vm9 =	veq.f32 v51, v36;
	vm8 =	vmand vm10, vm8;
	vm10 =	vlt.u32 v52, v3  }
0x199: {  	v60 =	vsel vm8, $0x1, v8;
	vm8 =	vgt.f32 v51, v36;
	vm9 =	vmand vm10, vm9  }
0x19a: {  	vm10 =	veq.s32 v21, v53;
	v48 =	vadd.s32 v60, v48;
	vm8 =	vmor vm8, vm9  }
0x19b: {  	vm9 =	veq.f32 v51, v37;
	vm8 =	vmand vm10, vm8;
	vm10 =	vlt.u32 v52, v4  }
0x19c: {  	v61 =	vsel vm8, $0x1, v8;
	vm8 =	vgt.f32 v51, v37;
	vm9 =	vmand vm10, vm9  }
0x19d: {  	vm10 =	veq.s32 v23, v53;
	v47 =	vadd.s32 v61, v47;
	vm8 =	vmor vm8, vm9  }
0x19e: {  	vm9 =	veq.f32 v51, v38;
	vm8 =	vmand vm10, vm8;
	vm10 =	vlt.u32 v52, v5  }
0x19f: {  	v62 =	vsel vm8, $0x1, v8;
	vm8 =	vgt.f32 v51, v38;
	vm9 =	vmand vm10, vm9  }
0x1a0: {  	vm10 =	veq.s32 v25, v53;
	v46 =	vadd.s32 v62, v46;
	vm8 =	vmor vm8, vm9  }
0x1a1: {  	vm9 =	veq.f32 v51, v39;
	vm8 =	vmand vm10, vm8;
	vm10 =	vlt.u32 v52, v6  }
0x1a2: {  	v63 =	vsel vm8, $0x1, v8;
	vm8 =	vgt.f32 v51, v39;
	vm9 =	vmand vm10, vm9  }
0x1a3: {  	vm10 =	veq.s32 v27, v53;
	v45 =	vadd.s32 v63, v45;
	vm8 =	vmor vm8, vm9  }
0x1a4: {  	s3 =	sadd.s32 $0xFFFFFFF2, s31;
	vm9 =	veq.f32 v51, v40;
	vm8 =	vmand vm10, vm8;
	vm10 =	vlt.u32 v52, v7  }
0x1a5: {  	v52 =	vmov s3;
	v56 =	vsel vm8, $0x1, v8;
	vm8 =	vgt.f32 v51, v40  }
0x1a6: {  	vm9 =	vmand vm10, vm9;
	vm10 =	veq.s32 v29, v53;
	v51 =	vbroadcast v42, $0x1  }
0x1a7: {  	v53 =	vbroadcast v41, $0x1;
	vm8 =	vmor vm8, vm9;
	v44 =	vadd.s32 v56, v44  }
0x1a8: {  	vm8 =	vmand vm10, vm8;
	vm9 =	veq.f32 v51, v33;
	vm10 =	vlt.u32 v52, v0  }
0x1a9: {  	v57 =	vsel vm8, $0x1, v8;
	vm8 =	vgt.f32 v51, v33;
	vm9 =	vmand vm10, vm9  }
0x1aa: {  	vm10 =	veq.s32 v17, v53;
	v43 =	vadd.s32 v57, v43;
	vm8 =	vmor vm8, vm9  }
0x1ab: {  	vm9 =	veq.f32 v51, v34;
	vm8 =	vmand vm10, vm8;
	vm10 =	vlt.u32 v52, v1  }
0x1ac: {  	v58 =	vsel vm8, $0x1, v8;
	vm8 =	vgt.f32 v51, v34;
	vm9 =	vmand vm10, vm9  }
0x1ad: {  	vm10 =	veq.s32 v18, v53;
	v50 =	vadd.s32 v58, v50;
	vm8 =	vmor vm8, vm9  }
0x1ae: {  	vm9 =	veq.f32 v51, v35;
	vm8 =	vmand vm10, vm8;
	vm10 =	vlt.u32 v52, v2  }
0x1af: {  	v59 =	vsel vm8, $0x1, v8;
	vm8 =	vgt.f32 v51, v35;
	vm9 =	vmand vm10, vm9  }
0x1b0: {  	vm10 =	veq.s32 v19, v53;
	v49 =	vadd.s32 v59, v49;
	vm8 =	vmor vm8, vm9  }
0x1b1: {  	vm9 =	veq.f32 v51, v36;
	vm8 =	vmand vm10, vm8;
	vm10 =	vlt.u32 v52, v3  }
0x1b2: {  	v60 =	vsel vm8, $0x1, v8;
	vm8 =	vgt.f32 v51, v36;
	vm9 =	vmand vm10, vm9  }
0x1b3: {  	vm10 =	veq.s32 v21, v53;
	v48 =	vadd.s32 v60, v48;
	vm8 =	vmor vm8, vm9  }
0x1b4: {  	vm9 =	veq.f32 v51, v37;
	vm8 =	vmand vm10, vm8;
	vm10 =	vlt.u32 v52, v4  }
0x1b5: {  	v61 =	vsel vm8, $0x1, v8;
	vm8 =	vgt.f32 v51, v37;
	vm9 =	vmand vm10, vm9  }
0x1b6: {  	vm10 =	veq.s32 v23, v53;
	v47 =	vadd.s32 v61, v47;
	vm8 =	vmor vm8, vm9  }
0x1b7: {  	vm9 =	veq.f32 v51, v38;
	vm8 =	vmand vm10, vm8;
	vm10 =	vlt.u32 v52, v5  }
0x1b8: {  	v62 =	vsel vm8, $0x1, v8;
	vm8 =	vgt.f32 v51, v38;
	vm9 =	vmand vm10, vm9  }
0x1b9: {  	vm10 =	veq.s32 v25, v53;
	v46 =	vadd.s32 v62, v46;
	vm8 =	vmor vm8, vm9  }
0x1ba: {  	vm9 =	veq.f32 v51, v39;
	vm8 =	vmand vm10, vm8;
	vm10 =	vlt.u32 v52, v6  }
0x1bb: {  	v63 =	vsel vm8, $0x1, v8;
	vm8 =	vgt.f32 v51, v39;
	vm9 =	vmand vm10, vm9  }
0x1bc: {  	vm10 =	veq.s32 v27, v53;
	v45 =	vadd.s32 v63, v45;
	vm8 =	vmor vm8, vm9  }
0x1bd: {  	s4 =	sadd.s32 $0xFFFFFFF3, s31;
	vm9 =	veq.f32 v51, v40;
	vm8 =	vmand vm10, vm8;
	vm10 =	vlt.u32 v52, v7  }
0x1be: {  	v52 =	vmov s4;
	v56 =	vsel vm8, $0x1, v8;
	vm8 =	vgt.f32 v51, v40  }
0x1bf: {  	vm9 =	vmand vm10, vm9;
	vm10 =	veq.s32 v29, v53;
	v51 =	vbroadcast v42, $0x2  }
0x1c0: {  	v53 =	vbroadcast v41, $0x2;
	vm8 =	vmor vm8, vm9;
	v44 =	vadd.s32 v56, v44  }
0x1c1: {  	vm8 =	vmand vm10, vm8;
	vm9 =	veq.f32 v51, v33;
	vm10 =	vlt.u32 v52, v0  }
0x1c2: {  	v57 =	vsel vm8, $0x1, v8;
	vm8 =	vgt.f32 v51, v33;
	vm9 =	vmand vm10, vm9  }
0x1c3: {  	vm10 =	veq.s32 v17, v53;
	v43 =	vadd.s32 v57, v43;
	vm8 =	vmor vm8, vm9  }
0x1c4: {  	vm9 =	veq.f32 v51, v34;
	vm8 =	vmand vm10, vm8;
	vm10 =	vlt.u32 v52, v1  }
0x1c5: {  	v58 =	vsel vm8, $0x1, v8;
	vm8 =	vgt.f32 v51, v34;
	vm9 =	vmand vm10, vm9  }
0x1c6: {  	vm10 =	veq.s32 v18, v53;
	v50 =	vadd.s32 v58, v50;
	vm8 =	vmor vm8, vm9  }
0x1c7: {  	vm9 =	veq.f32 v51, v35;
	vm8 =	vmand vm10, vm8;
	vm10 =	vlt.u32 v52, v2  }
0x1c8: {  	v59 =	vsel vm8, $0x1, v8;
	vm8 =	vgt.f32 v51, v35;
	vm9 =	vmand vm10, vm9  }
0x1c9: {  	vm10 =	veq.s32 v19, v53;
	v49 =	vadd.s32 v59, v49;
	vm8 =	vmor vm8, vm9  }
0x1ca: {  	vm9 =	veq.f32 v51, v36;
	vm8 =	vmand vm10, vm8;
	vm10 =	vlt.u32 v52, v3  }
0x1cb: {  	v60 =	vsel vm8, $0x1, v8;
	vm8 =	vgt.f32 v51, v36;
	vm9 =	vmand vm10, vm9  }
0x1cc: {  	vm10 =	veq.s32 v21, v53;
	v48 =	vadd.s32 v60, v48;
	vm8 =	vmor vm8, vm9  }
0x1cd: {  	vm9 =	veq.f32 v51, v37;
	vm8 =	vmand vm10, vm8;
	vm10 =	vlt.u32 v52, v4  }
0x1ce: {  	v61 =	vsel vm8, $0x1, v8;
	vm8 =	vgt.f32 v51, v37;
	vm9 =	vmand vm10, vm9  }
0x1cf: {  	vm10 =	veq.s32 v23, v53;
	v47 =	vadd.s32 v61, v47;
	vm8 =	vmor vm8, vm9  }
0x1d0: {  	vm9 =	veq.f32 v51, v38;
	vm8 =	vmand vm10, vm8;
	vm10 =	vlt.u32 v52, v5  }
0x1d1: {  	v62 =	vsel vm8, $0x1, v8;
	vm8 =	vgt.f32 v51, v38;
	vm9 =	vmand vm10, vm9  }
0x1d2: {  	vm10 =	veq.s32 v25, v53;
	v46 =	vadd.s32 v62, v46;
	vm8 =	vmor vm8, vm9  }
0x1d3: {  	vm9 =	veq.f32 v51, v39;
	vm8 =	vmand vm10, vm8;
	vm10 =	vlt.u32 v52, v6  }
0x1d4: {  	v63 =	vsel vm8, $0x1, v8;
	vm8 =	vgt.f32 v51, v39;
	vm9 =	vmand vm10, vm9  }
0x1d5: {  	vm10 =	veq.s32 v27, v53;
	v45 =	vadd.s32 v63, v45;
	vm8 =	vmor vm8, vm9  }
0x1d6: {  	s15 =	sadd.s32 $0xFFFFFFF4, s31;
	vm9 =	veq.f32 v51, v40;
	vm8 =	vmand vm10, vm8;
	vm10 =	vlt.u32 v52, v7  }
0x1d7: {  	v52 =	vmov s15;
	v56 =	vsel vm8, $0x1, v8;
	vm8 =	vgt.f32 v51, v40  }
0x1d8: {  	vm9 =	vmand vm10, vm9;
	vm10 =	veq.s32 v29, v53;
	v51 =	vbroadcast v42, $0x3  }
0x1d9: {  	v53 =	vbroadcast v41, $0x3;
	vm8 =	vmor vm8, vm9;
	v44 =	vadd.s32 v56, v44  }
0x1da: {  	vm8 =	vmand vm10, vm8;
	vm9 =	veq.f32 v51, v33;
	vm10 =	vlt.u32 v52, v0  }
0x1db: {  	v57 =	vsel vm8, $0x1, v8;
	vm8 =	vgt.f32 v51, v33;
	vm9 =	vmand vm10, vm9  }
0x1dc: {  	vm10 =	veq.s32 v17, v53;
	v43 =	vadd.s32 v57, v43;
	vm8 =	vmor vm8, vm9  }
0x1dd: {  	vm9 =	veq.f32 v51, v34;
	vm8 =	vmand vm10, vm8;
	vm10 =	vlt.u32 v52, v1  }
0x1de: {  	v58 =	vsel vm8, $0x1, v8;
	vm8 =	vgt.f32 v51, v34;
	vm9 =	vmand vm10, vm9  }
0x1df: {  	vm10 =	veq.s32 v18, v53;
	v50 =	vadd.s32 v58, v50;
	vm8 =	vmor vm8, vm9  }
0x1e0: {  	vm9 =	veq.f32 v51, v35;
	vm8 =	vmand vm10, vm8;
	vm10 =	vlt.u32 v52, v2  }
0x1e1: {  	v59 =	vsel vm8, $0x1, v8;
	vm8 =	vgt.f32 v51, v35;
	vm9 =	vmand vm10, vm9  }
0x1e2: {  	vm10 =	veq.s32 v19, v53;
	v49 =	vadd.s32 v59, v49;
	vm8 =	vmor vm8, vm9  }
0x1e3: {  	vm9 =	veq.f32 v51, v36;
	vm8 =	vmand vm10, vm8;
	vm10 =	vlt.u32 v52, v3  }
0x1e4: {  	v60 =	vsel vm8, $0x1, v8;
	vm8 =	vgt.f32 v51, v36;
	vm9 =	vmand vm10, vm9  }
0x1e5: {  	vm10 =	veq.s32 v21, v53;
	v48 =	vadd.s32 v60, v48;
	vm8 =	vmor vm8, vm9  }
0x1e6: {  	vm9 =	veq.f32 v51, v37;
	vm8 =	vmand vm10, vm8;
	vm10 =	vlt.u32 v52, v4  }
0x1e7: {  	v61 =	vsel vm8, $0x1, v8;
	vm8 =	vgt.f32 v51, v37;
	vm9 =	vmand vm10, vm9  }
0x1e8: {  	vm10 =	veq.s32 v23, v53;
	v47 =	vadd.s32 v61, v47;
	vm8 =	vmor vm8, vm9  }
0x1e9: {  	vm9 =	veq.f32 v51, v38;
	vm8 =	vmand vm10, vm8;
	vm10 =	vlt.u32 v52, v5  }
0x1ea: {  	v62 =	vsel vm8, $0x1, v8;
	vm8 =	vgt.f32 v51, v38;
	vm9 =	vmand vm10, vm9  }
0x1eb: {  	vm10 =	veq.s32 v25, v53;
	v46 =	vadd.s32 v62, v46;
	vm8 =	vmor vm8, vm9  }
0x1ec: {  	vm9 =	veq.f32 v51, v39;
	vm8 =	vmand vm10, vm8;
	vm10 =	vlt.u32 v52, v6  }
0x1ed: {  	v63 =	vsel vm8, $0x1, v8;
	vm8 =	vgt.f32 v51, v39;
	vm9 =	vmand vm10, vm9  }
0x1ee: {  	vm10 =	veq.s32 v27, v53;
	v45 =	vadd.s32 v63, v45;
	vm8 =	vmor vm8, vm9  }
0x1ef: {  	s16 =	sadd.s32 $0xFFFFFFF5, s31;
	vm9 =	veq.f32 v51, v40;
	vm8 =	vmand vm10, vm8;
	vm10 =	vlt.u32 v52, v7  }
0x1f0: {  	v52 =	vmov s16;
	v56 =	vsel vm8, $0x1, v8;
	vm8 =	vgt.f32 v51, v40  }
0x1f1: {  	vm9 =	vmand vm10, vm9;
	vm10 =	veq.s32 v29, v53;
	v51 =	vbroadcast v42, $0x4  }
0x1f2: {  	v53 =	vbroadcast v41, $0x4;
	vm8 =	vmor vm8, vm9;
	v44 =	vadd.s32 v56, v44  }
0x1f3: {  	vm8 =	vmand vm10, vm8;
	vm9 =	veq.f32 v51, v33;
	vm10 =	vlt.u32 v52, v0  }
0x1f4: {  	v57 =	vsel vm8, $0x1, v8;
	vm8 =	vgt.f32 v51, v33;
	vm9 =	vmand vm10, vm9  }
0x1f5: {  	vm10 =	veq.s32 v17, v53;
	v43 =	vadd.s32 v57, v43;
	vm8 =	vmor vm8, vm9  }
0x1f6: {  	vm9 =	veq.f32 v51, v34;
	vm8 =	vmand vm10, vm8;
	vm10 =	vlt.u32 v52, v1  }
0x1f7: {  	v58 =	vsel vm8, $0x1, v8;
	vm8 =	vgt.f32 v51, v34;
	vm9 =	vmand vm10, vm9  }
0x1f8: {  	vm10 =	veq.s32 v18, v53;
	v50 =	vadd.s32 v58, v50;
	vm8 =	vmor vm8, vm9  }
0x1f9: {  	vm9 =	veq.f32 v51, v35;
	vm8 =	vmand vm10, vm8;
	vm10 =	vlt.u32 v52, v2  }
0x1fa: {  	v59 =	vsel vm8, $0x1, v8;
	vm8 =	vgt.f32 v51, v35;
	vm9 =	vmand vm10, vm9  }
0x1fb: {  	vm10 =	veq.s32 v19, v53;
	v49 =	vadd.s32 v59, v49;
	vm8 =	vmor vm8, vm9  }
0x1fc: {  	vm9 =	veq.f32 v51, v36;
	vm8 =	vmand vm10, vm8;
	vm10 =	vlt.u32 v52, v3  }
0x1fd: {  	v60 =	vsel vm8, $0x1, v8;
	vm8 =	vgt.f32 v51, v36;
	vm9 =	vmand vm10, vm9  }
0x1fe: {  	vm10 =	veq.s32 v21, v53;
	v48 =	vadd.s32 v60, v48;
	vm8 =	vmor vm8, vm9  }
0x1ff: {  	vm9 =	veq.f32 v51, v37;
	vm8 =	vmand vm10, vm8;
	vm10 =	vlt.u32 v52, v4  }
0x200: {  	v61 =	vsel vm8, $0x1, v8;
	vm8 =	vgt.f32 v51, v37;
	vm9 =	vmand vm10, vm9  }
0x201: {  	vm10 =	veq.s32 v23, v53;
	v47 =	vadd.s32 v61, v47;
	vm8 =	vmor vm8, vm9  }
0x202: {  	vm9 =	veq.f32 v51, v38;
	vm8 =	vmand vm10, vm8;
	vm10 =	vlt.u32 v52, v5  }
0x203: {  	v62 =	vsel vm8, $0x1, v8;
	vm8 =	vgt.f32 v51, v38;
	vm9 =	vmand vm10, vm9  }
0x204: {  	vm10 =	veq.s32 v25, v53;
	v46 =	vadd.s32 v62, v46;
	vm8 =	vmor vm8, vm9  }
0x205: {  	vm9 =	veq.f32 v51, v39;
	vm8 =	vmand vm10, vm8;
	vm10 =	vlt.u32 v52, v6  }
0x206: {  	v63 =	vsel vm8, $0x1, v8;
	vm8 =	vgt.f32 v51, v39;
	vm9 =	vmand vm10, vm9  }
0x207: {  	vm10 =	veq.s32 v27, v53;
	v45 =	vadd.s32 v63, v45;
	vm8 =	vmor vm8, vm9  }
0x208: {  	s18 =	sadd.s32 $0xFFFFFFF6, s31;
	vm9 =	veq.f32 v51, v40;
	vm8 =	vmand vm10, vm8;
	vm10 =	vlt.u32 v52, v7  }
0x209: {  	v52 =	vmov s18;
	v56 =	vsel vm8, $0x1, v8;
	vm8 =	vgt.f32 v51, v40  }
0x20a: {  	vm9 =	vmand vm10, vm9;
	vm10 =	veq.s32 v29, v53;
	v51 =	vbroadcast v42, $0x5  }
0x20b: {  	v53 =	vbroadcast v41, $0x5;
	vm8 =	vmor vm8, vm9;
	v44 =	vadd.s32 v56, v44  }
0x20c: {  	vm8 =	vmand vm10, vm8;
	vm9 =	veq.f32 v51, v33;
	vm10 =	vlt.u32 v52, v0  }
0x20d: {  	v57 =	vsel vm8, $0x1, v8;
	vm8 =	vgt.f32 v51, v33;
	vm9 =	vmand vm10, vm9  }
0x20e: {  	vm10 =	veq.s32 v17, v53;
	v43 =	vadd.s32 v57, v43;
	vm8 =	vmor vm8, vm9  }
0x20f: {  	vm9 =	veq.f32 v51, v34;
	vm8 =	vmand vm10, vm8;
	vm10 =	vlt.u32 v52, v1  }
0x210: {  	v58 =	vsel vm8, $0x1, v8;
	vm8 =	vgt.f32 v51, v34;
	vm9 =	vmand vm10, vm9  }
0x211: {  	vm10 =	veq.s32 v18, v53;
	v50 =	vadd.s32 v58, v50;
	vm8 =	vmor vm8, vm9  }
0x212: {  	vm9 =	veq.f32 v51, v35;
	vm8 =	vmand vm10, vm8;
	vm10 =	vlt.u32 v52, v2  }
0x213: {  	v59 =	vsel vm8, $0x1, v8;
	vm8 =	vgt.f32 v51, v35;
	vm9 =	vmand vm10, vm9  }
0x214: {  	vm10 =	veq.s32 v19, v53;
	v49 =	vadd.s32 v59, v49;
	vm8 =	vmor vm8, vm9  }
0x215: {  	vm9 =	veq.f32 v51, v36;
	vm8 =	vmand vm10, vm8;
	vm10 =	vlt.u32 v52, v3  }
0x216: {  	v60 =	vsel vm8, $0x1, v8;
	vm8 =	vgt.f32 v51, v36;
	vm9 =	vmand vm10, vm9  }
0x217: {  	vm10 =	veq.s32 v21, v53;
	v48 =	vadd.s32 v60, v48;
	vm8 =	vmor vm8, vm9  }
0x218: {  	vm9 =	veq.f32 v51, v37;
	vm8 =	vmand vm10, vm8;
	vm10 =	vlt.u32 v52, v4  }
0x219: {  	v61 =	vsel vm8, $0x1, v8;
	vm8 =	vgt.f32 v51, v37;
	vm9 =	vmand vm10, vm9  }
0x21a: {  	vm10 =	veq.s32 v23, v53;
	v47 =	vadd.s32 v61, v47;
	vm8 =	vmor vm8, vm9  }
0x21b: {  	vm9 =	veq.f32 v51, v38;
	vm8 =	vmand vm10, vm8;
	vm10 =	vlt.u32 v52, v5  }
0x21c: {  	v62 =	vsel vm8, $0x1, v8;
	vm8 =	vgt.f32 v51, v38;
	vm9 =	vmand vm10, vm9  }
0x21d: {  	vm10 =	veq.s32 v25, v53;
	v46 =	vadd.s32 v62, v46;
	vm8 =	vmor vm8, vm9  }
0x21e: {  	vm9 =	veq.f32 v51, v39;
	vm8 =	vmand vm10, vm8;
	vm10 =	vlt.u32 v52, v6  }
0x21f: {  	v63 =	vsel vm8, $0x1, v8;
	vm8 =	vgt.f32 v51, v39;
	vm9 =	vmand vm10, vm9  }
0x220: {  	vm10 =	veq.s32 v27, v53;
	v45 =	vadd.s32 v63, v45;
	vm8 =	vmor vm8, vm9  }
0x221: {  	s19 =	sadd.s32 $0xFFFFFFF7, s31;
	vm9 =	veq.f32 v51, v40;
	vm8 =	vmand vm10, vm8;
	vm10 =	vlt.u32 v52, v7  }
0x222: {  	v52 =	vmov s19;
	v56 =	vsel vm8, $0x1, v8;
	vm8 =	vgt.f32 v51, v40  }
0x223: {  	vm9 =	vmand vm10, vm9;
	vm10 =	veq.s32 v29, v53;
	v51 =	vbroadcast v42, $0x6  }
0x224: {  	v53 =	vbroadcast v41, $0x6;
	vm8 =	vmor vm8, vm9;
	v44 =	vadd.s32 v56, v44  }
0x225: {  	vm8 =	vmand vm10, vm8;
	vm9 =	veq.f32 v51, v33;
	vm10 =	vlt.u32 v52, v0  }
0x226: {  	v57 =	vsel vm8, $0x1, v8;
	vm8 =	vgt.f32 v51, v33;
	vm9 =	vmand vm10, vm9  }
0x227: {  	vm10 =	veq.s32 v17, v53;
	v43 =	vadd.s32 v57, v43;
	vm8 =	vmor vm8, vm9  }
0x228: {  	vm9 =	veq.f32 v51, v34;
	vm8 =	vmand vm10, vm8;
	vm10 =	vlt.u32 v52, v1  }
0x229: {  	v58 =	vsel vm8, $0x1, v8;
	vm8 =	vgt.f32 v51, v34;
	vm9 =	vmand vm10, vm9  }
0x22a: {  	vm10 =	veq.s32 v18, v53;
	v50 =	vadd.s32 v58, v50;
	vm8 =	vmor vm8, vm9  }
0x22b: {  	vm9 =	veq.f32 v51, v35;
	vm8 =	vmand vm10, vm8;
	vm10 =	vlt.u32 v52, v2  }
0x22c: {  	v59 =	vsel vm8, $0x1, v8;
	vm8 =	vgt.f32 v51, v35;
	vm9 =	vmand vm10, vm9  }
0x22d: {  	vm10 =	veq.s32 v19, v53;
	v49 =	vadd.s32 v59, v49;
	vm8 =	vmor vm8, vm9  }
0x22e: {  	vm9 =	veq.f32 v51, v36;
	vm8 =	vmand vm10, vm8;
	vm10 =	vlt.u32 v52, v3  }
0x22f: {  	v60 =	vsel vm8, $0x1, v8;
	vm8 =	vgt.f32 v51, v36;
	vm9 =	vmand vm10, vm9  }
0x230: {  	vm10 =	veq.s32 v21, v53;
	v48 =	vadd.s32 v60, v48;
	vm8 =	vmor vm8, vm9  }
0x231: {  	vm9 =	veq.f32 v51, v37;
	vm8 =	vmand vm10, vm8;
	vm10 =	vlt.u32 v52, v4  }
0x232: {  	v61 =	vsel vm8, $0x1, v8;
	vm8 =	vgt.f32 v51, v37;
	vm9 =	vmand vm10, vm9  }
0x233: {  	vm10 =	veq.s32 v23, v53;
	v47 =	vadd.s32 v61, v47;
	vm8 =	vmor vm8, vm9  }
0x234: {  	vm9 =	veq.f32 v51, v38;
	vm8 =	vmand vm10, vm8;
	vm10 =	vlt.u32 v52, v5  }
0x235: {  	v62 =	vsel vm8, $0x1, v8;
	vm8 =	vgt.f32 v51, v38;
	vm9 =	vmand vm10, vm9  }
0x236: {  	vm10 =	veq.s32 v25, v53;
	v46 =	vadd.s32 v62, v46;
	vm8 =	vmor vm8, vm9  }
0x237: {  	vm9 =	veq.f32 v51, v39;
	vm8 =	vmand vm10, vm8;
	vm10 =	vlt.u32 v52, v6  }
0x238: {  	v63 =	vsel vm8, $0x1, v8;
	vm8 =	vgt.f32 v51, v39;
	vm9 =	vmand vm10, vm9  }
0x239: {  	vm10 =	veq.s32 v27, v53;
	v45 =	vadd.s32 v63, v45;
	vm8 =	vmor vm8, vm9  }
0x23a: {  	s1 =	sadd.s32 $0xFFFFFFF8, s31;
	vm9 =	veq.f32 v51, v40;
	vm8 =	vmand vm10, vm8;
	vm10 =	vlt.u32 v52, v7  }
0x23b: {  	v52 =	vmov s1;
	v56 =	vsel vm8, $0x1, v8;
	vm8 =	vgt.f32 v51, v40  }
0x23c: {  	vm9 =	vmand vm10, vm9;
	vm10 =	veq.s32 v29, v53;
	v51 =	vbroadcast v42, $0x7  }
0x23d: {  	v53 =	vbroadcast v41, $0x7;
	vm8 =	vmor vm8, vm9;
	v44 =	vadd.s32 v56, v44  }
0x23e: {  	vm8 =	vmand vm10, vm8;
	vm9 =	veq.f32 v51, v33;
	vm10 =	vlt.u32 v52, v0  }
0x23f: {  	v57 =	vsel vm8, $0x1, v8;
	vm8 =	vgt.f32 v51, v33;
	vm9 =	vmand vm10, vm9  }
0x240: {  	vm10 =	veq.s32 v17, v53;
	v43 =	vadd.s32 v57, v43;
	vm8 =	vmor vm8, vm9  }
0x241: {  	vm9 =	veq.f32 v51, v34;
	vm8 =	vmand vm10, vm8;
	vm10 =	vlt.u32 v52, v1  }
0x242: {  	v58 =	vsel vm8, $0x1, v8;
	vm8 =	vgt.f32 v51, v34;
	vm9 =	vmand vm10, vm9  }
0x243: {  	vm10 =	veq.s32 v18, v53;
	v50 =	vadd.s32 v58, v50;
	vm8 =	vmor vm8, vm9  }
0x244: {  	vm9 =	veq.f32 v51, v35;
	vm8 =	vmand vm10, vm8;
	vm10 =	vlt.u32 v52, v2  }
0x245: {  	v59 =	vsel vm8, $0x1, v8;
	vm8 =	vgt.f32 v51, v35;
	vm9 =	vmand vm10, vm9  }
0x246: {  	vm10 =	veq.s32 v19, v53;
	v49 =	vadd.s32 v59, v49;
	vm8 =	vmor vm8, vm9  }
0x247: {  	vm9 =	veq.f32 v51, v36;
	vm8 =	vmand vm10, vm8;
	vm10 =	vlt.u32 v52, v3  }
0x248: {  	v60 =	vsel vm8, $0x1, v8;
	vm8 =	vgt.f32 v51, v36;
	vm9 =	vmand vm10, vm9  }
0x249: {  	vm10 =	veq.s32 v21, v53;
	v48 =	vadd.s32 v60, v48;
	vm8 =	vmor vm8, vm9  }
0x24a: {  	vm9 =	veq.f32 v51, v37;
	vm8 =	vmand vm10, vm8;
	vm10 =	vlt.u32 v52, v4  }
0x24b: {  	v61 =	vsel vm8, $0x1, v8;
	vm8 =	vgt.f32 v51, v37;
	vm9 =	vmand vm10, vm9  }
0x24c: {  	vm10 =	veq.s32 v23, v53;
	v47 =	vadd.s32 v61, v47;
	vm8 =	vmor vm8, vm9  }
0x24d: {  	vm9 =	veq.f32 v51, v38;
	vm8 =	vmand vm10, vm8;
	vm10 =	vlt.u32 v52, v5  }
0x24e: {  	v62 =	vsel vm8, $0x1, v8;
	vm8 =	vgt.f32 v51, v38;
	vm9 =	vmand vm10, vm9  }
0x24f: {  	vm10 =	veq.s32 v25, v53;
	v46 =	vadd.s32 v62, v46;
	vm8 =	vmor vm8, vm9  }
0x250: {  	vm9 =	veq.f32 v51, v39;
	vm8 =	vmand vm10, vm8;
	vm10 =	vlt.u32 v52, v6  }
0x251: {  	v63 =	vsel vm8, $0x1, v8;
	vm8 =	vgt.f32 v51, v39;
	vm9 =	vmand vm10, vm9  }
0x252: {  	vm10 =	veq.s32 v27, v53;
	v45 =	vadd.s32 v63, v45;
	vm8 =	vmor vm8, vm9  }
0x253: {  	s2 =	sadd.s32 $0xFFFFFFF9, s31;
	vm9 =	veq.f32 v51, v40;
	vm8 =	vmand vm10, vm8;
	vm10 =	vlt.u32 v52, v7  }
0x254: {  	v52 =	vmov s2;
	v56 =	vsel vm8, $0x1, v8;
	vm8 =	vgt.f32 v51, v40  }
0x255: {  	vm9 =	vmand vm10, vm9;
	vm10 =	veq.s32 v29, v53;
	v51 =	vbroadcast v42, $0x8  }
0x256: {  	v53 =	vbroadcast v41, $0x8;
	vm8 =	vmor vm8, vm9;
	v44 =	vadd.s32 v56, v44  }
0x257: {  	vm8 =	vmand vm10, vm8;
	vm9 =	veq.f32 v51, v33;
	vm10 =	vlt.u32 v52, v0  }
0x258: {  	v57 =	vsel vm8, $0x1, v8;
	vm8 =	vgt.f32 v51, v33;
	vm9 =	vmand vm10, vm9  }
0x259: {  	vm10 =	veq.s32 v17, v53;
	v43 =	vadd.s32 v57, v43;
	vm8 =	vmor vm8, vm9  }
0x25a: {  	vm9 =	veq.f32 v51, v34;
	vm8 =	vmand vm10, vm8;
	vm10 =	vlt.u32 v52, v1  }
0x25b: {  	v58 =	vsel vm8, $0x1, v8;
	vm8 =	vgt.f32 v51, v34;
	vm9 =	vmand vm10, vm9  }
0x25c: {  	vm10 =	veq.s32 v18, v53;
	v50 =	vadd.s32 v58, v50;
	vm8 =	vmor vm8, vm9  }
0x25d: {  	vm9 =	veq.f32 v51, v35;
	vm8 =	vmand vm10, vm8;
	vm10 =	vlt.u32 v52, v2  }
0x25e: {  	v59 =	vsel vm8, $0x1, v8;
	vm8 =	vgt.f32 v51, v35;
	vm9 =	vmand vm10, vm9  }
0x25f: {  	vm10 =	veq.s32 v19, v53;
	v49 =	vadd.s32 v59, v49;
	vm8 =	vmor vm8, vm9  }
0x260: {  	vm9 =	veq.f32 v51, v36;
	vm8 =	vmand vm10, vm8;
	vm10 =	vlt.u32 v52, v3  }
0x261: {  	v60 =	vsel vm8, $0x1, v8;
	vm8 =	vgt.f32 v51, v36;
	vm9 =	vmand vm10, vm9  }
0x262: {  	vm10 =	veq.s32 v21, v53;
	v48 =	vadd.s32 v60, v48;
	vm8 =	vmor vm8, vm9  }
0x263: {  	vm9 =	veq.f32 v51, v37;
	vm8 =	vmand vm10, vm8;
	vm10 =	vlt.u32 v52, v4  }
0x264: {  	v61 =	vsel vm8, $0x1, v8;
	vm8 =	vgt.f32 v51, v37;
	vm9 =	vmand vm10, vm9  }
0x265: {  	vm10 =	veq.s32 v23, v53;
	v47 =	vadd.s32 v61, v47;
	vm8 =	vmor vm8, vm9  }
0x266: {  	vm9 =	veq.f32 v51, v38;
	vm8 =	vmand vm10, vm8;
	vm10 =	vlt.u32 v52, v5  }
0x267: {  	v62 =	vsel vm8, $0x1, v8;
	vm8 =	vgt.f32 v51, v38;
	vm9 =	vmand vm10, vm9  }
0x268: {  	vm10 =	veq.s32 v25, v53;
	v46 =	vadd.s32 v62, v46;
	vm8 =	vmor vm8, vm9  }
0x269: {  	vm9 =	veq.f32 v51, v39;
	vm8 =	vmand vm10, vm8;
	vm10 =	vlt.u32 v52, v6  }
0x26a: {  	v63 =	vsel vm8, $0x1, v8;
	vm8 =	vgt.f32 v51, v39;
	vm9 =	vmand vm10, vm9  }
0x26b: {  	vm10 =	veq.s32 v27, v53;
	v45 =	vadd.s32 v63, v45;
	vm8 =	vmor vm8, vm9  }
0x26c: {  	s3 =	sadd.s32 $0xFFFFFFFA, s31;
	vm9 =	veq.f32 v51, v40;
	vm8 =	vmand vm10, vm8;
	vm10 =	vlt.u32 v52, v7  }
0x26d: {  	v52 =	vmov s3;
	v56 =	vsel vm8, $0x1, v8;
	vm8 =	vgt.f32 v51, v40  }
0x26e: {  	vm9 =	vmand vm10, vm9;
	vm10 =	veq.s32 v29, v53;
	v51 =	vbroadcast v42, $0x9  }
0x26f: {  	v53 =	vbroadcast v41, $0x9;
	vm8 =	vmor vm8, vm9;
	v44 =	vadd.s32 v56, v44  }
0x270: {  	vm8 =	vmand vm10, vm8;
	vm9 =	veq.f32 v51, v33;
	vm10 =	vlt.u32 v52, v0  }
0x271: {  	v57 =	vsel vm8, $0x1, v8;
	vm8 =	vgt.f32 v51, v33;
	vm9 =	vmand vm10, vm9  }
0x272: {  	vm10 =	veq.s32 v17, v53;
	v43 =	vadd.s32 v57, v43;
	vm8 =	vmor vm8, vm9  }
0x273: {  	vm9 =	veq.f32 v51, v34;
	vm8 =	vmand vm10, vm8;
	vm10 =	vlt.u32 v52, v1  }
0x274: {  	v58 =	vsel vm8, $0x1, v8;
	vm8 =	vgt.f32 v51, v34;
	vm9 =	vmand vm10, vm9  }
0x275: {  	vm10 =	veq.s32 v18, v53;
	v50 =	vadd.s32 v58, v50;
	vm8 =	vmor vm8, vm9  }
0x276: {  	vm9 =	veq.f32 v51, v35;
	vm8 =	vmand vm10, vm8;
	vm10 =	vlt.u32 v52, v2  }
0x277: {  	v59 =	vsel vm8, $0x1, v8;
	vm8 =	vgt.f32 v51, v35;
	vm9 =	vmand vm10, vm9  }
0x278: {  	vm10 =	veq.s32 v19, v53;
	v49 =	vadd.s32 v59, v49;
	vm8 =	vmor vm8, vm9  }
0x279: {  	vm9 =	veq.f32 v51, v36;
	vm8 =	vmand vm10, vm8;
	vm10 =	vlt.u32 v52, v3  }
0x27a: {  	v60 =	vsel vm8, $0x1, v8;
	vm8 =	vgt.f32 v51, v36;
	vm9 =	vmand vm10, vm9  }
0x27b: {  	vm10 =	veq.s32 v21, v53;
	v48 =	vadd.s32 v60, v48;
	vm8 =	vmor vm8, vm9  }
0x27c: {  	vm9 =	veq.f32 v51, v37;
	vm8 =	vmand vm10, vm8;
	vm10 =	vlt.u32 v52, v4  }
0x27d: {  	v61 =	vsel vm8, $0x1, v8;
	vm8 =	vgt.f32 v51, v37;
	vm9 =	vmand vm10, vm9  }
0x27e: {  	vm10 =	veq.s32 v23, v53;
	v47 =	vadd.s32 v61, v47;
	vm8 =	vmor vm8, vm9  }
0x27f: {  	vm9 =	veq.f32 v51, v38;
	vm8 =	vmand vm10, vm8;
	vm10 =	vlt.u32 v52, v5  }
0x280: {  	v62 =	vsel vm8, $0x1, v8;
	vm8 =	vgt.f32 v51, v38;
	vm9 =	vmand vm10, vm9  }
0x281: {  	vm10 =	veq.s32 v25, v53;
	v46 =	vadd.s32 v62, v46;
	vm8 =	vmor vm8, vm9  }
0x282: {  	vm9 =	veq.f32 v51, v39;
	vm8 =	vmand vm10, vm8;
	vm10 =	vlt.u32 v52, v6  }
0x283: {  	v63 =	vsel vm8, $0x1, v8;
	vm8 =	vgt.f32 v51, v39;
	vm9 =	vmand vm10, vm9  }
0x284: {  	vm10 =	veq.s32 v27, v53;
	v45 =	vadd.s32 v63, v45;
	vm8 =	vmor vm8, vm9  }
0x285: {  	s4 =	sadd.s32 $0xFFFFFFFB, s31;
	vm9 =	veq.f32 v51, v40;
	vm8 =	vmand vm10, vm8;
	vm10 =	vlt.u32 v52, v7  }
0x286: {  	v52 =	vmov s4;
	v57 =	vsel vm8, $0x1, v8;
	vm8 =	vgt.f32 v51, v40  }
0x287: {  	vm9 =	vmand vm10, vm9;
	vm10 =	veq.s32 v29, v53;
	v51 =	vbroadcast v42, $0xA  }
0x288: {  	v53 =	vbroadcast v41, $0xA;
	vm8 =	vmor vm8, vm9;
	v44 =	vadd.s32 v57, v44  }
0x289: {  	vm8 =	vmand vm10, vm8;
	vm9 =	veq.f32 v51, v33;
	vm10 =	vlt.u32 v52, v0  }
0x28a: {  	v58 =	vsel vm8, $0x1, v8;
	vm8 =	vgt.f32 v51, v33;
	vm9 =	vmand vm10, vm9  }
0x28b: {  	vm10 =	veq.s32 v17, v53;
	v43 =	vadd.s32 v58, v43;
	vm8 =	vmor vm8, vm9  }
0x28c: {  	vm9 =	veq.f32 v51, v34;
	vm8 =	vmand vm10, vm8;
	vm10 =	vlt.u32 v52, v1  }
0x28d: {  	v59 =	vsel vm8, $0x1, v8;
	vm8 =	vgt.f32 v51, v34;
	vm9 =	vmand vm10, vm9  }
0x28e: {  	vm10 =	veq.s32 v18, v53;
	v50 =	vadd.s32 v59, v50;
	vm8 =	vmor vm8, vm9  }
0x28f: {  	vm9 =	veq.f32 v51, v35;
	vm8 =	vmand vm10, vm8;
	vm10 =	vlt.u32 v52, v2  }
0x290: {  	v60 =	vsel vm8, $0x1, v8;
	vm8 =	vgt.f32 v51, v35;
	vm9 =	vmand vm10, vm9  }
0x291: {  	vm10 =	veq.s32 v19, v53;
	v49 =	vadd.s32 v60, v49;
	vm8 =	vmor vm8, vm9  }
0x292: {  	vm9 =	veq.f32 v51, v36;
	vm8 =	vmand vm10, vm8;
	vm10 =	vlt.u32 v52, v3  }
0x293: {  	v61 =	vsel vm8, $0x1, v8;
	vm8 =	vgt.f32 v51, v36;
	vm9 =	vmand vm10, vm9  }
0x294: {  	vm10 =	veq.s32 v21, v53;
	v48 =	vadd.s32 v61, v48;
	vm8 =	vmor vm8, vm9  }
0x295: {  	vm9 =	veq.f32 v51, v37;
	vm8 =	vmand vm10, vm8;
	vm10 =	vlt.u32 v52, v4  }
0x296: {  	v62 =	vsel vm8, $0x1, v8;
	vm8 =	vgt.f32 v51, v37;
	vm9 =	vmand vm10, vm9  }
0x297: {  	vm10 =	veq.s32 v23, v53;
	v47 =	vadd.s32 v62, v47;
	vm8 =	vmor vm8, vm9  }
0x298: {  	vm9 =	veq.f32 v51, v38;
	vm8 =	vmand vm10, vm8;
	vm10 =	vlt.u32 v52, v5  }
0x299: {  	v63 =	vsel vm8, $0x1, v8;
	vm8 =	vgt.f32 v51, v38;
	vm9 =	vmand vm10, vm9  }
0x29a: {  	vm10 =	veq.s32 v25, v53;
	v46 =	vadd.s32 v63, v46;
	vm8 =	vmor vm8, vm9  }
0x29b: {  	vm9 =	veq.f32 v51, v39;
	vm8 =	vmand vm10, vm8;
	vm10 =	vlt.u32 v52, v6  }
0x29c: {  	v57 =	vsel vm8, $0x1, v8;
	vm8 =	vgt.f32 v51, v39;
	vm9 =	vmand vm10, vm9  }
0x29d: {  	vm10 =	veq.s32 v27, v53;
	v45 =	vadd.s32 v57, v45;
	vm8 =	vmor vm8, vm9  }
0x29e: {  	s15 =	sadd.s32 $0xFFFFFFFC, s31;
	vm9 =	veq.f32 v51, v40;
	vm8 =	vmand vm10, vm8;
	vm10 =	vlt.u32 v52, v7  }
0x29f: {  	v52 =	vmov s15;
	v58 =	vsel vm8, $0x1, v8;
	vm8 =	vgt.f32 v51, v40  }
0x2a0: {  	vm9 =	vmand vm10, vm9;
	vm10 =	veq.s32 v29, v53;
	v51 =	vbroadcast v42, $0xB  }
0x2a1: {  	v53 =	vbroadcast v41, $0xB;
	vm8 =	vmor vm8, vm9;
	v44 =	vadd.s32 v58, v44  }
0x2a2: {  	vm8 =	vmand vm10, vm8;
	vm9 =	veq.f32 v51, v33;
	vm10 =	vlt.u32 v52, v0  }
0x2a3: {  	v59 =	vsel vm8, $0x1, v8;
	vm8 =	vgt.f32 v51, v33;
	vm9 =	vmand vm10, vm9  }
0x2a4: {  	vm10 =	veq.s32 v17, v53;
	v43 =	vadd.s32 v59, v43;
	vm8 =	vmor vm8, vm9  }
0x2a5: {  	vm9 =	veq.f32 v51, v34;
	vm8 =	vmand vm10, vm8;
	vm10 =	vlt.u32 v52, v1  }
0x2a6: {  	v60 =	vsel vm8, $0x1, v8;
	vm8 =	vgt.f32 v51, v34;
	vm9 =	vmand vm10, vm9  }
0x2a7: {  	vm10 =	veq.s32 v18, v53;
	v50 =	vadd.s32 v60, v50;
	vm8 =	vmor vm8, vm9  }
0x2a8: {  	vm9 =	veq.f32 v51, v35;
	vm8 =	vmand vm10, vm8;
	vm10 =	vlt.u32 v52, v2  }
0x2a9: {  	v61 =	vsel vm8, $0x1, v8;
	vm8 =	vgt.f32 v51, v35;
	vm9 =	vmand vm10, vm9  }
0x2aa: {  	vm10 =	veq.s32 v19, v53;
	v49 =	vadd.s32 v61, v49;
	vm8 =	vmor vm8, vm9  }
0x2ab: {  	vm9 =	veq.f32 v51, v36;
	vm8 =	vmand vm10, vm8;
	vm10 =	vlt.u32 v52, v3  }
0x2ac: {  	v62 =	vsel vm8, $0x1, v8;
	vm8 =	vgt.f32 v51, v36;
	vm9 =	vmand vm10, vm9  }
0x2ad: {  	vm10 =	veq.s32 v21, v53;
	v48 =	vadd.s32 v62, v48;
	vm8 =	vmor vm8, vm9  }
0x2ae: {  	vm9 =	veq.f32 v51, v37;
	vm8 =	vmand vm10, vm8;
	vm10 =	vlt.u32 v52, v4  }
0x2af: {  	v63 =	vsel vm8, $0x1, v8;
	vm8 =	vgt.f32 v51, v37;
	vm9 =	vmand vm10, vm9  }
0x2b0: {  	vm10 =	veq.s32 v23, v53;
	v47 =	vadd.s32 v63, v47;
	vm8 =	vmor vm8, vm9  }
0x2b1: {  	vm9 =	veq.f32 v51, v38;
	vm8 =	vmand vm10, vm8;
	vm10 =	vlt.u32 v52, v5  }
0x2b2: {  	v57 =	vsel vm8, $0x1, v8;
	vm8 =	vgt.f32 v51, v38;
	vm9 =	vmand vm10, vm9  }
0x2b3: {  	vm10 =	veq.s32 v25, v53;
	v46 =	vadd.s32 v57, v46;
	vm8 =	vmor vm8, vm9  }
0x2b4: {  	vm9 =	veq.f32 v51, v39;
	vm8 =	vmand vm10, vm8;
	vm10 =	vlt.u32 v52, v6  }
0x2b5: {  	v58 =	vsel vm8, $0x1, v8;
	vm8 =	vgt.f32 v51, v39;
	vm9 =	vmand vm10, vm9  }
0x2b6: {  	vm10 =	veq.s32 v27, v53;
	v45 =	vadd.s32 v58, v45;
	vm8 =	vmor vm8, vm9  }
0x2b7: {  	s16 =	sadd.s32 $0xFFFFFFFD, s31;
	vm9 =	veq.f32 v51, v40;
	vm8 =	vmand vm10, vm8;
	vm10 =	vlt.u32 v52, v7  }
0x2b8: {  	v52 =	vmov s16;
	v59 =	vsel vm8, $0x1, v8;
	vm8 =	vgt.f32 v51, v40  }
0x2b9: {  	vm9 =	vmand vm10, vm9;
	vm10 =	veq.s32 v29, v53;
	v51 =	vbroadcast v42, $0xC  }
0x2ba: {  	v53 =	vbroadcast v41, $0xC;
	vm8 =	vmor vm8, vm9;
	v44 =	vadd.s32 v59, v44  }
0x2bb: {  	vm8 =	vmand vm10, vm8;
	vm9 =	veq.f32 v51, v33;
	vm10 =	vlt.u32 v52, v0  }
0x2bc: {  	v60 =	vsel vm8, $0x1, v8;
	vm8 =	vgt.f32 v51, v33;
	vm9 =	vmand vm10, vm9  }
0x2bd: {  	vm10 =	veq.s32 v17, v53;
	v43 =	vadd.s32 v60, v43;
	vm8 =	vmor vm8, vm9  }
0x2be: {  	vm9 =	veq.f32 v51, v34;
	vm8 =	vmand vm10, vm8;
	vm10 =	vlt.u32 v52, v1  }
0x2bf: {  	v61 =	vsel vm8, $0x1, v8;
	vm8 =	vgt.f32 v51, v34;
	vm9 =	vmand vm10, vm9  }
0x2c0: {  	vm10 =	veq.s32 v18, v53;
	v50 =	vadd.s32 v61, v50;
	vm8 =	vmor vm8, vm9  }
0x2c1: {  	vm9 =	veq.f32 v51, v35;
	vm8 =	vmand vm10, vm8;
	vm10 =	vlt.u32 v52, v2  }
0x2c2: {  	v62 =	vsel vm8, $0x1, v8;
	vm8 =	vgt.f32 v51, v35;
	vm9 =	vmand vm10, vm9  }
0x2c3: {  	vm10 =	veq.s32 v19, v53;
	v49 =	vadd.s32 v62, v49;
	vm8 =	vmor vm8, vm9  }
0x2c4: {  	vm9 =	veq.f32 v51, v36;
	vm8 =	vmand vm10, vm8;
	vm10 =	vlt.u32 v52, v3  }
0x2c5: {  	v63 =	vsel vm8, $0x1, v8;
	vm8 =	vgt.f32 v51, v36;
	vm9 =	vmand vm10, vm9  }
0x2c6: {  	vm10 =	veq.s32 v21, v53;
	v48 =	vadd.s32 v63, v48;
	vm8 =	vmor vm8, vm9  }
0x2c7: {  	vm9 =	veq.f32 v51, v37;
	vm8 =	vmand vm10, vm8;
	vm10 =	vlt.u32 v52, v4  }
0x2c8: {  	v57 =	vsel vm8, $0x1, v8;
	vm8 =	vgt.f32 v51, v37;
	vm9 =	vmand vm10, vm9  }
0x2c9: {  	vm10 =	veq.s32 v23, v53;
	v47 =	vadd.s32 v57, v47;
	vm8 =	vmor vm8, vm9  }
0x2ca: {  	vm9 =	veq.f32 v51, v38;
	vm8 =	vmand vm10, vm8;
	vm10 =	vlt.u32 v52, v5  }
0x2cb: {  	v58 =	vsel vm8, $0x1, v8;
	vm8 =	vgt.f32 v51, v38;
	vm9 =	vmand vm10, vm9  }
0x2cc: {  	vm10 =	veq.s32 v25, v53;
	v46 =	vadd.s32 v58, v46;
	vm8 =	vmor vm8, vm9  }
0x2cd: {  	vm9 =	veq.f32 v51, v39;
	vm8 =	vmand vm10, vm8;
	vm10 =	vlt.u32 v52, v6  }
0x2ce: {  	v59 =	vsel vm8, $0x1, v8;
	vm8 =	vgt.f32 v51, v39;
	vm9 =	vmand vm10, vm9  }
0x2cf: {  	vm10 =	veq.s32 v27, v53;
	v45 =	vadd.s32 v59, v45;
	vm8 =	vmor vm8, vm9  }
0x2d0: {  	s18 =	sadd.s32 $0xFFFFFFFE, s31;
	vm9 =	veq.f32 v51, v40;
	vm8 =	vmand vm10, vm8;
	vm10 =	vlt.u32 v52, v7  }
0x2d1: {  	v52 =	vmov s18;
	v60 =	vsel vm8, $0x1, v8;
	vm8 =	vgt.f32 v51, v40  }
0x2d2: {  	vm9 =	vmand vm10, vm9;
	vm10 =	veq.s32 v29, v53;
	v51 =	vbroadcast v42, $0xD  }
0x2d3: {  	v53 =	vbroadcast v41, $0xD;
	vm8 =	vmor vm8, vm9;
	v44 =	vadd.s32 v60, v44  }
0x2d4: {  	vm8 =	vmand vm10, vm8;
	vm9 =	veq.f32 v51, v33;
	vm10 =	vlt.u32 v52, v0  }
0x2d5: {  	v61 =	vsel vm8, $0x1, v8;
	vm8 =	vgt.f32 v51, v33;
	vm9 =	vmand vm10, vm9  }
0x2d6: {  	vm10 =	veq.s32 v17, v53;
	v43 =	vadd.s32 v61, v43;
	vm8 =	vmor vm8, vm9  }
0x2d7: {  	vm9 =	veq.f32 v51, v34;
	vm8 =	vmand vm10, vm8;
	vm10 =	vlt.u32 v52, v1  }
0x2d8: {  	v62 =	vsel vm8, $0x1, v8;
	vm8 =	vgt.f32 v51, v34;
	vm9 =	vmand vm10, vm9  }
0x2d9: {  	vm10 =	veq.s32 v18, v53;
	v50 =	vadd.s32 v62, v50;
	vm8 =	vmor vm8, vm9  }
0x2da: {  	vm9 =	veq.f32 v51, v35;
	vm8 =	vmand vm10, vm8;
	vm10 =	vlt.u32 v52, v2  }
0x2db: {  	v63 =	vsel vm8, $0x1, v8;
	vm8 =	vgt.f32 v51, v35;
	vm9 =	vmand vm10, vm9  }
0x2dc: {  	vm10 =	veq.s32 v19, v53;
	v49 =	vadd.s32 v63, v49;
	vm8 =	vmor vm8, vm9  }
0x2dd: {  	vm9 =	veq.f32 v51, v36;
	vm8 =	vmand vm10, vm8;
	vm10 =	vlt.u32 v52, v3  }
0x2de: {  	v57 =	vsel vm8, $0x1, v8;
	vm8 =	vgt.f32 v51, v36;
	vm9 =	vmand vm10, vm9  }
0x2df: {  	vm10 =	veq.s32 v21, v53;
	v48 =	vadd.s32 v57, v48;
	vm8 =	vmor vm8, vm9  }
0x2e0: {  	vm9 =	veq.f32 v51, v37;
	vm8 =	vmand vm10, vm8;
	vm10 =	vlt.u32 v52, v4  }
0x2e1: {  	v58 =	vsel vm8, $0x1, v8;
	vm8 =	vgt.f32 v51, v37;
	vm9 =	vmand vm10, vm9  }
0x2e2: {  	vm10 =	veq.s32 v23, v53;
	v47 =	vadd.s32 v58, v47;
	vm8 =	vmor vm8, vm9  }
0x2e3: {  	vm9 =	veq.f32 v51, v38;
	vm8 =	vmand vm10, vm8;
	vm10 =	vlt.u32 v52, v5  }
0x2e4: {  	v59 =	vsel vm8, $0x1, v8;
	vm8 =	vgt.f32 v51, v38;
	vm9 =	vmand vm10, vm9  }
0x2e5: {  	vm10 =	veq.s32 v25, v53;
	v46 =	vadd.s32 v59, v46;
	vm8 =	vmor vm8, vm9  }
0x2e6: {  	vm9 =	veq.f32 v51, v39;
	vm8 =	vmand vm10, vm8;
	vm10 =	vlt.u32 v52, v6  }
0x2e7: {  	v60 =	vsel vm8, $0x1, v8;
	vm8 =	vgt.f32 v51, v39;
	vm9 =	vmand vm10, vm9  }
0x2e8: {  	vm10 =	veq.s32 v27, v53;
	v45 =	vadd.s32 v60, v45;
	vm8 =	vmor vm8, vm9  }
0x2e9: {  	s19 =	sadd.s32 $0xFFFFFFFF, s31;
	vm9 =	veq.f32 v51, v40;
	vm8 =	vmand vm10, vm8;
	vm10 =	vlt.u32 v52, v7  }
0x2ea: {  	v52 =	vmov s19;
	v61 =	vsel vm8, $0x1, v8;
	vm8 =	vgt.f32 v51, v40  }
0x2eb: {  	vm9 =	vmand vm10, vm9;
	vm10 =	veq.s32 v29, v53;
	v51 =	vbroadcast v42, $0xE  }
0x2ec: {  	v53 =	vbroadcast v41, $0xE;
	v42 =	vbroadcast v42, $0xF;
	vm8 =	vmor vm8, vm9  }
0x2ed: {  	vm8 =	vmand vm10, vm8;
	vm9 =	veq.f32 v51, v33;
	vm10 =	vlt.u32 v52, v0  }
0x2ee: {  	v62 =	vsel vm8, $0x1, v8;
	vm8 =	vgt.f32 v51, v33;
	vm9 =	vmand vm10, vm9  }
0x2ef: {  	v41 =	vbroadcast v41, $0xF;
	vm10 =	veq.s32 v17, v53;
	vm8 =	vmor vm8, vm9  }
0x2f0: {  	vm9 =	veq.f32 v51, v34;
	vm8 =	vmand vm10, vm8;
	vm10 =	vlt.u32 v52, v1  }
0x2f1: {  	v63 =	vsel vm8, $0x1, v8;
	vm8 =	vgt.f32 v51, v34;
	vm9 =	vmand vm10, vm9  }
0x2f2: {  	v44 =	vadd.s32 v61, v44;
	vm10 =	veq.s32 v18, v53;
	vm8 =	vmor vm8, vm9  }
0x2f3: {  	vm9 =	veq.f32 v51, v35;
	vm8 =	vmand vm10, vm8;
	vm10 =	vlt.u32 v52, v2  }
0x2f4: {  	v57 =	vsel vm8, $0x1, v8;
	vm8 =	vgt.f32 v51, v35;
	vm9 =	vmand vm10, vm9  }
0x2f5: {  	vm11 =	veq.s32 v17, v41;
	vm10 =	veq.s32 v19, v53;
	vm8 =	vmor vm8, vm9  }
0x2f6: {  	vm9 =	veq.f32 v51, v36;
	vm8 =	vmand vm10, vm8;
	vm10 =	vlt.u32 v52, v3  }
0x2f7: {  	v58 =	vsel vm8, $0x1, v8;
	vm8 =	vgt.f32 v51, v36;
	vm9 =	vmand vm10, vm9  }
0x2f8: {  	v43 =	vadd.s32 v62, v43;
	vm10 =	veq.s32 v21, v53;
	vm8 =	vmor vm8, vm9  }
0x2f9: {  	vm9 =	veq.f32 v51, v37;
	vm8 =	vmand vm10, vm8;
	vm10 =	vlt.u32 v52, v4  }
0x2fa: {  	v59 =	vsel vm8, $0x1, v8;
	vm8 =	vgt.f32 v51, v37;
	vm9 =	vmand vm10, vm9  }
0x2fb: {  	v50 =	vadd.s32 v63, v50;
	vm10 =	veq.s32 v23, v53;
	vm8 =	vmor vm8, vm9  }
0x2fc: {  	vm9 =	veq.f32 v51, v38;
	vm8 =	vmand vm10, vm8;
	vm10 =	vlt.u32 v52, v5  }
0x2fd: {  	v60 =	vsel vm8, $0x1, v8;
	vm8 =	vgt.f32 v51, v38;
	vm9 =	vmand vm10, vm9  }
0x2fe: {  	v63 =	vmov s31;
	vm10 =	veq.s32 v25, v53;
	vm8 =	vmor vm8, vm9  }
0x2ff: {  	vm9 =	veq.f32 v51, v39;
	vm8 =	vmand vm10, vm8;
	vm10 =	vlt.u32 v52, v6  }
0x300: {  	v61 =	vsel vm8, $0x1, v8;
	vm8 =	vgt.f32 v51, v39;
	vm9 =	vmand vm10, vm9  }
0x301: {  	v49 =	vadd.s32 v57, v49;
	vm10 =	veq.s32 v27, v53;
	vm8 =	vmor vm8, vm9  }
0x302: {  	vm9 =	veq.f32 v51, v40;
	vm8 =	vmand vm10, vm8;
	vm10 =	vlt.u32 v52, v7  }
0x303: {  	v62 =	vsel vm8, $0x1, v8;
	vm8 =	vgt.f32 v51, v40;
	vm9 =	vmand vm10, vm9  }
0x304: {  	v48 =	vadd.s32 v58, v48;
	vm10 =	veq.s32 v29, v53;
	vm8 =	vmor vm8, vm9  }
0x305: {  	v47 =	vadd.s32 v59, v47;
	v46 =	vadd.s32 v60, v46;
	vm8 =	vmand vm10, vm8  }
0x306: {  	vm9 =	vlt.u32 v63, v0;
	v56 =	vsel vm8, $0x1, v8;
	vm8 =	veq.f32 v42, v33  }
0x307: {  	v45 =	vadd.s32 v61, v45;
	vm10 =	vgt.f32 v42, v33;
	vm8 =	vmand vm9, vm8  }
0x308: {  	vm9 =	veq.f32 v42, v34;
	vm8 =	vmor vm10, vm8;
	vm10 =	vlt.u32 v63, v1  }
0x309: {  	v44 =	vadd.s32 v62, v44;
	vm9 =	vmand vm10, vm9;
	vm10 =	vgt.f32 v42, v34  }
0x30a: {  	vm8 =	vmand vm11, vm8;
	vm11 =	veq.s32 v18, v41;
	vm9 =	vmor vm10, vm9  }
0x30b: {  	v43 =	vadd.s32 v56, v43;
	v57 =	vsel vm8, $0x1, v8;
	vm8 =	vmand vm11, vm9  }
0x30c: {  	vm9 =	vlt.u32 v63, v2;
	v58 =	vsel vm8, $0x1, v8;
	vm8 =	veq.f32 v42, v35  }
0x30d: {  	vm10 =	veq.s32 v19, v41;
	vm11 =	vgt.f32 v42, v35;
	vm8 =	vmand vm9, vm8  }
0x30e: {  	vm9 =	veq.f32 v42, v36;
	vm8 =	vmor vm11, vm8;
	vm11 =	vlt.u32 v63, v3  }
0x30f: {  	vm8 =	vmand vm10, vm8;
	vm10 =	vgt.f32 v42, v36;
	vm9 =	vmand vm11, vm9  }
0x310: {  	v59 =	vsel vm8, $0x1, v8;
	vm8 =	veq.s32 v21, v41;
	vm9 =	vmor vm10, vm9  }
0x311: {  	vm10 =	vlt.u32 v63, v4;
	vm8 =	vmand vm8, vm9;
	vm9 =	veq.f32 v42, v37  }
0x312: {  	v55 =	vsel vm8, $0x1, v8;
	vm8 =	vgt.f32 v42, v37;
	vm9 =	vmand vm10, vm9  }
0x313: {  	vm10 =	vlt.u32 v63, v5;
	vm8 =	vmor vm8, vm9;
	vm9 =	veq.f32 v42, v38  }
0x314: {  	vm11 =	veq.s32 v23, v41;
	vm9 =	vmand vm10, vm9;
	vm10 =	vgt.f32 v42, v38  }
0x315: {  	vm8 =	vmand vm11, vm8;
	vm11 =	veq.s32 v25, v41;
	vm9 =	vmor vm10, vm9  }
0x316: {  	vm10 =	veq.f32 v42, v39;
	vm9 =	vmand vm11, vm9;
	vm11 =	vlt.u32 v63, v6  }
0x317: {  	v50 =	vadd.s32 v57, v50;
	vm10 =	vmand vm11, vm10;
	vm11 =	vgt.f32 v42, v39  }
0x318: {  	v60 =	vsel vm8, $0x1, v8;
	vm8 =	vmor vm11, vm10;
	vm10 =	veq.s32 v27, v41  }
0x319: {  	p0 =	sne.s32 s31, $0xFFF;
	vm11 =	vlt.u32 v63, v7;
	vm8 =	vmand vm10, vm8;
	vm10 =	veq.f32 v42, v40  }
.Ltmp4:
0x31a: {  	v49 =	vadd.s32 v58, v49;
	vm10 =	vmand vm11, vm10;
	vm11 =	vgt.f32 v42, v40;
	(pc) =	sbr.rel @p0 .LBB2_6-.Ltmp4, $4  }
0x31b: {  	v48 =	vadd.s32 v59, v48;
	vm10 =	vmor vm11, vm10;
	vm11 =	veq.s32 v29, v41  }
0x31c: {  	v47 =	vadd.s32 v55, v47;
	v46 =	vadd.s32 v60, v46;
	vm10 =	vmand vm11, vm10  }
0x31d: {  	v61 =	vsel vm9, $0x1, v8;
	v62 =	vsel vm8, $0x1, v8;
	v63 =	vsel vm10, $0x1, v8  }
0x31e: {  	s30 =	sadd.s32 $0x10, s30;
	s29 =	sadd.s32 $0x10, s29;
	s31 =	sadd.s32 $0x10, s31;
	v45 =	vadd.s32 v61, v45;
	v44 =	vadd.s32 v62, v44;
	v43 =	vadd.s32 v63, v43  }
.Ltmp5:
0x31f: {  	_ = 	snop;
	(pc) =	sbr.rel .LBB2_7-.Ltmp5, $1  }
0x320: {  	_ =	sdelay $0x3  }
.LBB2_8:
0x321: {  	_ =	sfence.sel $0x180000  }
0x322: {  	[bflag:$0x0] =	sbarrier.arrive $0xFFFF  }
0x323: {  	_ =	strace $0x90000047  }
0x324: {  	s0 =	stileid.u32;
	[bflag:$0x2] =	sbarrier.arrive $0xFFFF  }
0x325: {  	p0 =	sne.s32 s0, $0x0;
	s0 =	rddreg [dreg:$0x4]  }
0x326: {  	s0 =	sadd.s32 @!p0 $0x100000, s0  }
0x327: {  	[sflag:s0] =	ssyncadd.tile.s32 @!p0 $0x1;
	_ =	shalt  }
.Lfunc_end2:
_tile_overlayer_lowered:
.L_overlay_start_2:
0x328: {  	(tag) =	ssettag $0x2  }
0x329: {  	s0 =	rddreg [dreg:$0x0];
	s2 =	stileid.u32  }
0x32a: {  	s1 =	rddreg [dreg:$0x1];
	p0 =	sne.s32 s2, $0x0  }
0x32b: {  	s3 =	rddreg [dreg:$0x2];
	[bflag:$0x3] =	sbarrier.arrive $0xFFFF;
	s2 =	simm.s32 @!p0 $0x1C01  }
0x32c: {  	[timem:s3], [sflag:s2] =	dma.local @!p0 [hbm:s0], s1  }
0x32d: {  	s0 =	simm.s32 @!p0 $0x1  }
0x32e: {  	_ =	swait.ge @!p0 [sflag:s0], s1  }
0x32f: {  	s1 =	ssub.s32 @!p0 $0x0, s1;
	[sflag:s0] =	ssyncset.done @!p0 $0x0  }
0x330: {  	[sflag:s0] =	ssyncadd.s32 @!p0 s1  }
0x331: {  	[bflag:$0x3] =	sbarrier.arrive $0xFFFF  }
0x332: {  	_ =	shalt  }

</sc_bundles>
